<compile_context>
chip_gen: v7x
topology: tpu7x:2x2x1
jax: 0.10.2.dev20260603
libtpu: 0.0.44.dev20260713+nightly
codegen_flags: <defaults>
</compile_context>

<pallas_src>
import dataclasses
import jax
import jax.numpy as jnp
from jax import lax
from jax.experimental import pallas as pl
from jax.experimental.pallas import tpu as pltpu
from jax.experimental.pallas import tpu_sc as plsc

NN = 10000
EE = 320000
SLOPE_GAT = 0.2
NTILES = 32
EPT = EE // NTILES
CHB = 4000

_SC_CP = pltpu.CompilerParams()
if "needs_layout_passes" in pltpu.CompilerParams.__dataclass_fields__:
    _SC_CP = dataclasses.replace(_SC_CP, needs_layout_passes=False)
_TC_CP = pltpu.CompilerParams(vmem_limit_bytes=100 * 1024 * 1024)

_mesh_cache = []


def _mesh():
    if not _mesh_cache:
        _mesh_cache.append(
            plsc.VectorSubcoreMesh(core_axis_name="c", subcore_axis_name="s"))
    return _mesh_cache[0]

_PREC = lax.Precision.DEFAULT


def _leaky(x, s=0.01):
    return jnp.where(x >= 0, x, s * x)


def _mm(a, b):
    return lax.dot_general(a, b, (((1,), (0,)), ((), ())), precision=_PREC)


def _gdb_T(segs, layers):
    norms = [None] * len(segs)
    for (g, b, wt) in layers:
        off = 0
        y = None
        for j, s in enumerate(segs):
            cj = s.shape[0]
            if norms[j] is None:
                mu = jnp.mean(s, axis=1, keepdims=True)
                d = s - mu
                var = jnp.mean(d * d, axis=1, keepdims=True)
                norms[j] = d / jnp.sqrt(var + 1e-5)
            t = _leaky(g[off:off + cj] * norms[j] + b[off:off + cj])
            contrib = _mm(wt[:, off:off + cj], t)
            y = contrib if y is None else y + contrib
            off += cj
        segs = segs + [y]
        norms = norms + [None]
    return segs


def _gat_proj(segs, wt, a1t, a2t):
    off = 0
    ht = None
    for s in segs:
        cj = s.shape[0]
        contrib = _mm(wt[:, off:off + cj], s)
        ht = contrib if ht is None else ht + contrib
        off += cj
    p = _mm(a1t, ht)
    q = _mm(a2t, ht)
    pq = jnp.concatenate([p, q], axis=0)
    return ht, pq



def _tc1_body(x_t_ref, w1t, b1, w2t, b2, w3t, b3,
              g1, be1, wt1, g2, be2, wt2, g3, be3, wt3,
              wtg, a1t, a2t,
              ht_out, pq_out):
    xt = x_t_ref[...]
    h = _leaky(_mm(w1t[...], xt) + b1[...])
    h = _leaky(_mm(w2t[...], h) + b2[...])
    h = _leaky(_mm(w3t[...], h) + b3[...])
    segs = _gdb_T([h], [(g1[...], be1[...], wt1[...]),
                        (g2[...], be2[...], wt2[...]),
                        (g3[...], be3[...], wt3[...])])
    ht, pq = _gat_proj(segs, wtg[...], a1t[...], a2t[...])
    ht_out[...] = ht
    pq_out[...] = pq



def _tc_mid_body(raw_ref, den_ref, bias, g1, be1, wt1, g2, be2, wt2,
                 g3, be3, wt3, wtg, a1t, a2t, ht_out, pq_out):
    den = jnp.sum(den_ref[...], axis=0, keepdims=True)
    raw = jnp.sum(raw_ref[...], axis=0)
    x0 = raw / (den + 1e-16) + bias[...]
    segs = _gdb_T([x0], [(g1[...], be1[...], wt1[...]),
                         (g2[...], be2[...], wt2[...]),
                         (g3[...], be3[...], wt3[...])])
    ht, pq = _gat_proj(segs, wtg[...], a1t[...], a2t[...])
    ht_out[...] = ht
    pq_out[...] = pq


def _tc3_body(raw_ref, den_ref, bias, g1, be1, wt1, g2, be2, wt2,
              g3, be3, wt3, o0, o1, o2, o3):
    den = jnp.sum(den_ref[...], axis=0, keepdims=True)
    raw = jnp.sum(raw_ref[...], axis=0)
    x0 = raw / (den + 1e-16) + bias[...]
    segs = _gdb_T([x0], [(g1[...], be1[...], wt1[...]),
                         (g2[...], be2[...], wt2[...]),
                         (g3[...], be3[...], wt3[...])])
    o0[...] = segs[0]
    o1[...] = segs[1]
    o2[...] = segs[2]
    o3[...] = segs[3]



def _sca_body(pq_hbm, src_hbm, dst_hbm, ee_hbm, den_hbm,
              p_v, q_v, src_v, dst_v, ee_v, den_v, sem):
    wid = lax.axis_index("c") * 16 + lax.axis_index("s")
    base = wid * EPT
    pltpu.async_copy(pq_hbm.at[0], p_v, sem)
    pltpu.async_copy(pq_hbm.at[1], q_v, sem)
    pltpu.async_copy(src_hbm.at[pl.ds(base, EPT)], src_v, sem)
    pltpu.async_copy(dst_hbm.at[pl.ds(base, EPT)], dst_v, sem)
    pltpu.make_async_copy(pq_hbm.at[0], p_v, sem).wait()
    pltpu.make_async_copy(pq_hbm.at[1], q_v, sem).wait()
    pltpu.make_async_copy(src_hbm.at[pl.ds(0, EPT)], src_v, sem).wait()
    pltpu.make_async_copy(dst_hbm.at[pl.ds(0, EPT)], dst_v, sem).wait()

    @pl.loop(0, NN, step=16)
    def _(i):
        den_v[pl.ds(i, 16)] = jnp.zeros((16,), jnp.float32)

    @plsc.parallel_loop(0, EPT, step=16, unroll=8)
    def _(i):
        s16 = src_v[pl.ds(i, 16)]
        d16 = dst_v[pl.ds(i, 16)]
        e = plsc.load_gather(p_v, [d16]) + plsc.load_gather(q_v, [s16])
        e = jnp.where(e >= 0, e, SLOPE_GAT * e)
        ee = jnp.exp(e)
        ee_v[pl.ds(i, 16)] = ee
        plsc.addupdate_scatter(den_v, [d16], ee)

    pltpu.sync_copy(ee_v, ee_hbm.at[pl.ds(base, EPT)])
    pltpu.sync_copy(den_v, den_hbm.at[wid])


def _sc_phase_a(pq, src, dst):
    kern = pl.kernel(
        _sca_body,
        out_type=(jax.ShapeDtypeStruct((EE,), jnp.float32),
                  jax.ShapeDtypeStruct((NTILES, NN), jnp.float32)),
        mesh=_mesh(),
        scratch_types=[pltpu.VMEM((NN,), jnp.float32),
                       pltpu.VMEM((NN,), jnp.float32),
                       pltpu.VMEM((EPT,), jnp.int32),
                       pltpu.VMEM((EPT,), jnp.int32),
                       pltpu.VMEM((EPT,), jnp.float32),
                       pltpu.VMEM((NN,), jnp.float32),
                       pltpu.SemaphoreType.DMA],
        compiler_params=_SC_CP,
    )
    return kern(pq, src, dst)



def _scb_cfg(nchan):
    if nchan <= 40:
        return 4, 8, 1600
    return 4, 8, 800


def _make_scb_body(nchan):
    nrange, ngrp, chb = _scb_cfg(nchan)
    erange = EE // nrange
    nchunk = erange // chb
    nch_max = (nchan + ngrp - 1) // ngrp

    def body(h_hbm, src_hbm, dst_hbm, ee_hbm, raw_hbm, *scr):
        h_refs = scr[0:nch_max]
        o_refs = scr[nch_max:2 * nch_max]
        sbufs = scr[2 * nch_max:2 * nch_max + 2]
        dbufs = scr[2 * nch_max + 2:2 * nch_max + 4]
        ebufs = scr[2 * nch_max + 4:2 * nch_max + 6]
        sems = scr[2 * nch_max + 6:2 * nch_max + 8]

        core = lax.axis_index("c")
        sub = lax.axis_index("s")
        g = jnp.bitwise_and(sub, ngrp - 1)
        r = core * (nrange // 2) + lax.shift_right_logical(
            sub, ngrp.bit_length() - 1)
        ebase = r * erange

        for j in range(nch_max):
            c_eff = jnp.minimum(g + ngrp * j, nchan - 1)
            pltpu.sync_copy(h_hbm.at[c_eff], h_refs[j])

        @pl.loop(0, NN, step=16)
        def _(i):
            for j in range(nch_max):
                o_refs[j][pl.ds(i, 16)] = jnp.zeros((16,), jnp.float32)

        def start(chunk, b):
            off = ebase + chunk * chb
            pltpu.async_copy(src_hbm.at[pl.ds(off, chb)], sbufs[b], sems[b])
            pltpu.async_copy(dst_hbm.at[pl.ds(off, chb)], dbufs[b], sems[b])
            pltpu.async_copy(ee_hbm.at[pl.ds(off, chb)], ebufs[b], sems[b])

        def wait(b):
            pltpu.make_async_copy(src_hbm.at[pl.ds(0, chb)], sbufs[b],
                                  sems[b]).wait()
            pltpu.make_async_copy(dst_hbm.at[pl.ds(0, chb)], dbufs[b],
                                  sems[b]).wait()
            pltpu.make_async_copy(ee_hbm.at[pl.ds(0, chb)], ebufs[b],
                                  sems[b]).wait()

        def process(b):
            @plsc.parallel_loop(0, chb, step=16, unroll=4)
            def _(j):
                s16 = sbufs[b][pl.ds(j, 16)]
                d16 = dbufs[b][pl.ds(j, 16)]
                w16 = ebufs[b][pl.ds(j, 16)]
                for jch in range(nch_max):
                    gat = plsc.load_gather(h_refs[jch], [s16])
                    plsc.addupdate_scatter(o_refs[jch], [d16], gat * w16)

        start(0, 0)

        @pl.loop(0, nchunk, step=2)
        def _(i):
            start(i + 1, 1)
            wait(0)
            process(0)

            @pl.when(i + 2 < nchunk)
            def _():
                start(i + 2, 0)

            wait(1)
            process(1)

        for j in range(nch_max):
            c = g + ngrp * j

            @pl.when(c < nchan)
            def _():
                pltpu.sync_copy(o_refs[j], raw_hbm.at[r, c])

    return body


def _sc_phase_b(ht, src, dst, ee):
    nchan = ht.shape[0]
    nrange, ngrp, chb = _scb_cfg(nchan)
    nch_max = (nchan + ngrp - 1) // ngrp
    kern = pl.kernel(
        _make_scb_body(nchan),
        out_type=jax.ShapeDtypeStruct((nrange, nchan, NN), jnp.float32),
        mesh=_mesh(),
        scratch_types=([pltpu.VMEM((NN,), jnp.float32)] * (2 * nch_max)
                       + [pltpu.VMEM((chb,), jnp.int32)] * 4
                       + [pltpu.VMEM((chb,), jnp.float32)] * 2
                       + [pltpu.SemaphoreType.DMA] * 2),
        compiler_params=_SC_CP,
    )
    return kern(ht, src, dst, ee)



def _col(v):
    return v.reshape(-1, 1)


def _block_args(block):
    out = []
    for (g, b, w) in block:
        out += [_col(g), _col(b), w.T]
    return out


def kernel(x, edge_index, params):
    src = edge_index[0]
    dst = edge_index[1]
    mlp = params['mlp']

    w_g1, a_g1, bias_g1 = params['trans1']
    w_g2, a_g2, bias_g2 = params['trans2']
    c1 = w_g1.shape[0]
    o1 = w_g1.shape[1]
    c2 = w_g2.shape[0]
    o2 = w_g2.shape[1]

    xt = x.T

    tc1 = pl.pallas_call(
        _tc1_body,
        out_shape=(jax.ShapeDtypeStruct((o1, NN), jnp.float32),
                   jax.ShapeDtypeStruct((2, NN), jnp.float32)),
        compiler_params=_TC_CP,
    )
    ht1, pq1 = tc1(
        xt, mlp['W1'].T, _col(mlp['b1']), mlp['W2'].T, _col(mlp['b2']),
        mlp['W3'].T, _col(mlp['b3']),
        *_block_args(params['block1']),
        w_g1.T, a_g1[:o1].T, a_g1[o1:].T,
    )

    ee1, den1 = _sc_phase_a(pq1, src, dst)
    raw1 = _sc_phase_b(ht1, src, dst, ee1)

    tc2 = pl.pallas_call(
        _tc_mid_body,
        out_shape=(jax.ShapeDtypeStruct((o2, NN), jnp.float32),
                   jax.ShapeDtypeStruct((2, NN), jnp.float32)),
        compiler_params=_TC_CP,
    )
    ht2, pq2 = tc2(
        raw1, den1, _col(bias_g1),
        *_block_args(params['block2']),
        w_g2.T, a_g2[:o2].T, a_g2[o2:].T,
    )

    ee2, den2 = _sc_phase_a(pq2, src, dst)
    raw2 = _sc_phase_b(ht2, src, dst, ee2)

    gr = params['block3'][0][2].shape[1]
    tc3 = pl.pallas_call(
        _tc3_body,
        out_shape=(jax.ShapeDtypeStruct((o2, NN), jnp.float32),
                   jax.ShapeDtypeStruct((gr, NN), jnp.float32),
                   jax.ShapeDtypeStruct((gr, NN), jnp.float32),
                   jax.ShapeDtypeStruct((gr, NN), jnp.float32)),
        compiler_params=_TC_CP,
    )
    s0, s1, s2, s3 = tc3(
        raw2, den2, _col(bias_g2),
        *_block_args(params['block3']),
    )

    return jnp.concatenate([s0.T, s1.T, s2.T, s3.T], axis=1)

# --- scband reference (transcript-rebuilt; emitter-appended) ---
"""Pipeline reference for scband-graph-densenet-19937238188614 (READ-ONLY COPY).

The authoritative reference and input builder live on the scoring server;
editing this copy changes nothing except your own understanding.
"""

import jax, jax.numpy as jnp
import numpy as np

GROWTH = 16
NLAYERS = 3  # n = int(((depth-4)/3)/2) with depth=22, bottleneck=True
SLOPE_ALPHA = 0.2


def _leaky(x, s=0.01):
    return jnp.where(x >= 0, x, s * x)


def _bn(x, g, b, eps=1e-5):
    mu = jnp.mean(x, axis=0)
    var = jnp.var(x, axis=0)
    return g * (x - mu) / jnp.sqrt(var + eps) + b


def _mlp(x, p):
    x = _leaky(x @ p['W1'] + p['b1'])
    x = _leaky(x @ p['W2'] + p['b2'])
    x = _leaky(x @ p['W3'] + p['b3'])
    return x


def _gdb(x, layers):
    # GDB of BottleneckLayers: out = conv1x1(leaky_relu(bn(x))); cat([x, out])
    for (g, b, W) in layers:
        out = _leaky(_bn(x, g, b)) @ W
        x = jnp.concatenate([x, out], axis=1)
    return x


def _gat(x, edge_index, W, a, bias):
    # GAT transition: h = xW; e_ij = LeakyReLU([h_dst||h_src] a); segment softmax over dst; aggregate
    N = x.shape[0]
    src = edge_index[0]
    dst = edge_index[1]
    h = x @ W
    e = _leaky(jnp.concatenate([h[dst], h[src]], axis=1) @ a, SLOPE_ALPHA)[:, 0]
    m = jax.ops.segment_max(e, dst, num_segments=N)
    m = jnp.where(jnp.isfinite(m), m, 0.0)
    ee = jnp.exp(e - m[dst])
    denom = jax.ops.segment_sum(ee, dst, num_segments=N)
    alpha = ee / (denom[dst] + 1e-16)
    out = jax.ops.segment_sum(alpha[:, None] * h[src], dst, num_segments=N)
    return out + bias


def _forward(x, edge_index, params):
    out = _mlp(x, params['mlp'])
    out = _gdb(out, params['block1'])
    out = _gat(out, edge_index, *params['trans1'])
    out = _gdb(out, params['block2'])
    out = _gat(out, edge_index, *params['trans2'])
    out = _gdb(out, params['block3'])
    return out


def setup_inputs(seed: int = 0):
    key = jax.random.key(seed)
    keys = iter(jax.random.split(key, 64))
    N, E, din, hidden = 10000, 320000, 128, 256
    x = jax.random.normal(next(keys), (N, din), dtype=jnp.float32)
    edge_index = jax.random.randint(next(keys), (2, E), 0, N, dtype=jnp.int32)

    def glorot(shape):
        return jax.random.normal(next(keys), shape, dtype=jnp.float32) * np.sqrt(2.0 / (shape[0] + shape[-1]))

    out0 = 2 * GROWTH  # 32
    mlp = {'W1': glorot((din, hidden)), 'b1': jnp.zeros((hidden,), jnp.float32),
           'W2': glorot((hidden, hidden)), 'b2': jnp.zeros((hidden,), jnp.float32),
           'W3': glorot((hidden, out0)), 'b3': jnp.zeros((out0,), jnp.float32)}

    def make_block(cin):
        layers = []
        for i in range(NLAYERS):
            c = cin + i * GROWTH
            layers.append((jnp.ones((c,), jnp.float32), jnp.zeros((c,), jnp.float32), glorot((c, GROWTH))))
        return layers, cin + NLAYERS * GROWTH

    block1, c1 = make_block(out0)          # c1 = 80
    o1 = int(np.floor(c1 * 0.5))           # 40
    trans1 = (glorot((c1, o1)), glorot((2 * o1, 1)), jnp.zeros((o1,), jnp.float32))
    block2, c2 = make_block(o1)            # c2 = 88
    o2 = int(np.floor(c2 * 0.5))           # 44
    trans2 = (glorot((c2, o2)), glorot((2 * o2, 1)), jnp.zeros((o2,), jnp.float32))
    block3, c3 = make_block(o2)            # c3 = 92
    params = {'mlp': mlp, 'block1': block1, 'trans1': trans1, 'block2': block2, 'trans2': trans2, 'block3': block3}
    return {'x': x, 'edge_index': edge_index, 'params': params}


def reference(x, edge_index, params):
    return _forward(x, edge_index, params)

if __name__ == "__main__":
    import jax
    _d = setup_inputs()
    print(jax.jit(kernel)(*tuple(_d.values())))

</pallas_src>

<mosaic_0001>
#map = affine_map<(d0, d1) -> (0, 0)>
#map1 = affine_map<(d0, d1) -> (0)>
module attributes {stable_mosaic.version = 14 : i64} {
  func.func @_sca_body(%arg0: i32, %arg1: i32, %arg2: memref<2x10000xf32, #tpu.memory_space<hbm>>, %arg3: memref<320000xi32, #tpu.memory_space<hbm>>, %arg4: memref<320000xi32, #tpu.memory_space<hbm>>, %arg5: memref<320000xf32, #tpu.memory_space<hbm>>, %arg6: memref<32x10000xf32, #tpu.memory_space<hbm>>, %arg7: memref<10000xf32, #tpu.memory_space<vmem>>, %arg8: memref<10000xf32, #tpu.memory_space<vmem>>, %arg9: memref<10000xi32, #tpu.memory_space<vmem>>, %arg10: memref<10000xi32, #tpu.memory_space<vmem>>, %arg11: memref<10000xf32, #tpu.memory_space<vmem>>, %arg12: memref<10000xf32, #tpu.memory_space<vmem>>, %arg13: memref<!tpu.dma_semaphore, #tpu.memory_space<semaphore_mem>>) attributes {dimension_semantics = [#tpu.dimension_semantics<core_parallel>, #tpu.dimension_semantics<subcore_parallel>], iteration_bounds = array<i64: 2, 16>, scalar_prefetch = 0 : i64, scratch_operands = 7 : i64, tpu.core_type = #tpu.core_type<sc_vector_subcore>, window_params = [{transform_indices = #map}, {transform_indices = #map1}, {transform_indices = #map1}, {transform_indices = #map1}, {transform_indices = #map}]} {
    %mul3A = arith.constant 16 : i32
    %mul3A_0 = arith.muli %arg0, %mul3A : i32
    %add3A = arith.addi %mul3A_0, %arg1 : i32
    %mul3A_1 = arith.constant 10000 : i32
    %mul3A_2 = arith.muli %add3A, %mul3A_1 : i32
    %dma_start3A = arith.constant 0 : i32
    %dma_start3A_3 = arith.constant 0 : i32
    %dma_start3A_4 = tpu.memref_slice %arg2[%dma_start3A, %dma_start3A_3] : memref<2x10000xf32, #tpu.memory_space<hbm>> -> memref<1x10000xf32, #tpu.memory_space<hbm>>
    %dma_start3A_5 = tpu.memref_squeeze %dma_start3A_4 : memref<1x10000xf32, #tpu.memory_space<hbm>> -> memref<10000xf32, #tpu.memory_space<hbm>>
    %dma_start3A_6 = arith.constant 0 : i32
    %dma_start3A_7 = tpu.memref_slice %arg2[%dma_start3A, %dma_start3A_6] : memref<2x10000xf32, #tpu.memory_space<hbm>> -> memref<1x10000xf32, #tpu.memory_space<hbm>>
    %dma_start3A_8 = tpu.memref_squeeze %dma_start3A_7 : memref<1x10000xf32, #tpu.memory_space<hbm>> -> memref<10000xf32, #tpu.memory_space<hbm>>
    tpu.enqueue_dma source(%dma_start3A_8 : memref<10000xf32, #tpu.memory_space<hbm>>) target(%arg7 : memref<10000xf32, #tpu.memory_space<vmem>>) target_semaphore(%arg13 : memref<!tpu.dma_semaphore, #tpu.memory_space<semaphore_mem>>)
    %dma_start3A_9 = arith.constant 1 : i32
    %dma_start3A_10 = arith.constant 0 : i32
    %dma_start3A_11 = tpu.memref_slice %arg2[%dma_start3A_9, %dma_start3A_10] : memref<2x10000xf32, #tpu.memory_space<hbm>> -> memref<1x10000xf32, #tpu.memory_space<hbm>>
    %dma_start3A_12 = tpu.memref_squeeze %dma_start3A_11 : memref<1x10000xf32, #tpu.memory_space<hbm>> -> memref<10000xf32, #tpu.memory_space<hbm>>
    %dma_start3A_13 = arith.constant 0 : i32
    %dma_start3A_14 = tpu.memref_slice %arg2[%dma_start3A_9, %dma_start3A_13] : memref<2x10000xf32, #tpu.memory_space<hbm>> -> memref<1x10000xf32, #tpu.memory_space<hbm>>
    %dma_start3A_15 = tpu.memref_squeeze %dma_start3A_14 : memref<1x10000xf32, #tpu.memory_space<hbm>> -> memref<10000xf32, #tpu.memory_space<hbm>>
    tpu.enqueue_dma source(%dma_start3A_15 : memref<10000xf32, #tpu.memory_space<hbm>>) target(%arg8 : memref<10000xf32, #tpu.memory_space<vmem>>) target_semaphore(%arg13 : memref<!tpu.dma_semaphore, #tpu.memory_space<semaphore_mem>>)
    %dma_start3A_16 = tpu.memref_slice %arg3[%mul3A_2] : memref<320000xi32, #tpu.memory_space<hbm>> -> memref<10000xi32, #tpu.memory_space<hbm>>
    %dma_start3A_17 = tpu.memref_slice %arg3[%mul3A_2] : memref<320000xi32, #tpu.memory_space<hbm>> -> memref<10000xi32, #tpu.memory_space<hbm>>
    tpu.enqueue_dma source(%dma_start3A_17 : memref<10000xi32, #tpu.memory_space<hbm>>) target(%arg9 : memref<10000xi32, #tpu.memory_space<vmem>>) target_semaphore(%arg13 : memref<!tpu.dma_semaphore, #tpu.memory_space<semaphore_mem>>)
    %dma_start3A_18 = tpu.memref_slice %arg4[%mul3A_2] : memref<320000xi32, #tpu.memory_space<hbm>> -> memref<10000xi32, #tpu.memory_space<hbm>>
    %dma_start3A_19 = tpu.memref_slice %arg4[%mul3A_2] : memref<320000xi32, #tpu.memory_space<hbm>> -> memref<10000xi32, #tpu.memory_space<hbm>>
    tpu.enqueue_dma source(%dma_start3A_19 : memref<10000xi32, #tpu.memory_space<hbm>>) target(%arg10 : memref<10000xi32, #tpu.memory_space<vmem>>) target_semaphore(%arg13 : memref<!tpu.dma_semaphore, #tpu.memory_space<semaphore_mem>>)
    %dma_wait3A = arith.constant 0 : i32
    %dma_wait3A_20 = arith.constant 0 : i32
    %dma_wait3A_21 = tpu.memref_slice %arg2[%dma_wait3A, %dma_wait3A_20] : memref<2x10000xf32, #tpu.memory_space<hbm>> -> memref<1x10000xf32, #tpu.memory_space<hbm>>
    %dma_wait3A_22 = tpu.memref_squeeze %dma_wait3A_21 : memref<1x10000xf32, #tpu.memory_space<hbm>> -> memref<10000xf32, #tpu.memory_space<hbm>>
    %dma_wait3A_23 = arith.constant 0 : i32
    %dma_wait3A_24 = tpu.memref_slice %arg2[%dma_wait3A, %dma_wait3A_23] : memref<2x10000xf32, #tpu.memory_space<hbm>> -> memref<1x10000xf32, #tpu.memory_space<hbm>>
    %dma_wait3A_25 = tpu.memref_squeeze %dma_wait3A_24 : memref<1x10000xf32, #tpu.memory_space<hbm>> -> memref<10000xf32, #tpu.memory_space<hbm>>
    tpu.wait_dma2 semaphore(%arg13 : memref<!tpu.dma_semaphore, #tpu.memory_space<semaphore_mem>>) src(%dma_wait3A_25 : memref<10000xf32, #tpu.memory_space<hbm>>) dst(%arg7 : memref<10000xf32, #tpu.memory_space<vmem>>)
    %dma_wait3A_26 = arith.constant 1 : i32
    %dma_wait3A_27 = arith.constant 0 : i32
    %dma_wait3A_28 = tpu.memref_slice %arg2[%dma_wait3A_26, %dma_wait3A_27] : memref<2x10000xf32, #tpu.memory_space<hbm>> -> memref<1x10000xf32, #tpu.memory_space<hbm>>
    %dma_wait3A_29 = tpu.memref_squeeze %dma_wait3A_28 : memref<1x10000xf32, #tpu.memory_space<hbm>> -> memref<10000xf32, #tpu.memory_space<hbm>>
    %dma_wait3A_30 = arith.constant 0 : i32
    %dma_wait3A_31 = tpu.memref_slice %arg2[%dma_wait3A_26, %dma_wait3A_30] : memref<2x10000xf32, #tpu.memory_space<hbm>> -> memref<1x10000xf32, #tpu.memory_space<hbm>>
    %dma_wait3A_32 = tpu.memref_squeeze %dma_wait3A_31 : memref<1x10000xf32, #tpu.memory_space<hbm>> -> memref<10000xf32, #tpu.memory_space<hbm>>
    tpu.wait_dma2 semaphore(%arg13 : memref<!tpu.dma_semaphore, #tpu.memory_space<semaphore_mem>>) src(%dma_wait3A_32 : memref<10000xf32, #tpu.memory_space<hbm>>) dst(%arg8 : memref<10000xf32, #tpu.memory_space<vmem>>)
    %dma_wait3A_33 = arith.constant 0 : i32
    %dma_wait3A_34 = tpu.memref_slice %arg3[%dma_wait3A_33] : memref<320000xi32, #tpu.memory_space<hbm>> -> memref<10000xi32, #tpu.memory_space<hbm>>
    %dma_wait3A_35 = arith.constant 0 : i32
    %dma_wait3A_36 = tpu.memref_slice %arg3[%dma_wait3A_35] : memref<320000xi32, #tpu.memory_space<hbm>> -> memref<10000xi32, #tpu.memory_space<hbm>>
    tpu.wait_dma2 semaphore(%arg13 : memref<!tpu.dma_semaphore, #tpu.memory_space<semaphore_mem>>) src(%dma_wait3A_36 : memref<10000xi32, #tpu.memory_space<hbm>>) dst(%arg9 : memref<10000xi32, #tpu.memory_space<vmem>>)
    %dma_wait3A_37 = arith.constant 0 : i32
    %dma_wait3A_38 = tpu.memref_slice %arg4[%dma_wait3A_37] : memref<320000xi32, #tpu.memory_space<hbm>> -> memref<10000xi32, #tpu.memory_space<hbm>>
    %dma_wait3A_39 = arith.constant 0 : i32
    %dma_wait3A_40 = tpu.memref_slice %arg4[%dma_wait3A_39] : memref<320000xi32, #tpu.memory_space<hbm>> -> memref<10000xi32, #tpu.memory_space<hbm>>
    tpu.wait_dma2 semaphore(%arg13 : memref<!tpu.dma_semaphore, #tpu.memory_space<semaphore_mem>>) src(%dma_wait3A_40 : memref<10000xi32, #tpu.memory_space<hbm>>) dst(%arg10 : memref<10000xi32, #tpu.memory_space<vmem>>)
    %scan3A = arith.constant 0 : i32
    %scan3A_41 = arith.constant 625 : i32
    %scan3A_42 = arith.addi %scan3A, %scan3A_41 : i32
    %scan3A_43 = arith.constant 1 : i32
    scf.for %scan3A_47 = %scan3A to %scan3A_42 step %scan3A_43  : i32 {
      %mul3A_48 = arith.constant 16 : i32
      %mul3A_49 = arith.muli %scan3A_47, %mul3A_48 : i32
      %add3A_50 = arith.constant 0 : i32
      %add3A_51 = arith.addi %add3A_50, %mul3A_49 : i32
      %broadcast_in_dim3A = arith.constant 0.000000e+00 : f32
      %broadcast_in_dim3A_52 = vector.broadcast %broadcast_in_dim3A : f32 to vector<16xf32>
      %swap3A = arith.index_cast %add3A_51 : i32 to index
      %swap3A_53 = tpu.vector_load %arg12[%swap3A] {strides = array<i32>} : memref<10000xf32, #tpu.memory_space<vmem>>, vector<16xf32>,
      tpu.vector_store %arg12[%swap3A], %broadcast_in_dim3A_52 {strides = array<i32>} : memref<10000xf32, #tpu.memory_space<vmem>>, vector<16xf32>,
    }
    %scan3A_44 = arith.constant 625 : i32
    %parallel_loop3A = arith.constant 0 : i32
    %parallel_loop3A_45 = arith.constant 10000 : i32
    %parallel_loop3A_46 = arith.constant 16 : i32
    scf.for %parallel_loop3A_47 = %parallel_loop3A to %parallel_loop3A_45 step %parallel_loop3A_46  : i32 {
      %parallel_loop3A_48 = arith.index_cast %parallel_loop3A_47 : i32 to index
      %parallel_loop3A_49 = tpu.vector_load %arg9[%parallel_loop3A_48] {strides = array<i32>} : memref<10000xi32, #tpu.memory_space<vmem>>, vector<16xi32>,
      %parallel_loop3A_50 = arith.index_cast %parallel_loop3A_47 : i32 to index
      %parallel_loop3A_51 = tpu.vector_load %arg10[%parallel_loop3A_50] {strides = array<i32>} : memref<10000xi32, #tpu.memory_space<vmem>>, vector<16xi32>,
      %parallel_loop3A_52 = tpu.vector_load_idx %arg7[%parallel_loop3A_51] : memref<10000xf32, #tpu.memory_space<vmem>>[vector<16xi32>], vector<16xf32>,
      %parallel_loop3A_53 = tpu.vector_load_idx %arg8[%parallel_loop3A_49] : memref<10000xf32, #tpu.memory_space<vmem>>[vector<16xi32>], vector<16xf32>,
      %parallel_loop3A_54 = arith.addf %parallel_loop3A_52, %parallel_loop3A_53 : vector<16xf32>
      %parallel_loop3A_55 = arith.constant 0.000000e+00 : f32
      %parallel_loop3A_56 = vector.broadcast %parallel_loop3A_55 : f32 to vector<16xf32>
      %parallel_loop3A_57 = arith.cmpf oge, %parallel_loop3A_54, %parallel_loop3A_56 : vector<16xf32>
      %parallel_loop3A_58 = arith.constant 2.000000e-01 : f32
      %parallel_loop3A_59 = vector.broadcast %parallel_loop3A_58 : f32 to vector<16xf32>
      %parallel_loop3A_60 = arith.mulf %parallel_loop3A_59, %parallel_loop3A_54 : vector<16xf32>
      %parallel_loop3A_61 = arith.select %parallel_loop3A_57, %parallel_loop3A_54, %parallel_loop3A_60 : vector<16xi1>, vector<16xf32>
      %parallel_loop3A_62 = math.exp %parallel_loop3A_61 : vector<16xf32>
      %parallel_loop3A_63 = arith.index_cast %parallel_loop3A_47 : i32 to index
      %parallel_loop3A_64 = tpu.vector_load %arg11[%parallel_loop3A_63] {strides = array<i32>} : memref<10000xf32, #tpu.memory_space<vmem>>, vector<16xf32>,
      tpu.vector_store %arg11[%parallel_loop3A_63], %parallel_loop3A_62 {strides = array<i32>} : memref<10000xf32, #tpu.memory_space<vmem>>, vector<16xf32>,
      tpu.vector_store_idx %arg12[%parallel_loop3A_51], %parallel_loop3A_62 {add = true} : memref<10000xf32, #tpu.memory_space<vmem>>[vector<16xi32>], vector<16xf32>,
    } {sc.loop_unroll_factor = 8 : i64, sc.parallel_access}
    "tpu.region"() ({
      %run_scoped3A = tpu.sem_alloc : memref<!tpu.dma_semaphore, #tpu.memory_space<semaphore_mem>>
      %dma_start3A_47 = tpu.memref_slice %arg5[%mul3A_2] : memref<320000xf32, #tpu.memory_space<hbm>> -> memref<10000xf32, #tpu.memory_space<hbm>>
      %dma_start3A_48 = tpu.memref_slice %arg5[%mul3A_2] : memref<320000xf32, #tpu.memory_space<hbm>> -> memref<10000xf32, #tpu.memory_space<hbm>>
      tpu.enqueue_dma source(%arg11 : memref<10000xf32, #tpu.memory_space<vmem>>) target(%dma_start3A_48 : memref<10000xf32, #tpu.memory_space<hbm>>) target_semaphore(%run_scoped3A : memref<!tpu.dma_semaphore, #tpu.memory_space<semaphore_mem>>)
      %dma_wait3A_49 = tpu.memref_slice %arg5[%mul3A_2] : memref<320000xf32, #tpu.memory_space<hbm>> -> memref<10000xf32, #tpu.memory_space<hbm>>
      %dma_wait3A_50 = tpu.memref_slice %arg5[%mul3A_2] : memref<320000xf32, #tpu.memory_space<hbm>> -> memref<10000xf32, #tpu.memory_space<hbm>>
      tpu.wait_dma2 semaphore(%run_scoped3A : memref<!tpu.dma_semaphore, #tpu.memory_space<semaphore_mem>>) src(%arg11 : memref<10000xf32, #tpu.memory_space<vmem>>) dst(%dma_wait3A_50 : memref<10000xf32, #tpu.memory_space<hbm>>)
      tpu.yield
    }) : () -> ()
    "tpu.region"() ({
      %run_scoped3A = tpu.sem_alloc : memref<!tpu.dma_semaphore, #tpu.memory_space<semaphore_mem>>
      %dma_start3A_47 = arith.constant 0 : i32
      %dma_start3A_48 = tpu.memref_slice %arg6[%add3A, %dma_start3A_47] : memref<32x10000xf32, #tpu.memory_space<hbm>> -> memref<1x10000xf32, #tpu.memory_space<hbm>>
      %dma_start3A_49 = tpu.memref_squeeze %dma_start3A_48 : memref<1x10000xf32, #tpu.memory_space<hbm>> -> memref<10000xf32, #tpu.memory_space<hbm>>
      %dma_start3A_50 = arith.constant 0 : i32
      %dma_start3A_51 = tpu.memref_slice %arg6[%add3A, %dma_start3A_50] : memref<32x10000xf32, #tpu.memory_space<hbm>> -> memref<1x10000xf32, #tpu.memory_space<hbm>>
      %dma_start3A_52 = tpu.memref_squeeze %dma_start3A_51 : memref<1x10000xf32, #tpu.memory_space<hbm>> -> memref<10000xf32, #tpu.memory_space<hbm>>
      tpu.enqueue_dma source(%arg12 : memref<10000xf32, #tpu.memory_space<vmem>>) target(%dma_start3A_52 : memref<10000xf32, #tpu.memory_space<hbm>>) target_semaphore(%run_scoped3A : memref<!tpu.dma_semaphore, #tpu.memory_space<semaphore_mem>>)
      %dma_wait3A_53 = arith.constant 0 : i32
      %dma_wait3A_54 = tpu.memref_slice %arg6[%add3A, %dma_wait3A_53] : memref<32x10000xf32, #tpu.memory_space<hbm>> -> memref<1x10000xf32, #tpu.memory_space<hbm>>
      %dma_wait3A_55 = tpu.memref_squeeze %dma_wait3A_54 : memref<1x10000xf32, #tpu.memory_space<hbm>> -> memref<10000xf32, #tpu.memory_space<hbm>>
      %dma_wait3A_56 = arith.constant 0 : i32
      %dma_wait3A_57 = tpu.memref_slice %arg6[%add3A, %dma_wait3A_56] : memref<32x10000xf32, #tpu.memory_space<hbm>> -> memref<1x10000xf32, #tpu.memory_space<hbm>>
      %dma_wait3A_58 = tpu.memref_squeeze %dma_wait3A_57 : memref<1x10000xf32, #tpu.memory_space<hbm>> -> memref<10000xf32, #tpu.memory_space<hbm>>
      tpu.wait_dma2 semaphore(%run_scoped3A : memref<!tpu.dma_semaphore, #tpu.memory_space<semaphore_mem>>) src(%arg12 : memref<10000xf32, #tpu.memory_space<vmem>>) dst(%dma_wait3A_58 : memref<10000xf32, #tpu.memory_space<hbm>>)
      tpu.yield
    }) : () -> ()
    return
  }
}

#map = affine_map<(d0, d1) -> (0, 0)>
#map1 = affine_map<(d0, d1) -> (0)>
#map2 = affine_map<(d0, d1) -> (0, 0, 0)>
module attributes {stable_mosaic.version = 14 : i64} {
  func.func @body(%arg0: i32, %arg1: i32, %arg2: memref<44x10000xf32, #tpu.memory_space<hbm>>, %arg3: memref<320000xi32, #tpu.memory_space<hbm>>, %arg4: memref<320000xi32, #tpu.memory_space<hbm>>, %arg5: memref<320000xf32, #tpu.memory_space<hbm>>, %arg6: memref<4x44x10000xf32, #tpu.memory_space<hbm>>, %arg7: memref<10000xf32, #tpu.memory_space<vmem>>, %arg8: memref<10000xf32, #tpu.memory_space<vmem>>, %arg9: memref<10000xf32, #tpu.memory_space<vmem>>, %arg10: memref<10000xf32, #tpu.memory_space<vmem>>, %arg11: memref<10000xf32, #tpu.memory_space<vmem>>, %arg12: memref<10000xf32, #tpu.memory_space<vmem>>, %arg13: memref<10000xf32, #tpu.memory_space<vmem>>, %arg14: memref<10000xf32, #tpu.memory_space<vmem>>, %arg15: memref<10000xf32, #tpu.memory_space<vmem>>, %arg16: memref<10000xf32, #tpu.memory_space<vmem>>, %arg17: memref<10000xf32, #tpu.memory_space<vmem>>, %arg18: memref<10000xf32, #tpu.memory_space<vmem>>, %arg19: memref<800xi32, #tpu.memory_space<vmem>>, %arg20: memref<800xi32, #tpu.memory_space<vmem>>, %arg21: memref<800xi32, #tpu.memory_space<vmem>>, %arg22: memref<800xi32, #tpu.memory_space<vmem>>, %arg23: memref<800xf32, #tpu.memory_space<vmem>>, %arg24: memref<800xf32, #tpu.memory_space<vmem>>, %arg25: memref<!tpu.dma_semaphore, #tpu.memory_space<semaphore_mem>>, %arg26: memref<!tpu.dma_semaphore, #tpu.memory_space<semaphore_mem>>) attributes {dimension_semantics = [#tpu.dimension_semantics<core_parallel>, #tpu.dimension_semantics<subcore_parallel>], iteration_bounds = array<i64: 2, 16>, scalar_prefetch = 0 : i64, scratch_operands = 20 : i64, tpu.core_type = #tpu.core_type<sc_vector_subcore>, window_params = [{transform_indices = #map}, {transform_indices = #map1}, {transform_indices = #map1}, {transform_indices = #map1}, {transform_indices = #map2}]} {
    %and3A = arith.constant 7 : i32
    %and3A_0 = arith.andi %arg1, %and3A : i32
    %mul3A = arith.constant 2 : i32
    %mul3A_1 = arith.muli %arg0, %mul3A : i32
    %shift_right_logical3A = arith.constant 3 : i32
    %shift_right_logical3A_2 = arith.shrui %arg1, %shift_right_logical3A : i32
    %add3A = arith.addi %mul3A_1, %shift_right_logical3A_2 : i32
    %mul3A_3 = arith.constant 80000 : i32
    %mul3A_4 = arith.muli %add3A, %mul3A_3 : i32
    %add3A_5 = arith.constant 0 : i32
    %add3A_6 = arith.addi %and3A_0, %add3A_5 : i32
    %min3A = arith.constant 43 : i32
    %min3A_7 = arith.minsi %add3A_6, %min3A : i32
    "tpu.region"() ({
      %run_scoped3A = tpu.sem_alloc : memref<!tpu.dma_semaphore, #tpu.memory_space<semaphore_mem>>
      %dma_start3A_83 = arith.constant 0 : i32
      %dma_start3A_84 = tpu.memref_slice %arg2[%min3A_7, %dma_start3A_83] : memref<44x10000xf32, #tpu.memory_space<hbm>> -> memref<1x10000xf32, #tpu.memory_space<hbm>>
      %dma_start3A_85 = tpu.memref_squeeze %dma_start3A_84 : memref<1x10000xf32, #tpu.memory_space<hbm>> -> memref<10000xf32, #tpu.memory_space<hbm>>
      %dma_start3A_86 = arith.constant 0 : i32
      %dma_start3A_87 = tpu.memref_slice %arg2[%min3A_7, %dma_start3A_86] : memref<44x10000xf32, #tpu.memory_space<hbm>> -> memref<1x10000xf32, #tpu.memory_space<hbm>>
      %dma_start3A_88 = tpu.memref_squeeze %dma_start3A_87 : memref<1x10000xf32, #tpu.memory_space<hbm>> -> memref<10000xf32, #tpu.memory_space<hbm>>
      tpu.enqueue_dma source(%dma_start3A_88 : memref<10000xf32, #tpu.memory_space<hbm>>) target(%arg7 : memref<10000xf32, #tpu.memory_space<vmem>>) target_semaphore(%run_scoped3A : memref<!tpu.dma_semaphore, #tpu.memory_space<semaphore_mem>>)
      %dma_wait3A = arith.constant 0 : i32
      %dma_wait3A_89 = tpu.memref_slice %arg2[%min3A_7, %dma_wait3A] : memref<44x10000xf32, #tpu.memory_space<hbm>> -> memref<1x10000xf32, #tpu.memory_space<hbm>>
      %dma_wait3A_90 = tpu.memref_squeeze %dma_wait3A_89 : memref<1x10000xf32, #tpu.memory_space<hbm>> -> memref<10000xf32, #tpu.memory_space<hbm>>
      %dma_wait3A_91 = arith.constant 0 : i32
      %dma_wait3A_92 = tpu.memref_slice %arg2[%min3A_7, %dma_wait3A_91] : memref<44x10000xf32, #tpu.memory_space<hbm>> -> memref<1x10000xf32, #tpu.memory_space<hbm>>
      %dma_wait3A_93 = tpu.memref_squeeze %dma_wait3A_92 : memref<1x10000xf32, #tpu.memory_space<hbm>> -> memref<10000xf32, #tpu.memory_space<hbm>>
      tpu.wait_dma2 semaphore(%run_scoped3A : memref<!tpu.dma_semaphore, #tpu.memory_space<semaphore_mem>>) src(%dma_wait3A_93 : memref<10000xf32, #tpu.memory_space<hbm>>) dst(%arg7 : memref<10000xf32, #tpu.memory_space<vmem>>)
      tpu.yield
    }) : () -> ()
    %add3A_8 = arith.constant 8 : i32
    %add3A_9 = arith.addi %and3A_0, %add3A_8 : i32
    %min3A_10 = arith.constant 43 : i32
    %min3A_11 = arith.minsi %add3A_9, %min3A_10 : i32
    "tpu.region"() ({
      %run_scoped3A = tpu.sem_alloc : memref<!tpu.dma_semaphore, #tpu.memory_space<semaphore_mem>>
      %dma_start3A_83 = arith.constant 0 : i32
      %dma_start3A_84 = tpu.memref_slice %arg2[%min3A_11, %dma_start3A_83] : memref<44x10000xf32, #tpu.memory_space<hbm>> -> memref<1x10000xf32, #tpu.memory_space<hbm>>
      %dma_start3A_85 = tpu.memref_squeeze %dma_start3A_84 : memref<1x10000xf32, #tpu.memory_space<hbm>> -> memref<10000xf32, #tpu.memory_space<hbm>>
      %dma_start3A_86 = arith.constant 0 : i32
      %dma_start3A_87 = tpu.memref_slice %arg2[%min3A_11, %dma_start3A_86] : memref<44x10000xf32, #tpu.memory_space<hbm>> -> memref<1x10000xf32, #tpu.memory_space<hbm>>
      %dma_start3A_88 = tpu.memref_squeeze %dma_start3A_87 : memref<1x10000xf32, #tpu.memory_space<hbm>> -> memref<10000xf32, #tpu.memory_space<hbm>>
      tpu.enqueue_dma source(%dma_start3A_88 : memref<10000xf32, #tpu.memory_space<hbm>>) target(%arg8 : memref<10000xf32, #tpu.memory_space<vmem>>) target_semaphore(%run_scoped3A : memref<!tpu.dma_semaphore, #tpu.memory_space<semaphore_mem>>)
      %dma_wait3A = arith.constant 0 : i32
      %dma_wait3A_89 = tpu.memref_slice %arg2[%min3A_11, %dma_wait3A] : memref<44x10000xf32, #tpu.memory_space<hbm>> -> memref<1x10000xf32, #tpu.memory_space<hbm>>
      %dma_wait3A_90 = tpu.memref_squeeze %dma_wait3A_89 : memref<1x10000xf32, #tpu.memory_space<hbm>> -> memref<10000xf32, #tpu.memory_space<hbm>>
      %dma_wait3A_91 = arith.constant 0 : i32
      %dma_wait3A_92 = tpu.memref_slice %arg2[%min3A_11, %dma_wait3A_91] : memref<44x10000xf32, #tpu.memory_space<hbm>> -> memref<1x10000xf32, #tpu.memory_space<hbm>>
      %dma_wait3A_93 = tpu.memref_squeeze %dma_wait3A_92 : memref<1x10000xf32, #tpu.memory_space<hbm>> -> memref<10000xf32, #tpu.memory_space<hbm>>
      tpu.wait_dma2 semaphore(%run_scoped3A : memref<!tpu.dma_semaphore, #tpu.memory_space<semaphore_mem>>) src(%dma_wait3A_93 : memref<10000xf32, #tpu.memory_space<hbm>>) dst(%arg8 : memref<10000xf32, #tpu.memory_space<vmem>>)
      tpu.yield
    }) : () -> ()
    %add3A_12 = arith.constant 16 : i32
    %add3A_13 = arith.addi %and3A_0, %add3A_12 : i32
    %min3A_14 = arith.constant 43 : i32
    %min3A_15 = arith.minsi %add3A_13, %min3A_14 : i32
    "tpu.region"() ({
      %run_scoped3A = tpu.sem_alloc : memref<!tpu.dma_semaphore, #tpu.memory_space<semaphore_mem>>
      %dma_start3A_83 = arith.constant 0 : i32
      %dma_start3A_84 = tpu.memref_slice %arg2[%min3A_15, %dma_start3A_83] : memref<44x10000xf32, #tpu.memory_space<hbm>> -> memref<1x10000xf32, #tpu.memory_space<hbm>>
      %dma_start3A_85 = tpu.memref_squeeze %dma_start3A_84 : memref<1x10000xf32, #tpu.memory_space<hbm>> -> memref<10000xf32, #tpu.memory_space<hbm>>
      %dma_start3A_86 = arith.constant 0 : i32
      %dma_start3A_87 = tpu.memref_slice %arg2[%min3A_15, %dma_start3A_86] : memref<44x10000xf32, #tpu.memory_space<hbm>> -> memref<1x10000xf32, #tpu.memory_space<hbm>>
      %dma_start3A_88 = tpu.memref_squeeze %dma_start3A_87 : memref<1x10000xf32, #tpu.memory_space<hbm>> -> memref<10000xf32, #tpu.memory_space<hbm>>
      tpu.enqueue_dma source(%dma_start3A_88 : memref<10000xf32, #tpu.memory_space<hbm>>) target(%arg9 : memref<10000xf32, #tpu.memory_space<vmem>>) target_semaphore(%run_scoped3A : memref<!tpu.dma_semaphore, #tpu.memory_space<semaphore_mem>>)
      %dma_wait3A = arith.constant 0 : i32
      %dma_wait3A_89 = tpu.memref_slice %arg2[%min3A_15, %dma_wait3A] : memref<44x10000xf32, #tpu.memory_space<hbm>> -> memref<1x10000xf32, #tpu.memory_space<hbm>>
      %dma_wait3A_90 = tpu.memref_squeeze %dma_wait3A_89 : memref<1x10000xf32, #tpu.memory_space<hbm>> -> memref<10000xf32, #tpu.memory_space<hbm>>
      %dma_wait3A_91 = arith.constant 0 : i32
      %dma_wait3A_92 = tpu.memref_slice %arg2[%min3A_15, %dma_wait3A_91] : memref<44x10000xf32, #tpu.memory_space<hbm>> -> memref<1x10000xf32, #tpu.memory_space<hbm>>
      %dma_wait3A_93 = tpu.memref_squeeze %dma_wait3A_92 : memref<1x10000xf32, #tpu.memory_space<hbm>> -> memref<10000xf32, #tpu.memory_space<hbm>>
      tpu.wait_dma2 semaphore(%run_scoped3A : memref<!tpu.dma_semaphore, #tpu.memory_space<semaphore_mem>>) src(%dma_wait3A_93 : memref<10000xf32, #tpu.memory_space<hbm>>) dst(%arg9 : memref<10000xf32, #tpu.memory_space<vmem>>)
      tpu.yield
    }) : () -> ()
    %add3A_16 = arith.constant 24 : i32
    %add3A_17 = arith.addi %and3A_0, %add3A_16 : i32
    %min3A_18 = arith.constant 43 : i32
    %min3A_19 = arith.minsi %add3A_17, %min3A_18 : i32
    "tpu.region"() ({
      %run_scoped3A = tpu.sem_alloc : memref<!tpu.dma_semaphore, #tpu.memory_space<semaphore_mem>>
      %dma_start3A_83 = arith.constant 0 : i32
      %dma_start3A_84 = tpu.memref_slice %arg2[%min3A_19, %dma_start3A_83] : memref<44x10000xf32, #tpu.memory_space<hbm>> -> memref<1x10000xf32, #tpu.memory_space<hbm>>
      %dma_start3A_85 = tpu.memref_squeeze %dma_start3A_84 : memref<1x10000xf32, #tpu.memory_space<hbm>> -> memref<10000xf32, #tpu.memory_space<hbm>>
      %dma_start3A_86 = arith.constant 0 : i32
      %dma_start3A_87 = tpu.memref_slice %arg2[%min3A_19, %dma_start3A_86] : memref<44x10000xf32, #tpu.memory_space<hbm>> -> memref<1x10000xf32, #tpu.memory_space<hbm>>
      %dma_start3A_88 = tpu.memref_squeeze %dma_start3A_87 : memref<1x10000xf32, #tpu.memory_space<hbm>> -> memref<10000xf32, #tpu.memory_space<hbm>>
      tpu.enqueue_dma source(%dma_start3A_88 : memref<10000xf32, #tpu.memory_space<hbm>>) target(%arg10 : memref<10000xf32, #tpu.memory_space<vmem>>) target_semaphore(%run_scoped3A : memref<!tpu.dma_semaphore, #tpu.memory_space<semaphore_mem>>)
      %dma_wait3A = arith.constant 0 : i32
      %dma_wait3A_89 = tpu.memref_slice %arg2[%min3A_19, %dma_wait3A] : memref<44x10000xf32, #tpu.memory_space<hbm>> -> memref<1x10000xf32, #tpu.memory_space<hbm>>
      %dma_wait3A_90 = tpu.memref_squeeze %dma_wait3A_89 : memref<1x10000xf32, #tpu.memory_space<hbm>> -> memref<10000xf32, #tpu.memory_space<hbm>>
      %dma_wait3A_91 = arith.constant 0 : i32
      %dma_wait3A_92 = tpu.memref_slice %arg2[%min3A_19, %dma_wait3A_91] : memref<44x10000xf32, #tpu.memory_space<hbm>> -> memref<1x10000xf32, #tpu.memory_space<hbm>>
      %dma_wait3A_93 = tpu.memref_squeeze %dma_wait3A_92 : memref<1x10000xf32, #tpu.memory_space<hbm>> -> memref<10000xf32, #tpu.memory_space<hbm>>
      tpu.wait_dma2 semaphore(%run_scoped3A : memref<!tpu.dma_semaphore, #tpu.memory_space<semaphore_mem>>) src(%dma_wait3A_93 : memref<10000xf32, #tpu.memory_space<hbm>>) dst(%arg10 : memref<10000xf32, #tpu.memory_space<vmem>>)
      tpu.yield
    }) : () -> ()
    %add3A_20 = arith.constant 32 : i32
    %add3A_21 = arith.addi %and3A_0, %add3A_20 : i32
    %min3A_22 = arith.constant 43 : i32
    %min3A_23 = arith.minsi %add3A_21, %min3A_22 : i32
    "tpu.region"() ({
      %run_scoped3A = tpu.sem_alloc : memref<!tpu.dma_semaphore, #tpu.memory_space<semaphore_mem>>
      %dma_start3A_83 = arith.constant 0 : i32
      %dma_start3A_84 = tpu.memref_slice %arg2[%min3A_23, %dma_start3A_83] : memref<44x10000xf32, #tpu.memory_space<hbm>> -> memref<1x10000xf32, #tpu.memory_space<hbm>>
      %dma_start3A_85 = tpu.memref_squeeze %dma_start3A_84 : memref<1x10000xf32, #tpu.memory_space<hbm>> -> memref<10000xf32, #tpu.memory_space<hbm>>
      %dma_start3A_86 = arith.constant 0 : i32
      %dma_start3A_87 = tpu.memref_slice %arg2[%min3A_23, %dma_start3A_86] : memref<44x10000xf32, #tpu.memory_space<hbm>> -> memref<1x10000xf32, #tpu.memory_space<hbm>>
      %dma_start3A_88 = tpu.memref_squeeze %dma_start3A_87 : memref<1x10000xf32, #tpu.memory_space<hbm>> -> memref<10000xf32, #tpu.memory_space<hbm>>
      tpu.enqueue_dma source(%dma_start3A_88 : memref<10000xf32, #tpu.memory_space<hbm>>) target(%arg11 : memref<10000xf32, #tpu.memory_space<vmem>>) target_semaphore(%run_scoped3A : memref<!tpu.dma_semaphore, #tpu.memory_space<semaphore_mem>>)
      %dma_wait3A = arith.constant 0 : i32
      %dma_wait3A_89 = tpu.memref_slice %arg2[%min3A_23, %dma_wait3A] : memref<44x10000xf32, #tpu.memory_space<hbm>> -> memref<1x10000xf32, #tpu.memory_space<hbm>>
      %dma_wait3A_90 = tpu.memref_squeeze %dma_wait3A_89 : memref<1x10000xf32, #tpu.memory_space<hbm>> -> memref<10000xf32, #tpu.memory_space<hbm>>
      %dma_wait3A_91 = arith.constant 0 : i32
      %dma_wait3A_92 = tpu.memref_slice %arg2[%min3A_23, %dma_wait3A_91] : memref<44x10000xf32, #tpu.memory_space<hbm>> -> memref<1x10000xf32, #tpu.memory_space<hbm>>
      %dma_wait3A_93 = tpu.memref_squeeze %dma_wait3A_92 : memref<1x10000xf32, #tpu.memory_space<hbm>> -> memref<10000xf32, #tpu.memory_space<hbm>>
      tpu.wait_dma2 semaphore(%run_scoped3A : memref<!tpu.dma_semaphore, #tpu.memory_space<semaphore_mem>>) src(%dma_wait3A_93 : memref<10000xf32, #tpu.memory_space<hbm>>) dst(%arg11 : memref<10000xf32, #tpu.memory_space<vmem>>)
      tpu.yield
    }) : () -> ()
    %add3A_24 = arith.constant 40 : i32
    %add3A_25 = arith.addi %and3A_0, %add3A_24 : i32
    %min3A_26 = arith.constant 43 : i32
    %min3A_27 = arith.minsi %add3A_25, %min3A_26 : i32
    "tpu.region"() ({
      %run_scoped3A = tpu.sem_alloc : memref<!tpu.dma_semaphore, #tpu.memory_space<semaphore_mem>>
      %dma_start3A_83 = arith.constant 0 : i32
      %dma_start3A_84 = tpu.memref_slice %arg2[%min3A_27, %dma_start3A_83] : memref<44x10000xf32, #tpu.memory_space<hbm>> -> memref<1x10000xf32, #tpu.memory_space<hbm>>
      %dma_start3A_85 = tpu.memref_squeeze %dma_start3A_84 : memref<1x10000xf32, #tpu.memory_space<hbm>> -> memref<10000xf32, #tpu.memory_space<hbm>>
      %dma_start3A_86 = arith.constant 0 : i32
      %dma_start3A_87 = tpu.memref_slice %arg2[%min3A_27, %dma_start3A_86] : memref<44x10000xf32, #tpu.memory_space<hbm>> -> memref<1x10000xf32, #tpu.memory_space<hbm>>
      %dma_start3A_88 = tpu.memref_squeeze %dma_start3A_87 : memref<1x10000xf32, #tpu.memory_space<hbm>> -> memref<10000xf32, #tpu.memory_space<hbm>>
      tpu.enqueue_dma source(%dma_start3A_88 : memref<10000xf32, #tpu.memory_space<hbm>>) target(%arg12 : memref<10000xf32, #tpu.memory_space<vmem>>) target_semaphore(%run_scoped3A : memref<!tpu.dma_semaphore, #tpu.memory_space<semaphore_mem>>)
      %dma_wait3A = arith.constant 0 : i32
      %dma_wait3A_89 = tpu.memref_slice %arg2[%min3A_27, %dma_wait3A] : memref<44x10000xf32, #tpu.memory_space<hbm>> -> memref<1x10000xf32, #tpu.memory_space<hbm>>
      %dma_wait3A_90 = tpu.memref_squeeze %dma_wait3A_89 : memref<1x10000xf32, #tpu.memory_space<hbm>> -> memref<10000xf32, #tpu.memory_space<hbm>>
      %dma_wait3A_91 = arith.constant 0 : i32
      %dma_wait3A_92 = tpu.memref_slice %arg2[%min3A_27, %dma_wait3A_91] : memref<44x10000xf32, #tpu.memory_space<hbm>> -> memref<1x10000xf32, #tpu.memory_space<hbm>>
      %dma_wait3A_93 = tpu.memref_squeeze %dma_wait3A_92 : memref<1x10000xf32, #tpu.memory_space<hbm>> -> memref<10000xf32, #tpu.memory_space<hbm>>
      tpu.wait_dma2 semaphore(%run_scoped3A : memref<!tpu.dma_semaphore, #tpu.memory_space<semaphore_mem>>) src(%dma_wait3A_93 : memref<10000xf32, #tpu.memory_space<hbm>>) dst(%arg12 : memref<10000xf32, #tpu.memory_space<vmem>>)
      tpu.yield
    }) : () -> ()
    %scan3A = arith.constant 0 : i32
    %scan3A_28 = arith.constant 625 : i32
    %scan3A_29 = arith.addi %scan3A, %scan3A_28 : i32
    %scan3A_30 = arith.constant 1 : i32
    scf.for %scan3A_83 = %scan3A to %scan3A_29 step %scan3A_30  : i32 {
      %mul3A_84 = arith.constant 16 : i32
      %mul3A_85 = arith.muli %scan3A_83, %mul3A_84 : i32
      %add3A_86 = arith.constant 0 : i32
      %add3A_87 = arith.addi %add3A_86, %mul3A_85 : i32
      %broadcast_in_dim3A = arith.constant 0.000000e+00 : f32
      %broadcast_in_dim3A_88 = vector.broadcast %broadcast_in_dim3A : f32 to vector<16xf32>
      %swap3A = arith.index_cast %add3A_87 : i32 to index
      %swap3A_89 = tpu.vector_load %arg13[%swap3A] {strides = array<i32>} : memref<10000xf32, #tpu.memory_space<vmem>>, vector<16xf32>,
      tpu.vector_store %arg13[%swap3A], %broadcast_in_dim3A_88 {strides = array<i32>} : memref<10000xf32, #tpu.memory_space<vmem>>, vector<16xf32>,
      %broadcast_in_dim3A_90 = arith.constant 0.000000e+00 : f32
      %broadcast_in_dim3A_91 = vector.broadcast %broadcast_in_dim3A_90 : f32 to vector<16xf32>
      %swap3A_92 = arith.index_cast %add3A_87 : i32 to index
      %swap3A_93 = tpu.vector_load %arg14[%swap3A_92] {strides = array<i32>} : memref<10000xf32, #tpu.memory_space<vmem>>, vector<16xf32>,
      tpu.vector_store %arg14[%swap3A_92], %broadcast_in_dim3A_91 {strides = array<i32>} : memref<10000xf32, #tpu.memory_space<vmem>>, vector<16xf32>,
      %broadcast_in_dim3A_94 = arith.constant 0.000000e+00 : f32
      %broadcast_in_dim3A_95 = vector.broadcast %broadcast_in_dim3A_94 : f32 to vector<16xf32>
      %swap3A_96 = arith.index_cast %add3A_87 : i32 to index
      %swap3A_97 = tpu.vector_load %arg15[%swap3A_96] {strides = array<i32>} : memref<10000xf32, #tpu.memory_space<vmem>>, vector<16xf32>,
      tpu.vector_store %arg15[%swap3A_96], %broadcast_in_dim3A_95 {strides = array<i32>} : memref<10000xf32, #tpu.memory_space<vmem>>, vector<16xf32>,
      %broadcast_in_dim3A_98 = arith.constant 0.000000e+00 : f32
      %broadcast_in_dim3A_99 = vector.broadcast %broadcast_in_dim3A_98 : f32 to vector<16xf32>
      %swap3A_100 = arith.index_cast %add3A_87 : i32 to index
      %swap3A_101 = tpu.vector_load %arg16[%swap3A_100] {strides = array<i32>} : memref<10000xf32, #tpu.memory_space<vmem>>, vector<16xf32>,
      tpu.vector_store %arg16[%swap3A_100], %broadcast_in_dim3A_99 {strides = array<i32>} : memref<10000xf32, #tpu.memory_space<vmem>>, vector<16xf32>,
      %broadcast_in_dim3A_102 = arith.constant 0.000000e+00 : f32
      %broadcast_in_dim3A_103 = vector.broadcast %broadcast_in_dim3A_102 : f32 to vector<16xf32>
      %swap3A_104 = arith.index_cast %add3A_87 : i32 to index
      %swap3A_105 = tpu.vector_load %arg17[%swap3A_104] {strides = array<i32>} : memref<10000xf32, #tpu.memory_space<vmem>>, vector<16xf32>,
      tpu.vector_store %arg17[%swap3A_104], %broadcast_in_dim3A_103 {strides = array<i32>} : memref<10000xf32, #tpu.memory_space<vmem>>, vector<16xf32>,
      %broadcast_in_dim3A_106 = arith.constant 0.000000e+00 : f32
      %broadcast_in_dim3A_107 = vector.broadcast %broadcast_in_dim3A_106 : f32 to vector<16xf32>
      %swap3A_108 = arith.index_cast %add3A_87 : i32 to index
      %swap3A_109 = tpu.vector_load %arg18[%swap3A_108] {strides = array<i32>} : memref<10000xf32, #tpu.memory_space<vmem>>, vector<16xf32>,
      tpu.vector_store %arg18[%swap3A_108], %broadcast_in_dim3A_107 {strides = array<i32>} : memref<10000xf32, #tpu.memory_space<vmem>>, vector<16xf32>,
    }
    %scan3A_31 = arith.constant 625 : i32
    %add3A_32 = arith.constant 0 : i32
    %add3A_33 = arith.addi %mul3A_4, %add3A_32 : i32
    %dma_start3A = tpu.memref_slice %arg3[%add3A_33] : memref<320000xi32, #tpu.memory_space<hbm>> -> memref<800xi32, #tpu.memory_space<hbm>>
    %dma_start3A_34 = tpu.memref_slice %arg3[%add3A_33] : memref<320000xi32, #tpu.memory_space<hbm>> -> memref<800xi32, #tpu.memory_space<hbm>>
    tpu.enqueue_dma source(%dma_start3A_34 : memref<800xi32, #tpu.memory_space<hbm>>) target(%arg19 : memref<800xi32, #tpu.memory_space<vmem>>) target_semaphore(%arg25 : memref<!tpu.dma_semaphore, #tpu.memory_space<semaphore_mem>>)
    %dma_start3A_35 = tpu.memref_slice %arg4[%add3A_33] : memref<320000xi32, #tpu.memory_space<hbm>> -> memref<800xi32, #tpu.memory_space<hbm>>
    %dma_start3A_36 = tpu.memref_slice %arg4[%add3A_33] : memref<320000xi32, #tpu.memory_space<hbm>> -> memref<800xi32, #tpu.memory_space<hbm>>
    tpu.enqueue_dma source(%dma_start3A_36 : memref<800xi32, #tpu.memory_space<hbm>>) target(%arg21 : memref<800xi32, #tpu.memory_space<vmem>>) target_semaphore(%arg25 : memref<!tpu.dma_semaphore, #tpu.memory_space<semaphore_mem>>)
    %dma_start3A_37 = tpu.memref_slice %arg5[%add3A_33] : memref<320000xf32, #tpu.memory_space<hbm>> -> memref<800xf32, #tpu.memory_space<hbm>>
    %dma_start3A_38 = tpu.memref_slice %arg5[%add3A_33] : memref<320000xf32, #tpu.memory_space<hbm>> -> memref<800xf32, #tpu.memory_space<hbm>>
    tpu.enqueue_dma source(%dma_start3A_38 : memref<800xf32, #tpu.memory_space<hbm>>) target(%arg23 : memref<800xf32, #tpu.memory_space<vmem>>) target_semaphore(%arg25 : memref<!tpu.dma_semaphore, #tpu.memory_space<semaphore_mem>>)
    %scan3A_39 = arith.constant 0 : i32
    %scan3A_40 = arith.constant 50 : i32
    %scan3A_41 = arith.addi %scan3A_39, %scan3A_40 : i32
    %scan3A_42 = arith.constant 1 : i32
    scf.for %scan3A_83 = %scan3A_39 to %scan3A_41 step %scan3A_42  : i32 {
      %mul3A_84 = arith.constant 2 : i32
      %mul3A_85 = arith.muli %scan3A_83, %mul3A_84 : i32
      %add3A_86 = arith.constant 0 : i32
      %add3A_87 = arith.addi %add3A_86, %mul3A_85 : i32
      %add3A_88 = arith.constant 1 : i32
      %add3A_89 = arith.addi %add3A_87, %add3A_88 : i32
      %mul3A_90 = arith.constant 800 : i32
      %mul3A_91 = arith.muli %add3A_89, %mul3A_90 : i32
      %add3A_92 = arith.addi %mul3A_4, %mul3A_91 : i32
      %dma_start3A_93 = tpu.memref_slice %arg3[%add3A_92] : memref<320000xi32, #tpu.memory_space<hbm>> -> memref<800xi32, #tpu.memory_space<hbm>>
      %dma_start3A_94 = tpu.memref_slice %arg3[%add3A_92] : memref<320000xi32, #tpu.memory_space<hbm>> -> memref<800xi32, #tpu.memory_space<hbm>>
      tpu.enqueue_dma source(%dma_start3A_94 : memref<800xi32, #tpu.memory_space<hbm>>) target(%arg20 : memref<800xi32, #tpu.memory_space<vmem>>) target_semaphore(%arg26 : memref<!tpu.dma_semaphore, #tpu.memory_space<semaphore_mem>>)
      %dma_start3A_95 = tpu.memref_slice %arg4[%add3A_92] : memref<320000xi32, #tpu.memory_space<hbm>> -> memref<800xi32, #tpu.memory_space<hbm>>
      %dma_start3A_96 = tpu.memref_slice %arg4[%add3A_92] : memref<320000xi32, #tpu.memory_space<hbm>> -> memref<800xi32, #tpu.memory_space<hbm>>
      tpu.enqueue_dma source(%dma_start3A_96 : memref<800xi32, #tpu.memory_space<hbm>>) target(%arg22 : memref<800xi32, #tpu.memory_space<vmem>>) target_semaphore(%arg26 : memref<!tpu.dma_semaphore, #tpu.memory_space<semaphore_mem>>)
      %dma_start3A_97 = tpu.memref_slice %arg5[%add3A_92] : memref<320000xf32, #tpu.memory_space<hbm>> -> memref<800xf32, #tpu.memory_space<hbm>>
      %dma_start3A_98 = tpu.memref_slice %arg5[%add3A_92] : memref<320000xf32, #tpu.memory_space<hbm>> -> memref<800xf32, #tpu.memory_space<hbm>>
      tpu.enqueue_dma source(%dma_start3A_98 : memref<800xf32, #tpu.memory_space<hbm>>) target(%arg24 : memref<800xf32, #tpu.memory_space<vmem>>) target_semaphore(%arg26 : memref<!tpu.dma_semaphore, #tpu.memory_space<semaphore_mem>>)
      %dma_wait3A = arith.constant 0 : i32
      %dma_wait3A_99 = tpu.memref_slice %arg3[%dma_wait3A] : memref<320000xi32, #tpu.memory_space<hbm>> -> memref<800xi32, #tpu.memory_space<hbm>>
      %dma_wait3A_100 = arith.constant 0 : i32
      %dma_wait3A_101 = tpu.memref_slice %arg3[%dma_wait3A_100] : memref<320000xi32, #tpu.memory_space<hbm>> -> memref<800xi32, #tpu.memory_space<hbm>>
      tpu.wait_dma2 semaphore(%arg25 : memref<!tpu.dma_semaphore, #tpu.memory_space<semaphore_mem>>) src(%dma_wait3A_101 : memref<800xi32, #tpu.memory_space<hbm>>) dst(%arg19 : memref<800xi32, #tpu.memory_space<vmem>>)
      %dma_wait3A_102 = arith.constant 0 : i32
      %dma_wait3A_103 = tpu.memref_slice %arg4[%dma_wait3A_102] : memref<320000xi32, #tpu.memory_space<hbm>> -> memref<800xi32, #tpu.memory_space<hbm>>
      %dma_wait3A_104 = arith.constant 0 : i32
      %dma_wait3A_105 = tpu.memref_slice %arg4[%dma_wait3A_104] : memref<320000xi32, #tpu.memory_space<hbm>> -> memref<800xi32, #tpu.memory_space<hbm>>
      tpu.wait_dma2 semaphore(%arg25 : memref<!tpu.dma_semaphore, #tpu.memory_space<semaphore_mem>>) src(%dma_wait3A_105 : memref<800xi32, #tpu.memory_space<hbm>>) dst(%arg21 : memref<800xi32, #tpu.memory_space<vmem>>)
      %dma_wait3A_106 = arith.constant 0 : i32
      %dma_wait3A_107 = tpu.memref_slice %arg5[%dma_wait3A_106] : memref<320000xf32, #tpu.memory_space<hbm>> -> memref<800xf32, #tpu.memory_space<hbm>>
      %dma_wait3A_108 = arith.constant 0 : i32
      %dma_wait3A_109 = tpu.memref_slice %arg5[%dma_wait3A_108] : memref<320000xf32, #tpu.memory_space<hbm>> -> memref<800xf32, #tpu.memory_space<hbm>>
      tpu.wait_dma2 semaphore(%arg25 : memref<!tpu.dma_semaphore, #tpu.memory_space<semaphore_mem>>) src(%dma_wait3A_109 : memref<800xf32, #tpu.memory_space<hbm>>) dst(%arg23 : memref<800xf32, #tpu.memory_space<vmem>>)
      %parallel_loop3A = arith.constant 0 : i32
      %parallel_loop3A_110 = arith.constant 800 : i32
      %parallel_loop3A_111 = arith.constant 16 : i32
      scf.for %parallel_loop3A_134 = %parallel_loop3A to %parallel_loop3A_110 step %parallel_loop3A_111  : i32 {
        %parallel_loop3A_135 = arith.index_cast %parallel_loop3A_134 : i32 to index
        %parallel_loop3A_136 = tpu.vector_load %arg19[%parallel_loop3A_135] {strides = array<i32>} : memref<800xi32, #tpu.memory_space<vmem>>, vector<16xi32>,
        %parallel_loop3A_137 = arith.index_cast %parallel_loop3A_134 : i32 to index
        %parallel_loop3A_138 = tpu.vector_load %arg21[%parallel_loop3A_137] {strides = array<i32>} : memref<800xi32, #tpu.memory_space<vmem>>, vector<16xi32>,
        %parallel_loop3A_139 = arith.index_cast %parallel_loop3A_134 : i32 to index
        %parallel_loop3A_140 = tpu.vector_load %arg23[%parallel_loop3A_139] {strides = array<i32>} : memref<800xf32, #tpu.memory_space<vmem>>, vector<16xf32>,
        %parallel_loop3A_141 = tpu.vector_load_idx %arg7[%parallel_loop3A_136] : memref<10000xf32, #tpu.memory_space<vmem>>[vector<16xi32>], vector<16xf32>,
        %parallel_loop3A_142 = arith.mulf %parallel_loop3A_141, %parallel_loop3A_140 : vector<16xf32>
        tpu.vector_store_idx %arg13[%parallel_loop3A_138], %parallel_loop3A_142 {add = true} : memref<10000xf32, #tpu.memory_space<vmem>>[vector<16xi32>], vector<16xf32>,
        %parallel_loop3A_143 = tpu.vector_load_idx %arg8[%parallel_loop3A_136] : memref<10000xf32, #tpu.memory_space<vmem>>[vector<16xi32>], vector<16xf32>,
        %parallel_loop3A_144 = arith.mulf %parallel_loop3A_143, %parallel_loop3A_140 : vector<16xf32>
        tpu.vector_store_idx %arg14[%parallel_loop3A_138], %parallel_loop3A_144 {add = true} : memref<10000xf32, #tpu.memory_space<vmem>>[vector<16xi32>], vector<16xf32>,
        %parallel_loop3A_145 = tpu.vector_load_idx %arg9[%parallel_loop3A_136] : memref<10000xf32, #tpu.memory_space<vmem>>[vector<16xi32>], vector<16xf32>,
        %parallel_loop3A_146 = arith.mulf %parallel_loop3A_145, %parallel_loop3A_140 : vector<16xf32>
        tpu.vector_store_idx %arg15[%parallel_loop3A_138], %parallel_loop3A_146 {add = true} : memref<10000xf32, #tpu.memory_space<vmem>>[vector<16xi32>], vector<16xf32>,
        %parallel_loop3A_147 = tpu.vector_load_idx %arg10[%parallel_loop3A_136] : memref<10000xf32, #tpu.memory_space<vmem>>[vector<16xi32>], vector<16xf32>,
        %parallel_loop3A_148 = arith.mulf %parallel_loop3A_147, %parallel_loop3A_140 : vector<16xf32>
        tpu.vector_store_idx %arg16[%parallel_loop3A_138], %parallel_loop3A_148 {add = true} : memref<10000xf32, #tpu.memory_space<vmem>>[vector<16xi32>], vector<16xf32>,
        %parallel_loop3A_149 = tpu.vector_load_idx %arg11[%parallel_loop3A_136] : memref<10000xf32, #tpu.memory_space<vmem>>[vector<16xi32>], vector<16xf32>,
        %parallel_loop3A_150 = arith.mulf %parallel_loop3A_149, %parallel_loop3A_140 : vector<16xf32>
        tpu.vector_store_idx %arg17[%parallel_loop3A_138], %parallel_loop3A_150 {add = true} : memref<10000xf32, #tpu.memory_space<vmem>>[vector<16xi32>], vector<16xf32>,
        %parallel_loop3A_151 = tpu.vector_load_idx %arg12[%parallel_loop3A_136] : memref<10000xf32, #tpu.memory_space<vmem>>[vector<16xi32>], vector<16xf32>,
        %parallel_loop3A_152 = arith.mulf %parallel_loop3A_151, %parallel_loop3A_140 : vector<16xf32>
        tpu.vector_store_idx %arg18[%parallel_loop3A_138], %parallel_loop3A_152 {add = true} : memref<10000xf32, #tpu.memory_space<vmem>>[vector<16xi32>], vector<16xf32>,
      } {sc.loop_unroll_factor = 4 : i64, sc.parallel_access}
      %add3A_112 = arith.constant 2 : i32
      %add3A_113 = arith.addi %add3A_87, %add3A_112 : i32
      %lt3A_114 = arith.constant 100 : i32
      %lt3A_115 = arith.cmpi slt, %add3A_113, %lt3A_114 : i32
      %convert_element_type3A_116 = arith.extui %lt3A_115 : i1 to i32
      %cond3A_117 = arith.constant 0 : i32
      %cond3A_118 = arith.cmpi ne, %convert_element_type3A_116, %cond3A_117 : i32
      scf.if %cond3A_118 {
        %add3A_134 = arith.constant 2 : i32
        %add3A_135 = arith.addi %add3A_87, %add3A_134 : i32
        %mul3A_136 = arith.constant 800 : i32
        %mul3A_137 = arith.muli %add3A_135, %mul3A_136 : i32
        %add3A_138 = arith.addi %mul3A_4, %mul3A_137 : i32
        %dma_start3A_139 = tpu.memref_slice %arg3[%add3A_138] : memref<320000xi32, #tpu.memory_space<hbm>> -> memref<800xi32, #tpu.memory_space<hbm>>
        %dma_start3A_140 = tpu.memref_slice %arg3[%add3A_138] : memref<320000xi32, #tpu.memory_space<hbm>> -> memref<800xi32, #tpu.memory_space<hbm>>
        tpu.enqueue_dma source(%dma_start3A_140 : memref<800xi32, #tpu.memory_space<hbm>>) target(%arg19 : memref<800xi32, #tpu.memory_space<vmem>>) target_semaphore(%arg25 : memref<!tpu.dma_semaphore, #tpu.memory_space<semaphore_mem>>)
        %dma_start3A_141 = tpu.memref_slice %arg4[%add3A_138] : memref<320000xi32, #tpu.memory_space<hbm>> -> memref<800xi32, #tpu.memory_space<hbm>>
        %dma_start3A_142 = tpu.memref_slice %arg4[%add3A_138] : memref<320000xi32, #tpu.memory_space<hbm>> -> memref<800xi32, #tpu.memory_space<hbm>>
        tpu.enqueue_dma source(%dma_start3A_142 : memref<800xi32, #tpu.memory_space<hbm>>) target(%arg21 : memref<800xi32, #tpu.memory_space<vmem>>) target_semaphore(%arg25 : memref<!tpu.dma_semaphore, #tpu.memory_space<semaphore_mem>>)
        %dma_start3A_143 = tpu.memref_slice %arg5[%add3A_138] : memref<320000xf32, #tpu.memory_space<hbm>> -> memref<800xf32, #tpu.memory_space<hbm>>
        %dma_start3A_144 = tpu.memref_slice %arg5[%add3A_138] : memref<320000xf32, #tpu.memory_space<hbm>> -> memref<800xf32, #tpu.memory_space<hbm>>
        tpu.enqueue_dma source(%dma_start3A_144 : memref<800xf32, #tpu.memory_space<hbm>>) target(%arg23 : memref<800xf32, #tpu.memory_space<vmem>>) target_semaphore(%arg25 : memref<!tpu.dma_semaphore, #tpu.memory_space<semaphore_mem>>)
      } else {
      }
      %dma_wait3A_119 = arith.constant 0 : i32
      %dma_wait3A_120 = tpu.memref_slice %arg3[%dma_wait3A_119] : memref<320000xi32, #tpu.memory_space<hbm>> -> memref<800xi32, #tpu.memory_space<hbm>>
      %dma_wait3A_121 = arith.constant 0 : i32
      %dma_wait3A_122 = tpu.memref_slice %arg3[%dma_wait3A_121] : memref<320000xi32, #tpu.memory_space<hbm>> -> memref<800xi32, #tpu.memory_space<hbm>>
      tpu.wait_dma2 semaphore(%arg26 : memref<!tpu.dma_semaphore, #tpu.memory_space<semaphore_mem>>) src(%dma_wait3A_122 : memref<800xi32, #tpu.memory_space<hbm>>) dst(%arg20 : memref<800xi32, #tpu.memory_space<vmem>>)
      %dma_wait3A_123 = arith.constant 0 : i32
      %dma_wait3A_124 = tpu.memref_slice %arg4[%dma_wait3A_123] : memref<320000xi32, #tpu.memory_space<hbm>> -> memref<800xi32, #tpu.memory_space<hbm>>
      %dma_wait3A_125 = arith.constant 0 : i32
      %dma_wait3A_126 = tpu.memref_slice %arg4[%dma_wait3A_125] : memref<320000xi32, #tpu.memory_space<hbm>> -> memref<800xi32, #tpu.memory_space<hbm>>
      tpu.wait_dma2 semaphore(%arg26 : memref<!tpu.dma_semaphore, #tpu.memory_space<semaphore_mem>>) src(%dma_wait3A_126 : memref<800xi32, #tpu.memory_space<hbm>>) dst(%arg22 : memref<800xi32, #tpu.memory_space<vmem>>)
      %dma_wait3A_127 = arith.constant 0 : i32
      %dma_wait3A_128 = tpu.memref_slice %arg5[%dma_wait3A_127] : memref<320000xf32, #tpu.memory_space<hbm>> -> memref<800xf32, #tpu.memory_space<hbm>>
      %dma_wait3A_129 = arith.constant 0 : i32
      %dma_wait3A_130 = tpu.memref_slice %arg5[%dma_wait3A_129] : memref<320000xf32, #tpu.memory_space<hbm>> -> memref<800xf32, #tpu.memory_space<hbm>>
      tpu.wait_dma2 semaphore(%arg26 : memref<!tpu.dma_semaphore, #tpu.memory_space<semaphore_mem>>) src(%dma_wait3A_130 : memref<800xf32, #tpu.memory_space<hbm>>) dst(%arg24 : memref<800xf32, #tpu.memory_space<vmem>>)
      %parallel_loop3A_131 = arith.constant 0 : i32
      %parallel_loop3A_132 = arith.constant 800 : i32
      %parallel_loop3A_133 = arith.constant 16 : i32
      scf.for %parallel_loop3A_134 = %parallel_loop3A_131 to %parallel_loop3A_132 step %parallel_loop3A_133  : i32 {
        %parallel_loop3A_135 = arith.index_cast %parallel_loop3A_134 : i32 to index
        %parallel_loop3A_136 = tpu.vector_load %arg20[%parallel_loop3A_135] {strides = array<i32>} : memref<800xi32, #tpu.memory_space<vmem>>, vector<16xi32>,
        %parallel_loop3A_137 = arith.index_cast %parallel_loop3A_134 : i32 to index
        %parallel_loop3A_138 = tpu.vector_load %arg22[%parallel_loop3A_137] {strides = array<i32>} : memref<800xi32, #tpu.memory_space<vmem>>, vector<16xi32>,
        %parallel_loop3A_139 = arith.index_cast %parallel_loop3A_134 : i32 to index
        %parallel_loop3A_140 = tpu.vector_load %arg24[%parallel_loop3A_139] {strides = array<i32>} : memref<800xf32, #tpu.memory_space<vmem>>, vector<16xf32>,
        %parallel_loop3A_141 = tpu.vector_load_idx %arg7[%parallel_loop3A_136] : memref<10000xf32, #tpu.memory_space<vmem>>[vector<16xi32>], vector<16xf32>,
        %parallel_loop3A_142 = arith.mulf %parallel_loop3A_141, %parallel_loop3A_140 : vector<16xf32>
        tpu.vector_store_idx %arg13[%parallel_loop3A_138], %parallel_loop3A_142 {add = true} : memref<10000xf32, #tpu.memory_space<vmem>>[vector<16xi32>], vector<16xf32>,
        %parallel_loop3A_143 = tpu.vector_load_idx %arg8[%parallel_loop3A_136] : memref<10000xf32, #tpu.memory_space<vmem>>[vector<16xi32>], vector<16xf32>,
        %parallel_loop3A_144 = arith.mulf %parallel_loop3A_143, %parallel_loop3A_140 : vector<16xf32>
        tpu.vector_store_idx %arg14[%parallel_loop3A_138], %parallel_loop3A_144 {add = true} : memref<10000xf32, #tpu.memory_space<vmem>>[vector<16xi32>], vector<16xf32>,
        %parallel_loop3A_145 = tpu.vector_load_idx %arg9[%parallel_loop3A_136] : memref<10000xf32, #tpu.memory_space<vmem>>[vector<16xi32>], vector<16xf32>,
        %parallel_loop3A_146 = arith.mulf %parallel_loop3A_145, %parallel_loop3A_140 : vector<16xf32>
        tpu.vector_store_idx %arg15[%parallel_loop3A_138], %parallel_loop3A_146 {add = true} : memref<10000xf32, #tpu.memory_space<vmem>>[vector<16xi32>], vector<16xf32>,
        %parallel_loop3A_147 = tpu.vector_load_idx %arg10[%parallel_loop3A_136] : memref<10000xf32, #tpu.memory_space<vmem>>[vector<16xi32>], vector<16xf32>,
        %parallel_loop3A_148 = arith.mulf %parallel_loop3A_147, %parallel_loop3A_140 : vector<16xf32>
        tpu.vector_store_idx %arg16[%parallel_loop3A_138], %parallel_loop3A_148 {add = true} : memref<10000xf32, #tpu.memory_space<vmem>>[vector<16xi32>], vector<16xf32>,
        %parallel_loop3A_149 = tpu.vector_load_idx %arg11[%parallel_loop3A_136] : memref<10000xf32, #tpu.memory_space<vmem>>[vector<16xi32>], vector<16xf32>,
        %parallel_loop3A_150 = arith.mulf %parallel_loop3A_149, %parallel_loop3A_140 : vector<16xf32>
        tpu.vector_store_idx %arg17[%parallel_loop3A_138], %parallel_loop3A_150 {add = true} : memref<10000xf32, #tpu.memory_space<vmem>>[vector<16xi32>], vector<16xf32>,
        %parallel_loop3A_151 = tpu.vector_load_idx %arg12[%parallel_loop3A_136] : memref<10000xf32, #tpu.memory_space<vmem>>[vector<16xi32>], vector<16xf32>,
        %parallel_loop3A_152 = arith.mulf %parallel_loop3A_151, %parallel_loop3A_140 : vector<16xf32>
        tpu.vector_store_idx %arg18[%parallel_loop3A_138], %parallel_loop3A_152 {add = true} : memref<10000xf32, #tpu.memory_space<vmem>>[vector<16xi32>], vector<16xf32>,
      } {sc.loop_unroll_factor = 4 : i64, sc.parallel_access}
    }
    %scan3A_43 = arith.constant 50 : i32
    %add3A_44 = arith.constant 0 : i32
    %add3A_45 = arith.addi %and3A_0, %add3A_44 : i32
    %lt3A = arith.constant 44 : i32
    %lt3A_46 = arith.cmpi slt, %add3A_45, %lt3A : i32
    %convert_element_type3A = arith.extui %lt3A_46 : i1 to i32
    %cond3A = arith.constant 0 : i32
    %cond3A_47 = arith.cmpi ne, %convert_element_type3A, %cond3A : i32
    scf.if %cond3A_47 {
      "tpu.region"() ({
        %run_scoped3A = tpu.sem_alloc : memref<!tpu.dma_semaphore, #tpu.memory_space<semaphore_mem>>
        %dma_start3A_83 = arith.constant 0 : i32
        %dma_start3A_84 = tpu.memref_slice %arg6[%add3A, %add3A_45, %dma_start3A_83] : memref<4x44x10000xf32, #tpu.memory_space<hbm>> -> memref<1x1x10000xf32, #tpu.memory_space<hbm>>
        %dma_start3A_85 = tpu.memref_squeeze %dma_start3A_84 : memref<1x1x10000xf32, #tpu.memory_space<hbm>> -> memref<10000xf32, #tpu.memory_space<hbm>>
        %dma_start3A_86 = arith.constant 0 : i32
        %dma_start3A_87 = tpu.memref_slice %arg6[%add3A, %add3A_45, %dma_start3A_86] : memref<4x44x10000xf32, #tpu.memory_space<hbm>> -> memref<1x1x10000xf32, #tpu.memory_space<hbm>>
        %dma_start3A_88 = tpu.memref_squeeze %dma_start3A_87 : memref<1x1x10000xf32, #tpu.memory_space<hbm>> -> memref<10000xf32, #tpu.memory_space<hbm>>
        tpu.enqueue_dma source(%arg13 : memref<10000xf32, #tpu.memory_space<vmem>>) target(%dma_start3A_88 : memref<10000xf32, #tpu.memory_space<hbm>>) target_semaphore(%run_scoped3A : memref<!tpu.dma_semaphore, #tpu.memory_space<semaphore_mem>>)
        %dma_wait3A = arith.constant 0 : i32
        %dma_wait3A_89 = tpu.memref_slice %arg6[%add3A, %add3A_45, %dma_wait3A] : memref<4x44x10000xf32, #tpu.memory_space<hbm>> -> memref<1x1x10000xf32, #tpu.memory_space<hbm>>
        %dma_wait3A_90 = tpu.memref_squeeze %dma_wait3A_89 : memref<1x1x10000xf32, #tpu.memory_space<hbm>> -> memref<10000xf32, #tpu.memory_space<hbm>>
        %dma_wait3A_91 = arith.constant 0 : i32
        %dma_wait3A_92 = tpu.memref_slice %arg6[%add3A, %add3A_45, %dma_wait3A_91] : memref<4x44x10000xf32, #tpu.memory_space<hbm>> -> memref<1x1x10000xf32, #tpu.memory_space<hbm>>
        %dma_wait3A_93 = tpu.memref_squeeze %dma_wait3A_92 : memref<1x1x10000xf32, #tpu.memory_space<hbm>> -> memref<10000xf32, #tpu.memory_space<hbm>>
        tpu.wait_dma2 semaphore(%run_scoped3A : memref<!tpu.dma_semaphore, #tpu.memory_space<semaphore_mem>>) src(%arg13 : memref<10000xf32, #tpu.memory_space<vmem>>) dst(%dma_wait3A_93 : memref<10000xf32, #tpu.memory_space<hbm>>)
        tpu.yield
      }) : () -> ()
    } else {
    }
    %add3A_48 = arith.constant 8 : i32
    %add3A_49 = arith.addi %and3A_0, %add3A_48 : i32
    %lt3A_50 = arith.constant 44 : i32
    %lt3A_51 = arith.cmpi slt, %add3A_49, %lt3A_50 : i32
    %convert_element_type3A_52 = arith.extui %lt3A_51 : i1 to i32
    %cond3A_53 = arith.constant 0 : i32
    %cond3A_54 = arith.cmpi ne, %convert_element_type3A_52, %cond3A_53 : i32
    scf.if %cond3A_54 {
      "tpu.region"() ({
        %run_scoped3A = tpu.sem_alloc : memref<!tpu.dma_semaphore, #tpu.memory_space<semaphore_mem>>
        %dma_start3A_83 = arith.constant 0 : i32
        %dma_start3A_84 = tpu.memref_slice %arg6[%add3A, %add3A_49, %dma_start3A_83] : memref<4x44x10000xf32, #tpu.memory_space<hbm>> -> memref<1x1x10000xf32, #tpu.memory_space<hbm>>
        %dma_start3A_85 = tpu.memref_squeeze %dma_start3A_84 : memref<1x1x10000xf32, #tpu.memory_space<hbm>> -> memref<10000xf32, #tpu.memory_space<hbm>>
        %dma_start3A_86 = arith.constant 0 : i32
        %dma_start3A_87 = tpu.memref_slice %arg6[%add3A, %add3A_49, %dma_start3A_86] : memref<4x44x10000xf32, #tpu.memory_space<hbm>> -> memref<1x1x10000xf32, #tpu.memory_space<hbm>>
        %dma_start3A_88 = tpu.memref_squeeze %dma_start3A_87 : memref<1x1x10000xf32, #tpu.memory_space<hbm>> -> memref<10000xf32, #tpu.memory_space<hbm>>
        tpu.enqueue_dma source(%arg14 : memref<10000xf32, #tpu.memory_space<vmem>>) target(%dma_start3A_88 : memref<10000xf32, #tpu.memory_space<hbm>>) target_semaphore(%run_scoped3A : memref<!tpu.dma_semaphore, #tpu.memory_space<semaphore_mem>>)
        %dma_wait3A = arith.constant 0 : i32
        %dma_wait3A_89 = tpu.memref_slice %arg6[%add3A, %add3A_49, %dma_wait3A] : memref<4x44x10000xf32, #tpu.memory_space<hbm>> -> memref<1x1x10000xf32, #tpu.memory_space<hbm>>
        %dma_wait3A_90 = tpu.memref_squeeze %dma_wait3A_89 : memref<1x1x10000xf32, #tpu.memory_space<hbm>> -> memref<10000xf32, #tpu.memory_space<hbm>>
        %dma_wait3A_91 = arith.constant 0 : i32
        %dma_wait3A_92 = tpu.memref_slice %arg6[%add3A, %add3A_49, %dma_wait3A_91] : memref<4x44x10000xf32, #tpu.memory_space<hbm>> -> memref<1x1x10000xf32, #tpu.memory_space<hbm>>
        %dma_wait3A_93 = tpu.memref_squeeze %dma_wait3A_92 : memref<1x1x10000xf32, #tpu.memory_space<hbm>> -> memref<10000xf32, #tpu.memory_space<hbm>>
        tpu.wait_dma2 semaphore(%run_scoped3A : memref<!tpu.dma_semaphore, #tpu.memory_space<semaphore_mem>>) src(%arg14 : memref<10000xf32, #tpu.memory_space<vmem>>) dst(%dma_wait3A_93 : memref<10000xf32, #tpu.memory_space<hbm>>)
        tpu.yield
      }) : () -> ()
    } else {
    }
    %add3A_55 = arith.constant 16 : i32
    %add3A_56 = arith.addi %and3A_0, %add3A_55 : i32
    %lt3A_57 = arith.constant 44 : i32
    %lt3A_58 = arith.cmpi slt, %add3A_56, %lt3A_57 : i32
    %convert_element_type3A_59 = arith.extui %lt3A_58 : i1 to i32
    %cond3A_60 = arith.constant 0 : i32
    %cond3A_61 = arith.cmpi ne, %convert_element_type3A_59, %cond3A_60 : i32
    scf.if %cond3A_61 {
      "tpu.region"() ({
        %run_scoped3A = tpu.sem_alloc : memref<!tpu.dma_semaphore, #tpu.memory_space<semaphore_mem>>
        %dma_start3A_83 = arith.constant 0 : i32
        %dma_start3A_84 = tpu.memref_slice %arg6[%add3A, %add3A_56, %dma_start3A_83] : memref<4x44x10000xf32, #tpu.memory_space<hbm>> -> memref<1x1x10000xf32, #tpu.memory_space<hbm>>
        %dma_start3A_85 = tpu.memref_squeeze %dma_start3A_84 : memref<1x1x10000xf32, #tpu.memory_space<hbm>> -> memref<10000xf32, #tpu.memory_space<hbm>>
        %dma_start3A_86 = arith.constant 0 : i32
        %dma_start3A_87 = tpu.memref_slice %arg6[%add3A, %add3A_56, %dma_start3A_86] : memref<4x44x10000xf32, #tpu.memory_space<hbm>> -> memref<1x1x10000xf32, #tpu.memory_space<hbm>>
        %dma_start3A_88 = tpu.memref_squeeze %dma_start3A_87 : memref<1x1x10000xf32, #tpu.memory_space<hbm>> -> memref<10000xf32, #tpu.memory_space<hbm>>
        tpu.enqueue_dma source(%arg15 : memref<10000xf32, #tpu.memory_space<vmem>>) target(%dma_start3A_88 : memref<10000xf32, #tpu.memory_space<hbm>>) target_semaphore(%run_scoped3A : memref<!tpu.dma_semaphore, #tpu.memory_space<semaphore_mem>>)
        %dma_wait3A = arith.constant 0 : i32
        %dma_wait3A_89 = tpu.memref_slice %arg6[%add3A, %add3A_56, %dma_wait3A] : memref<4x44x10000xf32, #tpu.memory_space<hbm>> -> memref<1x1x10000xf32, #tpu.memory_space<hbm>>
        %dma_wait3A_90 = tpu.memref_squeeze %dma_wait3A_89 : memref<1x1x10000xf32, #tpu.memory_space<hbm>> -> memref<10000xf32, #tpu.memory_space<hbm>>
        %dma_wait3A_91 = arith.constant 0 : i32
        %dma_wait3A_92 = tpu.memref_slice %arg6[%add3A, %add3A_56, %dma_wait3A_91] : memref<4x44x10000xf32, #tpu.memory_space<hbm>> -> memref<1x1x10000xf32, #tpu.memory_space<hbm>>
        %dma_wait3A_93 = tpu.memref_squeeze %dma_wait3A_92 : memref<1x1x10000xf32, #tpu.memory_space<hbm>> -> memref<10000xf32, #tpu.memory_space<hbm>>
        tpu.wait_dma2 semaphore(%run_scoped3A : memref<!tpu.dma_semaphore, #tpu.memory_space<semaphore_mem>>) src(%arg15 : memref<10000xf32, #tpu.memory_space<vmem>>) dst(%dma_wait3A_93 : memref<10000xf32, #tpu.memory_space<hbm>>)
        tpu.yield
      }) : () -> ()
    } else {
    }
    %add3A_62 = arith.constant 24 : i32
    %add3A_63 = arith.addi %and3A_0, %add3A_62 : i32
    %lt3A_64 = arith.constant 44 : i32
    %lt3A_65 = arith.cmpi slt, %add3A_63, %lt3A_64 : i32
    %convert_element_type3A_66 = arith.extui %lt3A_65 : i1 to i32
    %cond3A_67 = arith.constant 0 : i32
    %cond3A_68 = arith.cmpi ne, %convert_element_type3A_66, %cond3A_67 : i32
    scf.if %cond3A_68 {
      "tpu.region"() ({
        %run_scoped3A = tpu.sem_alloc : memref<!tpu.dma_semaphore, #tpu.memory_space<semaphore_mem>>
        %dma_start3A_83 = arith.constant 0 : i32
        %dma_start3A_84 = tpu.memref_slice %arg6[%add3A, %add3A_63, %dma_start3A_83] : memref<4x44x10000xf32, #tpu.memory_space<hbm>> -> memref<1x1x10000xf32, #tpu.memory_space<hbm>>
        %dma_start3A_85 = tpu.memref_squeeze %dma_start3A_84 : memref<1x1x10000xf32, #tpu.memory_space<hbm>> -> memref<10000xf32, #tpu.memory_space<hbm>>
        %dma_start3A_86 = arith.constant 0 : i32
        %dma_start3A_87 = tpu.memref_slice %arg6[%add3A, %add3A_63, %dma_start3A_86] : memref<4x44x10000xf32, #tpu.memory_space<hbm>> -> memref<1x1x10000xf32, #tpu.memory_space<hbm>>
        %dma_start3A_88 = tpu.memref_squeeze %dma_start3A_87 : memref<1x1x10000xf32, #tpu.memory_space<hbm>> -> memref<10000xf32, #tpu.memory_space<hbm>>
        tpu.enqueue_dma source(%arg16 : memref<10000xf32, #tpu.memory_space<vmem>>) target(%dma_start3A_88 : memref<10000xf32, #tpu.memory_space<hbm>>) target_semaphore(%run_scoped3A : memref<!tpu.dma_semaphore, #tpu.memory_space<semaphore_mem>>)
        %dma_wait3A = arith.constant 0 : i32
        %dma_wait3A_89 = tpu.memref_slice %arg6[%add3A, %add3A_63, %dma_wait3A] : memref<4x44x10000xf32, #tpu.memory_space<hbm>> -> memref<1x1x10000xf32, #tpu.memory_space<hbm>>
        %dma_wait3A_90 = tpu.memref_squeeze %dma_wait3A_89 : memref<1x1x10000xf32, #tpu.memory_space<hbm>> -> memref<10000xf32, #tpu.memory_space<hbm>>
        %dma_wait3A_91 = arith.constant 0 : i32
        %dma_wait3A_92 = tpu.memref_slice %arg6[%add3A, %add3A_63, %dma_wait3A_91] : memref<4x44x10000xf32, #tpu.memory_space<hbm>> -> memref<1x1x10000xf32, #tpu.memory_space<hbm>>
        %dma_wait3A_93 = tpu.memref_squeeze %dma_wait3A_92 : memref<1x1x10000xf32, #tpu.memory_space<hbm>> -> memref<10000xf32, #tpu.memory_space<hbm>>
        tpu.wait_dma2 semaphore(%run_scoped3A : memref<!tpu.dma_semaphore, #tpu.memory_space<semaphore_mem>>) src(%arg16 : memref<10000xf32, #tpu.memory_space<vmem>>) dst(%dma_wait3A_93 : memref<10000xf32, #tpu.memory_space<hbm>>)
        tpu.yield
      }) : () -> ()
    } else {
    }
    %add3A_69 = arith.constant 32 : i32
    %add3A_70 = arith.addi %and3A_0, %add3A_69 : i32
    %lt3A_71 = arith.constant 44 : i32
    %lt3A_72 = arith.cmpi slt, %add3A_70, %lt3A_71 : i32
    %convert_element_type3A_73 = arith.extui %lt3A_72 : i1 to i32
    %cond3A_74 = arith.constant 0 : i32
    %cond3A_75 = arith.cmpi ne, %convert_element_type3A_73, %cond3A_74 : i32
    scf.if %cond3A_75 {
      "tpu.region"() ({
        %run_scoped3A = tpu.sem_alloc : memref<!tpu.dma_semaphore, #tpu.memory_space<semaphore_mem>>
        %dma_start3A_83 = arith.constant 0 : i32
        %dma_start3A_84 = tpu.memref_slice %arg6[%add3A, %add3A_70, %dma_start3A_83] : memref<4x44x10000xf32, #tpu.memory_space<hbm>> -> memref<1x1x10000xf32, #tpu.memory_space<hbm>>
        %dma_start3A_85 = tpu.memref_squeeze %dma_start3A_84 : memref<1x1x10000xf32, #tpu.memory_space<hbm>> -> memref<10000xf32, #tpu.memory_space<hbm>>
        %dma_start3A_86 = arith.constant 0 : i32
        %dma_start3A_87 = tpu.memref_slice %arg6[%add3A, %add3A_70, %dma_start3A_86] : memref<4x44x10000xf32, #tpu.memory_space<hbm>> -> memref<1x1x10000xf32, #tpu.memory_space<hbm>>
        %dma_start3A_88 = tpu.memref_squeeze %dma_start3A_87 : memref<1x1x10000xf32, #tpu.memory_space<hbm>> -> memref<10000xf32, #tpu.memory_space<hbm>>
        tpu.enqueue_dma source(%arg17 : memref<10000xf32, #tpu.memory_space<vmem>>) target(%dma_start3A_88 : memref<10000xf32, #tpu.memory_space<hbm>>) target_semaphore(%run_scoped3A : memref<!tpu.dma_semaphore, #tpu.memory_space<semaphore_mem>>)
        %dma_wait3A = arith.constant 0 : i32
        %dma_wait3A_89 = tpu.memref_slice %arg6[%add3A, %add3A_70, %dma_wait3A] : memref<4x44x10000xf32, #tpu.memory_space<hbm>> -> memref<1x1x10000xf32, #tpu.memory_space<hbm>>
        %dma_wait3A_90 = tpu.memref_squeeze %dma_wait3A_89 : memref<1x1x10000xf32, #tpu.memory_space<hbm>> -> memref<10000xf32, #tpu.memory_space<hbm>>
        %dma_wait3A_91 = arith.constant 0 : i32
        %dma_wait3A_92 = tpu.memref_slice %arg6[%add3A, %add3A_70, %dma_wait3A_91] : memref<4x44x10000xf32, #tpu.memory_space<hbm>> -> memref<1x1x10000xf32, #tpu.memory_space<hbm>>
        %dma_wait3A_93 = tpu.memref_squeeze %dma_wait3A_92 : memref<1x1x10000xf32, #tpu.memory_space<hbm>> -> memref<10000xf32, #tpu.memory_space<hbm>>
        tpu.wait_dma2 semaphore(%run_scoped3A : memref<!tpu.dma_semaphore, #tpu.memory_space<semaphore_mem>>) src(%arg17 : memref<10000xf32, #tpu.memory_space<vmem>>) dst(%dma_wait3A_93 : memref<10000xf32, #tpu.memory_space<hbm>>)
        tpu.yield
      }) : () -> ()
    } else {
    }
    %add3A_76 = arith.constant 40 : i32
    %add3A_77 = arith.addi %and3A_0, %add3A_76 : i32
    %lt3A_78 = arith.constant 44 : i32
    %lt3A_79 = arith.cmpi slt, %add3A_77, %lt3A_78 : i32
    %convert_element_type3A_80 = arith.extui %lt3A_79 : i1 to i32
    %cond3A_81 = arith.constant 0 : i32
    %cond3A_82 = arith.cmpi ne, %convert_element_type3A_80, %cond3A_81 : i32
    scf.if %cond3A_82 {
      "tpu.region"() ({
        %run_scoped3A = tpu.sem_alloc : memref<!tpu.dma_semaphore, #tpu.memory_space<semaphore_mem>>
        %dma_start3A_83 = arith.constant 0 : i32
        %dma_start3A_84 = tpu.memref_slice %arg6[%add3A, %add3A_77, %dma_start3A_83] : memref<4x44x10000xf32, #tpu.memory_space<hbm>> -> memref<1x1x10000xf32, #tpu.memory_space<hbm>>
        %dma_start3A_85 = tpu.memref_squeeze %dma_start3A_84 : memref<1x1x10000xf32, #tpu.memory_space<hbm>> -> memref<10000xf32, #tpu.memory_space<hbm>>
        %dma_start3A_86 = arith.constant 0 : i32
        %dma_start3A_87 = tpu.memref_slice %arg6[%add3A, %add3A_77, %dma_start3A_86] : memref<4x44x10000xf32, #tpu.memory_space<hbm>> -> memref<1x1x10000xf32, #tpu.memory_space<hbm>>
        %dma_start3A_88 = tpu.memref_squeeze %dma_start3A_87 : memref<1x1x10000xf32, #tpu.memory_space<hbm>> -> memref<10000xf32, #tpu.memory_space<hbm>>
        tpu.enqueue_dma source(%arg18 : memref<10000xf32, #tpu.memory_space<vmem>>) target(%dma_start3A_88 : memref<10000xf32, #tpu.memory_space<hbm>>) target_semaphore(%run_scoped3A : memref<!tpu.dma_semaphore, #tpu.memory_space<semaphore_mem>>)
        %dma_wait3A = arith.constant 0 : i32
        %dma_wait3A_89 = tpu.memref_slice %arg6[%add3A, %add3A_77, %dma_wait3A] : memref<4x44x10000xf32, #tpu.memory_space<hbm>> -> memref<1x1x10000xf32, #tpu.memory_space<hbm>>
        %dma_wait3A_90 = tpu.memref_squeeze %dma_wait3A_89 : memref<1x1x10000xf32, #tpu.memory_space<hbm>> -> memref<10000xf32, #tpu.memory_space<hbm>>
        %dma_wait3A_91 = arith.constant 0 : i32
        %dma_wait3A_92 = tpu.memref_slice %arg6[%add3A, %add3A_77, %dma_wait3A_91] : memref<4x44x10000xf32, #tpu.memory_space<hbm>> -> memref<1x1x10000xf32, #tpu.memory_space<hbm>>
        %dma_wait3A_93 = tpu.memref_squeeze %dma_wait3A_92 : memref<1x1x10000xf32, #tpu.memory_space<hbm>> -> memref<10000xf32, #tpu.memory_space<hbm>>
        tpu.wait_dma2 semaphore(%run_scoped3A : memref<!tpu.dma_semaphore, #tpu.memory_space<semaphore_mem>>) src(%arg18 : memref<10000xf32, #tpu.memory_space<vmem>>) dst(%dma_wait3A_93 : memref<10000xf32, #tpu.memory_space<hbm>>)
        tpu.yield
      }) : () -> ()
    } else {
    }
    return
  }
}

#map = affine_map<(d0, d1) -> (0, 0)>
#map1 = affine_map<(d0, d1) -> (0)>
#map2 = affine_map<(d0, d1) -> (0, 0, 0)>
module attributes {stable_mosaic.version = 14 : i64} {
  func.func @body(%arg0: i32, %arg1: i32, %arg2: memref<40x10000xf32, #tpu.memory_space<hbm>>, %arg3: memref<320000xi32, #tpu.memory_space<hbm>>, %arg4: memref<320000xi32, #tpu.memory_space<hbm>>, %arg5: memref<320000xf32, #tpu.memory_space<hbm>>, %arg6: memref<4x40x10000xf32, #tpu.memory_space<hbm>>, %arg7: memref<10000xf32, #tpu.memory_space<vmem>>, %arg8: memref<10000xf32, #tpu.memory_space<vmem>>, %arg9: memref<10000xf32, #tpu.memory_space<vmem>>, %arg10: memref<10000xf32, #tpu.memory_space<vmem>>, %arg11: memref<10000xf32, #tpu.memory_space<vmem>>, %arg12: memref<10000xf32, #tpu.memory_space<vmem>>, %arg13: memref<10000xf32, #tpu.memory_space<vmem>>, %arg14: memref<10000xf32, #tpu.memory_space<vmem>>, %arg15: memref<10000xf32, #tpu.memory_space<vmem>>, %arg16: memref<10000xf32, #tpu.memory_space<vmem>>, %arg17: memref<1600xi32, #tpu.memory_space<vmem>>, %arg18: memref<1600xi32, #tpu.memory_space<vmem>>, %arg19: memref<1600xi32, #tpu.memory_space<vmem>>, %arg20: memref<1600xi32, #tpu.memory_space<vmem>>, %arg21: memref<1600xf32, #tpu.memory_space<vmem>>, %arg22: memref<1600xf32, #tpu.memory_space<vmem>>, %arg23: memref<!tpu.dma_semaphore, #tpu.memory_space<semaphore_mem>>, %arg24: memref<!tpu.dma_semaphore, #tpu.memory_space<semaphore_mem>>) attributes {dimension_semantics = [#tpu.dimension_semantics<core_parallel>, #tpu.dimension_semantics<subcore_parallel>], iteration_bounds = array<i64: 2, 16>, scalar_prefetch = 0 : i64, scratch_operands = 18 : i64, tpu.core_type = #tpu.core_type<sc_vector_subcore>, window_params = [{transform_indices = #map}, {transform_indices = #map1}, {transform_indices = #map1}, {transform_indices = #map1}, {transform_indices = #map2}]} {
    %and3A = arith.constant 7 : i32
    %and3A_0 = arith.andi %arg1, %and3A : i32
    %mul3A = arith.constant 2 : i32
    %mul3A_1 = arith.muli %arg0, %mul3A : i32
    %shift_right_logical3A = arith.constant 3 : i32
    %shift_right_logical3A_2 = arith.shrui %arg1, %shift_right_logical3A : i32
    %add3A = arith.addi %mul3A_1, %shift_right_logical3A_2 : i32
    %mul3A_3 = arith.constant 80000 : i32
    %mul3A_4 = arith.muli %add3A, %mul3A_3 : i32
    %add3A_5 = arith.constant 0 : i32
    %add3A_6 = arith.addi %and3A_0, %add3A_5 : i32
    %min3A = arith.constant 39 : i32
    %min3A_7 = arith.minsi %add3A_6, %min3A : i32
    "tpu.region"() ({
      %run_scoped3A = tpu.sem_alloc : memref<!tpu.dma_semaphore, #tpu.memory_space<semaphore_mem>>
      %dma_start3A_72 = arith.constant 0 : i32
      %dma_start3A_73 = tpu.memref_slice %arg2[%min3A_7, %dma_start3A_72] : memref<40x10000xf32, #tpu.memory_space<hbm>> -> memref<1x10000xf32, #tpu.memory_space<hbm>>
      %dma_start3A_74 = tpu.memref_squeeze %dma_start3A_73 : memref<1x10000xf32, #tpu.memory_space<hbm>> -> memref<10000xf32, #tpu.memory_space<hbm>>
      %dma_start3A_75 = arith.constant 0 : i32
      %dma_start3A_76 = tpu.memref_slice %arg2[%min3A_7, %dma_start3A_75] : memref<40x10000xf32, #tpu.memory_space<hbm>> -> memref<1x10000xf32, #tpu.memory_space<hbm>>
      %dma_start3A_77 = tpu.memref_squeeze %dma_start3A_76 : memref<1x10000xf32, #tpu.memory_space<hbm>> -> memref<10000xf32, #tpu.memory_space<hbm>>
      tpu.enqueue_dma source(%dma_start3A_77 : memref<10000xf32, #tpu.memory_space<hbm>>) target(%arg7 : memref<10000xf32, #tpu.memory_space<vmem>>) target_semaphore(%run_scoped3A : memref<!tpu.dma_semaphore, #tpu.memory_space<semaphore_mem>>)
      %dma_wait3A = arith.constant 0 : i32
      %dma_wait3A_78 = tpu.memref_slice %arg2[%min3A_7, %dma_wait3A] : memref<40x10000xf32, #tpu.memory_space<hbm>> -> memref<1x10000xf32, #tpu.memory_space<hbm>>
      %dma_wait3A_79 = tpu.memref_squeeze %dma_wait3A_78 : memref<1x10000xf32, #tpu.memory_space<hbm>> -> memref<10000xf32, #tpu.memory_space<hbm>>
      %dma_wait3A_80 = arith.constant 0 : i32
      %dma_wait3A_81 = tpu.memref_slice %arg2[%min3A_7, %dma_wait3A_80] : memref<40x10000xf32, #tpu.memory_space<hbm>> -> memref<1x10000xf32, #tpu.memory_space<hbm>>
      %dma_wait3A_82 = tpu.memref_squeeze %dma_wait3A_81 : memref<1x10000xf32, #tpu.memory_space<hbm>> -> memref<10000xf32, #tpu.memory_space<hbm>>
      tpu.wait_dma2 semaphore(%run_scoped3A : memref<!tpu.dma_semaphore, #tpu.memory_space<semaphore_mem>>) src(%dma_wait3A_82 : memref<10000xf32, #tpu.memory_space<hbm>>) dst(%arg7 : memref<10000xf32, #tpu.memory_space<vmem>>)
      tpu.yield
    }) : () -> ()
    %add3A_8 = arith.constant 8 : i32
    %add3A_9 = arith.addi %and3A_0, %add3A_8 : i32
    %min3A_10 = arith.constant 39 : i32
    %min3A_11 = arith.minsi %add3A_9, %min3A_10 : i32
    "tpu.region"() ({
      %run_scoped3A = tpu.sem_alloc : memref<!tpu.dma_semaphore, #tpu.memory_space<semaphore_mem>>
      %dma_start3A_72 = arith.constant 0 : i32
      %dma_start3A_73 = tpu.memref_slice %arg2[%min3A_11, %dma_start3A_72] : memref<40x10000xf32, #tpu.memory_space<hbm>> -> memref<1x10000xf32, #tpu.memory_space<hbm>>
      %dma_start3A_74 = tpu.memref_squeeze %dma_start3A_73 : memref<1x10000xf32, #tpu.memory_space<hbm>> -> memref<10000xf32, #tpu.memory_space<hbm>>
      %dma_start3A_75 = arith.constant 0 : i32
      %dma_start3A_76 = tpu.memref_slice %arg2[%min3A_11, %dma_start3A_75] : memref<40x10000xf32, #tpu.memory_space<hbm>> -> memref<1x10000xf32, #tpu.memory_space<hbm>>
      %dma_start3A_77 = tpu.memref_squeeze %dma_start3A_76 : memref<1x10000xf32, #tpu.memory_space<hbm>> -> memref<10000xf32, #tpu.memory_space<hbm>>
      tpu.enqueue_dma source(%dma_start3A_77 : memref<10000xf32, #tpu.memory_space<hbm>>) target(%arg8 : memref<10000xf32, #tpu.memory_space<vmem>>) target_semaphore(%run_scoped3A : memref<!tpu.dma_semaphore, #tpu.memory_space<semaphore_mem>>)
      %dma_wait3A = arith.constant 0 : i32
      %dma_wait3A_78 = tpu.memref_slice %arg2[%min3A_11, %dma_wait3A] : memref<40x10000xf32, #tpu.memory_space<hbm>> -> memref<1x10000xf32, #tpu.memory_space<hbm>>
      %dma_wait3A_79 = tpu.memref_squeeze %dma_wait3A_78 : memref<1x10000xf32, #tpu.memory_space<hbm>> -> memref<10000xf32, #tpu.memory_space<hbm>>
      %dma_wait3A_80 = arith.constant 0 : i32
      %dma_wait3A_81 = tpu.memref_slice %arg2[%min3A_11, %dma_wait3A_80] : memref<40x10000xf32, #tpu.memory_space<hbm>> -> memref<1x10000xf32, #tpu.memory_space<hbm>>
      %dma_wait3A_82 = tpu.memref_squeeze %dma_wait3A_81 : memref<1x10000xf32, #tpu.memory_space<hbm>> -> memref<10000xf32, #tpu.memory_space<hbm>>
      tpu.wait_dma2 semaphore(%run_scoped3A : memref<!tpu.dma_semaphore, #tpu.memory_space<semaphore_mem>>) src(%dma_wait3A_82 : memref<10000xf32, #tpu.memory_space<hbm>>) dst(%arg8 : memref<10000xf32, #tpu.memory_space<vmem>>)
      tpu.yield
    }) : () -> ()
    %add3A_12 = arith.constant 16 : i32
    %add3A_13 = arith.addi %and3A_0, %add3A_12 : i32
    %min3A_14 = arith.constant 39 : i32
    %min3A_15 = arith.minsi %add3A_13, %min3A_14 : i32
    "tpu.region"() ({
      %run_scoped3A = tpu.sem_alloc : memref<!tpu.dma_semaphore, #tpu.memory_space<semaphore_mem>>
      %dma_start3A_72 = arith.constant 0 : i32
      %dma_start3A_73 = tpu.memref_slice %arg2[%min3A_15, %dma_start3A_72] : memref<40x10000xf32, #tpu.memory_space<hbm>> -> memref<1x10000xf32, #tpu.memory_space<hbm>>
      %dma_start3A_74 = tpu.memref_squeeze %dma_start3A_73 : memref<1x10000xf32, #tpu.memory_space<hbm>> -> memref<10000xf32, #tpu.memory_space<hbm>>
      %dma_start3A_75 = arith.constant 0 : i32
      %dma_start3A_76 = tpu.memref_slice %arg2[%min3A_15, %dma_start3A_75] : memref<40x10000xf32, #tpu.memory_space<hbm>> -> memref<1x10000xf32, #tpu.memory_space<hbm>>
      %dma_start3A_77 = tpu.memref_squeeze %dma_start3A_76 : memref<1x10000xf32, #tpu.memory_space<hbm>> -> memref<10000xf32, #tpu.memory_space<hbm>>
      tpu.enqueue_dma source(%dma_start3A_77 : memref<10000xf32, #tpu.memory_space<hbm>>) target(%arg9 : memref<10000xf32, #tpu.memory_space<vmem>>) target_semaphore(%run_scoped3A : memref<!tpu.dma_semaphore, #tpu.memory_space<semaphore_mem>>)
      %dma_wait3A = arith.constant 0 : i32
      %dma_wait3A_78 = tpu.memref_slice %arg2[%min3A_15, %dma_wait3A] : memref<40x10000xf32, #tpu.memory_space<hbm>> -> memref<1x10000xf32, #tpu.memory_space<hbm>>
      %dma_wait3A_79 = tpu.memref_squeeze %dma_wait3A_78 : memref<1x10000xf32, #tpu.memory_space<hbm>> -> memref<10000xf32, #tpu.memory_space<hbm>>
      %dma_wait3A_80 = arith.constant 0 : i32
      %dma_wait3A_81 = tpu.memref_slice %arg2[%min3A_15, %dma_wait3A_80] : memref<40x10000xf32, #tpu.memory_space<hbm>> -> memref<1x10000xf32, #tpu.memory_space<hbm>>
      %dma_wait3A_82 = tpu.memref_squeeze %dma_wait3A_81 : memref<1x10000xf32, #tpu.memory_space<hbm>> -> memref<10000xf32, #tpu.memory_space<hbm>>
      tpu.wait_dma2 semaphore(%run_scoped3A : memref<!tpu.dma_semaphore, #tpu.memory_space<semaphore_mem>>) src(%dma_wait3A_82 : memref<10000xf32, #tpu.memory_space<hbm>>) dst(%arg9 : memref<10000xf32, #tpu.memory_space<vmem>>)
      tpu.yield
    }) : () -> ()
    %add3A_16 = arith.constant 24 : i32
    %add3A_17 = arith.addi %and3A_0, %add3A_16 : i32
    %min3A_18 = arith.constant 39 : i32
    %min3A_19 = arith.minsi %add3A_17, %min3A_18 : i32
    "tpu.region"() ({
      %run_scoped3A = tpu.sem_alloc : memref<!tpu.dma_semaphore, #tpu.memory_space<semaphore_mem>>
      %dma_start3A_72 = arith.constant 0 : i32
      %dma_start3A_73 = tpu.memref_slice %arg2[%min3A_19, %dma_start3A_72] : memref<40x10000xf32, #tpu.memory_space<hbm>> -> memref<1x10000xf32, #tpu.memory_space<hbm>>
      %dma_start3A_74 = tpu.memref_squeeze %dma_start3A_73 : memref<1x10000xf32, #tpu.memory_space<hbm>> -> memref<10000xf32, #tpu.memory_space<hbm>>
      %dma_start3A_75 = arith.constant 0 : i32
      %dma_start3A_76 = tpu.memref_slice %arg2[%min3A_19, %dma_start3A_75] : memref<40x10000xf32, #tpu.memory_space<hbm>> -> memref<1x10000xf32, #tpu.memory_space<hbm>>
      %dma_start3A_77 = tpu.memref_squeeze %dma_start3A_76 : memref<1x10000xf32, #tpu.memory_space<hbm>> -> memref<10000xf32, #tpu.memory_space<hbm>>
      tpu.enqueue_dma source(%dma_start3A_77 : memref<10000xf32, #tpu.memory_space<hbm>>) target(%arg10 : memref<10000xf32, #tpu.memory_space<vmem>>) target_semaphore(%run_scoped3A : memref<!tpu.dma_semaphore, #tpu.memory_space<semaphore_mem>>)
      %dma_wait3A = arith.constant 0 : i32
      %dma_wait3A_78 = tpu.memref_slice %arg2[%min3A_19, %dma_wait3A] : memref<40x10000xf32, #tpu.memory_space<hbm>> -> memref<1x10000xf32, #tpu.memory_space<hbm>>
      %dma_wait3A_79 = tpu.memref_squeeze %dma_wait3A_78 : memref<1x10000xf32, #tpu.memory_space<hbm>> -> memref<10000xf32, #tpu.memory_space<hbm>>
      %dma_wait3A_80 = arith.constant 0 : i32
      %dma_wait3A_81 = tpu.memref_slice %arg2[%min3A_19, %dma_wait3A_80] : memref<40x10000xf32, #tpu.memory_space<hbm>> -> memref<1x10000xf32, #tpu.memory_space<hbm>>
      %dma_wait3A_82 = tpu.memref_squeeze %dma_wait3A_81 : memref<1x10000xf32, #tpu.memory_space<hbm>> -> memref<10000xf32, #tpu.memory_space<hbm>>
      tpu.wait_dma2 semaphore(%run_scoped3A : memref<!tpu.dma_semaphore, #tpu.memory_space<semaphore_mem>>) src(%dma_wait3A_82 : memref<10000xf32, #tpu.memory_space<hbm>>) dst(%arg10 : memref<10000xf32, #tpu.memory_space<vmem>>)
      tpu.yield
    }) : () -> ()
    %add3A_20 = arith.constant 32 : i32
    %add3A_21 = arith.addi %and3A_0, %add3A_20 : i32
    %min3A_22 = arith.constant 39 : i32
    %min3A_23 = arith.minsi %add3A_21, %min3A_22 : i32
    "tpu.region"() ({
      %run_scoped3A = tpu.sem_alloc : memref<!tpu.dma_semaphore, #tpu.memory_space<semaphore_mem>>
      %dma_start3A_72 = arith.constant 0 : i32
      %dma_start3A_73 = tpu.memref_slice %arg2[%min3A_23, %dma_start3A_72] : memref<40x10000xf32, #tpu.memory_space<hbm>> -> memref<1x10000xf32, #tpu.memory_space<hbm>>
      %dma_start3A_74 = tpu.memref_squeeze %dma_start3A_73 : memref<1x10000xf32, #tpu.memory_space<hbm>> -> memref<10000xf32, #tpu.memory_space<hbm>>
      %dma_start3A_75 = arith.constant 0 : i32
      %dma_start3A_76 = tpu.memref_slice %arg2[%min3A_23, %dma_start3A_75] : memref<40x10000xf32, #tpu.memory_space<hbm>> -> memref<1x10000xf32, #tpu.memory_space<hbm>>
      %dma_start3A_77 = tpu.memref_squeeze %dma_start3A_76 : memref<1x10000xf32, #tpu.memory_space<hbm>> -> memref<10000xf32, #tpu.memory_space<hbm>>
      tpu.enqueue_dma source(%dma_start3A_77 : memref<10000xf32, #tpu.memory_space<hbm>>) target(%arg11 : memref<10000xf32, #tpu.memory_space<vmem>>) target_semaphore(%run_scoped3A : memref<!tpu.dma_semaphore, #tpu.memory_space<semaphore_mem>>)
      %dma_wait3A = arith.constant 0 : i32
      %dma_wait3A_78 = tpu.memref_slice %arg2[%min3A_23, %dma_wait3A] : memref<40x10000xf32, #tpu.memory_space<hbm>> -> memref<1x10000xf32, #tpu.memory_space<hbm>>
      %dma_wait3A_79 = tpu.memref_squeeze %dma_wait3A_78 : memref<1x10000xf32, #tpu.memory_space<hbm>> -> memref<10000xf32, #tpu.memory_space<hbm>>
      %dma_wait3A_80 = arith.constant 0 : i32
      %dma_wait3A_81 = tpu.memref_slice %arg2[%min3A_23, %dma_wait3A_80] : memref<40x10000xf32, #tpu.memory_space<hbm>> -> memref<1x10000xf32, #tpu.memory_space<hbm>>
      %dma_wait3A_82 = tpu.memref_squeeze %dma_wait3A_81 : memref<1x10000xf32, #tpu.memory_space<hbm>> -> memref<10000xf32, #tpu.memory_space<hbm>>
      tpu.wait_dma2 semaphore(%run_scoped3A : memref<!tpu.dma_semaphore, #tpu.memory_space<semaphore_mem>>) src(%dma_wait3A_82 : memref<10000xf32, #tpu.memory_space<hbm>>) dst(%arg11 : memref<10000xf32, #tpu.memory_space<vmem>>)
      tpu.yield
    }) : () -> ()
    %scan3A = arith.constant 0 : i32
    %scan3A_24 = arith.constant 625 : i32
    %scan3A_25 = arith.addi %scan3A, %scan3A_24 : i32
    %scan3A_26 = arith.constant 1 : i32
    scf.for %scan3A_72 = %scan3A to %scan3A_25 step %scan3A_26  : i32 {
      %mul3A_73 = arith.constant 16 : i32
      %mul3A_74 = arith.muli %scan3A_72, %mul3A_73 : i32
      %add3A_75 = arith.constant 0 : i32
      %add3A_76 = arith.addi %add3A_75, %mul3A_74 : i32
      %broadcast_in_dim3A = arith.constant 0.000000e+00 : f32
      %broadcast_in_dim3A_77 = vector.broadcast %broadcast_in_dim3A : f32 to vector<16xf32>
      %swap3A = arith.index_cast %add3A_76 : i32 to index
      %swap3A_78 = tpu.vector_load %arg12[%swap3A] {strides = array<i32>} : memref<10000xf32, #tpu.memory_space<vmem>>, vector<16xf32>,
      tpu.vector_store %arg12[%swap3A], %broadcast_in_dim3A_77 {strides = array<i32>} : memref<10000xf32, #tpu.memory_space<vmem>>, vector<16xf32>,
      %broadcast_in_dim3A_79 = arith.constant 0.000000e+00 : f32
      %broadcast_in_dim3A_80 = vector.broadcast %broadcast_in_dim3A_79 : f32 to vector<16xf32>
      %swap3A_81 = arith.index_cast %add3A_76 : i32 to index
      %swap3A_82 = tpu.vector_load %arg13[%swap3A_81] {strides = array<i32>} : memref<10000xf32, #tpu.memory_space<vmem>>, vector<16xf32>,
      tpu.vector_store %arg13[%swap3A_81], %broadcast_in_dim3A_80 {strides = array<i32>} : memref<10000xf32, #tpu.memory_space<vmem>>, vector<16xf32>,
      %broadcast_in_dim3A_83 = arith.constant 0.000000e+00 : f32
      %broadcast_in_dim3A_84 = vector.broadcast %broadcast_in_dim3A_83 : f32 to vector<16xf32>
      %swap3A_85 = arith.index_cast %add3A_76 : i32 to index
      %swap3A_86 = tpu.vector_load %arg14[%swap3A_85] {strides = array<i32>} : memref<10000xf32, #tpu.memory_space<vmem>>, vector<16xf32>,
      tpu.vector_store %arg14[%swap3A_85], %broadcast_in_dim3A_84 {strides = array<i32>} : memref<10000xf32, #tpu.memory_space<vmem>>, vector<16xf32>,
      %broadcast_in_dim3A_87 = arith.constant 0.000000e+00 : f32
      %broadcast_in_dim3A_88 = vector.broadcast %broadcast_in_dim3A_87 : f32 to vector<16xf32>
      %swap3A_89 = arith.index_cast %add3A_76 : i32 to index
      %swap3A_90 = tpu.vector_load %arg15[%swap3A_89] {strides = array<i32>} : memref<10000xf32, #tpu.memory_space<vmem>>, vector<16xf32>,
      tpu.vector_store %arg15[%swap3A_89], %broadcast_in_dim3A_88 {strides = array<i32>} : memref<10000xf32, #tpu.memory_space<vmem>>, vector<16xf32>,
      %broadcast_in_dim3A_91 = arith.constant 0.000000e+00 : f32
      %broadcast_in_dim3A_92 = vector.broadcast %broadcast_in_dim3A_91 : f32 to vector<16xf32>
      %swap3A_93 = arith.index_cast %add3A_76 : i32 to index
      %swap3A_94 = tpu.vector_load %arg16[%swap3A_93] {strides = array<i32>} : memref<10000xf32, #tpu.memory_space<vmem>>, vector<16xf32>,
      tpu.vector_store %arg16[%swap3A_93], %broadcast_in_dim3A_92 {strides = array<i32>} : memref<10000xf32, #tpu.memory_space<vmem>>, vector<16xf32>,
    }
    %scan3A_27 = arith.constant 625 : i32
    %add3A_28 = arith.constant 0 : i32
    %add3A_29 = arith.addi %mul3A_4, %add3A_28 : i32
    %dma_start3A = tpu.memref_slice %arg3[%add3A_29] : memref<320000xi32, #tpu.memory_space<hbm>> -> memref<1600xi32, #tpu.memory_space<hbm>>
    %dma_start3A_30 = tpu.memref_slice %arg3[%add3A_29] : memref<320000xi32, #tpu.memory_space<hbm>> -> memref<1600xi32, #tpu.memory_space<hbm>>
    tpu.enqueue_dma source(%dma_start3A_30 : memref<1600xi32, #tpu.memory_space<hbm>>) target(%arg17 : memref<1600xi32, #tpu.memory_space<vmem>>) target_semaphore(%arg23 : memref<!tpu.dma_semaphore, #tpu.memory_space<semaphore_mem>>)
    %dma_start3A_31 = tpu.memref_slice %arg4[%add3A_29] : memref<320000xi32, #tpu.memory_space<hbm>> -> memref<1600xi32, #tpu.memory_space<hbm>>
    %dma_start3A_32 = tpu.memref_slice %arg4[%add3A_29] : memref<320000xi32, #tpu.memory_space<hbm>> -> memref<1600xi32, #tpu.memory_space<hbm>>
    tpu.enqueue_dma source(%dma_start3A_32 : memref<1600xi32, #tpu.memory_space<hbm>>) target(%arg19 : memref<1600xi32, #tpu.memory_space<vmem>>) target_semaphore(%arg23 : memref<!tpu.dma_semaphore, #tpu.memory_space<semaphore_mem>>)
    %dma_start3A_33 = tpu.memref_slice %arg5[%add3A_29] : memref<320000xf32, #tpu.memory_space<hbm>> -> memref<1600xf32, #tpu.memory_space<hbm>>
    %dma_start3A_34 = tpu.memref_slice %arg5[%add3A_29] : memref<320000xf32, #tpu.memory_space<hbm>> -> memref<1600xf32, #tpu.memory_space<hbm>>
    tpu.enqueue_dma source(%dma_start3A_34 : memref<1600xf32, #tpu.memory_space<hbm>>) target(%arg21 : memref<1600xf32, #tpu.memory_space<vmem>>) target_semaphore(%arg23 : memref<!tpu.dma_semaphore, #tpu.memory_space<semaphore_mem>>)
    %scan3A_35 = arith.constant 0 : i32
    %scan3A_36 = arith.constant 25 : i32
    %scan3A_37 = arith.addi %scan3A_35, %scan3A_36 : i32
    %scan3A_38 = arith.constant 1 : i32
    scf.for %scan3A_72 = %scan3A_35 to %scan3A_37 step %scan3A_38  : i32 {
      %mul3A_73 = arith.constant 2 : i32
      %mul3A_74 = arith.muli %scan3A_72, %mul3A_73 : i32
      %add3A_75 = arith.constant 0 : i32
      %add3A_76 = arith.addi %add3A_75, %mul3A_74 : i32
      %add3A_77 = arith.constant 1 : i32
      %add3A_78 = arith.addi %add3A_76, %add3A_77 : i32
      %mul3A_79 = arith.constant 1600 : i32
      %mul3A_80 = arith.muli %add3A_78, %mul3A_79 : i32
      %add3A_81 = arith.addi %mul3A_4, %mul3A_80 : i32
      %dma_start3A_82 = tpu.memref_slice %arg3[%add3A_81] : memref<320000xi32, #tpu.memory_space<hbm>> -> memref<1600xi32, #tpu.memory_space<hbm>>
      %dma_start3A_83 = tpu.memref_slice %arg3[%add3A_81] : memref<320000xi32, #tpu.memory_space<hbm>> -> memref<1600xi32, #tpu.memory_space<hbm>>
      tpu.enqueue_dma source(%dma_start3A_83 : memref<1600xi32, #tpu.memory_space<hbm>>) target(%arg18 : memref<1600xi32, #tpu.memory_space<vmem>>) target_semaphore(%arg24 : memref<!tpu.dma_semaphore, #tpu.memory_space<semaphore_mem>>)
      %dma_start3A_84 = tpu.memref_slice %arg4[%add3A_81] : memref<320000xi32, #tpu.memory_space<hbm>> -> memref<1600xi32, #tpu.memory_space<hbm>>
      %dma_start3A_85 = tpu.memref_slice %arg4[%add3A_81] : memref<320000xi32, #tpu.memory_space<hbm>> -> memref<1600xi32, #tpu.memory_space<hbm>>
      tpu.enqueue_dma source(%dma_start3A_85 : memref<1600xi32, #tpu.memory_space<hbm>>) target(%arg20 : memref<1600xi32, #tpu.memory_space<vmem>>) target_semaphore(%arg24 : memref<!tpu.dma_semaphore, #tpu.memory_space<semaphore_mem>>)
      %dma_start3A_86 = tpu.memref_slice %arg5[%add3A_81] : memref<320000xf32, #tpu.memory_space<hbm>> -> memref<1600xf32, #tpu.memory_space<hbm>>
      %dma_start3A_87 = tpu.memref_slice %arg5[%add3A_81] : memref<320000xf32, #tpu.memory_space<hbm>> -> memref<1600xf32, #tpu.memory_space<hbm>>
      tpu.enqueue_dma source(%dma_start3A_87 : memref<1600xf32, #tpu.memory_space<hbm>>) target(%arg22 : memref<1600xf32, #tpu.memory_space<vmem>>) target_semaphore(%arg24 : memref<!tpu.dma_semaphore, #tpu.memory_space<semaphore_mem>>)
      %dma_wait3A = arith.constant 0 : i32
      %dma_wait3A_88 = tpu.memref_slice %arg3[%dma_wait3A] : memref<320000xi32, #tpu.memory_space<hbm>> -> memref<1600xi32, #tpu.memory_space<hbm>>
      %dma_wait3A_89 = arith.constant 0 : i32
      %dma_wait3A_90 = tpu.memref_slice %arg3[%dma_wait3A_89] : memref<320000xi32, #tpu.memory_space<hbm>> -> memref<1600xi32, #tpu.memory_space<hbm>>
      tpu.wait_dma2 semaphore(%arg23 : memref<!tpu.dma_semaphore, #tpu.memory_space<semaphore_mem>>) src(%dma_wait3A_90 : memref<1600xi32, #tpu.memory_space<hbm>>) dst(%arg17 : memref<1600xi32, #tpu.memory_space<vmem>>)
      %dma_wait3A_91 = arith.constant 0 : i32
      %dma_wait3A_92 = tpu.memref_slice %arg4[%dma_wait3A_91] : memref<320000xi32, #tpu.memory_space<hbm>> -> memref<1600xi32, #tpu.memory_space<hbm>>
      %dma_wait3A_93 = arith.constant 0 : i32
      %dma_wait3A_94 = tpu.memref_slice %arg4[%dma_wait3A_93] : memref<320000xi32, #tpu.memory_space<hbm>> -> memref<1600xi32, #tpu.memory_space<hbm>>
      tpu.wait_dma2 semaphore(%arg23 : memref<!tpu.dma_semaphore, #tpu.memory_space<semaphore_mem>>) src(%dma_wait3A_94 : memref<1600xi32, #tpu.memory_space<hbm>>) dst(%arg19 : memref<1600xi32, #tpu.memory_space<vmem>>)
      %dma_wait3A_95 = arith.constant 0 : i32
      %dma_wait3A_96 = tpu.memref_slice %arg5[%dma_wait3A_95] : memref<320000xf32, #tpu.memory_space<hbm>> -> memref<1600xf32, #tpu.memory_space<hbm>>
      %dma_wait3A_97 = arith.constant 0 : i32
      %dma_wait3A_98 = tpu.memref_slice %arg5[%dma_wait3A_97] : memref<320000xf32, #tpu.memory_space<hbm>> -> memref<1600xf32, #tpu.memory_space<hbm>>
      tpu.wait_dma2 semaphore(%arg23 : memref<!tpu.dma_semaphore, #tpu.memory_space<semaphore_mem>>) src(%dma_wait3A_98 : memref<1600xf32, #tpu.memory_space<hbm>>) dst(%arg21 : memref<1600xf32, #tpu.memory_space<vmem>>)
      %parallel_loop3A = arith.constant 0 : i32
      %parallel_loop3A_99 = arith.constant 1600 : i32
      %parallel_loop3A_100 = arith.constant 16 : i32
      scf.for %parallel_loop3A_123 = %parallel_loop3A to %parallel_loop3A_99 step %parallel_loop3A_100  : i32 {
        %parallel_loop3A_124 = arith.index_cast %parallel_loop3A_123 : i32 to index
        %parallel_loop3A_125 = tpu.vector_load %arg17[%parallel_loop3A_124] {strides = array<i32>} : memref<1600xi32, #tpu.memory_space<vmem>>, vector<16xi32>,
        %parallel_loop3A_126 = arith.index_cast %parallel_loop3A_123 : i32 to index
        %parallel_loop3A_127 = tpu.vector_load %arg19[%parallel_loop3A_126] {strides = array<i32>} : memref<1600xi32, #tpu.memory_space<vmem>>, vector<16xi32>,
        %parallel_loop3A_128 = arith.index_cast %parallel_loop3A_123 : i32 to index
        %parallel_loop3A_129 = tpu.vector_load %arg21[%parallel_loop3A_128] {strides = array<i32>} : memref<1600xf32, #tpu.memory_space<vmem>>, vector<16xf32>,
        %parallel_loop3A_130 = tpu.vector_load_idx %arg7[%parallel_loop3A_125] : memref<10000xf32, #tpu.memory_space<vmem>>[vector<16xi32>], vector<16xf32>,
        %parallel_loop3A_131 = arith.mulf %parallel_loop3A_130, %parallel_loop3A_129 : vector<16xf32>
        tpu.vector_store_idx %arg12[%parallel_loop3A_127], %parallel_loop3A_131 {add = true} : memref<10000xf32, #tpu.memory_space<vmem>>[vector<16xi32>], vector<16xf32>,
        %parallel_loop3A_132 = tpu.vector_load_idx %arg8[%parallel_loop3A_125] : memref<10000xf32, #tpu.memory_space<vmem>>[vector<16xi32>], vector<16xf32>,
        %parallel_loop3A_133 = arith.mulf %parallel_loop3A_132, %parallel_loop3A_129 : vector<16xf32>
        tpu.vector_store_idx %arg13[%parallel_loop3A_127], %parallel_loop3A_133 {add = true} : memref<10000xf32, #tpu.memory_space<vmem>>[vector<16xi32>], vector<16xf32>,
        %parallel_loop3A_134 = tpu.vector_load_idx %arg9[%parallel_loop3A_125] : memref<10000xf32, #tpu.memory_space<vmem>>[vector<16xi32>], vector<16xf32>,
        %parallel_loop3A_135 = arith.mulf %parallel_loop3A_134, %parallel_loop3A_129 : vector<16xf32>
        tpu.vector_store_idx %arg14[%parallel_loop3A_127], %parallel_loop3A_135 {add = true} : memref<10000xf32, #tpu.memory_space<vmem>>[vector<16xi32>], vector<16xf32>,
        %parallel_loop3A_136 = tpu.vector_load_idx %arg10[%parallel_loop3A_125] : memref<10000xf32, #tpu.memory_space<vmem>>[vector<16xi32>], vector<16xf32>,
        %parallel_loop3A_137 = arith.mulf %parallel_loop3A_136, %parallel_loop3A_129 : vector<16xf32>
        tpu.vector_store_idx %arg15[%parallel_loop3A_127], %parallel_loop3A_137 {add = true} : memref<10000xf32, #tpu.memory_space<vmem>>[vector<16xi32>], vector<16xf32>,
        %parallel_loop3A_138 = tpu.vector_load_idx %arg11[%parallel_loop3A_125] : memref<10000xf32, #tpu.memory_space<vmem>>[vector<16xi32>], vector<16xf32>,
        %parallel_loop3A_139 = arith.mulf %parallel_loop3A_138, %parallel_loop3A_129 : vector<16xf32>
        tpu.vector_store_idx %arg16[%parallel_loop3A_127], %parallel_loop3A_139 {add = true} : memref<10000xf32, #tpu.memory_space<vmem>>[vector<16xi32>], vector<16xf32>,
      } {sc.loop_unroll_factor = 4 : i64, sc.parallel_access}
      %add3A_101 = arith.constant 2 : i32
      %add3A_102 = arith.addi %add3A_76, %add3A_101 : i32
      %lt3A_103 = arith.constant 50 : i32
      %lt3A_104 = arith.cmpi slt, %add3A_102, %lt3A_103 : i32
      %convert_element_type3A_105 = arith.extui %lt3A_104 : i1 to i32
      %cond3A_106 = arith.constant 0 : i32
      %cond3A_107 = arith.cmpi ne, %convert_element_type3A_105, %cond3A_106 : i32
      scf.if %cond3A_107 {
        %add3A_123 = arith.constant 2 : i32
        %add3A_124 = arith.addi %add3A_76, %add3A_123 : i32
        %mul3A_125 = arith.constant 1600 : i32
        %mul3A_126 = arith.muli %add3A_124, %mul3A_125 : i32
        %add3A_127 = arith.addi %mul3A_4, %mul3A_126 : i32
        %dma_start3A_128 = tpu.memref_slice %arg3[%add3A_127] : memref<320000xi32, #tpu.memory_space<hbm>> -> memref<1600xi32, #tpu.memory_space<hbm>>
        %dma_start3A_129 = tpu.memref_slice %arg3[%add3A_127] : memref<320000xi32, #tpu.memory_space<hbm>> -> memref<1600xi32, #tpu.memory_space<hbm>>
        tpu.enqueue_dma source(%dma_start3A_129 : memref<1600xi32, #tpu.memory_space<hbm>>) target(%arg17 : memref<1600xi32, #tpu.memory_space<vmem>>) target_semaphore(%arg23 : memref<!tpu.dma_semaphore, #tpu.memory_space<semaphore_mem>>)
        %dma_start3A_130 = tpu.memref_slice %arg4[%add3A_127] : memref<320000xi32, #tpu.memory_space<hbm>> -> memref<1600xi32, #tpu.memory_space<hbm>>
        %dma_start3A_131 = tpu.memref_slice %arg4[%add3A_127] : memref<320000xi32, #tpu.memory_space<hbm>> -> memref<1600xi32, #tpu.memory_space<hbm>>
        tpu.enqueue_dma source(%dma_start3A_131 : memref<1600xi32, #tpu.memory_space<hbm>>) target(%arg19 : memref<1600xi32, #tpu.memory_space<vmem>>) target_semaphore(%arg23 : memref<!tpu.dma_semaphore, #tpu.memory_space<semaphore_mem>>)
        %dma_start3A_132 = tpu.memref_slice %arg5[%add3A_127] : memref<320000xf32, #tpu.memory_space<hbm>> -> memref<1600xf32, #tpu.memory_space<hbm>>
        %dma_start3A_133 = tpu.memref_slice %arg5[%add3A_127] : memref<320000xf32, #tpu.memory_space<hbm>> -> memref<1600xf32, #tpu.memory_space<hbm>>
        tpu.enqueue_dma source(%dma_start3A_133 : memref<1600xf32, #tpu.memory_space<hbm>>) target(%arg21 : memref<1600xf32, #tpu.memory_space<vmem>>) target_semaphore(%arg23 : memref<!tpu.dma_semaphore, #tpu.memory_space<semaphore_mem>>)
      } else {
      }
      %dma_wait3A_108 = arith.constant 0 : i32
      %dma_wait3A_109 = tpu.memref_slice %arg3[%dma_wait3A_108] : memref<320000xi32, #tpu.memory_space<hbm>> -> memref<1600xi32, #tpu.memory_space<hbm>>
      %dma_wait3A_110 = arith.constant 0 : i32
      %dma_wait3A_111 = tpu.memref_slice %arg3[%dma_wait3A_110] : memref<320000xi32, #tpu.memory_space<hbm>> -> memref<1600xi32, #tpu.memory_space<hbm>>
      tpu.wait_dma2 semaphore(%arg24 : memref<!tpu.dma_semaphore, #tpu.memory_space<semaphore_mem>>) src(%dma_wait3A_111 : memref<1600xi32, #tpu.memory_space<hbm>>) dst(%arg18 : memref<1600xi32, #tpu.memory_space<vmem>>)
      %dma_wait3A_112 = arith.constant 0 : i32
      %dma_wait3A_113 = tpu.memref_slice %arg4[%dma_wait3A_112] : memref<320000xi32, #tpu.memory_space<hbm>> -> memref<1600xi32, #tpu.memory_space<hbm>>
      %dma_wait3A_114 = arith.constant 0 : i32
      %dma_wait3A_115 = tpu.memref_slice %arg4[%dma_wait3A_114] : memref<320000xi32, #tpu.memory_space<hbm>> -> memref<1600xi32, #tpu.memory_space<hbm>>
      tpu.wait_dma2 semaphore(%arg24 : memref<!tpu.dma_semaphore, #tpu.memory_space<semaphore_mem>>) src(%dma_wait3A_115 : memref<1600xi32, #tpu.memory_space<hbm>>) dst(%arg20 : memref<1600xi32, #tpu.memory_space<vmem>>)
      %dma_wait3A_116 = arith.constant 0 : i32
      %dma_wait3A_117 = tpu.memref_slice %arg5[%dma_wait3A_116] : memref<320000xf32, #tpu.memory_space<hbm>> -> memref<1600xf32, #tpu.memory_space<hbm>>
      %dma_wait3A_118 = arith.constant 0 : i32
      %dma_wait3A_119 = tpu.memref_slice %arg5[%dma_wait3A_118] : memref<320000xf32, #tpu.memory_space<hbm>> -> memref<1600xf32, #tpu.memory_space<hbm>>
      tpu.wait_dma2 semaphore(%arg24 : memref<!tpu.dma_semaphore, #tpu.memory_space<semaphore_mem>>) src(%dma_wait3A_119 : memref<1600xf32, #tpu.memory_space<hbm>>) dst(%arg22 : memref<1600xf32, #tpu.memory_space<vmem>>)
      %parallel_loop3A_120 = arith.constant 0 : i32
      %parallel_loop3A_121 = arith.constant 1600 : i32
      %parallel_loop3A_122 = arith.constant 16 : i32
      scf.for %parallel_loop3A_123 = %parallel_loop3A_120 to %parallel_loop3A_121 step %parallel_loop3A_122  : i32 {
        %parallel_loop3A_124 = arith.index_cast %parallel_loop3A_123 : i32 to index
        %parallel_loop3A_125 = tpu.vector_load %arg18[%parallel_loop3A_124] {strides = array<i32>} : memref<1600xi32, #tpu.memory_space<vmem>>, vector<16xi32>,
        %parallel_loop3A_126 = arith.index_cast %parallel_loop3A_123 : i32 to index
        %parallel_loop3A_127 = tpu.vector_load %arg20[%parallel_loop3A_126] {strides = array<i32>} : memref<1600xi32, #tpu.memory_space<vmem>>, vector<16xi32>,
        %parallel_loop3A_128 = arith.index_cast %parallel_loop3A_123 : i32 to index
        %parallel_loop3A_129 = tpu.vector_load %arg22[%parallel_loop3A_128] {strides = array<i32>} : memref<1600xf32, #tpu.memory_space<vmem>>, vector<16xf32>,
        %parallel_loop3A_130 = tpu.vector_load_idx %arg7[%parallel_loop3A_125] : memref<10000xf32, #tpu.memory_space<vmem>>[vector<16xi32>], vector<16xf32>,
        %parallel_loop3A_131 = arith.mulf %parallel_loop3A_130, %parallel_loop3A_129 : vector<16xf32>
        tpu.vector_store_idx %arg12[%parallel_loop3A_127], %parallel_loop3A_131 {add = true} : memref<10000xf32, #tpu.memory_space<vmem>>[vector<16xi32>], vector<16xf32>,
        %parallel_loop3A_132 = tpu.vector_load_idx %arg8[%parallel_loop3A_125] : memref<10000xf32, #tpu.memory_space<vmem>>[vector<16xi32>], vector<16xf32>,
        %parallel_loop3A_133 = arith.mulf %parallel_loop3A_132, %parallel_loop3A_129 : vector<16xf32>
        tpu.vector_store_idx %arg13[%parallel_loop3A_127], %parallel_loop3A_133 {add = true} : memref<10000xf32, #tpu.memory_space<vmem>>[vector<16xi32>], vector<16xf32>,
        %parallel_loop3A_134 = tpu.vector_load_idx %arg9[%parallel_loop3A_125] : memref<10000xf32, #tpu.memory_space<vmem>>[vector<16xi32>], vector<16xf32>,
        %parallel_loop3A_135 = arith.mulf %parallel_loop3A_134, %parallel_loop3A_129 : vector<16xf32>
        tpu.vector_store_idx %arg14[%parallel_loop3A_127], %parallel_loop3A_135 {add = true} : memref<10000xf32, #tpu.memory_space<vmem>>[vector<16xi32>], vector<16xf32>,
        %parallel_loop3A_136 = tpu.vector_load_idx %arg10[%parallel_loop3A_125] : memref<10000xf32, #tpu.memory_space<vmem>>[vector<16xi32>], vector<16xf32>,
        %parallel_loop3A_137 = arith.mulf %parallel_loop3A_136, %parallel_loop3A_129 : vector<16xf32>
        tpu.vector_store_idx %arg15[%parallel_loop3A_127], %parallel_loop3A_137 {add = true} : memref<10000xf32, #tpu.memory_space<vmem>>[vector<16xi32>], vector<16xf32>,
        %parallel_loop3A_138 = tpu.vector_load_idx %arg11[%parallel_loop3A_125] : memref<10000xf32, #tpu.memory_space<vmem>>[vector<16xi32>], vector<16xf32>,
        %parallel_loop3A_139 = arith.mulf %parallel_loop3A_138, %parallel_loop3A_129 : vector<16xf32>
        tpu.vector_store_idx %arg16[%parallel_loop3A_127], %parallel_loop3A_139 {add = true} : memref<10000xf32, #tpu.memory_space<vmem>>[vector<16xi32>], vector<16xf32>,
      } {sc.loop_unroll_factor = 4 : i64, sc.parallel_access}
    }
    %scan3A_39 = arith.constant 25 : i32
    %add3A_40 = arith.constant 0 : i32
    %add3A_41 = arith.addi %and3A_0, %add3A_40 : i32
    %lt3A = arith.constant 40 : i32
    %lt3A_42 = arith.cmpi slt, %add3A_41, %lt3A : i32
    %convert_element_type3A = arith.extui %lt3A_42 : i1 to i32
    %cond3A = arith.constant 0 : i32
    %cond3A_43 = arith.cmpi ne, %convert_element_type3A, %cond3A : i32
    scf.if %cond3A_43 {
      "tpu.region"() ({
        %run_scoped3A = tpu.sem_alloc : memref<!tpu.dma_semaphore, #tpu.memory_space<semaphore_mem>>
        %dma_start3A_72 = arith.constant 0 : i32
        %dma_start3A_73 = tpu.memref_slice %arg6[%add3A, %add3A_41, %dma_start3A_72] : memref<4x40x10000xf32, #tpu.memory_space<hbm>> -> memref<1x1x10000xf32, #tpu.memory_space<hbm>>
        %dma_start3A_74 = tpu.memref_squeeze %dma_start3A_73 : memref<1x1x10000xf32, #tpu.memory_space<hbm>> -> memref<10000xf32, #tpu.memory_space<hbm>>
        %dma_start3A_75 = arith.constant 0 : i32
        %dma_start3A_76 = tpu.memref_slice %arg6[%add3A, %add3A_41, %dma_start3A_75] : memref<4x40x10000xf32, #tpu.memory_space<hbm>> -> memref<1x1x10000xf32, #tpu.memory_space<hbm>>
        %dma_start3A_77 = tpu.memref_squeeze %dma_start3A_76 : memref<1x1x10000xf32, #tpu.memory_space<hbm>> -> memref<10000xf32, #tpu.memory_space<hbm>>
        tpu.enqueue_dma source(%arg12 : memref<10000xf32, #tpu.memory_space<vmem>>) target(%dma_start3A_77 : memref<10000xf32, #tpu.memory_space<hbm>>) target_semaphore(%run_scoped3A : memref<!tpu.dma_semaphore, #tpu.memory_space<semaphore_mem>>)
        %dma_wait3A = arith.constant 0 : i32
        %dma_wait3A_78 = tpu.memref_slice %arg6[%add3A, %add3A_41, %dma_wait3A] : memref<4x40x10000xf32, #tpu.memory_space<hbm>> -> memref<1x1x10000xf32, #tpu.memory_space<hbm>>
        %dma_wait3A_79 = tpu.memref_squeeze %dma_wait3A_78 : memref<1x1x10000xf32, #tpu.memory_space<hbm>> -> memref<10000xf32, #tpu.memory_space<hbm>>
        %dma_wait3A_80 = arith.constant 0 : i32
        %dma_wait3A_81 = tpu.memref_slice %arg6[%add3A, %add3A_41, %dma_wait3A_80] : memref<4x40x10000xf32, #tpu.memory_space<hbm>> -> memref<1x1x10000xf32, #tpu.memory_space<hbm>>
        %dma_wait3A_82 = tpu.memref_squeeze %dma_wait3A_81 : memref<1x1x10000xf32, #tpu.memory_space<hbm>> -> memref<10000xf32, #tpu.memory_space<hbm>>
        tpu.wait_dma2 semaphore(%run_scoped3A : memref<!tpu.dma_semaphore, #tpu.memory_space<semaphore_mem>>) src(%arg12 : memref<10000xf32, #tpu.memory_space<vmem>>) dst(%dma_wait3A_82 : memref<10000xf32, #tpu.memory_space<hbm>>)
        tpu.yield
      }) : () -> ()
    } else {
    }
    %add3A_44 = arith.constant 8 : i32
    %add3A_45 = arith.addi %and3A_0, %add3A_44 : i32
    %lt3A_46 = arith.constant 40 : i32
    %lt3A_47 = arith.cmpi slt, %add3A_45, %lt3A_46 : i32
    %convert_element_type3A_48 = arith.extui %lt3A_47 : i1 to i32
    %cond3A_49 = arith.constant 0 : i32
    %cond3A_50 = arith.cmpi ne, %convert_element_type3A_48, %cond3A_49 : i32
    scf.if %cond3A_50 {
      "tpu.region"() ({
        %run_scoped3A = tpu.sem_alloc : memref<!tpu.dma_semaphore, #tpu.memory_space<semaphore_mem>>
        %dma_start3A_72 = arith.constant 0 : i32
        %dma_start3A_73 = tpu.memref_slice %arg6[%add3A, %add3A_45, %dma_start3A_72] : memref<4x40x10000xf32, #tpu.memory_space<hbm>> -> memref<1x1x10000xf32, #tpu.memory_space<hbm>>
        %dma_start3A_74 = tpu.memref_squeeze %dma_start3A_73 : memref<1x1x10000xf32, #tpu.memory_space<hbm>> -> memref<10000xf32, #tpu.memory_space<hbm>>
        %dma_start3A_75 = arith.constant 0 : i32
        %dma_start3A_76 = tpu.memref_slice %arg6[%add3A, %add3A_45, %dma_start3A_75] : memref<4x40x10000xf32, #tpu.memory_space<hbm>> -> memref<1x1x10000xf32, #tpu.memory_space<hbm>>
        %dma_start3A_77 = tpu.memref_squeeze %dma_start3A_76 : memref<1x1x10000xf32, #tpu.memory_space<hbm>> -> memref<10000xf32, #tpu.memory_space<hbm>>
        tpu.enqueue_dma source(%arg13 : memref<10000xf32, #tpu.memory_space<vmem>>) target(%dma_start3A_77 : memref<10000xf32, #tpu.memory_space<hbm>>) target_semaphore(%run_scoped3A : memref<!tpu.dma_semaphore, #tpu.memory_space<semaphore_mem>>)
        %dma_wait3A = arith.constant 0 : i32
        %dma_wait3A_78 = tpu.memref_slice %arg6[%add3A, %add3A_45, %dma_wait3A] : memref<4x40x10000xf32, #tpu.memory_space<hbm>> -> memref<1x1x10000xf32, #tpu.memory_space<hbm>>
        %dma_wait3A_79 = tpu.memref_squeeze %dma_wait3A_78 : memref<1x1x10000xf32, #tpu.memory_space<hbm>> -> memref<10000xf32, #tpu.memory_space<hbm>>
        %dma_wait3A_80 = arith.constant 0 : i32
        %dma_wait3A_81 = tpu.memref_slice %arg6[%add3A, %add3A_45, %dma_wait3A_80] : memref<4x40x10000xf32, #tpu.memory_space<hbm>> -> memref<1x1x10000xf32, #tpu.memory_space<hbm>>
        %dma_wait3A_82 = tpu.memref_squeeze %dma_wait3A_81 : memref<1x1x10000xf32, #tpu.memory_space<hbm>> -> memref<10000xf32, #tpu.memory_space<hbm>>
        tpu.wait_dma2 semaphore(%run_scoped3A : memref<!tpu.dma_semaphore, #tpu.memory_space<semaphore_mem>>) src(%arg13 : memref<10000xf32, #tpu.memory_space<vmem>>) dst(%dma_wait3A_82 : memref<10000xf32, #tpu.memory_space<hbm>>)
        tpu.yield
      }) : () -> ()
    } else {
    }
    %add3A_51 = arith.constant 16 : i32
    %add3A_52 = arith.addi %and3A_0, %add3A_51 : i32
    %lt3A_53 = arith.constant 40 : i32
    %lt3A_54 = arith.cmpi slt, %add3A_52, %lt3A_53 : i32
    %convert_element_type3A_55 = arith.extui %lt3A_54 : i1 to i32
    %cond3A_56 = arith.constant 0 : i32
    %cond3A_57 = arith.cmpi ne, %convert_element_type3A_55, %cond3A_56 : i32
    scf.if %cond3A_57 {
      "tpu.region"() ({
        %run_scoped3A = tpu.sem_alloc : memref<!tpu.dma_semaphore, #tpu.memory_space<semaphore_mem>>
        %dma_start3A_72 = arith.constant 0 : i32
        %dma_start3A_73 = tpu.memref_slice %arg6[%add3A, %add3A_52, %dma_start3A_72] : memref<4x40x10000xf32, #tpu.memory_space<hbm>> -> memref<1x1x10000xf32, #tpu.memory_space<hbm>>
        %dma_start3A_74 = tpu.memref_squeeze %dma_start3A_73 : memref<1x1x10000xf32, #tpu.memory_space<hbm>> -> memref<10000xf32, #tpu.memory_space<hbm>>
        %dma_start3A_75 = arith.constant 0 : i32
        %dma_start3A_76 = tpu.memref_slice %arg6[%add3A, %add3A_52, %dma_start3A_75] : memref<4x40x10000xf32, #tpu.memory_space<hbm>> -> memref<1x1x10000xf32, #tpu.memory_space<hbm>>
        %dma_start3A_77 = tpu.memref_squeeze %dma_start3A_76 : memref<1x1x10000xf32, #tpu.memory_space<hbm>> -> memref<10000xf32, #tpu.memory_space<hbm>>
        tpu.enqueue_dma source(%arg14 : memref<10000xf32, #tpu.memory_space<vmem>>) target(%dma_start3A_77 : memref<10000xf32, #tpu.memory_space<hbm>>) target_semaphore(%run_scoped3A : memref<!tpu.dma_semaphore, #tpu.memory_space<semaphore_mem>>)
        %dma_wait3A = arith.constant 0 : i32
        %dma_wait3A_78 = tpu.memref_slice %arg6[%add3A, %add3A_52, %dma_wait3A] : memref<4x40x10000xf32, #tpu.memory_space<hbm>> -> memref<1x1x10000xf32, #tpu.memory_space<hbm>>
        %dma_wait3A_79 = tpu.memref_squeeze %dma_wait3A_78 : memref<1x1x10000xf32, #tpu.memory_space<hbm>> -> memref<10000xf32, #tpu.memory_space<hbm>>
        %dma_wait3A_80 = arith.constant 0 : i32
        %dma_wait3A_81 = tpu.memref_slice %arg6[%add3A, %add3A_52, %dma_wait3A_80] : memref<4x40x10000xf32, #tpu.memory_space<hbm>> -> memref<1x1x10000xf32, #tpu.memory_space<hbm>>
        %dma_wait3A_82 = tpu.memref_squeeze %dma_wait3A_81 : memref<1x1x10000xf32, #tpu.memory_space<hbm>> -> memref<10000xf32, #tpu.memory_space<hbm>>
        tpu.wait_dma2 semaphore(%run_scoped3A : memref<!tpu.dma_semaphore, #tpu.memory_space<semaphore_mem>>) src(%arg14 : memref<10000xf32, #tpu.memory_space<vmem>>) dst(%dma_wait3A_82 : memref<10000xf32, #tpu.memory_space<hbm>>)
        tpu.yield
      }) : () -> ()
    } else {
    }
    %add3A_58 = arith.constant 24 : i32
    %add3A_59 = arith.addi %and3A_0, %add3A_58 : i32
    %lt3A_60 = arith.constant 40 : i32
    %lt3A_61 = arith.cmpi slt, %add3A_59, %lt3A_60 : i32
    %convert_element_type3A_62 = arith.extui %lt3A_61 : i1 to i32
    %cond3A_63 = arith.constant 0 : i32
    %cond3A_64 = arith.cmpi ne, %convert_element_type3A_62, %cond3A_63 : i32
    scf.if %cond3A_64 {
      "tpu.region"() ({
        %run_scoped3A = tpu.sem_alloc : memref<!tpu.dma_semaphore, #tpu.memory_space<semaphore_mem>>
        %dma_start3A_72 = arith.constant 0 : i32
        %dma_start3A_73 = tpu.memref_slice %arg6[%add3A, %add3A_59, %dma_start3A_72] : memref<4x40x10000xf32, #tpu.memory_space<hbm>> -> memref<1x1x10000xf32, #tpu.memory_space<hbm>>
        %dma_start3A_74 = tpu.memref_squeeze %dma_start3A_73 : memref<1x1x10000xf32, #tpu.memory_space<hbm>> -> memref<10000xf32, #tpu.memory_space<hbm>>
        %dma_start3A_75 = arith.constant 0 : i32
        %dma_start3A_76 = tpu.memref_slice %arg6[%add3A, %add3A_59, %dma_start3A_75] : memref<4x40x10000xf32, #tpu.memory_space<hbm>> -> memref<1x1x10000xf32, #tpu.memory_space<hbm>>
        %dma_start3A_77 = tpu.memref_squeeze %dma_start3A_76 : memref<1x1x10000xf32, #tpu.memory_space<hbm>> -> memref<10000xf32, #tpu.memory_space<hbm>>
        tpu.enqueue_dma source(%arg15 : memref<10000xf32, #tpu.memory_space<vmem>>) target(%dma_start3A_77 : memref<10000xf32, #tpu.memory_space<hbm>>) target_semaphore(%run_scoped3A : memref<!tpu.dma_semaphore, #tpu.memory_space<semaphore_mem>>)
        %dma_wait3A = arith.constant 0 : i32
        %dma_wait3A_78 = tpu.memref_slice %arg6[%add3A, %add3A_59, %dma_wait3A] : memref<4x40x10000xf32, #tpu.memory_space<hbm>> -> memref<1x1x10000xf32, #tpu.memory_space<hbm>>
        %dma_wait3A_79 = tpu.memref_squeeze %dma_wait3A_78 : memref<1x1x10000xf32, #tpu.memory_space<hbm>> -> memref<10000xf32, #tpu.memory_space<hbm>>
        %dma_wait3A_80 = arith.constant 0 : i32
        %dma_wait3A_81 = tpu.memref_slice %arg6[%add3A, %add3A_59, %dma_wait3A_80] : memref<4x40x10000xf32, #tpu.memory_space<hbm>> -> memref<1x1x10000xf32, #tpu.memory_space<hbm>>
        %dma_wait3A_82 = tpu.memref_squeeze %dma_wait3A_81 : memref<1x1x10000xf32, #tpu.memory_space<hbm>> -> memref<10000xf32, #tpu.memory_space<hbm>>
        tpu.wait_dma2 semaphore(%run_scoped3A : memref<!tpu.dma_semaphore, #tpu.memory_space<semaphore_mem>>) src(%arg15 : memref<10000xf32, #tpu.memory_space<vmem>>) dst(%dma_wait3A_82 : memref<10000xf32, #tpu.memory_space<hbm>>)
        tpu.yield
      }) : () -> ()
    } else {
    }
    %add3A_65 = arith.constant 32 : i32
    %add3A_66 = arith.addi %and3A_0, %add3A_65 : i32
    %lt3A_67 = arith.constant 40 : i32
    %lt3A_68 = arith.cmpi slt, %add3A_66, %lt3A_67 : i32
    %convert_element_type3A_69 = arith.extui %lt3A_68 : i1 to i32
    %cond3A_70 = arith.constant 0 : i32
    %cond3A_71 = arith.cmpi ne, %convert_element_type3A_69, %cond3A_70 : i32
    scf.if %cond3A_71 {
      "tpu.region"() ({
        %run_scoped3A = tpu.sem_alloc : memref<!tpu.dma_semaphore, #tpu.memory_space<semaphore_mem>>
        %dma_start3A_72 = arith.constant 0 : i32
        %dma_start3A_73 = tpu.memref_slice %arg6[%add3A, %add3A_66, %dma_start3A_72] : memref<4x40x10000xf32, #tpu.memory_space<hbm>> -> memref<1x1x10000xf32, #tpu.memory_space<hbm>>
        %dma_start3A_74 = tpu.memref_squeeze %dma_start3A_73 : memref<1x1x10000xf32, #tpu.memory_space<hbm>> -> memref<10000xf32, #tpu.memory_space<hbm>>
        %dma_start3A_75 = arith.constant 0 : i32
        %dma_start3A_76 = tpu.memref_slice %arg6[%add3A, %add3A_66, %dma_start3A_75] : memref<4x40x10000xf32, #tpu.memory_space<hbm>> -> memref<1x1x10000xf32, #tpu.memory_space<hbm>>
        %dma_start3A_77 = tpu.memref_squeeze %dma_start3A_76 : memref<1x1x10000xf32, #tpu.memory_space<hbm>> -> memref<10000xf32, #tpu.memory_space<hbm>>
        tpu.enqueue_dma source(%arg16 : memref<10000xf32, #tpu.memory_space<vmem>>) target(%dma_start3A_77 : memref<10000xf32, #tpu.memory_space<hbm>>) target_semaphore(%run_scoped3A : memref<!tpu.dma_semaphore, #tpu.memory_space<semaphore_mem>>)
        %dma_wait3A = arith.constant 0 : i32
        %dma_wait3A_78 = tpu.memref_slice %arg6[%add3A, %add3A_66, %dma_wait3A] : memref<4x40x10000xf32, #tpu.memory_space<hbm>> -> memref<1x1x10000xf32, #tpu.memory_space<hbm>>
        %dma_wait3A_79 = tpu.memref_squeeze %dma_wait3A_78 : memref<1x1x10000xf32, #tpu.memory_space<hbm>> -> memref<10000xf32, #tpu.memory_space<hbm>>
        %dma_wait3A_80 = arith.constant 0 : i32
        %dma_wait3A_81 = tpu.memref_slice %arg6[%add3A, %add3A_66, %dma_wait3A_80] : memref<4x40x10000xf32, #tpu.memory_space<hbm>> -> memref<1x1x10000xf32, #tpu.memory_space<hbm>>
        %dma_wait3A_82 = tpu.memref_squeeze %dma_wait3A_81 : memref<1x1x10000xf32, #tpu.memory_space<hbm>> -> memref<10000xf32, #tpu.memory_space<hbm>>
        tpu.wait_dma2 semaphore(%run_scoped3A : memref<!tpu.dma_semaphore, #tpu.memory_space<semaphore_mem>>) src(%arg16 : memref<10000xf32, #tpu.memory_space<vmem>>) dst(%dma_wait3A_82 : memref<10000xf32, #tpu.memory_space<hbm>>)
        tpu.yield
      }) : () -> ()
    } else {
    }
    return
  }
}

#map = affine_map<(d0, d1) -> (0, 0)>
#map1 = affine_map<(d0, d1) -> (0)>
module attributes {stable_mosaic.version = 14 : i64} {
  func.func @_sca_body(%arg0: i32, %arg1: i32, %arg2: memref<2x10000xf32, #tpu.memory_space<hbm>>, %arg3: memref<320000xi32, #tpu.memory_space<hbm>>, %arg4: memref<320000xi32, #tpu.memory_space<hbm>>, %arg5: memref<320000xf32, #tpu.memory_space<hbm>>, %arg6: memref<32x10000xf32, #tpu.memory_space<hbm>>, %arg7: memref<10000xf32, #tpu.memory_space<vmem>>, %arg8: memref<10000xf32, #tpu.memory_space<vmem>>, %arg9: memref<10000xi32, #tpu.memory_space<vmem>>, %arg10: memref<10000xi32, #tpu.memory_space<vmem>>, %arg11: memref<10000xf32, #tpu.memory_space<vmem>>, %arg12: memref<10000xf32, #tpu.memory_space<vmem>>, %arg13: memref<!tpu.dma_semaphore, #tpu.memory_space<semaphore_mem>>) attributes {dimension_semantics = [#tpu.dimension_semantics<core_parallel>, #tpu.dimension_semantics<subcore_parallel>], iteration_bounds = array<i64: 2, 16>, scalar_prefetch = 0 : i64, scratch_operands = 7 : i64, tpu.core_type = #tpu.core_type<sc_vector_subcore>, window_params = [{transform_indices = #map}, {transform_indices = #map1}, {transform_indices = #map1}, {transform_indices = #map1}, {transform_indices = #map}]} {
    %mul3A = arith.constant 16 : i32
    %mul3A_0 = arith.muli %arg0, %mul3A : i32
    %add3A = arith.addi %mul3A_0, %arg1 : i32
    %mul3A_1 = arith.constant 10000 : i32
    %mul3A_2 = arith.muli %add3A, %mul3A_1 : i32
    %dma_start3A = arith.constant 0 : i32
    %dma_start3A_3 = arith.constant 0 : i32
    %dma_start3A_4 = tpu.memref_slice %arg2[%dma_start3A, %dma_start3A_3] : memref<2x10000xf32, #tpu.memory_space<hbm>> -> memref<1x10000xf32, #tpu.memory_space<hbm>>
    %dma_start3A_5 = tpu.memref_squeeze %dma_start3A_4 : memref<1x10000xf32, #tpu.memory_space<hbm>> -> memref<10000xf32, #tpu.memory_space<hbm>>
    %dma_start3A_6 = arith.constant 0 : i32
    %dma_start3A_7 = tpu.memref_slice %arg2[%dma_start3A, %dma_start3A_6] : memref<2x10000xf32, #tpu.memory_space<hbm>> -> memref<1x10000xf32, #tpu.memory_space<hbm>>
    %dma_start3A_8 = tpu.memref_squeeze %dma_start3A_7 : memref<1x10000xf32, #tpu.memory_space<hbm>> -> memref<10000xf32, #tpu.memory_space<hbm>>
    tpu.enqueue_dma source(%dma_start3A_8 : memref<10000xf32, #tpu.memory_space<hbm>>) target(%arg7 : memref<10000xf32, #tpu.memory_space<vmem>>) target_semaphore(%arg13 : memref<!tpu.dma_semaphore, #tpu.memory_space<semaphore_mem>>)
    %dma_start3A_9 = arith.constant 1 : i32
    %dma_start3A_10 = arith.constant 0 : i32
    %dma_start3A_11 = tpu.memref_slice %arg2[%dma_start3A_9, %dma_start3A_10] : memref<2x10000xf32, #tpu.memory_space<hbm>> -> memref<1x10000xf32, #tpu.memory_space<hbm>>
    %dma_start3A_12 = tpu.memref_squeeze %dma_start3A_11 : memref<1x10000xf32, #tpu.memory_space<hbm>> -> memref<10000xf32, #tpu.memory_space<hbm>>
    %dma_start3A_13 = arith.constant 0 : i32
    %dma_start3A_14 = tpu.memref_slice %arg2[%dma_start3A_9, %dma_start3A_13] : memref<2x10000xf32, #tpu.memory_space<hbm>> -> memref<1x10000xf32, #tpu.memory_space<hbm>>
    %dma_start3A_15 = tpu.memref_squeeze %dma_start3A_14 : memref<1x10000xf32, #tpu.memory_space<hbm>> -> memref<10000xf32, #tpu.memory_space<hbm>>
    tpu.enqueue_dma source(%dma_start3A_15 : memref<10000xf32, #tpu.memory_space<hbm>>) target(%arg8 : memref<10000xf32, #tpu.memory_space<vmem>>) target_semaphore(%arg13 : memref<!tpu.dma_semaphore, #tpu.memory_space<semaphore_mem>>)
    %dma_start3A_16 = tpu.memref_slice %arg3[%mul3A_2] : memref<320000xi32, #tpu.memory_space<hbm>> -> memref<10000xi32, #tpu.memory_space<hbm>>
    %dma_start3A_17 = tpu.memref_slice %arg3[%mul3A_2] : memref<320000xi32, #tpu.memory_space<hbm>> -> memref<10000xi32, #tpu.memory_space<hbm>>
    tpu.enqueue_dma source(%dma_start3A_17 : memref<10000xi32, #tpu.memory_space<hbm>>) target(%arg9 : memref<10000xi32, #tpu.memory_space<vmem>>) target_semaphore(%arg13 : memref<!tpu.dma_semaphore, #tpu.memory_space<semaphore_mem>>)
    %dma_start3A_18 = tpu.memref_slice %arg4[%mul3A_2] : memref<320000xi32, #tpu.memory_space<hbm>> -> memref<10000xi32, #tpu.memory_space<hbm>>
    %dma_start3A_19 = tpu.memref_slice %arg4[%mul3A_2] : memref<320000xi32, #tpu.memory_space<hbm>> -> memref<10000xi32, #tpu.memory_space<hbm>>
    tpu.enqueue_dma source(%dma_start3A_19 : memref<10000xi32, #tpu.memory_space<hbm>>) target(%arg10 : memref<10000xi32, #tpu.memory_space<vmem>>) target_semaphore(%arg13 : memref<!tpu.dma_semaphore, #tpu.memory_space<semaphore_mem>>)
    %dma_wait3A = arith.constant 0 : i32
    %dma_wait3A_20 = arith.constant 0 : i32
    %dma_wait3A_21 = tpu.memref_slice %arg2[%dma_wait3A, %dma_wait3A_20] : memref<2x10000xf32, #tpu.memory_space<hbm>> -> memref<1x10000xf32, #tpu.memory_space<hbm>>
    %dma_wait3A_22 = tpu.memref_squeeze %dma_wait3A_21 : memref<1x10000xf32, #tpu.memory_space<hbm>> -> memref<10000xf32, #tpu.memory_space<hbm>>
    %dma_wait3A_23 = arith.constant 0 : i32
    %dma_wait3A_24 = tpu.memref_slice %arg2[%dma_wait3A, %dma_wait3A_23] : memref<2x10000xf32, #tpu.memory_space<hbm>> -> memref<1x10000xf32, #tpu.memory_space<hbm>>
    %dma_wait3A_25 = tpu.memref_squeeze %dma_wait3A_24 : memref<1x10000xf32, #tpu.memory_space<hbm>> -> memref<10000xf32, #tpu.memory_space<hbm>>
    tpu.wait_dma2 semaphore(%arg13 : memref<!tpu.dma_semaphore, #tpu.memory_space<semaphore_mem>>) src(%dma_wait3A_25 : memref<10000xf32, #tpu.memory_space<hbm>>) dst(%arg7 : memref<10000xf32, #tpu.memory_space<vmem>>)
    %dma_wait3A_26 = arith.constant 1 : i32
    %dma_wait3A_27 = arith.constant 0 : i32
    %dma_wait3A_28 = tpu.memref_slice %arg2[%dma_wait3A_26, %dma_wait3A_27] : memref<2x10000xf32, #tpu.memory_space<hbm>> -> memref<1x10000xf32, #tpu.memory_space<hbm>>
    %dma_wait3A_29 = tpu.memref_squeeze %dma_wait3A_28 : memref<1x10000xf32, #tpu.memory_space<hbm>> -> memref<10000xf32, #tpu.memory_space<hbm>>
    %dma_wait3A_30 = arith.constant 0 : i32
    %dma_wait3A_31 = tpu.memref_slice %arg2[%dma_wait3A_26, %dma_wait3A_30] : memref<2x10000xf32, #tpu.memory_space<hbm>> -> memref<1x10000xf32, #tpu.memory_space<hbm>>
    %dma_wait3A_32 = tpu.memref_squeeze %dma_wait3A_31 : memref<1x10000xf32, #tpu.memory_space<hbm>> -> memref<10000xf32, #tpu.memory_space<hbm>>
    tpu.wait_dma2 semaphore(%arg13 : memref<!tpu.dma_semaphore, #tpu.memory_space<semaphore_mem>>) src(%dma_wait3A_32 : memref<10000xf32, #tpu.memory_space<hbm>>) dst(%arg8 : memref<10000xf32, #tpu.memory_space<vmem>>)
    %dma_wait3A_33 = arith.constant 0 : i32
    %dma_wait3A_34 = tpu.memref_slice %arg3[%dma_wait3A_33] : memref<320000xi32, #tpu.memory_space<hbm>> -> memref<10000xi32, #tpu.memory_space<hbm>>
    %dma_wait3A_35 = arith.constant 0 : i32
    %dma_wait3A_36 = tpu.memref_slice %arg3[%dma_wait3A_35] : memref<320000xi32, #tpu.memory_space<hbm>> -> memref<10000xi32, #tpu.memory_space<hbm>>
    tpu.wait_dma2 semaphore(%arg13 : memref<!tpu.dma_semaphore, #tpu.memory_space<semaphore_mem>>) src(%dma_wait3A_36 : memref<10000xi32, #tpu.memory_space<hbm>>) dst(%arg9 : memref<10000xi32, #tpu.memory_space<vmem>>)
    %dma_wait3A_37 = arith.constant 0 : i32
    %dma_wait3A_38 = tpu.memref_slice %arg4[%dma_wait3A_37] : memref<320000xi32, #tpu.memory_space<hbm>> -> memref<10000xi32, #tpu.memory_space<hbm>>
    %dma_wait3A_39 = arith.constant 0 : i32
    %dma_wait3A_40 = tpu.memref_slice %arg4[%dma_wait3A_39] : memref<320000xi32, #tpu.memory_space<hbm>> -> memref<10000xi32, #tpu.memory_space<hbm>>
    tpu.wait_dma2 semaphore(%arg13 : memref<!tpu.dma_semaphore, #tpu.memory_space<semaphore_mem>>) src(%dma_wait3A_40 : memref<10000xi32, #tpu.memory_space<hbm>>) dst(%arg10 : memref<10000xi32, #tpu.memory_space<vmem>>)
    %scan3A = arith.constant 0 : i32
    %scan3A_41 = arith.constant 625 : i32
    %scan3A_42 = arith.addi %scan3A, %scan3A_41 : i32
    %scan3A_43 = arith.constant 1 : i32
    scf.for %scan3A_47 = %scan3A to %scan3A_42 step %scan3A_43  : i32 {
      %mul3A_48 = arith.constant 16 : i32
      %mul3A_49 = arith.muli %scan3A_47, %mul3A_48 : i32
      %add3A_50 = arith.constant 0 : i32
      %add3A_51 = arith.addi %add3A_50, %mul3A_49 : i32
      %broadcast_in_dim3A = arith.constant 0.000000e+00 : f32
      %broadcast_in_dim3A_52 = vector.broadcast %broadcast_in_dim3A : f32 to vector<16xf32>
      %swap3A = arith.index_cast %add3A_51 : i32 to index
      %swap3A_53 = tpu.vector_load %arg12[%swap3A] {strides = array<i32>} : memref<10000xf32, #tpu.memory_space<vmem>>, vector<16xf32>,
      tpu.vector_store %arg12[%swap3A], %broadcast_in_dim3A_52 {strides = array<i32>} : memref<10000xf32, #tpu.memory_space<vmem>>, vector<16xf32>,
    }
    %scan3A_44 = arith.constant 625 : i32
    %parallel_loop3A = arith.constant 0 : i32
    %parallel_loop3A_45 = arith.constant 10000 : i32
    %parallel_loop3A_46 = arith.constant 16 : i32
    scf.for %parallel_loop3A_47 = %parallel_loop3A to %parallel_loop3A_45 step %parallel_loop3A_46  : i32 {
      %parallel_loop3A_48 = arith.index_cast %parallel_loop3A_47 : i32 to index
      %parallel_loop3A_49 = tpu.vector_load %arg9[%parallel_loop3A_48] {strides = array<i32>} : memref<10000xi32, #tpu.memory_space<vmem>>, vector<16xi32>,
      %parallel_loop3A_50 = arith.index_cast %parallel_loop3A_47 : i32 to index
      %parallel_loop3A_51 = tpu.vector_load %arg10[%parallel_loop3A_50] {strides = array<i32>} : memref<10000xi32, #tpu.memory_space<vmem>>, vector<16xi32>,
      %parallel_loop3A_52 = tpu.vector_load_idx %arg7[%parallel_loop3A_51] : memref<10000xf32, #tpu.memory_space<vmem>>[vector<16xi32>], vector<16xf32>,
      %parallel_loop3A_53 = tpu.vector_load_idx %arg8[%parallel_loop3A_49] : memref<10000xf32, #tpu.memory_space<vmem>>[vector<16xi32>], vector<16xf32>,
      %parallel_loop3A_54 = arith.addf %parallel_loop3A_52, %parallel_loop3A_53 : vector<16xf32>
      %parallel_loop3A_55 = arith.constant 0.000000e+00 : f32
      %parallel_loop3A_56 = vector.broadcast %parallel_loop3A_55 : f32 to vector<16xf32>
      %parallel_loop3A_57 = arith.cmpf oge, %parallel_loop3A_54, %parallel_loop3A_56 : vector<16xf32>
      %parallel_loop3A_58 = arith.constant 2.000000e-01 : f32
      %parallel_loop3A_59 = vector.broadcast %parallel_loop3A_58 : f32 to vector<16xf32>
      %parallel_loop3A_60 = arith.mulf %parallel_loop3A_59, %parallel_loop3A_54 : vector<16xf32>
      %parallel_loop3A_61 = arith.select %parallel_loop3A_57, %parallel_loop3A_54, %parallel_loop3A_60 : vector<16xi1>, vector<16xf32>
      %parallel_loop3A_62 = math.exp %parallel_loop3A_61 : vector<16xf32>
      %parallel_loop3A_63 = arith.index_cast %parallel_loop3A_47 : i32 to index
      %parallel_loop3A_64 = tpu.vector_load %arg11[%parallel_loop3A_63] {strides = array<i32>} : memref<10000xf32, #tpu.memory_space<vmem>>, vector<16xf32>,
      tpu.vector_store %arg11[%parallel_loop3A_63], %parallel_loop3A_62 {strides = array<i32>} : memref<10000xf32, #tpu.memory_space<vmem>>, vector<16xf32>,
      tpu.vector_store_idx %arg12[%parallel_loop3A_51], %parallel_loop3A_62 {add = true} : memref<10000xf32, #tpu.memory_space<vmem>>[vector<16xi32>], vector<16xf32>,
    } {sc.loop_unroll_factor = 8 : i64, sc.parallel_access}
    "tpu.region"() ({
      %run_scoped3A = tpu.sem_alloc : memref<!tpu.dma_semaphore, #tpu.memory_space<semaphore_mem>>
      %dma_start3A_47 = tpu.memref_slice %arg5[%mul3A_2] : memref<320000xf32, #tpu.memory_space<hbm>> -> memref<10000xf32, #tpu.memory_space<hbm>>
      %dma_start3A_48 = tpu.memref_slice %arg5[%mul3A_2] : memref<320000xf32, #tpu.memory_space<hbm>> -> memref<10000xf32, #tpu.memory_space<hbm>>
      tpu.enqueue_dma source(%arg11 : memref<10000xf32, #tpu.memory_space<vmem>>) target(%dma_start3A_48 : memref<10000xf32, #tpu.memory_space<hbm>>) target_semaphore(%run_scoped3A : memref<!tpu.dma_semaphore, #tpu.memory_space<semaphore_mem>>)
      %dma_wait3A_49 = tpu.memref_slice %arg5[%mul3A_2] : memref<320000xf32, #tpu.memory_space<hbm>> -> memref<10000xf32, #tpu.memory_space<hbm>>
      %dma_wait3A_50 = tpu.memref_slice %arg5[%mul3A_2] : memref<320000xf32, #tpu.memory_space<hbm>> -> memref<10000xf32, #tpu.memory_space<hbm>>
      tpu.wait_dma2 semaphore(%run_scoped3A : memref<!tpu.dma_semaphore, #tpu.memory_space<semaphore_mem>>) src(%arg11 : memref<10000xf32, #tpu.memory_space<vmem>>) dst(%dma_wait3A_50 : memref<10000xf32, #tpu.memory_space<hbm>>)
      tpu.yield
    }) : () -> ()
    "tpu.region"() ({
      %run_scoped3A = tpu.sem_alloc : memref<!tpu.dma_semaphore, #tpu.memory_space<semaphore_mem>>
      %dma_start3A_47 = arith.constant 0 : i32
      %dma_start3A_48 = tpu.memref_slice %arg6[%add3A, %dma_start3A_47] : memref<32x10000xf32, #tpu.memory_space<hbm>> -> memref<1x10000xf32, #tpu.memory_space<hbm>>
      %dma_start3A_49 = tpu.memref_squeeze %dma_start3A_48 : memref<1x10000xf32, #tpu.memory_space<hbm>> -> memref<10000xf32, #tpu.memory_space<hbm>>
      %dma_start3A_50 = arith.constant 0 : i32
      %dma_start3A_51 = tpu.memref_slice %arg6[%add3A, %dma_start3A_50] : memref<32x10000xf32, #tpu.memory_space<hbm>> -> memref<1x10000xf32, #tpu.memory_space<hbm>>
      %dma_start3A_52 = tpu.memref_squeeze %dma_start3A_51 : memref<1x10000xf32, #tpu.memory_space<hbm>> -> memref<10000xf32, #tpu.memory_space<hbm>>
      tpu.enqueue_dma source(%arg12 : memref<10000xf32, #tpu.memory_space<vmem>>) target(%dma_start3A_52 : memref<10000xf32, #tpu.memory_space<hbm>>) target_semaphore(%run_scoped3A : memref<!tpu.dma_semaphore, #tpu.memory_space<semaphore_mem>>)
      %dma_wait3A_53 = arith.constant 0 : i32
      %dma_wait3A_54 = tpu.memref_slice %arg6[%add3A, %dma_wait3A_53] : memref<32x10000xf32, #tpu.memory_space<hbm>> -> memref<1x10000xf32, #tpu.memory_space<hbm>>
      %dma_wait3A_55 = tpu.memref_squeeze %dma_wait3A_54 : memref<1x10000xf32, #tpu.memory_space<hbm>> -> memref<10000xf32, #tpu.memory_space<hbm>>
      %dma_wait3A_56 = arith.constant 0 : i32
      %dma_wait3A_57 = tpu.memref_slice %arg6[%add3A, %dma_wait3A_56] : memref<32x10000xf32, #tpu.memory_space<hbm>> -> memref<1x10000xf32, #tpu.memory_space<hbm>>
      %dma_wait3A_58 = tpu.memref_squeeze %dma_wait3A_57 : memref<1x10000xf32, #tpu.memory_space<hbm>> -> memref<10000xf32, #tpu.memory_space<hbm>>
      tpu.wait_dma2 semaphore(%run_scoped3A : memref<!tpu.dma_semaphore, #tpu.memory_space<semaphore_mem>>) src(%arg12 : memref<10000xf32, #tpu.memory_space<vmem>>) dst(%dma_wait3A_58 : memref<10000xf32, #tpu.memory_space<hbm>>)
      tpu.yield
    }) : () -> ()
    return
  }
}

module attributes {stable_mosaic.version = 14 : i64} {
  func.func @_tc_mid_body(%arg0: memref<4x40x10000xf32, #tpu.memory_space<vmem>>, %arg1: memref<32x10000xf32, #tpu.memory_space<vmem>>, %arg2: memref<40x1xf32, #tpu.memory_space<vmem>>, %arg3: memref<40x1xf32, #tpu.memory_space<vmem>>, %arg4: memref<40x1xf32, #tpu.memory_space<vmem>>, %arg5: memref<16x40xf32, #tpu.memory_space<vmem>>, %arg6: memref<56x1xf32, #tpu.memory_space<vmem>>, %arg7: memref<56x1xf32, #tpu.memory_space<vmem>>, %arg8: memref<16x56xf32, #tpu.memory_space<vmem>>, %arg9: memref<72x1xf32, #tpu.memory_space<vmem>>, %arg10: memref<72x1xf32, #tpu.memory_space<vmem>>, %arg11: memref<16x72xf32, #tpu.memory_space<vmem>>, %arg12: memref<44x88xf32, #tpu.memory_space<vmem>>, %arg13: memref<1x44xf32, #tpu.memory_space<vmem>>, %arg14: memref<1x44xf32, #tpu.memory_space<vmem>>, %arg15: memref<44x10000xf32, #tpu.memory_space<vmem>>, %arg16: memref<2x10000xf32, #tpu.memory_space<vmem>>) attributes {dimension_semantics = [], scalar_prefetch = 0 : i64, scratch_operands = 0 : i64, tpu.core_type = #tpu.core_type<tc>} {
    %get3A = arith.constant 0 : index
    %get3A_0 = arith.constant 0 : index
    %get3A_1 = vector.load %arg1[%get3A, %get3A_0] : memref<32x10000xf32, #tpu.memory_space<vmem>>, vector<32x10000xf32>
    %reduce_sum3A = arith.constant dense<0.000000e+00> : vector<10000xf32>
    %reduce_sum3A_2 = vector.multi_reduction <add>, %get3A_1, %reduce_sum3A [0] : vector<32x10000xf32> to vector<10000xf32>
    %broadcast_in_dim3A = vector.shape_cast %reduce_sum3A_2 : vector<10000xf32> to vector<1x10000xf32>
    %get3A_3 = arith.constant 0 : index
    %get3A_4 = arith.constant 0 : index
    %get3A_5 = arith.constant 0 : index
    %get3A_6 = vector.load %arg0[%get3A_3, %get3A_4, %get3A_5] : memref<4x40x10000xf32, #tpu.memory_space<vmem>>, vector<4x40x10000xf32>
    %reduce_sum3A_7 = arith.constant dense<0.000000e+00> : vector<40x10000xf32>
    %reduce_sum3A_8 = vector.multi_reduction <add>, %get3A_6, %reduce_sum3A_7 [0] : vector<4x40x10000xf32> to vector<40x10000xf32>
    %add3A = arith.constant 1.000000e-16 : f32
    %add3A_9 = vector.broadcast %add3A : f32 to vector<1x10000xf32>
    %add3A_10 = arith.addf %broadcast_in_dim3A, %add3A_9 : vector<1x10000xf32>
    %div3A = vector.broadcast %add3A_10 : vector<1x10000xf32> to vector<40x10000xf32>
    %div3A_11 = arith.divf %reduce_sum3A_8, %div3A : vector<40x10000xf32>
    %get3A_12 = arith.constant 0 : index
    %get3A_13 = arith.constant 0 : index
    %get3A_14 = vector.load %arg2[%get3A_12, %get3A_13] : memref<40x1xf32, #tpu.memory_space<vmem>>, vector<40x1xf32>
    %add3A_15 = vector.broadcast %get3A_14 : vector<40x1xf32> to vector<40x10000xf32>
    %add3A_16 = arith.addf %div3A_11, %add3A_15 : vector<40x10000xf32>
    %get3A_17 = arith.constant 0 : index
    %get3A_18 = arith.constant 0 : index
    %get3A_19 = vector.load %arg3[%get3A_17, %get3A_18] : memref<40x1xf32, #tpu.memory_space<vmem>>, vector<40x1xf32>
    %get3A_20 = arith.constant 0 : index
    %get3A_21 = arith.constant 0 : index
    %get3A_22 = vector.load %arg4[%get3A_20, %get3A_21] : memref<40x1xf32, #tpu.memory_space<vmem>>, vector<40x1xf32>
    %get3A_23 = arith.constant 0 : index
    %get3A_24 = arith.constant 0 : index
    %get3A_25 = vector.load %arg5[%get3A_23, %get3A_24] : memref<16x40xf32, #tpu.memory_space<vmem>>, vector<16x40xf32>
    %get3A_26 = arith.constant 0 : index
    %get3A_27 = arith.constant 0 : index
    %get3A_28 = vector.load %arg6[%get3A_26, %get3A_27] : memref<56x1xf32, #tpu.memory_space<vmem>>, vector<56x1xf32>
    %get3A_29 = arith.constant 0 : index
    %get3A_30 = arith.constant 0 : index
    %get3A_31 = vector.load %arg7[%get3A_29, %get3A_30] : memref<56x1xf32, #tpu.memory_space<vmem>>, vector<56x1xf32>
    %get3A_32 = arith.constant 0 : index
    %get3A_33 = arith.constant 0 : index
    %get3A_34 = vector.load %arg8[%get3A_32, %get3A_33] : memref<16x56xf32, #tpu.memory_space<vmem>>, vector<16x56xf32>
    %get3A_35 = arith.constant 0 : index
    %get3A_36 = arith.constant 0 : index
    %get3A_37 = vector.load %arg9[%get3A_35, %get3A_36] : memref<72x1xf32, #tpu.memory_space<vmem>>, vector<72x1xf32>
    %get3A_38 = arith.constant 0 : index
    %get3A_39 = arith.constant 0 : index
    %get3A_40 = vector.load %arg10[%get3A_38, %get3A_39] : memref<72x1xf32, #tpu.memory_space<vmem>>, vector<72x1xf32>
    %get3A_41 = arith.constant 0 : index
    %get3A_42 = arith.constant 0 : index
    %get3A_43 = vector.load %arg11[%get3A_41, %get3A_42] : memref<16x72xf32, #tpu.memory_space<vmem>>, vector<16x72xf32>
    %reduce_sum3A_44 = arith.constant dense<0.000000e+00> : vector<40xf32>
    %reduce_sum3A_45 = vector.multi_reduction <add>, %add3A_16, %reduce_sum3A_44 [1] : vector<40x10000xf32> to vector<40xf32>
    %broadcast_in_dim3A_46 = vector.shape_cast %reduce_sum3A_45 : vector<40xf32> to vector<40x1xf32>
    %div3A_47 = arith.constant 1.000000e+04 : f32
    %div3A_48 = vector.broadcast %div3A_47 : f32 to vector<40x1xf32>
    %div3A_49 = arith.divf %broadcast_in_dim3A_46, %div3A_48 : vector<40x1xf32>
    %sub3A = vector.broadcast %div3A_49 : vector<40x1xf32> to vector<40x10000xf32>
    %sub3A_50 = arith.subf %add3A_16, %sub3A : vector<40x10000xf32>
    %mul3A = arith.mulf %sub3A_50, %sub3A_50 : vector<40x10000xf32>
    %reduce_sum3A_51 = arith.constant dense<0.000000e+00> : vector<40xf32>
    %reduce_sum3A_52 = vector.multi_reduction <add>, %mul3A, %reduce_sum3A_51 [1] : vector<40x10000xf32> to vector<40xf32>
    %broadcast_in_dim3A_53 = vector.shape_cast %reduce_sum3A_52 : vector<40xf32> to vector<40x1xf32>
    %div3A_54 = arith.constant 1.000000e+04 : f32
    %div3A_55 = vector.broadcast %div3A_54 : f32 to vector<40x1xf32>
    %div3A_56 = arith.divf %broadcast_in_dim3A_53, %div3A_55 : vector<40x1xf32>
    %add3A_57 = arith.constant 9.99999974E-6 : f32
    %add3A_58 = vector.broadcast %add3A_57 : f32 to vector<40x1xf32>
    %add3A_59 = arith.addf %div3A_56, %add3A_58 : vector<40x1xf32>
    %sqrt3A = math.sqrt %add3A_59 : vector<40x1xf32>
    %div3A_60 = vector.broadcast %sqrt3A : vector<40x1xf32> to vector<40x10000xf32>
    %div3A_61 = arith.divf %sub3A_50, %div3A_60 : vector<40x10000xf32>
    %mul3A_62 = vector.broadcast %get3A_19 : vector<40x1xf32> to vector<40x10000xf32>
    %mul3A_63 = arith.mulf %mul3A_62, %div3A_61 : vector<40x10000xf32>
    %add3A_64 = vector.broadcast %get3A_22 : vector<40x1xf32> to vector<40x10000xf32>
    %add3A_65 = arith.addf %mul3A_63, %add3A_64 : vector<40x10000xf32>
    %ge3A = arith.constant 0.000000e+00 : f32
    %ge3A_66 = vector.broadcast %ge3A : f32 to vector<40x10000xf32>
    %ge3A_67 = arith.cmpf oge, %add3A_65, %ge3A_66 : vector<40x10000xf32>
    %mul3A_68 = arith.constant 0.00999999977 : f32
    %mul3A_69 = vector.broadcast %mul3A_68 : f32 to vector<40x10000xf32>
    %mul3A_70 = arith.mulf %mul3A_69, %add3A_65 : vector<40x10000xf32>
    %select_n3A = arith.select %ge3A_67, %add3A_65, %mul3A_70 : vector<40x10000xi1>, vector<40x10000xf32>
    %dot_general3A = arith.constant dense<0.000000e+00> : vector<16x10000xf32>
    %dot_general3A_71 = tpu.matmul %get3A_25, %select_n3A, %dot_general3A {dimension_numbers = #tpu.dot_dimension_numbers<[1], [0], [0], [1], [0, 0, 1, 1], [], []>, transpose_lhs_hint = false} : vector<16x40xf32>, vector<40x10000xf32>, vector<16x10000xf32> -> vector<16x10000xf32>
    %slice3A = vector.extract_strided_slice %get3A_28 {offsets = [0, 0], sizes = [40, 1], strides = [1, 1]} : vector<56x1xf32> to vector<40x1xf32>
    %mul3A_72 = vector.broadcast %slice3A : vector<40x1xf32> to vector<40x10000xf32>
    %mul3A_73 = arith.mulf %mul3A_72, %div3A_61 : vector<40x10000xf32>
    %slice3A_74 = vector.extract_strided_slice %get3A_31 {offsets = [0, 0], sizes = [40, 1], strides = [1, 1]} : vector<56x1xf32> to vector<40x1xf32>
    %add3A_75 = vector.broadcast %slice3A_74 : vector<40x1xf32> to vector<40x10000xf32>
    %add3A_76 = arith.addf %mul3A_73, %add3A_75 : vector<40x10000xf32>
    %ge3A_77 = arith.constant 0.000000e+00 : f32
    %ge3A_78 = vector.broadcast %ge3A_77 : f32 to vector<40x10000xf32>
    %ge3A_79 = arith.cmpf oge, %add3A_76, %ge3A_78 : vector<40x10000xf32>
    %mul3A_80 = arith.constant 0.00999999977 : f32
    %mul3A_81 = vector.broadcast %mul3A_80 : f32 to vector<40x10000xf32>
    %mul3A_82 = arith.mulf %mul3A_81, %add3A_76 : vector<40x10000xf32>
    %select_n3A_83 = arith.select %ge3A_79, %add3A_76, %mul3A_82 : vector<40x10000xi1>, vector<40x10000xf32>
    %slice3A_84 = vector.extract_strided_slice %get3A_34 {offsets = [0, 0], sizes = [16, 40], strides = [1, 1]} : vector<16x56xf32> to vector<16x40xf32>
    %dot_general3A_85 = arith.constant dense<0.000000e+00> : vector<16x10000xf32>
    %dot_general3A_86 = tpu.matmul %slice3A_84, %select_n3A_83, %dot_general3A_85 {dimension_numbers = #tpu.dot_dimension_numbers<[1], [0], [0], [1], [0, 0, 1, 1], [], []>, transpose_lhs_hint = false} : vector<16x40xf32>, vector<40x10000xf32>, vector<16x10000xf32> -> vector<16x10000xf32>
    %reduce_sum3A_87 = arith.constant dense<0.000000e+00> : vector<16xf32>
    %reduce_sum3A_88 = vector.multi_reduction <add>, %dot_general3A_71, %reduce_sum3A_87 [1] : vector<16x10000xf32> to vector<16xf32>
    %broadcast_in_dim3A_89 = vector.shape_cast %reduce_sum3A_88 : vector<16xf32> to vector<16x1xf32>
    %div3A_90 = arith.constant 1.000000e+04 : f32
    %div3A_91 = vector.broadcast %div3A_90 : f32 to vector<16x1xf32>
    %div3A_92 = arith.divf %broadcast_in_dim3A_89, %div3A_91 : vector<16x1xf32>
    %sub3A_93 = vector.broadcast %div3A_92 : vector<16x1xf32> to vector<16x10000xf32>
    %sub3A_94 = arith.subf %dot_general3A_71, %sub3A_93 : vector<16x10000xf32>
    %mul3A_95 = arith.mulf %sub3A_94, %sub3A_94 : vector<16x10000xf32>
    %reduce_sum3A_96 = arith.constant dense<0.000000e+00> : vector<16xf32>
    %reduce_sum3A_97 = vector.multi_reduction <add>, %mul3A_95, %reduce_sum3A_96 [1] : vector<16x10000xf32> to vector<16xf32>
    %broadcast_in_dim3A_98 = vector.shape_cast %reduce_sum3A_97 : vector<16xf32> to vector<16x1xf32>
    %div3A_99 = arith.constant 1.000000e+04 : f32
    %div3A_100 = vector.broadcast %div3A_99 : f32 to vector<16x1xf32>
    %div3A_101 = arith.divf %broadcast_in_dim3A_98, %div3A_100 : vector<16x1xf32>
    %add3A_102 = arith.constant 9.99999974E-6 : f32
    %add3A_103 = vector.broadcast %add3A_102 : f32 to vector<16x1xf32>
    %add3A_104 = arith.addf %div3A_101, %add3A_103 : vector<16x1xf32>
    %sqrt3A_105 = math.sqrt %add3A_104 : vector<16x1xf32>
    %div3A_106 = vector.broadcast %sqrt3A_105 : vector<16x1xf32> to vector<16x10000xf32>
    %div3A_107 = arith.divf %sub3A_94, %div3A_106 : vector<16x10000xf32>
    %slice3A_108 = vector.extract_strided_slice %get3A_28 {offsets = [40, 0], sizes = [16, 1], strides = [1, 1]} : vector<56x1xf32> to vector<16x1xf32>
    %mul3A_109 = vector.broadcast %slice3A_108 : vector<16x1xf32> to vector<16x10000xf32>
    %mul3A_110 = arith.mulf %mul3A_109, %div3A_107 : vector<16x10000xf32>
    %slice3A_111 = vector.extract_strided_slice %get3A_31 {offsets = [40, 0], sizes = [16, 1], strides = [1, 1]} : vector<56x1xf32> to vector<16x1xf32>
    %add3A_112 = vector.broadcast %slice3A_111 : vector<16x1xf32> to vector<16x10000xf32>
    %add3A_113 = arith.addf %mul3A_110, %add3A_112 : vector<16x10000xf32>
    %ge3A_114 = arith.constant 0.000000e+00 : f32
    %ge3A_115 = vector.broadcast %ge3A_114 : f32 to vector<16x10000xf32>
    %ge3A_116 = arith.cmpf oge, %add3A_113, %ge3A_115 : vector<16x10000xf32>
    %mul3A_117 = arith.constant 0.00999999977 : f32
    %mul3A_118 = vector.broadcast %mul3A_117 : f32 to vector<16x10000xf32>
    %mul3A_119 = arith.mulf %mul3A_118, %add3A_113 : vector<16x10000xf32>
    %select_n3A_120 = arith.select %ge3A_116, %add3A_113, %mul3A_119 : vector<16x10000xi1>, vector<16x10000xf32>
    %slice3A_121 = vector.extract_strided_slice %get3A_34 {offsets = [0, 40], sizes = [16, 16], strides = [1, 1]} : vector<16x56xf32> to vector<16x16xf32>
    %dot_general3A_122 = arith.constant dense<0.000000e+00> : vector<16x10000xf32>
    %dot_general3A_123 = tpu.matmul %slice3A_121, %select_n3A_120, %dot_general3A_122 {dimension_numbers = #tpu.dot_dimension_numbers<[1], [0], [0], [1], [0, 0, 1, 1], [], []>, transpose_lhs_hint = false} : vector<16x16xf32>, vector<16x10000xf32>, vector<16x10000xf32> -> vector<16x10000xf32>
    %add3A_124 = arith.addf %dot_general3A_86, %dot_general3A_123 : vector<16x10000xf32>
    %slice3A_125 = vector.extract_strided_slice %get3A_37 {offsets = [0, 0], sizes = [40, 1], strides = [1, 1]} : vector<72x1xf32> to vector<40x1xf32>
    %mul3A_126 = vector.broadcast %slice3A_125 : vector<40x1xf32> to vector<40x10000xf32>
    %mul3A_127 = arith.mulf %mul3A_126, %div3A_61 : vector<40x10000xf32>
    %slice3A_128 = vector.extract_strided_slice %get3A_40 {offsets = [0, 0], sizes = [40, 1], strides = [1, 1]} : vector<72x1xf32> to vector<40x1xf32>
    %add3A_129 = vector.broadcast %slice3A_128 : vector<40x1xf32> to vector<40x10000xf32>
    %add3A_130 = arith.addf %mul3A_127, %add3A_129 : vector<40x10000xf32>
    %ge3A_131 = arith.constant 0.000000e+00 : f32
    %ge3A_132 = vector.broadcast %ge3A_131 : f32 to vector<40x10000xf32>
    %ge3A_133 = arith.cmpf oge, %add3A_130, %ge3A_132 : vector<40x10000xf32>
    %mul3A_134 = arith.constant 0.00999999977 : f32
    %mul3A_135 = vector.broadcast %mul3A_134 : f32 to vector<40x10000xf32>
    %mul3A_136 = arith.mulf %mul3A_135, %add3A_130 : vector<40x10000xf32>
    %select_n3A_137 = arith.select %ge3A_133, %add3A_130, %mul3A_136 : vector<40x10000xi1>, vector<40x10000xf32>
    %slice3A_138 = vector.extract_strided_slice %get3A_43 {offsets = [0, 0], sizes = [16, 40], strides = [1, 1]} : vector<16x72xf32> to vector<16x40xf32>
    %dot_general3A_139 = arith.constant dense<0.000000e+00> : vector<16x10000xf32>
    %dot_general3A_140 = tpu.matmul %slice3A_138, %select_n3A_137, %dot_general3A_139 {dimension_numbers = #tpu.dot_dimension_numbers<[1], [0], [0], [1], [0, 0, 1, 1], [], []>, transpose_lhs_hint = false} : vector<16x40xf32>, vector<40x10000xf32>, vector<16x10000xf32> -> vector<16x10000xf32>
    %slice3A_141 = vector.extract_strided_slice %get3A_37 {offsets = [40, 0], sizes = [16, 1], strides = [1, 1]} : vector<72x1xf32> to vector<16x1xf32>
    %mul3A_142 = vector.broadcast %slice3A_141 : vector<16x1xf32> to vector<16x10000xf32>
    %mul3A_143 = arith.mulf %mul3A_142, %div3A_107 : vector<16x10000xf32>
    %slice3A_144 = vector.extract_strided_slice %get3A_40 {offsets = [40, 0], sizes = [16, 1], strides = [1, 1]} : vector<72x1xf32> to vector<16x1xf32>
    %add3A_145 = vector.broadcast %slice3A_144 : vector<16x1xf32> to vector<16x10000xf32>
    %add3A_146 = arith.addf %mul3A_143, %add3A_145 : vector<16x10000xf32>
    %ge3A_147 = arith.constant 0.000000e+00 : f32
    %ge3A_148 = vector.broadcast %ge3A_147 : f32 to vector<16x10000xf32>
    %ge3A_149 = arith.cmpf oge, %add3A_146, %ge3A_148 : vector<16x10000xf32>
    %mul3A_150 = arith.constant 0.00999999977 : f32
    %mul3A_151 = vector.broadcast %mul3A_150 : f32 to vector<16x10000xf32>
    %mul3A_152 = arith.mulf %mul3A_151, %add3A_146 : vector<16x10000xf32>
    %select_n3A_153 = arith.select %ge3A_149, %add3A_146, %mul3A_152 : vector<16x10000xi1>, vector<16x10000xf32>
    %slice3A_154 = vector.extract_strided_slice %get3A_43 {offsets = [0, 40], sizes = [16, 16], strides = [1, 1]} : vector<16x72xf32> to vector<16x16xf32>
    %dot_general3A_155 = arith.constant dense<0.000000e+00> : vector<16x10000xf32>
    %dot_general3A_156 = tpu.matmul %slice3A_154, %select_n3A_153, %dot_general3A_155 {dimension_numbers = #tpu.dot_dimension_numbers<[1], [0], [0], [1], [0, 0, 1, 1], [], []>, transpose_lhs_hint = false} : vector<16x16xf32>, vector<16x10000xf32>, vector<16x10000xf32> -> vector<16x10000xf32>
    %add3A_157 = arith.addf %dot_general3A_140, %dot_general3A_156 : vector<16x10000xf32>
    %reduce_sum3A_158 = arith.constant dense<0.000000e+00> : vector<16xf32>
    %reduce_sum3A_159 = vector.multi_reduction <add>, %add3A_124, %reduce_sum3A_158 [1] : vector<16x10000xf32> to vector<16xf32>
    %broadcast_in_dim3A_160 = vector.shape_cast %reduce_sum3A_159 : vector<16xf32> to vector<16x1xf32>
    %div3A_161 = arith.constant 1.000000e+04 : f32
    %div3A_162 = vector.broadcast %div3A_161 : f32 to vector<16x1xf32>
    %div3A_163 = arith.divf %broadcast_in_dim3A_160, %div3A_162 : vector<16x1xf32>
    %sub3A_164 = vector.broadcast %div3A_163 : vector<16x1xf32> to vector<16x10000xf32>
    %sub3A_165 = arith.subf %add3A_124, %sub3A_164 : vector<16x10000xf32>
    %mul3A_166 = arith.mulf %sub3A_165, %sub3A_165 : vector<16x10000xf32>
    %reduce_sum3A_167 = arith.constant dense<0.000000e+00> : vector<16xf32>
    %reduce_sum3A_168 = vector.multi_reduction <add>, %mul3A_166, %reduce_sum3A_167 [1] : vector<16x10000xf32> to vector<16xf32>
    %broadcast_in_dim3A_169 = vector.shape_cast %reduce_sum3A_168 : vector<16xf32> to vector<16x1xf32>
    %div3A_170 = arith.constant 1.000000e+04 : f32
    %div3A_171 = vector.broadcast %div3A_170 : f32 to vector<16x1xf32>
    %div3A_172 = arith.divf %broadcast_in_dim3A_169, %div3A_171 : vector<16x1xf32>
    %add3A_173 = arith.constant 9.99999974E-6 : f32
    %add3A_174 = vector.broadcast %add3A_173 : f32 to vector<16x1xf32>
    %add3A_175 = arith.addf %div3A_172, %add3A_174 : vector<16x1xf32>
    %sqrt3A_176 = math.sqrt %add3A_175 : vector<16x1xf32>
    %div3A_177 = vector.broadcast %sqrt3A_176 : vector<16x1xf32> to vector<16x10000xf32>
    %div3A_178 = arith.divf %sub3A_165, %div3A_177 : vector<16x10000xf32>
    %slice3A_179 = vector.extract_strided_slice %get3A_37 {offsets = [56, 0], sizes = [16, 1], strides = [1, 1]} : vector<72x1xf32> to vector<16x1xf32>
    %mul3A_180 = vector.broadcast %slice3A_179 : vector<16x1xf32> to vector<16x10000xf32>
    %mul3A_181 = arith.mulf %mul3A_180, %div3A_178 : vector<16x10000xf32>
    %slice3A_182 = vector.extract_strided_slice %get3A_40 {offsets = [56, 0], sizes = [16, 1], strides = [1, 1]} : vector<72x1xf32> to vector<16x1xf32>
    %add3A_183 = vector.broadcast %slice3A_182 : vector<16x1xf32> to vector<16x10000xf32>
    %add3A_184 = arith.addf %mul3A_181, %add3A_183 : vector<16x10000xf32>
    %ge3A_185 = arith.constant 0.000000e+00 : f32
    %ge3A_186 = vector.broadcast %ge3A_185 : f32 to vector<16x10000xf32>
    %ge3A_187 = arith.cmpf oge, %add3A_184, %ge3A_186 : vector<16x10000xf32>
    %mul3A_188 = arith.constant 0.00999999977 : f32
    %mul3A_189 = vector.broadcast %mul3A_188 : f32 to vector<16x10000xf32>
    %mul3A_190 = arith.mulf %mul3A_189, %add3A_184 : vector<16x10000xf32>
    %select_n3A_191 = arith.select %ge3A_187, %add3A_184, %mul3A_190 : vector<16x10000xi1>, vector<16x10000xf32>
    %slice3A_192 = vector.extract_strided_slice %get3A_43 {offsets = [0, 56], sizes = [16, 16], strides = [1, 1]} : vector<16x72xf32> to vector<16x16xf32>
    %dot_general3A_193 = arith.constant dense<0.000000e+00> : vector<16x10000xf32>
    %dot_general3A_194 = tpu.matmul %slice3A_192, %select_n3A_191, %dot_general3A_193 {dimension_numbers = #tpu.dot_dimension_numbers<[1], [0], [0], [1], [0, 0, 1, 1], [], []>, transpose_lhs_hint = false} : vector<16x16xf32>, vector<16x10000xf32>, vector<16x10000xf32> -> vector<16x10000xf32>
    %add3A_195 = arith.addf %add3A_157, %dot_general3A_194 : vector<16x10000xf32>
    %get3A_196 = arith.constant 0 : index
    %get3A_197 = arith.constant 0 : index
    %get3A_198 = vector.load %arg12[%get3A_196, %get3A_197] : memref<44x88xf32, #tpu.memory_space<vmem>>, vector<44x88xf32>
    %get3A_199 = arith.constant 0 : index
    %get3A_200 = arith.constant 0 : index
    %get3A_201 = vector.load %arg13[%get3A_199, %get3A_200] : memref<1x44xf32, #tpu.memory_space<vmem>>, vector<1x44xf32>
    %get3A_202 = arith.constant 0 : index
    %get3A_203 = arith.constant 0 : index
    %get3A_204 = vector.load %arg14[%get3A_202, %get3A_203] : memref<1x44xf32, #tpu.memory_space<vmem>>, vector<1x44xf32>
    %slice3A_205 = vector.extract_strided_slice %get3A_198 {offsets = [0, 0], sizes = [44, 40], strides = [1, 1]} : vector<44x88xf32> to vector<44x40xf32>
    %dot_general3A_206 = arith.constant dense<0.000000e+00> : vector<44x10000xf32>
    %dot_general3A_207 = tpu.matmul %slice3A_205, %add3A_16, %dot_general3A_206 {dimension_numbers = #tpu.dot_dimension_numbers<[1], [0], [0], [1], [0, 0, 1, 1], [], []>, transpose_lhs_hint = false} : vector<44x40xf32>, vector<40x10000xf32>, vector<44x10000xf32> -> vector<44x10000xf32>
    %slice3A_208 = vector.extract_strided_slice %get3A_198 {offsets = [0, 40], sizes = [44, 16], strides = [1, 1]} : vector<44x88xf32> to vector<44x16xf32>
    %dot_general3A_209 = arith.constant dense<0.000000e+00> : vector<44x10000xf32>
    %dot_general3A_210 = tpu.matmul %slice3A_208, %dot_general3A_71, %dot_general3A_209 {dimension_numbers = #tpu.dot_dimension_numbers<[1], [0], [0], [1], [0, 0, 1, 1], [], []>, transpose_lhs_hint = false} : vector<44x16xf32>, vector<16x10000xf32>, vector<44x10000xf32> -> vector<44x10000xf32>
    %add3A_211 = arith.addf %dot_general3A_207, %dot_general3A_210 : vector<44x10000xf32>
    %slice3A_212 = vector.extract_strided_slice %get3A_198 {offsets = [0, 56], sizes = [44, 16], strides = [1, 1]} : vector<44x88xf32> to vector<44x16xf32>
    %dot_general3A_213 = arith.constant dense<0.000000e+00> : vector<44x10000xf32>
    %dot_general3A_214 = tpu.matmul %slice3A_212, %add3A_124, %dot_general3A_213 {dimension_numbers = #tpu.dot_dimension_numbers<[1], [0], [0], [1], [0, 0, 1, 1], [], []>, transpose_lhs_hint = false} : vector<44x16xf32>, vector<16x10000xf32>, vector<44x10000xf32> -> vector<44x10000xf32>
    %add3A_215 = arith.addf %add3A_211, %dot_general3A_214 : vector<44x10000xf32>
    %slice3A_216 = vector.extract_strided_slice %get3A_198 {offsets = [0, 72], sizes = [44, 16], strides = [1, 1]} : vector<44x88xf32> to vector<44x16xf32>
    %dot_general3A_217 = arith.constant dense<0.000000e+00> : vector<44x10000xf32>
    %dot_general3A_218 = tpu.matmul %slice3A_216, %add3A_195, %dot_general3A_217 {dimension_numbers = #tpu.dot_dimension_numbers<[1], [0], [0], [1], [0, 0, 1, 1], [], []>, transpose_lhs_hint = false} : vector<44x16xf32>, vector<16x10000xf32>, vector<44x10000xf32> -> vector<44x10000xf32>
    %add3A_219 = arith.addf %add3A_215, %dot_general3A_218 : vector<44x10000xf32>
    %dot_general3A_220 = arith.constant dense<0.000000e+00> : vector<1x10000xf32>
    %dot_general3A_221 = tpu.matmul %get3A_201, %add3A_219, %dot_general3A_220 {dimension_numbers = #tpu.dot_dimension_numbers<[1], [0], [0], [1], [0, 0, 1, 1], [], []>, transpose_lhs_hint = false} : vector<1x44xf32>, vector<44x10000xf32>, vector<1x10000xf32> -> vector<1x10000xf32>
    %dot_general3A_222 = arith.constant dense<0.000000e+00> : vector<1x10000xf32>
    %dot_general3A_223 = tpu.matmul %get3A_204, %add3A_219, %dot_general3A_222 {dimension_numbers = #tpu.dot_dimension_numbers<[1], [0], [0], [1], [0, 0, 1, 1], [], []>, transpose_lhs_hint = false} : vector<1x44xf32>, vector<44x10000xf32>, vector<1x10000xf32> -> vector<1x10000xf32>
    %concatenate3A = tpu.concatenate %dot_general3A_221, %dot_general3A_223 in 0 : vector<1x10000xf32>, vector<1x10000xf32> -> vector<2x10000xf32>
    %swap3A = arith.constant 0 : index
    %swap3A_224 = arith.constant 0 : index
    %swap3A_225 = vector.load %arg15[%swap3A, %swap3A_224] : memref<44x10000xf32, #tpu.memory_space<vmem>>, vector<44x10000xf32>
    tpu.vector_store %arg15[%swap3A, %swap3A_224], %add3A_219 {strides = array<i32>} : memref<44x10000xf32, #tpu.memory_space<vmem>>, vector<44x10000xf32>,
    %swap3A_226 = arith.constant 0 : index
    %swap3A_227 = arith.constant 0 : index
    %swap3A_228 = vector.load %arg16[%swap3A_226, %swap3A_227] : memref<2x10000xf32, #tpu.memory_space<vmem>>, vector<2x10000xf32>
    tpu.vector_store %arg16[%swap3A_226, %swap3A_227], %concatenate3A {strides = array<i32>} : memref<2x10000xf32, #tpu.memory_space<vmem>>, vector<2x10000xf32>,
    return
  }
}

module attributes {stable_mosaic.version = 14 : i64} {
  func.func @_tc1_body(%arg0: memref<128x10000xf32, #tpu.memory_space<vmem>>, %arg1: memref<256x128xf32, #tpu.memory_space<vmem>>, %arg2: memref<256x1xf32, #tpu.memory_space<vmem>>, %arg3: memref<256x256xf32, #tpu.memory_space<vmem>>, %arg4: memref<256x1xf32, #tpu.memory_space<vmem>>, %arg5: memref<32x256xf32, #tpu.memory_space<vmem>>, %arg6: memref<32x1xf32, #tpu.memory_space<vmem>>, %arg7: memref<32x1xf32, #tpu.memory_space<vmem>>, %arg8: memref<32x1xf32, #tpu.memory_space<vmem>>, %arg9: memref<16x32xf32, #tpu.memory_space<vmem>>, %arg10: memref<48x1xf32, #tpu.memory_space<vmem>>, %arg11: memref<48x1xf32, #tpu.memory_space<vmem>>, %arg12: memref<16x48xf32, #tpu.memory_space<vmem>>, %arg13: memref<64x1xf32, #tpu.memory_space<vmem>>, %arg14: memref<64x1xf32, #tpu.memory_space<vmem>>, %arg15: memref<16x64xf32, #tpu.memory_space<vmem>>, %arg16: memref<40x80xf32, #tpu.memory_space<vmem>>, %arg17: memref<1x40xf32, #tpu.memory_space<vmem>>, %arg18: memref<1x40xf32, #tpu.memory_space<vmem>>, %arg19: memref<40x10000xf32, #tpu.memory_space<vmem>>, %arg20: memref<2x10000xf32, #tpu.memory_space<vmem>>) attributes {dimension_semantics = [], scalar_prefetch = 0 : i64, scratch_operands = 0 : i64, tpu.core_type = #tpu.core_type<tc>} {
    %get3A = arith.constant 0 : index
    %get3A_0 = arith.constant 0 : index
    %get3A_1 = vector.load %arg0[%get3A, %get3A_0] : memref<128x10000xf32, #tpu.memory_space<vmem>>, vector<128x10000xf32>
    %get3A_2 = arith.constant 0 : index
    %get3A_3 = arith.constant 0 : index
    %get3A_4 = vector.load %arg1[%get3A_2, %get3A_3] : memref<256x128xf32, #tpu.memory_space<vmem>>, vector<256x128xf32>
    %dot_general3A = arith.constant dense<0.000000e+00> : vector<256x10000xf32>
    %dot_general3A_5 = tpu.matmul %get3A_4, %get3A_1, %dot_general3A {dimension_numbers = #tpu.dot_dimension_numbers<[1], [0], [0], [1], [0, 0, 1, 1], [], []>, transpose_lhs_hint = false} : vector<256x128xf32>, vector<128x10000xf32>, vector<256x10000xf32> -> vector<256x10000xf32>
    %get3A_6 = arith.constant 0 : index
    %get3A_7 = arith.constant 0 : index
    %get3A_8 = vector.load %arg2[%get3A_6, %get3A_7] : memref<256x1xf32, #tpu.memory_space<vmem>>, vector<256x1xf32>
    %add3A = vector.broadcast %get3A_8 : vector<256x1xf32> to vector<256x10000xf32>
    %add3A_9 = arith.addf %dot_general3A_5, %add3A : vector<256x10000xf32>
    %ge3A = arith.constant 0.000000e+00 : f32
    %ge3A_10 = vector.broadcast %ge3A : f32 to vector<256x10000xf32>
    %ge3A_11 = arith.cmpf oge, %add3A_9, %ge3A_10 : vector<256x10000xf32>
    %mul3A = arith.constant 0.00999999977 : f32
    %mul3A_12 = vector.broadcast %mul3A : f32 to vector<256x10000xf32>
    %mul3A_13 = arith.mulf %mul3A_12, %add3A_9 : vector<256x10000xf32>
    %select_n3A = arith.select %ge3A_11, %add3A_9, %mul3A_13 : vector<256x10000xi1>, vector<256x10000xf32>
    %get3A_14 = arith.constant 0 : index
    %get3A_15 = arith.constant 0 : index
    %get3A_16 = vector.load %arg3[%get3A_14, %get3A_15] : memref<256x256xf32, #tpu.memory_space<vmem>>, vector<256x256xf32>
    %dot_general3A_17 = arith.constant dense<0.000000e+00> : vector<256x10000xf32>
    %dot_general3A_18 = tpu.matmul %get3A_16, %select_n3A, %dot_general3A_17 {dimension_numbers = #tpu.dot_dimension_numbers<[1], [0], [0], [1], [0, 0, 1, 1], [], []>, transpose_lhs_hint = false} : vector<256x256xf32>, vector<256x10000xf32>, vector<256x10000xf32> -> vector<256x10000xf32>
    %get3A_19 = arith.constant 0 : index
    %get3A_20 = arith.constant 0 : index
    %get3A_21 = vector.load %arg4[%get3A_19, %get3A_20] : memref<256x1xf32, #tpu.memory_space<vmem>>, vector<256x1xf32>
    %add3A_22 = vector.broadcast %get3A_21 : vector<256x1xf32> to vector<256x10000xf32>
    %add3A_23 = arith.addf %dot_general3A_18, %add3A_22 : vector<256x10000xf32>
    %ge3A_24 = arith.constant 0.000000e+00 : f32
    %ge3A_25 = vector.broadcast %ge3A_24 : f32 to vector<256x10000xf32>
    %ge3A_26 = arith.cmpf oge, %add3A_23, %ge3A_25 : vector<256x10000xf32>
    %mul3A_27 = arith.constant 0.00999999977 : f32
    %mul3A_28 = vector.broadcast %mul3A_27 : f32 to vector<256x10000xf32>
    %mul3A_29 = arith.mulf %mul3A_28, %add3A_23 : vector<256x10000xf32>
    %select_n3A_30 = arith.select %ge3A_26, %add3A_23, %mul3A_29 : vector<256x10000xi1>, vector<256x10000xf32>
    %get3A_31 = arith.constant 0 : index
    %get3A_32 = arith.constant 0 : index
    %get3A_33 = vector.load %arg5[%get3A_31, %get3A_32] : memref<32x256xf32, #tpu.memory_space<vmem>>, vector<32x256xf32>
    %dot_general3A_34 = arith.constant dense<0.000000e+00> : vector<32x10000xf32>
    %dot_general3A_35 = tpu.matmul %get3A_33, %select_n3A_30, %dot_general3A_34 {dimension_numbers = #tpu.dot_dimension_numbers<[1], [0], [0], [1], [0, 0, 1, 1], [], []>, transpose_lhs_hint = false} : vector<32x256xf32>, vector<256x10000xf32>, vector<32x10000xf32> -> vector<32x10000xf32>
    %get3A_36 = arith.constant 0 : index
    %get3A_37 = arith.constant 0 : index
    %get3A_38 = vector.load %arg6[%get3A_36, %get3A_37] : memref<32x1xf32, #tpu.memory_space<vmem>>, vector<32x1xf32>
    %add3A_39 = vector.broadcast %get3A_38 : vector<32x1xf32> to vector<32x10000xf32>
    %add3A_40 = arith.addf %dot_general3A_35, %add3A_39 : vector<32x10000xf32>
    %ge3A_41 = arith.constant 0.000000e+00 : f32
    %ge3A_42 = vector.broadcast %ge3A_41 : f32 to vector<32x10000xf32>
    %ge3A_43 = arith.cmpf oge, %add3A_40, %ge3A_42 : vector<32x10000xf32>
    %mul3A_44 = arith.constant 0.00999999977 : f32
    %mul3A_45 = vector.broadcast %mul3A_44 : f32 to vector<32x10000xf32>
    %mul3A_46 = arith.mulf %mul3A_45, %add3A_40 : vector<32x10000xf32>
    %select_n3A_47 = arith.select %ge3A_43, %add3A_40, %mul3A_46 : vector<32x10000xi1>, vector<32x10000xf32>
    %get3A_48 = arith.constant 0 : index
    %get3A_49 = arith.constant 0 : index
    %get3A_50 = vector.load %arg7[%get3A_48, %get3A_49] : memref<32x1xf32, #tpu.memory_space<vmem>>, vector<32x1xf32>
    %get3A_51 = arith.constant 0 : index
    %get3A_52 = arith.constant 0 : index
    %get3A_53 = vector.load %arg8[%get3A_51, %get3A_52] : memref<32x1xf32, #tpu.memory_space<vmem>>, vector<32x1xf32>
    %get3A_54 = arith.constant 0 : index
    %get3A_55 = arith.constant 0 : index
    %get3A_56 = vector.load %arg9[%get3A_54, %get3A_55] : memref<16x32xf32, #tpu.memory_space<vmem>>, vector<16x32xf32>
    %get3A_57 = arith.constant 0 : index
    %get3A_58 = arith.constant 0 : index
    %get3A_59 = vector.load %arg10[%get3A_57, %get3A_58] : memref<48x1xf32, #tpu.memory_space<vmem>>, vector<48x1xf32>
    %get3A_60 = arith.constant 0 : index
    %get3A_61 = arith.constant 0 : index
    %get3A_62 = vector.load %arg11[%get3A_60, %get3A_61] : memref<48x1xf32, #tpu.memory_space<vmem>>, vector<48x1xf32>
    %get3A_63 = arith.constant 0 : index
    %get3A_64 = arith.constant 0 : index
    %get3A_65 = vector.load %arg12[%get3A_63, %get3A_64] : memref<16x48xf32, #tpu.memory_space<vmem>>, vector<16x48xf32>
    %get3A_66 = arith.constant 0 : index
    %get3A_67 = arith.constant 0 : index
    %get3A_68 = vector.load %arg13[%get3A_66, %get3A_67] : memref<64x1xf32, #tpu.memory_space<vmem>>, vector<64x1xf32>
    %get3A_69 = arith.constant 0 : index
    %get3A_70 = arith.constant 0 : index
    %get3A_71 = vector.load %arg14[%get3A_69, %get3A_70] : memref<64x1xf32, #tpu.memory_space<vmem>>, vector<64x1xf32>
    %get3A_72 = arith.constant 0 : index
    %get3A_73 = arith.constant 0 : index
    %get3A_74 = vector.load %arg15[%get3A_72, %get3A_73] : memref<16x64xf32, #tpu.memory_space<vmem>>, vector<16x64xf32>
    %reduce_sum3A = arith.constant dense<0.000000e+00> : vector<32xf32>
    %reduce_sum3A_75 = vector.multi_reduction <add>, %select_n3A_47, %reduce_sum3A [1] : vector<32x10000xf32> to vector<32xf32>
    %broadcast_in_dim3A = vector.shape_cast %reduce_sum3A_75 : vector<32xf32> to vector<32x1xf32>
    %div3A = arith.constant 1.000000e+04 : f32
    %div3A_76 = vector.broadcast %div3A : f32 to vector<32x1xf32>
    %div3A_77 = arith.divf %broadcast_in_dim3A, %div3A_76 : vector<32x1xf32>
    %sub3A = vector.broadcast %div3A_77 : vector<32x1xf32> to vector<32x10000xf32>
    %sub3A_78 = arith.subf %select_n3A_47, %sub3A : vector<32x10000xf32>
    %mul3A_79 = arith.mulf %sub3A_78, %sub3A_78 : vector<32x10000xf32>
    %reduce_sum3A_80 = arith.constant dense<0.000000e+00> : vector<32xf32>
    %reduce_sum3A_81 = vector.multi_reduction <add>, %mul3A_79, %reduce_sum3A_80 [1] : vector<32x10000xf32> to vector<32xf32>
    %broadcast_in_dim3A_82 = vector.shape_cast %reduce_sum3A_81 : vector<32xf32> to vector<32x1xf32>
    %div3A_83 = arith.constant 1.000000e+04 : f32
    %div3A_84 = vector.broadcast %div3A_83 : f32 to vector<32x1xf32>
    %div3A_85 = arith.divf %broadcast_in_dim3A_82, %div3A_84 : vector<32x1xf32>
    %add3A_86 = arith.constant 9.99999974E-6 : f32
    %add3A_87 = vector.broadcast %add3A_86 : f32 to vector<32x1xf32>
    %add3A_88 = arith.addf %div3A_85, %add3A_87 : vector<32x1xf32>
    %sqrt3A = math.sqrt %add3A_88 : vector<32x1xf32>
    %div3A_89 = vector.broadcast %sqrt3A : vector<32x1xf32> to vector<32x10000xf32>
    %div3A_90 = arith.divf %sub3A_78, %div3A_89 : vector<32x10000xf32>
    %mul3A_91 = vector.broadcast %get3A_50 : vector<32x1xf32> to vector<32x10000xf32>
    %mul3A_92 = arith.mulf %mul3A_91, %div3A_90 : vector<32x10000xf32>
    %add3A_93 = vector.broadcast %get3A_53 : vector<32x1xf32> to vector<32x10000xf32>
    %add3A_94 = arith.addf %mul3A_92, %add3A_93 : vector<32x10000xf32>
    %ge3A_95 = arith.constant 0.000000e+00 : f32
    %ge3A_96 = vector.broadcast %ge3A_95 : f32 to vector<32x10000xf32>
    %ge3A_97 = arith.cmpf oge, %add3A_94, %ge3A_96 : vector<32x10000xf32>
    %mul3A_98 = arith.constant 0.00999999977 : f32
    %mul3A_99 = vector.broadcast %mul3A_98 : f32 to vector<32x10000xf32>
    %mul3A_100 = arith.mulf %mul3A_99, %add3A_94 : vector<32x10000xf32>
    %select_n3A_101 = arith.select %ge3A_97, %add3A_94, %mul3A_100 : vector<32x10000xi1>, vector<32x10000xf32>
    %dot_general3A_102 = arith.constant dense<0.000000e+00> : vector<16x10000xf32>
    %dot_general3A_103 = tpu.matmul %get3A_56, %select_n3A_101, %dot_general3A_102 {dimension_numbers = #tpu.dot_dimension_numbers<[1], [0], [0], [1], [0, 0, 1, 1], [], []>, transpose_lhs_hint = false} : vector<16x32xf32>, vector<32x10000xf32>, vector<16x10000xf32> -> vector<16x10000xf32>
    %slice3A = vector.extract_strided_slice %get3A_59 {offsets = [0, 0], sizes = [32, 1], strides = [1, 1]} : vector<48x1xf32> to vector<32x1xf32>
    %mul3A_104 = vector.broadcast %slice3A : vector<32x1xf32> to vector<32x10000xf32>
    %mul3A_105 = arith.mulf %mul3A_104, %div3A_90 : vector<32x10000xf32>
    %slice3A_106 = vector.extract_strided_slice %get3A_62 {offsets = [0, 0], sizes = [32, 1], strides = [1, 1]} : vector<48x1xf32> to vector<32x1xf32>
    %add3A_107 = vector.broadcast %slice3A_106 : vector<32x1xf32> to vector<32x10000xf32>
    %add3A_108 = arith.addf %mul3A_105, %add3A_107 : vector<32x10000xf32>
    %ge3A_109 = arith.constant 0.000000e+00 : f32
    %ge3A_110 = vector.broadcast %ge3A_109 : f32 to vector<32x10000xf32>
    %ge3A_111 = arith.cmpf oge, %add3A_108, %ge3A_110 : vector<32x10000xf32>
    %mul3A_112 = arith.constant 0.00999999977 : f32
    %mul3A_113 = vector.broadcast %mul3A_112 : f32 to vector<32x10000xf32>
    %mul3A_114 = arith.mulf %mul3A_113, %add3A_108 : vector<32x10000xf32>
    %select_n3A_115 = arith.select %ge3A_111, %add3A_108, %mul3A_114 : vector<32x10000xi1>, vector<32x10000xf32>
    %slice3A_116 = vector.extract_strided_slice %get3A_65 {offsets = [0, 0], sizes = [16, 32], strides = [1, 1]} : vector<16x48xf32> to vector<16x32xf32>
    %dot_general3A_117 = arith.constant dense<0.000000e+00> : vector<16x10000xf32>
    %dot_general3A_118 = tpu.matmul %slice3A_116, %select_n3A_115, %dot_general3A_117 {dimension_numbers = #tpu.dot_dimension_numbers<[1], [0], [0], [1], [0, 0, 1, 1], [], []>, transpose_lhs_hint = false} : vector<16x32xf32>, vector<32x10000xf32>, vector<16x10000xf32> -> vector<16x10000xf32>
    %reduce_sum3A_119 = arith.constant dense<0.000000e+00> : vector<16xf32>
    %reduce_sum3A_120 = vector.multi_reduction <add>, %dot_general3A_103, %reduce_sum3A_119 [1] : vector<16x10000xf32> to vector<16xf32>
    %broadcast_in_dim3A_121 = vector.shape_cast %reduce_sum3A_120 : vector<16xf32> to vector<16x1xf32>
    %div3A_122 = arith.constant 1.000000e+04 : f32
    %div3A_123 = vector.broadcast %div3A_122 : f32 to vector<16x1xf32>
    %div3A_124 = arith.divf %broadcast_in_dim3A_121, %div3A_123 : vector<16x1xf32>
    %sub3A_125 = vector.broadcast %div3A_124 : vector<16x1xf32> to vector<16x10000xf32>
    %sub3A_126 = arith.subf %dot_general3A_103, %sub3A_125 : vector<16x10000xf32>
    %mul3A_127 = arith.mulf %sub3A_126, %sub3A_126 : vector<16x10000xf32>
    %reduce_sum3A_128 = arith.constant dense<0.000000e+00> : vector<16xf32>
    %reduce_sum3A_129 = vector.multi_reduction <add>, %mul3A_127, %reduce_sum3A_128 [1] : vector<16x10000xf32> to vector<16xf32>
    %broadcast_in_dim3A_130 = vector.shape_cast %reduce_sum3A_129 : vector<16xf32> to vector<16x1xf32>
    %div3A_131 = arith.constant 1.000000e+04 : f32
    %div3A_132 = vector.broadcast %div3A_131 : f32 to vector<16x1xf32>
    %div3A_133 = arith.divf %broadcast_in_dim3A_130, %div3A_132 : vector<16x1xf32>
    %add3A_134 = arith.constant 9.99999974E-6 : f32
    %add3A_135 = vector.broadcast %add3A_134 : f32 to vector<16x1xf32>
    %add3A_136 = arith.addf %div3A_133, %add3A_135 : vector<16x1xf32>
    %sqrt3A_137 = math.sqrt %add3A_136 : vector<16x1xf32>
    %div3A_138 = vector.broadcast %sqrt3A_137 : vector<16x1xf32> to vector<16x10000xf32>
    %div3A_139 = arith.divf %sub3A_126, %div3A_138 : vector<16x10000xf32>
    %slice3A_140 = vector.extract_strided_slice %get3A_59 {offsets = [32, 0], sizes = [16, 1], strides = [1, 1]} : vector<48x1xf32> to vector<16x1xf32>
    %mul3A_141 = vector.broadcast %slice3A_140 : vector<16x1xf32> to vector<16x10000xf32>
    %mul3A_142 = arith.mulf %mul3A_141, %div3A_139 : vector<16x10000xf32>
    %slice3A_143 = vector.extract_strided_slice %get3A_62 {offsets = [32, 0], sizes = [16, 1], strides = [1, 1]} : vector<48x1xf32> to vector<16x1xf32>
    %add3A_144 = vector.broadcast %slice3A_143 : vector<16x1xf32> to vector<16x10000xf32>
    %add3A_145 = arith.addf %mul3A_142, %add3A_144 : vector<16x10000xf32>
    %ge3A_146 = arith.constant 0.000000e+00 : f32
    %ge3A_147 = vector.broadcast %ge3A_146 : f32 to vector<16x10000xf32>
    %ge3A_148 = arith.cmpf oge, %add3A_145, %ge3A_147 : vector<16x10000xf32>
    %mul3A_149 = arith.constant 0.00999999977 : f32
    %mul3A_150 = vector.broadcast %mul3A_149 : f32 to vector<16x10000xf32>
    %mul3A_151 = arith.mulf %mul3A_150, %add3A_145 : vector<16x10000xf32>
    %select_n3A_152 = arith.select %ge3A_148, %add3A_145, %mul3A_151 : vector<16x10000xi1>, vector<16x10000xf32>
    %slice3A_153 = vector.extract_strided_slice %get3A_65 {offsets = [0, 32], sizes = [16, 16], strides = [1, 1]} : vector<16x48xf32> to vector<16x16xf32>
    %dot_general3A_154 = arith.constant dense<0.000000e+00> : vector<16x10000xf32>
    %dot_general3A_155 = tpu.matmul %slice3A_153, %select_n3A_152, %dot_general3A_154 {dimension_numbers = #tpu.dot_dimension_numbers<[1], [0], [0], [1], [0, 0, 1, 1], [], []>, transpose_lhs_hint = false} : vector<16x16xf32>, vector<16x10000xf32>, vector<16x10000xf32> -> vector<16x10000xf32>
    %add3A_156 = arith.addf %dot_general3A_118, %dot_general3A_155 : vector<16x10000xf32>
    %slice3A_157 = vector.extract_strided_slice %get3A_68 {offsets = [0, 0], sizes = [32, 1], strides = [1, 1]} : vector<64x1xf32> to vector<32x1xf32>
    %mul3A_158 = vector.broadcast %slice3A_157 : vector<32x1xf32> to vector<32x10000xf32>
    %mul3A_159 = arith.mulf %mul3A_158, %div3A_90 : vector<32x10000xf32>
    %slice3A_160 = vector.extract_strided_slice %get3A_71 {offsets = [0, 0], sizes = [32, 1], strides = [1, 1]} : vector<64x1xf32> to vector<32x1xf32>
    %add3A_161 = vector.broadcast %slice3A_160 : vector<32x1xf32> to vector<32x10000xf32>
    %add3A_162 = arith.addf %mul3A_159, %add3A_161 : vector<32x10000xf32>
    %ge3A_163 = arith.constant 0.000000e+00 : f32
    %ge3A_164 = vector.broadcast %ge3A_163 : f32 to vector<32x10000xf32>
    %ge3A_165 = arith.cmpf oge, %add3A_162, %ge3A_164 : vector<32x10000xf32>
    %mul3A_166 = arith.constant 0.00999999977 : f32
    %mul3A_167 = vector.broadcast %mul3A_166 : f32 to vector<32x10000xf32>
    %mul3A_168 = arith.mulf %mul3A_167, %add3A_162 : vector<32x10000xf32>
    %select_n3A_169 = arith.select %ge3A_165, %add3A_162, %mul3A_168 : vector<32x10000xi1>, vector<32x10000xf32>
    %slice3A_170 = vector.extract_strided_slice %get3A_74 {offsets = [0, 0], sizes = [16, 32], strides = [1, 1]} : vector<16x64xf32> to vector<16x32xf32>
    %dot_general3A_171 = arith.constant dense<0.000000e+00> : vector<16x10000xf32>
    %dot_general3A_172 = tpu.matmul %slice3A_170, %select_n3A_169, %dot_general3A_171 {dimension_numbers = #tpu.dot_dimension_numbers<[1], [0], [0], [1], [0, 0, 1, 1], [], []>, transpose_lhs_hint = false} : vector<16x32xf32>, vector<32x10000xf32>, vector<16x10000xf32> -> vector<16x10000xf32>
    %slice3A_173 = vector.extract_strided_slice %get3A_68 {offsets = [32, 0], sizes = [16, 1], strides = [1, 1]} : vector<64x1xf32> to vector<16x1xf32>
    %mul3A_174 = vector.broadcast %slice3A_173 : vector<16x1xf32> to vector<16x10000xf32>
    %mul3A_175 = arith.mulf %mul3A_174, %div3A_139 : vector<16x10000xf32>
    %slice3A_176 = vector.extract_strided_slice %get3A_71 {offsets = [32, 0], sizes = [16, 1], strides = [1, 1]} : vector<64x1xf32> to vector<16x1xf32>
    %add3A_177 = vector.broadcast %slice3A_176 : vector<16x1xf32> to vector<16x10000xf32>
    %add3A_178 = arith.addf %mul3A_175, %add3A_177 : vector<16x10000xf32>
    %ge3A_179 = arith.constant 0.000000e+00 : f32
    %ge3A_180 = vector.broadcast %ge3A_179 : f32 to vector<16x10000xf32>
    %ge3A_181 = arith.cmpf oge, %add3A_178, %ge3A_180 : vector<16x10000xf32>
    %mul3A_182 = arith.constant 0.00999999977 : f32
    %mul3A_183 = vector.broadcast %mul3A_182 : f32 to vector<16x10000xf32>
    %mul3A_184 = arith.mulf %mul3A_183, %add3A_178 : vector<16x10000xf32>
    %select_n3A_185 = arith.select %ge3A_181, %add3A_178, %mul3A_184 : vector<16x10000xi1>, vector<16x10000xf32>
    %slice3A_186 = vector.extract_strided_slice %get3A_74 {offsets = [0, 32], sizes = [16, 16], strides = [1, 1]} : vector<16x64xf32> to vector<16x16xf32>
    %dot_general3A_187 = arith.constant dense<0.000000e+00> : vector<16x10000xf32>
    %dot_general3A_188 = tpu.matmul %slice3A_186, %select_n3A_185, %dot_general3A_187 {dimension_numbers = #tpu.dot_dimension_numbers<[1], [0], [0], [1], [0, 0, 1, 1], [], []>, transpose_lhs_hint = false} : vector<16x16xf32>, vector<16x10000xf32>, vector<16x10000xf32> -> vector<16x10000xf32>
    %add3A_189 = arith.addf %dot_general3A_172, %dot_general3A_188 : vector<16x10000xf32>
    %reduce_sum3A_190 = arith.constant dense<0.000000e+00> : vector<16xf32>
    %reduce_sum3A_191 = vector.multi_reduction <add>, %add3A_156, %reduce_sum3A_190 [1] : vector<16x10000xf32> to vector<16xf32>
    %broadcast_in_dim3A_192 = vector.shape_cast %reduce_sum3A_191 : vector<16xf32> to vector<16x1xf32>
    %div3A_193 = arith.constant 1.000000e+04 : f32
    %div3A_194 = vector.broadcast %div3A_193 : f32 to vector<16x1xf32>
    %div3A_195 = arith.divf %broadcast_in_dim3A_192, %div3A_194 : vector<16x1xf32>
    %sub3A_196 = vector.broadcast %div3A_195 : vector<16x1xf32> to vector<16x10000xf32>
    %sub3A_197 = arith.subf %add3A_156, %sub3A_196 : vector<16x10000xf32>
    %mul3A_198 = arith.mulf %sub3A_197, %sub3A_197 : vector<16x10000xf32>
    %reduce_sum3A_199 = arith.constant dense<0.000000e+00> : vector<16xf32>
    %reduce_sum3A_200 = vector.multi_reduction <add>, %mul3A_198, %reduce_sum3A_199 [1] : vector<16x10000xf32> to vector<16xf32>
    %broadcast_in_dim3A_201 = vector.shape_cast %reduce_sum3A_200 : vector<16xf32> to vector<16x1xf32>
    %div3A_202 = arith.constant 1.000000e+04 : f32
    %div3A_203 = vector.broadcast %div3A_202 : f32 to vector<16x1xf32>
    %div3A_204 = arith.divf %broadcast_in_dim3A_201, %div3A_203 : vector<16x1xf32>
    %add3A_205 = arith.constant 9.99999974E-6 : f32
    %add3A_206 = vector.broadcast %add3A_205 : f32 to vector<16x1xf32>
    %add3A_207 = arith.addf %div3A_204, %add3A_206 : vector<16x1xf32>
    %sqrt3A_208 = math.sqrt %add3A_207 : vector<16x1xf32>
    %div3A_209 = vector.broadcast %sqrt3A_208 : vector<16x1xf32> to vector<16x10000xf32>
    %div3A_210 = arith.divf %sub3A_197, %div3A_209 : vector<16x10000xf32>
    %slice3A_211 = vector.extract_strided_slice %get3A_68 {offsets = [48, 0], sizes = [16, 1], strides = [1, 1]} : vector<64x1xf32> to vector<16x1xf32>
    %mul3A_212 = vector.broadcast %slice3A_211 : vector<16x1xf32> to vector<16x10000xf32>
    %mul3A_213 = arith.mulf %mul3A_212, %div3A_210 : vector<16x10000xf32>
    %slice3A_214 = vector.extract_strided_slice %get3A_71 {offsets = [48, 0], sizes = [16, 1], strides = [1, 1]} : vector<64x1xf32> to vector<16x1xf32>
    %add3A_215 = vector.broadcast %slice3A_214 : vector<16x1xf32> to vector<16x10000xf32>
    %add3A_216 = arith.addf %mul3A_213, %add3A_215 : vector<16x10000xf32>
    %ge3A_217 = arith.constant 0.000000e+00 : f32
    %ge3A_218 = vector.broadcast %ge3A_217 : f32 to vector<16x10000xf32>
    %ge3A_219 = arith.cmpf oge, %add3A_216, %ge3A_218 : vector<16x10000xf32>
    %mul3A_220 = arith.constant 0.00999999977 : f32
    %mul3A_221 = vector.broadcast %mul3A_220 : f32 to vector<16x10000xf32>
    %mul3A_222 = arith.mulf %mul3A_221, %add3A_216 : vector<16x10000xf32>
    %select_n3A_223 = arith.select %ge3A_219, %add3A_216, %mul3A_222 : vector<16x10000xi1>, vector<16x10000xf32>
    %slice3A_224 = vector.extract_strided_slice %get3A_74 {offsets = [0, 48], sizes = [16, 16], strides = [1, 1]} : vector<16x64xf32> to vector<16x16xf32>
    %dot_general3A_225 = arith.constant dense<0.000000e+00> : vector<16x10000xf32>
    %dot_general3A_226 = tpu.matmul %slice3A_224, %select_n3A_223, %dot_general3A_225 {dimension_numbers = #tpu.dot_dimension_numbers<[1], [0], [0], [1], [0, 0, 1, 1], [], []>, transpose_lhs_hint = false} : vector<16x16xf32>, vector<16x10000xf32>, vector<16x10000xf32> -> vector<16x10000xf32>
    %add3A_227 = arith.addf %add3A_189, %dot_general3A_226 : vector<16x10000xf32>
    %get3A_228 = arith.constant 0 : index
    %get3A_229 = arith.constant 0 : index
    %get3A_230 = vector.load %arg16[%get3A_228, %get3A_229] : memref<40x80xf32, #tpu.memory_space<vmem>>, vector<40x80xf32>
    %get3A_231 = arith.constant 0 : index
    %get3A_232 = arith.constant 0 : index
    %get3A_233 = vector.load %arg17[%get3A_231, %get3A_232] : memref<1x40xf32, #tpu.memory_space<vmem>>, vector<1x40xf32>
    %get3A_234 = arith.constant 0 : index
    %get3A_235 = arith.constant 0 : index
    %get3A_236 = vector.load %arg18[%get3A_234, %get3A_235] : memref<1x40xf32, #tpu.memory_space<vmem>>, vector<1x40xf32>
    %slice3A_237 = vector.extract_strided_slice %get3A_230 {offsets = [0, 0], sizes = [40, 32], strides = [1, 1]} : vector<40x80xf32> to vector<40x32xf32>
    %dot_general3A_238 = arith.constant dense<0.000000e+00> : vector<40x10000xf32>
    %dot_general3A_239 = tpu.matmul %slice3A_237, %select_n3A_47, %dot_general3A_238 {dimension_numbers = #tpu.dot_dimension_numbers<[1], [0], [0], [1], [0, 0, 1, 1], [], []>, transpose_lhs_hint = false} : vector<40x32xf32>, vector<32x10000xf32>, vector<40x10000xf32> -> vector<40x10000xf32>
    %slice3A_240 = vector.extract_strided_slice %get3A_230 {offsets = [0, 32], sizes = [40, 16], strides = [1, 1]} : vector<40x80xf32> to vector<40x16xf32>
    %dot_general3A_241 = arith.constant dense<0.000000e+00> : vector<40x10000xf32>
    %dot_general3A_242 = tpu.matmul %slice3A_240, %dot_general3A_103, %dot_general3A_241 {dimension_numbers = #tpu.dot_dimension_numbers<[1], [0], [0], [1], [0, 0, 1, 1], [], []>, transpose_lhs_hint = false} : vector<40x16xf32>, vector<16x10000xf32>, vector<40x10000xf32> -> vector<40x10000xf32>
    %add3A_243 = arith.addf %dot_general3A_239, %dot_general3A_242 : vector<40x10000xf32>
    %slice3A_244 = vector.extract_strided_slice %get3A_230 {offsets = [0, 48], sizes = [40, 16], strides = [1, 1]} : vector<40x80xf32> to vector<40x16xf32>
    %dot_general3A_245 = arith.constant dense<0.000000e+00> : vector<40x10000xf32>
    %dot_general3A_246 = tpu.matmul %slice3A_244, %add3A_156, %dot_general3A_245 {dimension_numbers = #tpu.dot_dimension_numbers<[1], [0], [0], [1], [0, 0, 1, 1], [], []>, transpose_lhs_hint = false} : vector<40x16xf32>, vector<16x10000xf32>, vector<40x10000xf32> -> vector<40x10000xf32>
    %add3A_247 = arith.addf %add3A_243, %dot_general3A_246 : vector<40x10000xf32>
    %slice3A_248 = vector.extract_strided_slice %get3A_230 {offsets = [0, 64], sizes = [40, 16], strides = [1, 1]} : vector<40x80xf32> to vector<40x16xf32>
    %dot_general3A_249 = arith.constant dense<0.000000e+00> : vector<40x10000xf32>
    %dot_general3A_250 = tpu.matmul %slice3A_248, %add3A_227, %dot_general3A_249 {dimension_numbers = #tpu.dot_dimension_numbers<[1], [0], [0], [1], [0, 0, 1, 1], [], []>, transpose_lhs_hint = false} : vector<40x16xf32>, vector<16x10000xf32>, vector<40x10000xf32> -> vector<40x10000xf32>
    %add3A_251 = arith.addf %add3A_247, %dot_general3A_250 : vector<40x10000xf32>
    %dot_general3A_252 = arith.constant dense<0.000000e+00> : vector<1x10000xf32>
    %dot_general3A_253 = tpu.matmul %get3A_233, %add3A_251, %dot_general3A_252 {dimension_numbers = #tpu.dot_dimension_numbers<[1], [0], [0], [1], [0, 0, 1, 1], [], []>, transpose_lhs_hint = false} : vector<1x40xf32>, vector<40x10000xf32>, vector<1x10000xf32> -> vector<1x10000xf32>
    %dot_general3A_254 = arith.constant dense<0.000000e+00> : vector<1x10000xf32>
    %dot_general3A_255 = tpu.matmul %get3A_236, %add3A_251, %dot_general3A_254 {dimension_numbers = #tpu.dot_dimension_numbers<[1], [0], [0], [1], [0, 0, 1, 1], [], []>, transpose_lhs_hint = false} : vector<1x40xf32>, vector<40x10000xf32>, vector<1x10000xf32> -> vector<1x10000xf32>
    %concatenate3A = tpu.concatenate %dot_general3A_253, %dot_general3A_255 in 0 : vector<1x10000xf32>, vector<1x10000xf32> -> vector<2x10000xf32>
    %swap3A = arith.constant 0 : index
    %swap3A_256 = arith.constant 0 : index
    %swap3A_257 = vector.load %arg19[%swap3A, %swap3A_256] : memref<40x10000xf32, #tpu.memory_space<vmem>>, vector<40x10000xf32>
    tpu.vector_store %arg19[%swap3A, %swap3A_256], %add3A_251 {strides = array<i32>} : memref<40x10000xf32, #tpu.memory_space<vmem>>, vector<40x10000xf32>,
    %swap3A_258 = arith.constant 0 : index
    %swap3A_259 = arith.constant 0 : index
    %swap3A_260 = vector.load %arg20[%swap3A_258, %swap3A_259] : memref<2x10000xf32, #tpu.memory_space<vmem>>, vector<2x10000xf32>
    tpu.vector_store %arg20[%swap3A_258, %swap3A_259], %concatenate3A {strides = array<i32>} : memref<2x10000xf32, #tpu.memory_space<vmem>>, vector<2x10000xf32>,
    return
  }
}

module attributes {stable_mosaic.version = 14 : i64} {
  func.func @_tc3_body(%arg0: memref<4x44x10000xf32, #tpu.memory_space<vmem>>, %arg1: memref<32x10000xf32, #tpu.memory_space<vmem>>, %arg2: memref<44x1xf32, #tpu.memory_space<vmem>>, %arg3: memref<44x1xf32, #tpu.memory_space<vmem>>, %arg4: memref<44x1xf32, #tpu.memory_space<vmem>>, %arg5: memref<16x44xf32, #tpu.memory_space<vmem>>, %arg6: memref<60x1xf32, #tpu.memory_space<vmem>>, %arg7: memref<60x1xf32, #tpu.memory_space<vmem>>, %arg8: memref<16x60xf32, #tpu.memory_space<vmem>>, %arg9: memref<76x1xf32, #tpu.memory_space<vmem>>, %arg10: memref<76x1xf32, #tpu.memory_space<vmem>>, %arg11: memref<16x76xf32, #tpu.memory_space<vmem>>, %arg12: memref<44x10000xf32, #tpu.memory_space<vmem>>, %arg13: memref<16x10000xf32, #tpu.memory_space<vmem>>, %arg14: memref<16x10000xf32, #tpu.memory_space<vmem>>, %arg15: memref<16x10000xf32, #tpu.memory_space<vmem>>) attributes {dimension_semantics = [], scalar_prefetch = 0 : i64, scratch_operands = 0 : i64, tpu.core_type = #tpu.core_type<tc>} {
    %get3A = arith.constant 0 : index
    %get3A_0 = arith.constant 0 : index
    %get3A_1 = vector.load %arg1[%get3A, %get3A_0] : memref<32x10000xf32, #tpu.memory_space<vmem>>, vector<32x10000xf32>
    %reduce_sum3A = arith.constant dense<0.000000e+00> : vector<10000xf32>
    %reduce_sum3A_2 = vector.multi_reduction <add>, %get3A_1, %reduce_sum3A [0] : vector<32x10000xf32> to vector<10000xf32>
    %broadcast_in_dim3A = vector.shape_cast %reduce_sum3A_2 : vector<10000xf32> to vector<1x10000xf32>
    %get3A_3 = arith.constant 0 : index
    %get3A_4 = arith.constant 0 : index
    %get3A_5 = arith.constant 0 : index
    %get3A_6 = vector.load %arg0[%get3A_3, %get3A_4, %get3A_5] : memref<4x44x10000xf32, #tpu.memory_space<vmem>>, vector<4x44x10000xf32>
    %reduce_sum3A_7 = arith.constant dense<0.000000e+00> : vector<44x10000xf32>
    %reduce_sum3A_8 = vector.multi_reduction <add>, %get3A_6, %reduce_sum3A_7 [0] : vector<4x44x10000xf32> to vector<44x10000xf32>
    %add3A = arith.constant 1.000000e-16 : f32
    %add3A_9 = vector.broadcast %add3A : f32 to vector<1x10000xf32>
    %add3A_10 = arith.addf %broadcast_in_dim3A, %add3A_9 : vector<1x10000xf32>
    %div3A = vector.broadcast %add3A_10 : vector<1x10000xf32> to vector<44x10000xf32>
    %div3A_11 = arith.divf %reduce_sum3A_8, %div3A : vector<44x10000xf32>
    %get3A_12 = arith.constant 0 : index
    %get3A_13 = arith.constant 0 : index
    %get3A_14 = vector.load %arg2[%get3A_12, %get3A_13] : memref<44x1xf32, #tpu.memory_space<vmem>>, vector<44x1xf32>
    %add3A_15 = vector.broadcast %get3A_14 : vector<44x1xf32> to vector<44x10000xf32>
    %add3A_16 = arith.addf %div3A_11, %add3A_15 : vector<44x10000xf32>
    %get3A_17 = arith.constant 0 : index
    %get3A_18 = arith.constant 0 : index
    %get3A_19 = vector.load %arg3[%get3A_17, %get3A_18] : memref<44x1xf32, #tpu.memory_space<vmem>>, vector<44x1xf32>
    %get3A_20 = arith.constant 0 : index
    %get3A_21 = arith.constant 0 : index
    %get3A_22 = vector.load %arg4[%get3A_20, %get3A_21] : memref<44x1xf32, #tpu.memory_space<vmem>>, vector<44x1xf32>
    %get3A_23 = arith.constant 0 : index
    %get3A_24 = arith.constant 0 : index
    %get3A_25 = vector.load %arg5[%get3A_23, %get3A_24] : memref<16x44xf32, #tpu.memory_space<vmem>>, vector<16x44xf32>
    %get3A_26 = arith.constant 0 : index
    %get3A_27 = arith.constant 0 : index
    %get3A_28 = vector.load %arg6[%get3A_26, %get3A_27] : memref<60x1xf32, #tpu.memory_space<vmem>>, vector<60x1xf32>
    %get3A_29 = arith.constant 0 : index
    %get3A_30 = arith.constant 0 : index
    %get3A_31 = vector.load %arg7[%get3A_29, %get3A_30] : memref<60x1xf32, #tpu.memory_space<vmem>>, vector<60x1xf32>
    %get3A_32 = arith.constant 0 : index
    %get3A_33 = arith.constant 0 : index
    %get3A_34 = vector.load %arg8[%get3A_32, %get3A_33] : memref<16x60xf32, #tpu.memory_space<vmem>>, vector<16x60xf32>
    %get3A_35 = arith.constant 0 : index
    %get3A_36 = arith.constant 0 : index
    %get3A_37 = vector.load %arg9[%get3A_35, %get3A_36] : memref<76x1xf32, #tpu.memory_space<vmem>>, vector<76x1xf32>
    %get3A_38 = arith.constant 0 : index
    %get3A_39 = arith.constant 0 : index
    %get3A_40 = vector.load %arg10[%get3A_38, %get3A_39] : memref<76x1xf32, #tpu.memory_space<vmem>>, vector<76x1xf32>
    %get3A_41 = arith.constant 0 : index
    %get3A_42 = arith.constant 0 : index
    %get3A_43 = vector.load %arg11[%get3A_41, %get3A_42] : memref<16x76xf32, #tpu.memory_space<vmem>>, vector<16x76xf32>
    %reduce_sum3A_44 = arith.constant dense<0.000000e+00> : vector<44xf32>
    %reduce_sum3A_45 = vector.multi_reduction <add>, %add3A_16, %reduce_sum3A_44 [1] : vector<44x10000xf32> to vector<44xf32>
    %broadcast_in_dim3A_46 = vector.shape_cast %reduce_sum3A_45 : vector<44xf32> to vector<44x1xf32>
    %div3A_47 = arith.constant 1.000000e+04 : f32
    %div3A_48 = vector.broadcast %div3A_47 : f32 to vector<44x1xf32>
    %div3A_49 = arith.divf %broadcast_in_dim3A_46, %div3A_48 : vector<44x1xf32>
    %sub3A = vector.broadcast %div3A_49 : vector<44x1xf32> to vector<44x10000xf32>
    %sub3A_50 = arith.subf %add3A_16, %sub3A : vector<44x10000xf32>
    %mul3A = arith.mulf %sub3A_50, %sub3A_50 : vector<44x10000xf32>
    %reduce_sum3A_51 = arith.constant dense<0.000000e+00> : vector<44xf32>
    %reduce_sum3A_52 = vector.multi_reduction <add>, %mul3A, %reduce_sum3A_51 [1] : vector<44x10000xf32> to vector<44xf32>
    %broadcast_in_dim3A_53 = vector.shape_cast %reduce_sum3A_52 : vector<44xf32> to vector<44x1xf32>
    %div3A_54 = arith.constant 1.000000e+04 : f32
    %div3A_55 = vector.broadcast %div3A_54 : f32 to vector<44x1xf32>
    %div3A_56 = arith.divf %broadcast_in_dim3A_53, %div3A_55 : vector<44x1xf32>
    %add3A_57 = arith.constant 9.99999974E-6 : f32
    %add3A_58 = vector.broadcast %add3A_57 : f32 to vector<44x1xf32>
    %add3A_59 = arith.addf %div3A_56, %add3A_58 : vector<44x1xf32>
    %sqrt3A = math.sqrt %add3A_59 : vector<44x1xf32>
    %div3A_60 = vector.broadcast %sqrt3A : vector<44x1xf32> to vector<44x10000xf32>
    %div3A_61 = arith.divf %sub3A_50, %div3A_60 : vector<44x10000xf32>
    %mul3A_62 = vector.broadcast %get3A_19 : vector<44x1xf32> to vector<44x10000xf32>
    %mul3A_63 = arith.mulf %mul3A_62, %div3A_61 : vector<44x10000xf32>
    %add3A_64 = vector.broadcast %get3A_22 : vector<44x1xf32> to vector<44x10000xf32>
    %add3A_65 = arith.addf %mul3A_63, %add3A_64 : vector<44x10000xf32>
    %ge3A = arith.constant 0.000000e+00 : f32
    %ge3A_66 = vector.broadcast %ge3A : f32 to vector<44x10000xf32>
    %ge3A_67 = arith.cmpf oge, %add3A_65, %ge3A_66 : vector<44x10000xf32>
    %mul3A_68 = arith.constant 0.00999999977 : f32
    %mul3A_69 = vector.broadcast %mul3A_68 : f32 to vector<44x10000xf32>
    %mul3A_70 = arith.mulf %mul3A_69, %add3A_65 : vector<44x10000xf32>
    %select_n3A = arith.select %ge3A_67, %add3A_65, %mul3A_70 : vector<44x10000xi1>, vector<44x10000xf32>
    %dot_general3A = arith.constant dense<0.000000e+00> : vector<16x10000xf32>
    %dot_general3A_71 = tpu.matmul %get3A_25, %select_n3A, %dot_general3A {dimension_numbers = #tpu.dot_dimension_numbers<[1], [0], [0], [1], [0, 0, 1, 1], [], []>, transpose_lhs_hint = false} : vector<16x44xf32>, vector<44x10000xf32>, vector<16x10000xf32> -> vector<16x10000xf32>
    %slice3A = vector.extract_strided_slice %get3A_28 {offsets = [0, 0], sizes = [44, 1], strides = [1, 1]} : vector<60x1xf32> to vector<44x1xf32>
    %mul3A_72 = vector.broadcast %slice3A : vector<44x1xf32> to vector<44x10000xf32>
    %mul3A_73 = arith.mulf %mul3A_72, %div3A_61 : vector<44x10000xf32>
    %slice3A_74 = vector.extract_strided_slice %get3A_31 {offsets = [0, 0], sizes = [44, 1], strides = [1, 1]} : vector<60x1xf32> to vector<44x1xf32>
    %add3A_75 = vector.broadcast %slice3A_74 : vector<44x1xf32> to vector<44x10000xf32>
    %add3A_76 = arith.addf %mul3A_73, %add3A_75 : vector<44x10000xf32>
    %ge3A_77 = arith.constant 0.000000e+00 : f32
    %ge3A_78 = vector.broadcast %ge3A_77 : f32 to vector<44x10000xf32>
    %ge3A_79 = arith.cmpf oge, %add3A_76, %ge3A_78 : vector<44x10000xf32>
    %mul3A_80 = arith.constant 0.00999999977 : f32
    %mul3A_81 = vector.broadcast %mul3A_80 : f32 to vector<44x10000xf32>
    %mul3A_82 = arith.mulf %mul3A_81, %add3A_76 : vector<44x10000xf32>
    %select_n3A_83 = arith.select %ge3A_79, %add3A_76, %mul3A_82 : vector<44x10000xi1>, vector<44x10000xf32>
    %slice3A_84 = vector.extract_strided_slice %get3A_34 {offsets = [0, 0], sizes = [16, 44], strides = [1, 1]} : vector<16x60xf32> to vector<16x44xf32>
    %dot_general3A_85 = arith.constant dense<0.000000e+00> : vector<16x10000xf32>
    %dot_general3A_86 = tpu.matmul %slice3A_84, %select_n3A_83, %dot_general3A_85 {dimension_numbers = #tpu.dot_dimension_numbers<[1], [0], [0], [1], [0, 0, 1, 1], [], []>, transpose_lhs_hint = false} : vector<16x44xf32>, vector<44x10000xf32>, vector<16x10000xf32> -> vector<16x10000xf32>
    %reduce_sum3A_87 = arith.constant dense<0.000000e+00> : vector<16xf32>
    %reduce_sum3A_88 = vector.multi_reduction <add>, %dot_general3A_71, %reduce_sum3A_87 [1] : vector<16x10000xf32> to vector<16xf32>
    %broadcast_in_dim3A_89 = vector.shape_cast %reduce_sum3A_88 : vector<16xf32> to vector<16x1xf32>
    %div3A_90 = arith.constant 1.000000e+04 : f32
    %div3A_91 = vector.broadcast %div3A_90 : f32 to vector<16x1xf32>
    %div3A_92 = arith.divf %broadcast_in_dim3A_89, %div3A_91 : vector<16x1xf32>
    %sub3A_93 = vector.broadcast %div3A_92 : vector<16x1xf32> to vector<16x10000xf32>
    %sub3A_94 = arith.subf %dot_general3A_71, %sub3A_93 : vector<16x10000xf32>
    %mul3A_95 = arith.mulf %sub3A_94, %sub3A_94 : vector<16x10000xf32>
    %reduce_sum3A_96 = arith.constant dense<0.000000e+00> : vector<16xf32>
    %reduce_sum3A_97 = vector.multi_reduction <add>, %mul3A_95, %reduce_sum3A_96 [1] : vector<16x10000xf32> to vector<16xf32>
    %broadcast_in_dim3A_98 = vector.shape_cast %reduce_sum3A_97 : vector<16xf32> to vector<16x1xf32>
    %div3A_99 = arith.constant 1.000000e+04 : f32
    %div3A_100 = vector.broadcast %div3A_99 : f32 to vector<16x1xf32>
    %div3A_101 = arith.divf %broadcast_in_dim3A_98, %div3A_100 : vector<16x1xf32>
    %add3A_102 = arith.constant 9.99999974E-6 : f32
    %add3A_103 = vector.broadcast %add3A_102 : f32 to vector<16x1xf32>
    %add3A_104 = arith.addf %div3A_101, %add3A_103 : vector<16x1xf32>
    %sqrt3A_105 = math.sqrt %add3A_104 : vector<16x1xf32>
    %div3A_106 = vector.broadcast %sqrt3A_105 : vector<16x1xf32> to vector<16x10000xf32>
    %div3A_107 = arith.divf %sub3A_94, %div3A_106 : vector<16x10000xf32>
    %slice3A_108 = vector.extract_strided_slice %get3A_28 {offsets = [44, 0], sizes = [16, 1], strides = [1, 1]} : vector<60x1xf32> to vector<16x1xf32>
    %mul3A_109 = vector.broadcast %slice3A_108 : vector<16x1xf32> to vector<16x10000xf32>
    %mul3A_110 = arith.mulf %mul3A_109, %div3A_107 : vector<16x10000xf32>
    %slice3A_111 = vector.extract_strided_slice %get3A_31 {offsets = [44, 0], sizes = [16, 1], strides = [1, 1]} : vector<60x1xf32> to vector<16x1xf32>
    %add3A_112 = vector.broadcast %slice3A_111 : vector<16x1xf32> to vector<16x10000xf32>
    %add3A_113 = arith.addf %mul3A_110, %add3A_112 : vector<16x10000xf32>
    %ge3A_114 = arith.constant 0.000000e+00 : f32
    %ge3A_115 = vector.broadcast %ge3A_114 : f32 to vector<16x10000xf32>
    %ge3A_116 = arith.cmpf oge, %add3A_113, %ge3A_115 : vector<16x10000xf32>
    %mul3A_117 = arith.constant 0.00999999977 : f32
    %mul3A_118 = vector.broadcast %mul3A_117 : f32 to vector<16x10000xf32>
    %mul3A_119 = arith.mulf %mul3A_118, %add3A_113 : vector<16x10000xf32>
    %select_n3A_120 = arith.select %ge3A_116, %add3A_113, %mul3A_119 : vector<16x10000xi1>, vector<16x10000xf32>
    %slice3A_121 = vector.extract_strided_slice %get3A_34 {offsets = [0, 44], sizes = [16, 16], strides = [1, 1]} : vector<16x60xf32> to vector<16x16xf32>
    %dot_general3A_122 = arith.constant dense<0.000000e+00> : vector<16x10000xf32>
    %dot_general3A_123 = tpu.matmul %slice3A_121, %select_n3A_120, %dot_general3A_122 {dimension_numbers = #tpu.dot_dimension_numbers<[1], [0], [0], [1], [0, 0, 1, 1], [], []>, transpose_lhs_hint = false} : vector<16x16xf32>, vector<16x10000xf32>, vector<16x10000xf32> -> vector<16x10000xf32>
    %add3A_124 = arith.addf %dot_general3A_86, %dot_general3A_123 : vector<16x10000xf32>
    %slice3A_125 = vector.extract_strided_slice %get3A_37 {offsets = [0, 0], sizes = [44, 1], strides = [1, 1]} : vector<76x1xf32> to vector<44x1xf32>
    %mul3A_126 = vector.broadcast %slice3A_125 : vector<44x1xf32> to vector<44x10000xf32>
    %mul3A_127 = arith.mulf %mul3A_126, %div3A_61 : vector<44x10000xf32>
    %slice3A_128 = vector.extract_strided_slice %get3A_40 {offsets = [0, 0], sizes = [44, 1], strides = [1, 1]} : vector<76x1xf32> to vector<44x1xf32>
    %add3A_129 = vector.broadcast %slice3A_128 : vector<44x1xf32> to vector<44x10000xf32>
    %add3A_130 = arith.addf %mul3A_127, %add3A_129 : vector<44x10000xf32>
    %ge3A_131 = arith.constant 0.000000e+00 : f32
    %ge3A_132 = vector.broadcast %ge3A_131 : f32 to vector<44x10000xf32>
    %ge3A_133 = arith.cmpf oge, %add3A_130, %ge3A_132 : vector<44x10000xf32>
    %mul3A_134 = arith.constant 0.00999999977 : f32
    %mul3A_135 = vector.broadcast %mul3A_134 : f32 to vector<44x10000xf32>
    %mul3A_136 = arith.mulf %mul3A_135, %add3A_130 : vector<44x10000xf32>
    %select_n3A_137 = arith.select %ge3A_133, %add3A_130, %mul3A_136 : vector<44x10000xi1>, vector<44x10000xf32>
    %slice3A_138 = vector.extract_strided_slice %get3A_43 {offsets = [0, 0], sizes = [16, 44], strides = [1, 1]} : vector<16x76xf32> to vector<16x44xf32>
    %dot_general3A_139 = arith.constant dense<0.000000e+00> : vector<16x10000xf32>
    %dot_general3A_140 = tpu.matmul %slice3A_138, %select_n3A_137, %dot_general3A_139 {dimension_numbers = #tpu.dot_dimension_numbers<[1], [0], [0], [1], [0, 0, 1, 1], [], []>, transpose_lhs_hint = false} : vector<16x44xf32>, vector<44x10000xf32>, vector<16x10000xf32> -> vector<16x10000xf32>
    %slice3A_141 = vector.extract_strided_slice %get3A_37 {offsets = [44, 0], sizes = [16, 1], strides = [1, 1]} : vector<76x1xf32> to vector<16x1xf32>
    %mul3A_142 = vector.broadcast %slice3A_141 : vector<16x1xf32> to vector<16x10000xf32>
    %mul3A_143 = arith.mulf %mul3A_142, %div3A_107 : vector<16x10000xf32>
    %slice3A_144 = vector.extract_strided_slice %get3A_40 {offsets = [44, 0], sizes = [16, 1], strides = [1, 1]} : vector<76x1xf32> to vector<16x1xf32>
    %add3A_145 = vector.broadcast %slice3A_144 : vector<16x1xf32> to vector<16x10000xf32>
    %add3A_146 = arith.addf %mul3A_143, %add3A_145 : vector<16x10000xf32>
    %ge3A_147 = arith.constant 0.000000e+00 : f32
    %ge3A_148 = vector.broadcast %ge3A_147 : f32 to vector<16x10000xf32>
    %ge3A_149 = arith.cmpf oge, %add3A_146, %ge3A_148 : vector<16x10000xf32>
    %mul3A_150 = arith.constant 0.00999999977 : f32
    %mul3A_151 = vector.broadcast %mul3A_150 : f32 to vector<16x10000xf32>
    %mul3A_152 = arith.mulf %mul3A_151, %add3A_146 : vector<16x10000xf32>
    %select_n3A_153 = arith.select %ge3A_149, %add3A_146, %mul3A_152 : vector<16x10000xi1>, vector<16x10000xf32>
    %slice3A_154 = vector.extract_strided_slice %get3A_43 {offsets = [0, 44], sizes = [16, 16], strides = [1, 1]} : vector<16x76xf32> to vector<16x16xf32>
    %dot_general3A_155 = arith.constant dense<0.000000e+00> : vector<16x10000xf32>
    %dot_general3A_156 = tpu.matmul %slice3A_154, %select_n3A_153, %dot_general3A_155 {dimension_numbers = #tpu.dot_dimension_numbers<[1], [0], [0], [1], [0, 0, 1, 1], [], []>, transpose_lhs_hint = false} : vector<16x16xf32>, vector<16x10000xf32>, vector<16x10000xf32> -> vector<16x10000xf32>
    %add3A_157 = arith.addf %dot_general3A_140, %dot_general3A_156 : vector<16x10000xf32>
    %reduce_sum3A_158 = arith.constant dense<0.000000e+00> : vector<16xf32>
    %reduce_sum3A_159 = vector.multi_reduction <add>, %add3A_124, %reduce_sum3A_158 [1] : vector<16x10000xf32> to vector<16xf32>
    %broadcast_in_dim3A_160 = vector.shape_cast %reduce_sum3A_159 : vector<16xf32> to vector<16x1xf32>
    %div3A_161 = arith.constant 1.000000e+04 : f32
    %div3A_162 = vector.broadcast %div3A_161 : f32 to vector<16x1xf32>
    %div3A_163 = arith.divf %broadcast_in_dim3A_160, %div3A_162 : vector<16x1xf32>
    %sub3A_164 = vector.broadcast %div3A_163 : vector<16x1xf32> to vector<16x10000xf32>
    %sub3A_165 = arith.subf %add3A_124, %sub3A_164 : vector<16x10000xf32>
    %mul3A_166 = arith.mulf %sub3A_165, %sub3A_165 : vector<16x10000xf32>
    %reduce_sum3A_167 = arith.constant dense<0.000000e+00> : vector<16xf32>
    %reduce_sum3A_168 = vector.multi_reduction <add>, %mul3A_166, %reduce_sum3A_167 [1] : vector<16x10000xf32> to vector<16xf32>
    %broadcast_in_dim3A_169 = vector.shape_cast %reduce_sum3A_168 : vector<16xf32> to vector<16x1xf32>
    %div3A_170 = arith.constant 1.000000e+04 : f32
    %div3A_171 = vector.broadcast %div3A_170 : f32 to vector<16x1xf32>
    %div3A_172 = arith.divf %broadcast_in_dim3A_169, %div3A_171 : vector<16x1xf32>
    %add3A_173 = arith.constant 9.99999974E-6 : f32
    %add3A_174 = vector.broadcast %add3A_173 : f32 to vector<16x1xf32>
    %add3A_175 = arith.addf %div3A_172, %add3A_174 : vector<16x1xf32>
    %sqrt3A_176 = math.sqrt %add3A_175 : vector<16x1xf32>
    %div3A_177 = vector.broadcast %sqrt3A_176 : vector<16x1xf32> to vector<16x10000xf32>
    %div3A_178 = arith.divf %sub3A_165, %div3A_177 : vector<16x10000xf32>
    %slice3A_179 = vector.extract_strided_slice %get3A_37 {offsets = [60, 0], sizes = [16, 1], strides = [1, 1]} : vector<76x1xf32> to vector<16x1xf32>
    %mul3A_180 = vector.broadcast %slice3A_179 : vector<16x1xf32> to vector<16x10000xf32>
    %mul3A_181 = arith.mulf %mul3A_180, %div3A_178 : vector<16x10000xf32>
    %slice3A_182 = vector.extract_strided_slice %get3A_40 {offsets = [60, 0], sizes = [16, 1], strides = [1, 1]} : vector<76x1xf32> to vector<16x1xf32>
    %add3A_183 = vector.broadcast %slice3A_182 : vector<16x1xf32> to vector<16x10000xf32>
    %add3A_184 = arith.addf %mul3A_181, %add3A_183 : vector<16x10000xf32>
    %ge3A_185 = arith.constant 0.000000e+00 : f32
    %ge3A_186 = vector.broadcast %ge3A_185 : f32 to vector<16x10000xf32>
    %ge3A_187 = arith.cmpf oge, %add3A_184, %ge3A_186 : vector<16x10000xf32>
    %mul3A_188 = arith.constant 0.00999999977 : f32
    %mul3A_189 = vector.broadcast %mul3A_188 : f32 to vector<16x10000xf32>
    %mul3A_190 = arith.mulf %mul3A_189, %add3A_184 : vector<16x10000xf32>
    %select_n3A_191 = arith.select %ge3A_187, %add3A_184, %mul3A_190 : vector<16x10000xi1>, vector<16x10000xf32>
    %slice3A_192 = vector.extract_strided_slice %get3A_43 {offsets = [0, 60], sizes = [16, 16], strides = [1, 1]} : vector<16x76xf32> to vector<16x16xf32>
    %dot_general3A_193 = arith.constant dense<0.000000e+00> : vector<16x10000xf32>
    %dot_general3A_194 = tpu.matmul %slice3A_192, %select_n3A_191, %dot_general3A_193 {dimension_numbers = #tpu.dot_dimension_numbers<[1], [0], [0], [1], [0, 0, 1, 1], [], []>, transpose_lhs_hint = false} : vector<16x16xf32>, vector<16x10000xf32>, vector<16x10000xf32> -> vector<16x10000xf32>
    %add3A_195 = arith.addf %add3A_157, %dot_general3A_194 : vector<16x10000xf32>
    %swap3A = arith.constant 0 : index
    %swap3A_196 = arith.constant 0 : index
    %swap3A_197 = vector.load %arg12[%swap3A, %swap3A_196] : memref<44x10000xf32, #tpu.memory_space<vmem>>, vector<44x10000xf32>
    tpu.vector_store %arg12[%swap3A, %swap3A_196], %add3A_16 {strides = array<i32>} : memref<44x10000xf32, #tpu.memory_space<vmem>>, vector<44x10000xf32>,
    %swap3A_198 = arith.constant 0 : index
    %swap3A_199 = arith.constant 0 : index
    %swap3A_200 = vector.load %arg13[%swap3A_198, %swap3A_199] : memref<16x10000xf32, #tpu.memory_space<vmem>>, vector<16x10000xf32>
    tpu.vector_store %arg13[%swap3A_198, %swap3A_199], %dot_general3A_71 {strides = array<i32>} : memref<16x10000xf32, #tpu.memory_space<vmem>>, vector<16x10000xf32>,
    %swap3A_201 = arith.constant 0 : index
    %swap3A_202 = arith.constant 0 : index
    %swap3A_203 = vector.load %arg14[%swap3A_201, %swap3A_202] : memref<16x10000xf32, #tpu.memory_space<vmem>>, vector<16x10000xf32>
    tpu.vector_store %arg14[%swap3A_201, %swap3A_202], %add3A_124 {strides = array<i32>} : memref<16x10000xf32, #tpu.memory_space<vmem>>, vector<16x10000xf32>,
    %swap3A_204 = arith.constant 0 : index
    %swap3A_205 = arith.constant 0 : index
    %swap3A_206 = vector.load %arg15[%swap3A_204, %swap3A_205] : memref<16x10000xf32, #tpu.memory_space<vmem>>, vector<16x10000xf32>
    tpu.vector_store %arg15[%swap3A_204, %swap3A_205], %add3A_195 {strides = array<i32>} : memref<16x10000xf32, #tpu.memory_space<vmem>>, vector<16x10000xf32>,
    return
  }
}

</mosaic_0001>

<sc_bundles>
// kernel: kernel.12.cloned.1.call-start
scs
__scs_entry_jumppad:
0x0: {  	(pc) =	sbr.rel $0x88, $3  }
0x1: {  	(tag) =	ssettag $0x0;
	lr =	simm.s32 $0x1  }
0x2: {  	[smem:$0x3F78] =	sst lr;
	_ =	strace $0xD0000000  }
0x3: {  	_ = 	snop  }
0x4: {  	_ = 	snop  }
0x5: {  	_ = 	snop  }
0x6: {  	_ = 	snop  }
0x7: {  	_ = 	snop  }
__scs_overlays_trampoline_lowered:
0x8: {  	[smem:$0x3F87] =	sst s0  }
0x9: {  	[smem:$0x3F88] =	sst s1  }
0xa: {  	[smem:$0x3F89] =	sst s2  }
0xb: {  	[smem:$0x3F8A] =	sst s3  }
0xc: {  	[smem:$0x3F8B] =	sst s4  }
0xd: {  	[smem:$0x3F8C] =	sst s5  }
0xe: {  	[smem:$0x3F8D] =	sst s6  }
0xf: {  	[smem:$0x3F8E] =	sst s7  }
0x10: {  	[smem:$0x3F8F] =	sst s8  }
0x11: {  	[smem:$0x3F90] =	sst s9;
	s0 =	simm.s32 @!p0 $0x0  }
0x12: {  	s1 =	sld [smem:$0x3F76];
	s0 =	simm.s32 @p0 $0x1  }
0x13: {  	[smem:$0x3F91] =	sst s0;
	s0 =	simm.s32 @!p1 $0x0  }
0x14: {  	s2 =	sld [smem:$0x3F75];
	s0 =	simm.s32 @p1 $0x1  }
0x15: {  	[smem:$0x3F92] =	sst s0;
	s0 =	simm.s32 @!p2 $0x0  }
0x16: {  	s3 =	sld [smem:$0x3FDB];
	s0 =	simm.s32 @p2 $0x1  }
0x17: {  	s4 =	simm.s32 $0x1BF5;
	[smem:$0x3F94] =	sst s0  }
0x18: {  	s0 =	sld [smem:$0x3F77];
	_ =	swait.ge [sflag:s4], $0x0  }
0x19: {  	s7 =	sld [smem:$0x3F78]  }
0x1a: {  	s8 =	sadd.s32 $0xFFFFE003, lr  }
0x1b: {  	s9 =	sadd.s32 $0xFFFFFEF7, lr;
	s5 =	simm.s32 $0xFFFFFFFF;
	p2 =	slt.u32 s8, $0xFFFFF086  }
0x1c: {  	p1 =	slt.u32 s9, $0xF7A;
	s5 =	simm.s32 @!p2 $0x0  }
0x1d: {  	s5 =	simm.s32 @p1 $0x1;
	p0 =	seq.s32 s7, s2  }
0x1e: {  	s7 =	smul.u32 @!p0 $0xF7A, s2;
	p2 =	seq.s32 @!p0 s5, $0x0  }
0x1f: {  	s9 =	smul.u32 $0xF7A, s1;
	s8 =	simm.s32 @!p0 $0x1BF5;
	p2 =	por !p2, p0  }
0x20: {  	[sflag:s8] =	ssyncset.s32 @!p0 $0xFFFFF086;
	s6 =	sadd.s32 @!p0 s3, s7;
	s7 =	simm.s32 @!p0 $0x108  }
0x21: {  	s3 =	sadd.s32 s3, s9;
	s6 =	sadd.s32 @!p0 $0x88, s6;
	s7 =	simm.s32 @p2 $0x1082  }
0x22: {  	[simem:s7], [sflag:s8] =	dma.local @!p0 [hbm:s6], $0xF7A  }
0x23: {  	s9 =	sor.u32 $0xD0000000, s2;
	s6 =	simm.s32 $0x108;
	_ =	swait.ge @!p0 [sflag:s8], $0x0  }
0x24: {  	s3 =	sadd.s32 $0x88, s3;
	s6 =	simm.s32 @!p1 $0x1082;
	[sflag:s4] =	ssyncset.s32 $0xFFFFF086  }
0x25: {  	[simem:s6], [sflag:s4] =	dma.local [hbm:s3], $0xF7A  }
0x26: {  	[smem:$0x3F78] =	sst s1;
	(tag) =	ssettag s2;
	_ =	strace s9  }
0x27: {  	s1 =	sld [smem:$0x3F88]  }
0x28: {  	s2 =	sld [smem:$0x3F89]  }
0x29: {  	s4 =	sld [smem:$0x3F8B]  }
0x2a: {  	p0 =	seq.s32 s5, $0x0;
	s5 =	sld [smem:$0x3F8C]  }
0x2b: {  	s6 =	sld [smem:$0x3F8D]  }
0x2c: {  	s7 =	sld [smem:$0x3F8E]  }
0x2d: {  	s3 =	simm.s32 $0x108;
	s8 =	sld [smem:$0x3F8F]  }
0x2e: {  	s3 =	simm.s32 @!p0 $0x1082;
	s9 =	sld [smem:$0x3F90]  }
0x2f: {  	lr =	sadd.s32 s0, s3;
	s0 =	sld [smem:$0x3F87]  }
0x30: {  	s3 =	sld [smem:$0x3F8A]  }
0x31: {  	[smem:$0x3F93] =	sst s10  }
0x32: {  	s10 =	sld [smem:$0x3F91];
	_ =	sdelay $0x3  }
0x33: {  	p0 =	seq.s32 s10, $0x1;
	s10 =	sld [smem:$0x3F93];
	_ =	sdelay $0x3  }
0x34: {  	[smem:$0x3F93] =	sst s10  }
0x35: {  	s10 =	sld [smem:$0x3F92];
	_ =	sdelay $0x3  }
0x36: {  	p1 =	seq.s32 s10, $0x1;
	s10 =	sld [smem:$0x3F93];
	_ =	sdelay $0x3  }
0x37: {  	[smem:$0x3F93] =	sst s10  }
0x38: {  	s10 =	sld [smem:$0x3F94]  }
0x39: {  	_ = 	snop;
	(pc) =	sbr.ind lr, $3  }
0x3a: {  	_ = 	snop  }
0x3b: {  	_ = 	snop  }
0x3c: {  	p2 =	seq.s32 s10, $0x1;
	s10 =	sld [smem:$0x3F93]  }
0x3d: {  	_ =	shalt  }
0x3e: {  	_ =	shalt  }
0x3f: {  	_ =	shalt  }
0x40: {  	_ =	shalt  }
0x41: {  	_ =	shalt  }
0x42: {  	_ =	shalt  }
0x43: {  	_ =	shalt  }
0x44: {  	_ =	shalt  }
0x45: {  	_ =	shalt  }
0x46: {  	_ =	shalt  }
0x47: {  	_ =	shalt  }
0x48: {  	_ =	shalt  }
0x49: {  	_ =	shalt  }
0x4a: {  	_ =	shalt  }
0x4b: {  	_ =	shalt  }
0x4c: {  	_ =	shalt  }
0x4d: {  	_ =	shalt  }
0x4e: {  	_ =	shalt  }
0x4f: {  	_ =	shalt  }
0x50: {  	_ =	shalt  }
0x51: {  	_ =	shalt  }
0x52: {  	_ =	shalt  }
0x53: {  	_ =	shalt  }
0x54: {  	_ =	shalt  }
0x55: {  	_ =	shalt  }
0x56: {  	_ =	shalt  }
0x57: {  	_ =	shalt  }
0x58: {  	_ =	shalt  }
0x59: {  	_ =	shalt  }
0x5a: {  	_ =	shalt  }
0x5b: {  	_ =	shalt  }
0x5c: {  	_ =	shalt  }
0x5d: {  	_ =	shalt  }
0x5e: {  	_ =	shalt  }
0x5f: {  	_ =	shalt  }
0x60: {  	_ =	shalt  }
0x61: {  	_ =	shalt  }
0x62: {  	_ =	shalt  }
0x63: {  	_ =	shalt  }
0x64: {  	_ =	shalt  }
0x65: {  	_ =	shalt  }
0x66: {  	_ =	shalt  }
0x67: {  	_ =	shalt  }
0x68: {  	_ =	shalt  }
0x69: {  	_ =	shalt  }
0x6a: {  	_ =	shalt  }
0x6b: {  	_ =	shalt  }
0x6c: {  	_ =	shalt  }
0x6d: {  	_ =	shalt  }
0x6e: {  	_ =	shalt  }
0x6f: {  	_ =	shalt  }
0x70: {  	_ =	shalt  }
0x71: {  	_ =	shalt  }
0x72: {  	_ =	shalt  }
0x73: {  	_ =	shalt  }
0x74: {  	_ =	shalt  }
0x75: {  	_ =	shalt  }
0x76: {  	_ =	shalt  }
0x77: {  	_ =	shalt  }
0x78: {  	_ =	shalt  }
0x79: {  	_ =	shalt  }
0x7a: {  	_ =	shalt  }
0x7b: {  	_ =	shalt  }
0x7c: {  	_ =	shalt  }
0x7d: {  	_ =	shalt  }
0x7e: {  	_ =	shalt  }
0x7f: {  	_ =	shalt  }
0x80: {  	_ =	shalt  }
0x81: {  	_ =	shalt  }
0x82: {  	_ =	shalt  }
0x83: {  	_ =	shalt  }
0x84: {  	_ =	shalt  }
0x85: {  	_ =	shalt  }
0x86: {  	_ =	shalt  }
0x87: {  	_ =	shalt  }
.Lfunc_end0:
.L_simem_size_0:
called_computation.1_lowered:
.L_overlay_start_0:
0x88: {  	s2 =	sld [smem:$0x3FD9]  }
0x89: {  	s3 =	sld [smem:$0x3FFE];
	_ =	sdelay $0x1  }
0x8a: {  	s1 =	srdreg.scid  }
0x8b: {  	s0 =	sand.u32 $0x1, s1  }
0x8c: {  	s17 =	sshll.u32 s0, $0xA;
	s2 =	sadd.s32 s3, s2  }
0x8d: {  	s2 =	sadd.s32 s2, s17  }
0x8e: {  	[smem:$0x3F9F] =	sst s2  }
0x8f: {  	_ = 	snop  }
0x90: {  	s2 =	sld [smem:$0x3FD0];
	(tm) =	ssettm $0x1  }
0x91: {  	s18 =	sld [smem:$0x3FFB];
	_ =	sdelay $0x3  }
0x92: {  	_ =	strace s18  }
0x93: {  	s3 =	sld [smem:$0x3FFC];
	_ =	sdelay $0x3  }
0x94: {  	_ =	strace s3  }
0x95: {  	s3 =	sld [smem:$0x3FFD];
	_ =	sdelay $0x3  }
0x96: {  	_ =	strace s3  }
0x97: {  	_ =	strace $0x8FFFFFFF  }
0x98: {  	s19 =	sld [smem:$0x3FDB];
	_ =	sdelay $0x1  }
0x99: {  	s4 =	simm.s32 $_scs_section_size  }
0x9a: {  	s5 =	simm.s32 $_size__tile_overlayer_lowered;
	s6 =	simm.s32 $_tile_overlayer_lowered  }
0x9b: {  	s22 =	simm.s32 $0x1BFF;
	s21 =	sshll.u32 s6, $0x1;
	s3 =	sadd.s32 s4, s19  }
0x9c: {  	s7 =	simm.s32 $0x0;
	s20 =	sshll.u32 s5, $0x1;
	s5 =	sadd.s32 s21, s3  }
0x9d: {  	[timem:s7], [sflag:s22] =	dma.local [hbm:s5], s20  }
0x9e: {  	_ =	swait.ge [sflag:s22], s20  }
0x9f: {  	s4 =	ssub.s32 $0x0, s20;
	[sflag:s22] =	ssyncset.done $0x0  }
0xa0: {  	[sflag:s22] =	ssyncadd.s32 s4;
	_ =	sdelay $0x1  }
0xa1: {  	s23 =	simm.s32 $0x1B8B  }
0xa2: {  	_ =	swait.ge [sflag:s23], $0x1  }
0xa3: {  	[sflag:s23] =	ssyncset.done $0x0  }
0xa4: {  	s25 =	simm.s32 $0x1B8E;
	s24 =	sld [smem:$0x3FFE];
	[sflag:s23] =	ssyncadd.s32 $0xFFFFFFFF  }
0xa5: {  	s26 =	simm.s32 $execute0_lowered;
	[smem:$0x3FD2] =	sst s25  }
0xa6: {  	s5 =	sshll.u32 s26, $0x1;
	_ =	strace $0x80000049;
	[dreg:$0x1] =	wrdreg $0xFFFFFFFF  }
0xa7: {  	s28 =	simm.s32 $_size_execute0_lowered;
	s3 =	sadd.s32 s3, s5;
	[dreg:$0x0] =	wrdreg $0x0  }
0xa8: {  	s5 =	sshll.u32 s28, $0x1;
	[dreg:$0x2] =	wrdreg s3  }
0xa9: {  	[dreg:$0x3] =	wrdreg s5  }
0xaa: {  	[dreg:$0x4] =	wrdreg $0xC0  }
0xab: {  	_ =	task [dreg:s7], $0x5FFFF  }
0xac: {  	[dreg:$0x1] =	wrdreg $0xFFFFFFFF  }
0xad: {  	[dreg:$0x0] =	wrdreg $0x60  }
0xae: {  	[dreg:$0x2] =	wrdreg s2  }
0xaf: {  	[dreg:$0x3] =	wrdreg s24  }
0xb0: {  	[dreg:$0x4] =	wrdreg $0x9  }
0xb1: {  	_ =	task.clear_ibuf [dreg:s7], $0x5FFFF;
	_ =	strace $0x90000049  }
0xb2: {  	s29 =	simm.s32 $0x9;
	_ =	strace $0x8000004B  }
0xb3: {  	_ =	swait.ge [sflag:s29], $0x1  }
0xb4: {  	[sflag:s29] =	ssyncadd.s32 $0xFFFFFFFF  }
0xb5: {  	_ =	strace $0x9000004B  }
0xb6: {  	_ =	sfence  }
0xb7: {  	s30 =	sld [smem:$0x0];
	_ =	sdelay $0x2  }
0xb8: {  	s31 =	sshll.u32 s1, $0xD;
	s1 =	sshrl.u32 s1, $0x2  }
0xb9: {  	s3 =	sand.u32 $0x4000, s31;
	s1 =	sadd.s32 s1, s30  }
0xba: {  	s0 =	sor.u32 s3, s0;
	s1 =	sshll.u32 s1, $0x11  }
0xbb: {  	s0 =	sor.u32 s1, s0  }
0xbc: {  	s0 =	sadd.s32 $0x8F2B, s0  }
0xbd: {  	[sflag:s0] =	ssyncadd.remote.s32 $0x1  }
0xbe: {  	_ =	sfence.sel $0xFFFF  }
0xbf: {  	[dreg:$0x0] =	wrdreg $0xFFFFFFFF;
	(pc) =	sbr.abs _section_cstart, $3  }
0xc0: {  	[dreg:$0x1] =	wrdreg $0xFFFFFFFF  }
0xc1: {  	_ =	task.clear_ibuf [dreg:s7], $0x2FFFF;
	_ =	strace $0x9FFFFFFF  }
0xc2: {  	(tm) =	ssettm $0x7FFFFFFF  }
0xc3: {  	_ =	shalt  }
tec
execute0_lowered:
.L_overlay_start_1:
0x0: {  	(tag) =	ssettag $0x1  }
0x1: {  	s0 =	rddreg [dreg:$0x0]  }
0x2: {  	s3 =	rddreg [dreg:$0x1];
	s1 =	simm.s32 $0x0  }
0x3: {  	s4 =	srdreg.scid;
	s10 =	stileid.u32;
	s28 =	simm.s32 $0x7680  }
0x4: {  	s29 =	simm.s32 $0x9E00;
	s30 =	simm.s32 $0x19E80;
	s31 =	simm.s32 $0x1AB80  }
0x5: {  	s12 =	simm.s32 $0x2;
	s13 =	simm.s32 $0x0;
	[smem:$0x7FF] =	sst s1  }
0x6: {  	s2 =	sadd.s32 $0xF000, s3;
	s6 =	sand.u32 $0x1, s4;
	s4 =	sadd.s32 $0x5200, s3  }
0x7: {  	s5 =	sadd.s32 $0x18E00, s3;
	s9 =	sand.u32 $0x7, s10;
	s10 =	sshrl.u32 s10, $0x3  }
0x8: {  	s7 =	ssub.s32 $0x2, s6;
	s6 =	sshll.u32 s6, $0x1;
	s15 =	sshll.u32 s9, $0x4  }
0x9: {  	s3 =	sadd.s32 $0x2CA00, s3;
	s14 =	sor.u32 s10, s6;
	s6 =	sadd.s32 s0, s15  }
0xa: {  	_ =	strace $0x8000004A;
	s8 =	sshrl.u32 s7, $0x1;
	s0 =	sadd.s32 $0x2780, s6  }
0xb: {  	s7 =	ssub.s32 s7, s8;
	s16 =	sadd.s32 $0x4F00, s6;
	[dreg:$0x3] =	wrdreg s0  }
0xc: {  	s10 =	smul.u32 $0x13880, s14;
	s18 =	sadd.s32 $0x7680, s6;
	[dreg:$0x4] =	wrdreg s16  }
0xd: {  	s17 =	smul.u32 $0x62C00, s14;
	s19 =	sadd.s32 $0x9E00, s6;
	[dreg:$0x5] =	wrdreg s18  }
0xe: {  	s9 =	sshll.u32 s9, $0x7;
	[dreg:$0x6] =	wrdreg s19;
	s26 =	smax.u32 s7, $0x1  }
0xf: {  	s7 =	simm.s32 $0xC580;
	s20 =	sshrl.u32 s10, $0x3;
	s0 =	sor.u32 s9, s17  }
0x10: {  	s14 =	sadd.s32 $0x640, s10;
	s15 =	sadd.s32 $0xC80, s10;
	[dreg:$0xf] =	wrdreg s26  }
0x11: {  	s26 =	simm.s32 $0x4F00;
	s10 =	simm.s32 $0x13C00;
	s11 =	sadd.s32 s2, s20  }
0x12: {  	s21 =	sadd.s32 s4, s20;
	s8 =	sadd.s32 s5, s20;
	s22 =	sadd.s32 $0x13C00, s0  }
0x13: {  	s9 =	sshrl.u32 s0, $0x3;
	s23 =	sadd.s32 $0x27800, s0;
	[dreg:$0x7] =	wrdreg s11  }
0x14: {  	s24 =	sadd.s32 $0x3B400, s0;
	s0 =	sadd.s32 $0x4F000, s0;
	[dreg:$0x8] =	wrdreg s21  }
0x15: {  	[dreg:$0x9] =	wrdreg s8;
	s8 =	sshrl.u32 s22, $0x3;
	s9 =	sadd.s32 s3, s9  }
0x16: {  	s25 =	sshrl.u32 s24, $0x3;
	s0 =	sshrl.u32 s0, $0x3;
	s22 =	simm.s32 $0x80  }
0x17: {  	s24 =	simm.s32 $0x3;
	[dreg:$0xa] =	wrdreg s9;
	s8 =	sadd.s32 s3, s8  }
0x18: {  	s11 =	simm.s32 $0x16380;
	s0 =	sadd.s32 s3, s0;
	[dreg:$0xb] =	wrdreg s8  }
0x19: {  	s9 =	simm.s32 $0x11480;
	s8 =	sshrl.u32 s23, $0x3;
	[dreg:$0xe] =	wrdreg s0  }
0x1a: {  	s23 =	simm.s32 $0x400;
	s0 =	simm.s32 $0x1;
	s8 =	sadd.s32 s3, s8  }
0x1b: {  	[dreg:$0xc] =	wrdreg s8;
	s8 =	sadd.s32 s3, s25;
	s25 =	simm.s32 $0x2780  }
0x1c: {  	v0 =	vimm.f32 $0.0e+00;
	s3 =	simm.s32 $0x19180;
	[dreg:$0xd] =	wrdreg s8;
	s8 =	simm.s32 $0xED00  }
.LBB2_1:
0x1d: {  	[tilespmem:s1], [sflag:$0x3] =	stream.strided.gather [hbm4b:s6+s22], $0x2780, s23, s22, $0x38;
	[tilespmem:$0x1B200] =	vst v63  }
0x1e: {  	_ =	swait.ge [sflag:s24], $0x2780  }
0x1f: {  	[sflag:s24] =	ssyncset.done $0x0  }
0x20: {  	s16 =	rddreg [dreg:$0x3];
	[sflag:s24] =	ssyncadd.s32 $0xFFFFD880  }
0x21: {  	[tilespmem:s25], [sflag:$0x3] =	stream.strided.gather [hbm4b:s16+s22], $0x2780, s23, s22, $0x38;
	[tilespmem:$0x1B200] =	vst v63  }
0x22: {  	_ =	swait.ge [sflag:s24], $0x2780  }
0x23: {  	[sflag:s24] =	ssyncset.done $0x0  }
0x24: {  	s19 =	rddreg [dreg:$0x4];
	[sflag:s24] =	ssyncadd.s32 $0xFFFFD880  }
0x25: {  	[tilespmem:s26], [sflag:$0x3] =	stream.strided.gather [hbm4b:s19+s22], $0x2780, s23, s22, $0x38;
	[tilespmem:$0x1B200] =	vst v63  }
0x26: {  	_ =	swait.ge [sflag:s24], $0x2780  }
0x27: {  	[sflag:s24] =	ssyncset.done $0x0  }
0x28: {  	s20 =	rddreg [dreg:$0x5];
	[sflag:s24] =	ssyncadd.s32 $0xFFFFD880  }
0x29: {  	[tilespmem:s28], [sflag:$0x3] =	stream.strided.gather [hbm4b:s20+s22], $0x2780, s23, s22, $0x38;
	[tilespmem:$0x1B200] =	vst v63  }
0x2a: {  	_ =	swait.ge [sflag:s24], $0x2780  }
0x2b: {  	[sflag:s24] =	ssyncset.done $0x0  }
0x2c: {  	s21 =	rddreg [dreg:$0x6];
	[sflag:s24] =	ssyncadd.s32 $0xFFFFD880  }
0x2d: {  	[tilespmem:s29], [sflag:$0x3] =	stream.strided.gather [hbm4b:s21+s22], $0x2780, s23, s22, $0x38;
	[tilespmem:$0x1B200] =	vst v63  }
0x2e: {  	_ =	swait.ge [sflag:s24], $0x2780  }
0x2f: {  	[sflag:s24] =	ssyncset.done $0x0  }
0x30: {  	s17 =	simm.s32 $0x40;
	s16 =	simm.s32 $0x0;
	[sflag:s24] =	ssyncadd.s32 $0xFFFFD880  }
.LBB2_2:
0x31: {  	p0 =	sne.s32 s17, $0x9C00;
	[tilespmem:s16+$0x16380] =	vst v0;
	s18 =	smov.u32 s17;
	s17 =	sadd.s32 $0x40, s17  }
.Ltmp0:
0x32: {  	[tilespmem:s16+$0x13C00] =	vst v0;
	(pc) =	sbr.rel @p0 .LBB2_2-.Ltmp0, $4  }
0x33: {  	[tilespmem:s16+$0x11480] =	vst v0  }
0x34: {  	[tilespmem:s16+$0xC580] =	vst v0  }
0x35: {  	[tilespmem:s16+$0xED00] =	vst v0  }
0x36: {  	s16 =	sshra.s32 s18, $0x2  }
0x37: {  	[tilespmem:s16+$0x16380] =	vst v0  }
0x38: {  	[tilespmem:s16+$0x13C00] =	vst v0  }
0x39: {  	[tilespmem:s16+$0x11480] =	vst v0  }
0x3a: {  	[tilespmem:s16+$0xC580] =	vst v0  }
0x3b: {  	[tilespmem:s16+$0xED00] =	vst v0;
	s16 =	simm.s32 $0x0;
	s17 =	rddreg [dreg:$0x7];
	s18 =	simm.s32 $0x18B00  }
0x3c: {  	[tilespmem:s18], [sflag:$0x1] =	stream.linear.gather [hbm4b:s17+s16], $0x640, $0x38;
	[tilespmem:$0x1B200] =	vst v63  }
0x3d: {  	s19 =	simm.s32 $0x19800;
	s18 =	rddreg [dreg:$0x8]  }
0x3e: {  	[tilespmem:s19], [sflag:$0x1] =	stream.linear.gather [hbm4b:s18+s16], $0x640, $0x38;
	[tilespmem:$0x1B200] =	vst v63  }
0x3f: {  	s20 =	rddreg [dreg:$0x9];
	s21 =	simm.s32 $0x1A500  }
0x40: {  	[tilespmem:s21], [sflag:$0x1] =	stream.linear.gather [hbm4b:s20+s16], $0x640, $0x38;
	[tilespmem:$0x1B200] =	vst v63  }
.LBB2_4:
0x41: {  	s17 =	smul.u32 $0xC80, s16;
	_ =	sdelay $0x1  }
0x42: {  	s18 =	sadd.s32 s17, s14  }
0x43: {  	s18 =	sshrl.u32 s18, $0x3  }
0x44: {  	s19 =	sadd.s32 s2, s18  }
0x45: {  	[tilespmem:s3], [sflag:$0x2] =	stream.linear.gather [hbm4b:s19+s1], $0x640, $0x38;
	[tilespmem:$0x1B200] =	vst v63  }
0x46: {  	s21 =	sadd.s32 s4, s18  }
0x47: {  	[tilespmem:s30], [sflag:$0x2] =	stream.linear.gather [hbm4b:s21+s1], $0x640, $0x38;
	[tilespmem:$0x1B200] =	vst v63  }
0x48: {  	s18 =	sadd.s32 s5, s18  }
0x49: {  	[tilespmem:s31], [sflag:$0x2] =	stream.linear.gather [hbm4b:s18+s1], $0x640, $0x38;
	[tilespmem:$0x1B200] =	vst v63  }
0x4a: {  	_ =	swait.ge [sflag:s0], $0x640  }
0x4b: {  	[sflag:s0] =	ssyncset.done $0x0  }
0x4c: {  	[sflag:s0] =	ssyncadd.s32 $0xFFFFF9C0  }
0x4d: {  	_ =	swait.ge [sflag:s0], $0x640  }
0x4e: {  	[sflag:s0] =	ssyncset.done $0x0  }
0x4f: {  	[sflag:s0] =	ssyncadd.s32 $0xFFFFF9C0  }
0x50: {  	_ =	swait.ge [sflag:s0], $0x640  }
0x51: {  	[sflag:s0] =	ssyncset.done $0x0  }
0x52: {  	s20 =	simm.s32 $0x18B20;
	[sflag:s0] =	ssyncadd.s32 $0xFFFFF9C0  }
0x53: {  	v11 =	vld [tilespmem:s20+$0x10];
	_ =	sdelay $0x4  }
0x54: {  	s18 =	simm.s32 $0x19820;
	v1 =	vld [tilespmem:s20+$0xFFFFFFF0]  }
0x55: {  	s19 =	simm.s32 $0x1A520;
	v10 =	vld [tilespmem:s18+$0x10]  }
0x56: {  	v12 =	vld [tilespmem:s19+$0x10]  }
0x57: {  	v4 =	vld.idx.msk [tilespmem:v11+s1+$0x0], $0xffff;
	_ =	sdelay $0x1  }
0x58: {  	v2 =	vld [tilespmem:s20+$0xFFFFFFE0]  }
0x59: {  	v3 =	vld [tilespmem:s20+$0x0]  }
0x5a: {  	v6 =	vld [tilespmem:s19+$0xFFFFFFE0]  }
0x5b: {  	v7 =	vld [tilespmem:s19+$0xFFFFFFF0];
	v4 =	vmul.f32 v4, v12  }
0x5c: {  	v9 =	vld.idx.msk [tilespmem:v1+s1+$0x0], $0xffff  }
0x5d: {  	[tilespmem:v10+s7+$0x0] =	vst.idx.add.f32.msk $0xffff, v4  }
0x5e: {  	v8 =	vld.idx.msk [tilespmem:v11+s25+$0x0], $0xffff  }
0x5f: {  	v5 =	vld [tilespmem:s18+$0xFFFFFFE0]  }
0x60: {  	v13 =	vld.idx.msk [tilespmem:v2+s1+$0x0], $0xffff  }
0x61: {  	v4 =	vld [tilespmem:s18+$0xFFFFFFF0]  }
0x62: {  	v14 =	vld.idx.msk [tilespmem:v3+s1+$0x0], $0xffff  }
0x63: {  	v16 =	vmul.f32 v9, v7;
	v9 =	vld [tilespmem:s18+$0x0];
	v15 =	vmul.f32 v8, v12  }
0x64: {  	v8 =	vld [tilespmem:s19+$0x0]  }
0x65: {  	v13 =	vmul.f32 v13, v6;
	[tilespmem:v10+s8+$0x0] =	vst.idx.add.f32.msk $0xffff, v15  }
0x66: {  	v15 =	vld.idx.msk [tilespmem:v11+s26+$0x0], $0xffff  }
0x67: {  	[tilespmem:v5+s7+$0x0] =	vst.idx.add.f32.msk $0xffff, v13  }
0x68: {  	v13 =	vld.idx.msk [tilespmem:v2+s25+$0x0], $0xffff  }
0x69: {  	[tilespmem:v4+s7+$0x0] =	vst.idx.add.f32.msk $0xffff, v16;
	v14 =	vmul.f32 v14, v8  }
0x6a: {  	v16 =	vld.idx.msk [tilespmem:v1+s25+$0x0], $0xffff  }
0x6b: {  	[tilespmem:v9+s7+$0x0] =	vst.idx.add.f32.msk $0xffff, v14;
	v15 =	vmul.f32 v15, v12  }
0x6c: {  	v14 =	vld.idx.msk [tilespmem:v3+s25+$0x0], $0xffff  }
0x6d: {  	[tilespmem:v10+s9+$0x0] =	vst.idx.add.f32.msk $0xffff, v15  }
0x6e: {  	v13 =	vmul.f32 v13, v6;
	v15 =	vld.idx.msk [tilespmem:v11+s28+$0x0], $0xffff;
	_ =	sdelay $0x1  }
0x6f: {  	[tilespmem:v5+s8+$0x0] =	vst.idx.add.f32.msk $0xffff, v13;
	v16 =	vmul.f32 v16, v7  }
0x70: {  	v13 =	vld.idx.msk [tilespmem:v2+s26+$0x0], $0xffff  }
0x71: {  	[tilespmem:v4+s8+$0x0] =	vst.idx.add.f32.msk $0xffff, v16;
	v14 =	vmul.f32 v14, v8  }
0x72: {  	v16 =	vld.idx.msk [tilespmem:v1+s26+$0x0], $0xffff;
	v15 =	vmul.f32 v15, v12  }
0x73: {  	[tilespmem:v9+s8+$0x0] =	vst.idx.add.f32.msk $0xffff, v14  }
0x74: {  	[tilespmem:v10+s10+$0x0] =	vst.idx.add.f32.msk $0xffff, v15  }
0x75: {  	v15 =	vld.idx.msk [tilespmem:v11+s29+$0x0], $0xffff  }
0x76: {  	v11 =	vld.idx.msk [tilespmem:v3+s26+$0x0], $0xffff  }
0x77: {  	v13 =	vmul.f32 v13, v6  }
0x78: {  	v14 =	vmul.f32 v16, v7  }
0x79: {  	[tilespmem:v5+s9+$0x0] =	vst.idx.add.f32.msk $0xffff, v13  }
0x7a: {  	s21 =	simm.s32 $0x18B60;
	s20 =	simm.s32 $0x0;
	[tilespmem:v4+s9+$0x0] =	vst.idx.add.f32.msk $0xffff, v14;
	v12 =	vmul.f32 v15, v12  }
.LBB2_5:
0x7b: {  	v13 =	vld [tilespmem:s21+$0x10];
	v11 =	vmul.f32 v11, v8  }
0x7c: {  	s20 =	sadd.s32 $0x40, s20;
	[tilespmem:v10+s11+$0x0] =	vst.idx.add.f32.msk $0xffff, v12  }
0x7d: {  	p0 =	slt.u32 s20, $0x600;
	v12 =	vld [tilespmem:s21+$0xFFFFFFF0]  }
0x7e: {  	v14 =	vld [tilespmem:s21+$0x0]  }
0x7f: {  	v15 =	vld [tilespmem:s21+$0xFFFFFFE0]  }
0x80: {  	[tilespmem:v9+s9+$0x0] =	vst.idx.add.f32.msk $0xffff, v11  }
0x81: {  	v11 =	vld.idx.msk [tilespmem:v2+s28+$0x0], $0xffff  }
0x82: {  	s18 =	sadd.s32 $0x40, s18;
	v16 =	vld.idx.msk [tilespmem:v1+s28+$0x0], $0xffff  }
0x83: {  	v10 =	vld [tilespmem:s18+$0x10]  }
0x84: {  	s19 =	sadd.s32 $0x40, s19;
	v17 =	vld.idx.msk [tilespmem:v13+s1+$0x0], $0xffff  }
0x85: {  	v18 =	vld [tilespmem:s19+$0x10]  }
0x86: {  	v19 =	vld.idx.msk [tilespmem:v12+s1+$0x0], $0xffff  }
0x87: {  	v11 =	vmul.f32 v11, v6;
	v20 =	vld.idx.msk [tilespmem:v15+s1+$0x0], $0xffff  }
0x88: {  	v16 =	vmul.f32 v16, v7;
	v21 =	vld.idx.msk [tilespmem:v14+s1+$0x0], $0xffff  }
0x89: {  	v22 =	vld [tilespmem:s19+$0xFFFFFFE0]  }
0x8a: {  	v23 =	vld [tilespmem:s19+$0xFFFFFFF0];
	v17 =	vmul.f32 v17, v18  }
0x8b: {  	v24 =	vld [tilespmem:s19+$0x0]  }
0x8c: {  	[tilespmem:v10+s7+$0x0] =	vst.idx.add.f32.msk $0xffff, v17  }
0x8d: {  	v17 =	vld.idx.msk [tilespmem:v13+s25+$0x0], $0xffff  }
0x8e: {  	v25 =	vld [tilespmem:s18+$0xFFFFFFE0];
	v20 =	vmul.f32 v20, v22  }
0x8f: {  	v26 =	vld [tilespmem:s18+$0xFFFFFFF0];
	v19 =	vmul.f32 v19, v23  }
0x90: {  	v27 =	vld [tilespmem:s18+$0x0];
	v21 =	vmul.f32 v21, v24  }
0x91: {  	v28 =	vld.idx.msk [tilespmem:v3+s28+$0x0], $0xffff  }
0x92: {  	[tilespmem:v5+s10+$0x0] =	vst.idx.add.f32.msk $0xffff, v11  }
0x93: {  	v11 =	vmul.f32 v17, v18;
	[tilespmem:v4+s10+$0x0] =	vst.idx.add.f32.msk $0xffff, v16  }
0x94: {  	v16 =	vld.idx.msk [tilespmem:v2+s29+$0x0], $0xffff;
	v2 =	vmov v15  }
0x95: {  	[tilespmem:v10+s8+$0x0] =	vst.idx.add.f32.msk $0xffff, v11  }
0x96: {  	v11 =	vld.idx.msk [tilespmem:v13+s26+$0x0], $0xffff  }
0x97: {  	v15 =	vmul.f32 v28, v8;
	[tilespmem:v25+s7+$0x0] =	vst.idx.add.f32.msk $0xffff, v20  }
0x98: {  	[tilespmem:v26+s7+$0x0] =	vst.idx.add.f32.msk $0xffff, v19  }
0x99: {  	[tilespmem:v27+s7+$0x0] =	vst.idx.add.f32.msk $0xffff, v21  }
0x9a: {  	v16 =	vmul.f32 v16, v6;
	v6 =	vmov v22;
	v17 =	vld.idx.msk [tilespmem:v2+s25+$0x0], $0xffff  }
0x9b: {  	v19 =	vld.idx.msk [tilespmem:v12+s25+$0x0], $0xffff  }
0x9c: {  	v11 =	vmul.f32 v11, v18;
	v20 =	vld.idx.msk [tilespmem:v14+s25+$0x0], $0xffff  }
0x9d: {  	[tilespmem:v9+s10+$0x0] =	vst.idx.add.f32.msk $0xffff, v15  }
0x9e: {  	[tilespmem:v10+s9+$0x0] =	vst.idx.add.f32.msk $0xffff, v11  }
0x9f: {  	v11 =	vld.idx.msk [tilespmem:v13+s28+$0x0], $0xffff  }
0xa0: {  	v15 =	vmul.f32 v17, v6;
	v17 =	vld.idx.msk [tilespmem:v1+s29+$0x0], $0xffff;
	v1 =	vmov v12  }
0xa1: {  	v12 =	vmul.f32 v19, v23;
	v19 =	vld.idx.msk [tilespmem:v3+s29+$0x0], $0xffff;
	v3 =	vmov v14  }
0xa2: {  	v14 =	vmul.f32 v20, v24;
	[tilespmem:v25+s8+$0x0] =	vst.idx.add.f32.msk $0xffff, v15  }
0xa3: {  	[tilespmem:v26+s8+$0x0] =	vst.idx.add.f32.msk $0xffff, v12  }
0xa4: {  	[tilespmem:v27+s8+$0x0] =	vst.idx.add.f32.msk $0xffff, v14  }
0xa5: {  	v11 =	vmul.f32 v11, v18;
	v12 =	vld.idx.msk [tilespmem:v2+s26+$0x0], $0xffff  }
0xa6: {  	v15 =	vmul.f32 v17, v7;
	v7 =	vmov v23;
	v14 =	vld.idx.msk [tilespmem:v1+s26+$0x0], $0xffff  }
0xa7: {  	v17 =	vmul.f32 v19, v8;
	v8 =	vmov v24;
	[tilespmem:v10+s10+$0x0] =	vst.idx.add.f32.msk $0xffff, v11  }
0xa8: {  	v13 =	vld.idx.msk [tilespmem:v13+s29+$0x0], $0xffff  }
0xa9: {  	v11 =	vld.idx.msk [tilespmem:v3+s26+$0x0], $0xffff  }
.Ltmp1:
0xaa: {  	[tilespmem:v5+s11+$0x0] =	vst.idx.add.f32.msk $0xffff, v16;
	v5 =	vmov v25;
	(pc) =	sbr.rel @p0 .LBB2_5-.Ltmp1, $4  }
0xab: {  	v12 =	vmul.f32 v12, v6;
	[tilespmem:v4+s11+$0x0] =	vst.idx.add.f32.msk $0xffff, v15;
	v4 =	vmov v26  }
0xac: {  	v14 =	vmul.f32 v14, v7;
	[tilespmem:v9+s11+$0x0] =	vst.idx.add.f32.msk $0xffff, v17;
	v9 =	vmov v27  }
0xad: {  	[tilespmem:v25+s9+$0x0] =	vst.idx.add.f32.msk $0xffff, v12  }
0xae: {  	s21 =	sadd.s32 $0x40, s21;
	v12 =	vmul.f32 v13, v18;
	[tilespmem:v26+s9+$0x0] =	vst.idx.add.f32.msk $0xffff, v14  }
0xaf: {  	_ =	sdelay $0x3  }
0xb0: {  	v13 =	vld.idx.msk [tilespmem:v2+s28+$0x0], $0xffff  }
0xb1: {  	v11 =	vmul.f32 v11, v8;
	v14 =	vld.idx.msk [tilespmem:v1+s28+$0x0], $0xffff;
	_ =	sdelay $0x1  }
0xb2: {  	[tilespmem:v9+s9+$0x0] =	vst.idx.add.f32.msk $0xffff, v11  }
0xb3: {  	v11 =	vld.idx.msk [tilespmem:v3+s28+$0x0], $0xffff  }
0xb4: {  	v13 =	vmul.f32 v13, v6  }
0xb5: {  	v14 =	vmul.f32 v14, v7  }
0xb6: {  	[tilespmem:v5+s10+$0x0] =	vst.idx.add.f32.msk $0xffff, v13  }
0xb7: {  	[tilespmem:v4+s10+$0x0] =	vst.idx.add.f32.msk $0xffff, v14  }
0xb8: {  	v11 =	vmul.f32 v11, v8;
	v2 =	vld.idx.msk [tilespmem:v2+s29+$0x0], $0xffff  }
0xb9: {  	v1 =	vld.idx.msk [tilespmem:v1+s29+$0x0], $0xffff  }
0xba: {  	[tilespmem:v9+s10+$0x0] =	vst.idx.add.f32.msk $0xffff, v11  }
0xbb: {  	v3 =	vld.idx.msk [tilespmem:v3+s29+$0x0], $0xffff;
	_ =	sdelay $0x2  }
0xbc: {  	v2 =	vmul.f32 v2, v6  }
0xbd: {  	p0 =	seq.s32 s16, $0x18;
	[tilespmem:v10+s11+$0x0] =	vst.idx.add.f32.msk $0xffff, v12;
	v1 =	vmul.f32 v1, v7  }
0xbe: {  	s17 =	sadd.s32 @!p0 s17, s15;
	[tilespmem:v5+s11+$0x0] =	vst.idx.add.f32.msk $0xffff, v2;
	v3 =	vmul.f32 v3, v8  }
0xbf: {  	s17 =	sshrl.u32 @!p0 s17, $0x3;
	[tilespmem:v4+s11+$0x0] =	vst.idx.add.f32.msk $0xffff, v1  }
0xc0: {  	s19 =	simm.s32 @!p0 $0x0;
	s20 =	simm.s32 @!p0 $0x18B00;
	s18 =	sadd.s32 @!p0 s2, s17;
	[tilespmem:v9+s11+$0x0] =	vst.idx.add.f32.msk $0xffff, v3  }
0xc1: {  	[tilespmem:s20], [sflag:$0x1] =	stream.linear.gather @!p0 [hbm4b:s18+s19], $0x640, $0x38;
	[tilespmem:$0x1B200] =	vst v63  }
0xc2: {  	s18 =	sadd.s32 @!p0 s4, s17;
	s20 =	simm.s32 @!p0 $0x19800  }
0xc3: {  	[tilespmem:s20], [sflag:$0x1] =	stream.linear.gather @!p0 [hbm4b:s18+s19], $0x640, $0x38;
	[tilespmem:$0x1B200] =	vst v63  }
0xc4: {  	s17 =	sadd.s32 @!p0 s5, s17;
	s18 =	simm.s32 @!p0 $0x1A500  }
0xc5: {  	[tilespmem:s18], [sflag:$0x1] =	stream.linear.gather @!p0 [hbm4b:s17+s19], $0x640, $0x38;
	[tilespmem:$0x1B200] =	vst v63  }
0xc6: {  	_ =	swait.ge [sflag:s12], $0x640  }
0xc7: {  	[sflag:s12] =	ssyncset.done $0x0  }
0xc8: {  	[sflag:s12] =	ssyncadd.s32 $0xFFFFF9C0  }
0xc9: {  	_ =	swait.ge [sflag:s12], $0x640  }
0xca: {  	[sflag:s12] =	ssyncset.done $0x0  }
0xcb: {  	[sflag:s12] =	ssyncadd.s32 $0xFFFFF9C0  }
0xcc: {  	_ =	swait.ge [sflag:s12], $0x640  }
0xcd: {  	[sflag:s12] =	ssyncset.done $0x0  }
0xce: {  	s21 =	simm.s32 $0x191A0;
	[sflag:s12] =	ssyncadd.s32 $0xFFFFF9C0  }
0xcf: {  	v11 =	vld [tilespmem:s21+$0x10];
	_ =	sdelay $0x4  }
0xd0: {  	s17 =	simm.s32 $0x19EA0;
	v1 =	vld [tilespmem:s21+$0xFFFFFFF0]  }
0xd1: {  	s18 =	simm.s32 $0x1ABA0;
	v10 =	vld [tilespmem:s17+$0x10]  }
0xd2: {  	v12 =	vld [tilespmem:s18+$0x10]  }
0xd3: {  	v4 =	vld.idx.msk [tilespmem:v11+s1+$0x0], $0xffff;
	_ =	sdelay $0x1  }
0xd4: {  	v2 =	vld [tilespmem:s21+$0xFFFFFFE0]  }
0xd5: {  	v3 =	vld [tilespmem:s21+$0x0]  }
0xd6: {  	v6 =	vld [tilespmem:s18+$0xFFFFFFE0]  }
0xd7: {  	v7 =	vld [tilespmem:s18+$0xFFFFFFF0];
	v4 =	vmul.f32 v4, v12  }
0xd8: {  	v9 =	vld.idx.msk [tilespmem:v1+s1+$0x0], $0xffff  }
0xd9: {  	[tilespmem:v10+s7+$0x0] =	vst.idx.add.f32.msk $0xffff, v4  }
0xda: {  	v8 =	vld.idx.msk [tilespmem:v11+s25+$0x0], $0xffff  }
0xdb: {  	v5 =	vld [tilespmem:s17+$0xFFFFFFE0]  }
0xdc: {  	v13 =	vld.idx.msk [tilespmem:v2+s1+$0x0], $0xffff  }
0xdd: {  	v4 =	vld [tilespmem:s17+$0xFFFFFFF0]  }
0xde: {  	v14 =	vld.idx.msk [tilespmem:v3+s1+$0x0], $0xffff  }
0xdf: {  	v16 =	vmul.f32 v9, v7;
	v9 =	vld [tilespmem:s17+$0x0];
	v15 =	vmul.f32 v8, v12  }
0xe0: {  	v8 =	vld [tilespmem:s18+$0x0]  }
0xe1: {  	v13 =	vmul.f32 v13, v6;
	[tilespmem:v10+s8+$0x0] =	vst.idx.add.f32.msk $0xffff, v15  }
0xe2: {  	v15 =	vld.idx.msk [tilespmem:v11+s26+$0x0], $0xffff  }
0xe3: {  	[tilespmem:v5+s7+$0x0] =	vst.idx.add.f32.msk $0xffff, v13  }
0xe4: {  	v13 =	vld.idx.msk [tilespmem:v2+s25+$0x0], $0xffff  }
0xe5: {  	[tilespmem:v4+s7+$0x0] =	vst.idx.add.f32.msk $0xffff, v16;
	v14 =	vmul.f32 v14, v8  }
0xe6: {  	v16 =	vld.idx.msk [tilespmem:v1+s25+$0x0], $0xffff  }
0xe7: {  	[tilespmem:v9+s7+$0x0] =	vst.idx.add.f32.msk $0xffff, v14;
	v15 =	vmul.f32 v15, v12  }
0xe8: {  	v14 =	vld.idx.msk [tilespmem:v3+s25+$0x0], $0xffff  }
0xe9: {  	[tilespmem:v10+s9+$0x0] =	vst.idx.add.f32.msk $0xffff, v15  }
0xea: {  	v13 =	vmul.f32 v13, v6;
	v15 =	vld.idx.msk [tilespmem:v11+s28+$0x0], $0xffff;
	_ =	sdelay $0x1  }
0xeb: {  	[tilespmem:v5+s8+$0x0] =	vst.idx.add.f32.msk $0xffff, v13;
	v16 =	vmul.f32 v16, v7  }
0xec: {  	v13 =	vld.idx.msk [tilespmem:v2+s26+$0x0], $0xffff  }
0xed: {  	[tilespmem:v4+s8+$0x0] =	vst.idx.add.f32.msk $0xffff, v16;
	v14 =	vmul.f32 v14, v8  }
0xee: {  	v16 =	vld.idx.msk [tilespmem:v1+s26+$0x0], $0xffff;
	v15 =	vmul.f32 v15, v12  }
0xef: {  	[tilespmem:v9+s8+$0x0] =	vst.idx.add.f32.msk $0xffff, v14  }
0xf0: {  	[tilespmem:v10+s10+$0x0] =	vst.idx.add.f32.msk $0xffff, v15  }
0xf1: {  	v15 =	vld.idx.msk [tilespmem:v11+s29+$0x0], $0xffff  }
0xf2: {  	v11 =	vld.idx.msk [tilespmem:v3+s26+$0x0], $0xffff  }
0xf3: {  	v13 =	vmul.f32 v13, v6  }
0xf4: {  	v14 =	vmul.f32 v16, v7  }
0xf5: {  	[tilespmem:v5+s9+$0x0] =	vst.idx.add.f32.msk $0xffff, v13  }
0xf6: {  	s20 =	simm.s32 $0x191E0;
	s19 =	simm.s32 $0x0;
	[tilespmem:v4+s9+$0x0] =	vst.idx.add.f32.msk $0xffff, v14;
	v12 =	vmul.f32 v15, v12  }
.LBB2_7:
0xf7: {  	v13 =	vld [tilespmem:s20+$0x10];
	v11 =	vmul.f32 v11, v8  }
0xf8: {  	s19 =	sadd.s32 $0x40, s19;
	[tilespmem:v10+s11+$0x0] =	vst.idx.add.f32.msk $0xffff, v12  }
0xf9: {  	p0 =	slt.u32 s19, $0x600;
	v12 =	vld [tilespmem:s20+$0xFFFFFFF0]  }
0xfa: {  	v14 =	vld [tilespmem:s20+$0x0]  }
0xfb: {  	v15 =	vld [tilespmem:s20+$0xFFFFFFE0]  }
0xfc: {  	[tilespmem:v9+s9+$0x0] =	vst.idx.add.f32.msk $0xffff, v11  }
0xfd: {  	v11 =	vld.idx.msk [tilespmem:v2+s28+$0x0], $0xffff  }
0xfe: {  	s17 =	sadd.s32 $0x40, s17;
	v16 =	vld.idx.msk [tilespmem:v1+s28+$0x0], $0xffff  }
0xff: {  	v10 =	vld [tilespmem:s17+$0x10]  }
0x100: {  	s18 =	sadd.s32 $0x40, s18;
	v17 =	vld.idx.msk [tilespmem:v13+s1+$0x0], $0xffff  }
0x101: {  	v18 =	vld [tilespmem:s18+$0x10]  }
0x102: {  	v19 =	vld.idx.msk [tilespmem:v12+s1+$0x0], $0xffff  }
0x103: {  	v11 =	vmul.f32 v11, v6;
	v20 =	vld.idx.msk [tilespmem:v15+s1+$0x0], $0xffff  }
0x104: {  	v16 =	vmul.f32 v16, v7;
	v21 =	vld.idx.msk [tilespmem:v14+s1+$0x0], $0xffff  }
0x105: {  	v22 =	vld [tilespmem:s18+$0xFFFFFFE0]  }
0x106: {  	v23 =	vld [tilespmem:s18+$0xFFFFFFF0];
	v17 =	vmul.f32 v17, v18  }
0x107: {  	v24 =	vld [tilespmem:s18+$0x0]  }
0x108: {  	[tilespmem:v10+s7+$0x0] =	vst.idx.add.f32.msk $0xffff, v17  }
0x109: {  	v17 =	vld.idx.msk [tilespmem:v13+s25+$0x0], $0xffff  }
0x10a: {  	v25 =	vld [tilespmem:s17+$0xFFFFFFE0];
	v20 =	vmul.f32 v20, v22  }
0x10b: {  	v26 =	vld [tilespmem:s17+$0xFFFFFFF0];
	v19 =	vmul.f32 v19, v23  }
0x10c: {  	v27 =	vld [tilespmem:s17+$0x0];
	v21 =	vmul.f32 v21, v24  }
0x10d: {  	v28 =	vld.idx.msk [tilespmem:v3+s28+$0x0], $0xffff  }
0x10e: {  	[tilespmem:v5+s10+$0x0] =	vst.idx.add.f32.msk $0xffff, v11  }
0x10f: {  	v11 =	vmul.f32 v17, v18;
	[tilespmem:v4+s10+$0x0] =	vst.idx.add.f32.msk $0xffff, v16  }
0x110: {  	v16 =	vld.idx.msk [tilespmem:v2+s29+$0x0], $0xffff;
	v2 =	vmov v15  }
0x111: {  	[tilespmem:v10+s8+$0x0] =	vst.idx.add.f32.msk $0xffff, v11  }
0x112: {  	v11 =	vld.idx.msk [tilespmem:v13+s26+$0x0], $0xffff  }
0x113: {  	v15 =	vmul.f32 v28, v8;
	[tilespmem:v25+s7+$0x0] =	vst.idx.add.f32.msk $0xffff, v20  }
0x114: {  	[tilespmem:v26+s7+$0x0] =	vst.idx.add.f32.msk $0xffff, v19  }
0x115: {  	[tilespmem:v27+s7+$0x0] =	vst.idx.add.f32.msk $0xffff, v21  }
0x116: {  	v16 =	vmul.f32 v16, v6;
	v6 =	vmov v22;
	v17 =	vld.idx.msk [tilespmem:v2+s25+$0x0], $0xffff  }
0x117: {  	v19 =	vld.idx.msk [tilespmem:v12+s25+$0x0], $0xffff  }
0x118: {  	v11 =	vmul.f32 v11, v18;
	v20 =	vld.idx.msk [tilespmem:v14+s25+$0x0], $0xffff  }
0x119: {  	[tilespmem:v9+s10+$0x0] =	vst.idx.add.f32.msk $0xffff, v15  }
0x11a: {  	[tilespmem:v10+s9+$0x0] =	vst.idx.add.f32.msk $0xffff, v11  }
0x11b: {  	v11 =	vld.idx.msk [tilespmem:v13+s28+$0x0], $0xffff  }
0x11c: {  	v15 =	vmul.f32 v17, v6;
	v17 =	vld.idx.msk [tilespmem:v1+s29+$0x0], $0xffff;
	v1 =	vmov v12  }
0x11d: {  	v12 =	vmul.f32 v19, v23;
	v19 =	vld.idx.msk [tilespmem:v3+s29+$0x0], $0xffff;
	v3 =	vmov v14  }
0x11e: {  	v14 =	vmul.f32 v20, v24;
	[tilespmem:v25+s8+$0x0] =	vst.idx.add.f32.msk $0xffff, v15  }
0x11f: {  	[tilespmem:v26+s8+$0x0] =	vst.idx.add.f32.msk $0xffff, v12  }
0x120: {  	[tilespmem:v27+s8+$0x0] =	vst.idx.add.f32.msk $0xffff, v14  }
0x121: {  	v11 =	vmul.f32 v11, v18;
	v12 =	vld.idx.msk [tilespmem:v2+s26+$0x0], $0xffff  }
0x122: {  	v15 =	vmul.f32 v17, v7;
	v7 =	vmov v23;
	v14 =	vld.idx.msk [tilespmem:v1+s26+$0x0], $0xffff  }
0x123: {  	v17 =	vmul.f32 v19, v8;
	v8 =	vmov v24;
	[tilespmem:v10+s10+$0x0] =	vst.idx.add.f32.msk $0xffff, v11  }
0x124: {  	v13 =	vld.idx.msk [tilespmem:v13+s29+$0x0], $0xffff  }
0x125: {  	v11 =	vld.idx.msk [tilespmem:v3+s26+$0x0], $0xffff  }
.Ltmp2:
0x126: {  	[tilespmem:v5+s11+$0x0] =	vst.idx.add.f32.msk $0xffff, v16;
	v5 =	vmov v25;
	(pc) =	sbr.rel @p0 .LBB2_7-.Ltmp2, $4  }
0x127: {  	v12 =	vmul.f32 v12, v6;
	[tilespmem:v4+s11+$0x0] =	vst.idx.add.f32.msk $0xffff, v15;
	v4 =	vmov v26  }
0x128: {  	v14 =	vmul.f32 v14, v7;
	[tilespmem:v9+s11+$0x0] =	vst.idx.add.f32.msk $0xffff, v17;
	v9 =	vmov v27  }
0x129: {  	[tilespmem:v25+s9+$0x0] =	vst.idx.add.f32.msk $0xffff, v12  }
0x12a: {  	s20 =	sadd.s32 $0x40, s20;
	v12 =	vmul.f32 v13, v18;
	[tilespmem:v26+s9+$0x0] =	vst.idx.add.f32.msk $0xffff, v14  }
0x12b: {  	_ =	sdelay $0x3  }
0x12c: {  	v13 =	vld.idx.msk [tilespmem:v2+s28+$0x0], $0xffff  }
0x12d: {  	v11 =	vmul.f32 v11, v8;
	v14 =	vld.idx.msk [tilespmem:v1+s28+$0x0], $0xffff;
	_ =	sdelay $0x1  }
0x12e: {  	[tilespmem:v9+s9+$0x0] =	vst.idx.add.f32.msk $0xffff, v11  }
0x12f: {  	v11 =	vld.idx.msk [tilespmem:v3+s28+$0x0], $0xffff  }
0x130: {  	v13 =	vmul.f32 v13, v6  }
0x131: {  	v14 =	vmul.f32 v14, v7  }
0x132: {  	[tilespmem:v5+s10+$0x0] =	vst.idx.add.f32.msk $0xffff, v13  }
0x133: {  	[tilespmem:v4+s10+$0x0] =	vst.idx.add.f32.msk $0xffff, v14  }
0x134: {  	v11 =	vmul.f32 v11, v8;
	v2 =	vld.idx.msk [tilespmem:v2+s29+$0x0], $0xffff  }
0x135: {  	v1 =	vld.idx.msk [tilespmem:v1+s29+$0x0], $0xffff  }
0x136: {  	[tilespmem:v9+s10+$0x0] =	vst.idx.add.f32.msk $0xffff, v11  }
0x137: {  	v3 =	vld.idx.msk [tilespmem:v3+s29+$0x0], $0xffff  }
0x138: {  	s16 =	sadd.s32 $0x1, s16  }
0x139: {  	p0 =	sne.s32 s16, $0x19  }
.Ltmp3:
0x13a: {  	v2 =	vmul.f32 v2, v6;
	(pc) =	sbr.rel @p0 .LBB2_4-.Ltmp3, $4  }
0x13b: {  	[tilespmem:v10+s11+$0x0] =	vst.idx.add.f32.msk $0xffff, v12;
	v1 =	vmul.f32 v1, v7  }
0x13c: {  	[tilespmem:v5+s11+$0x0] =	vst.idx.add.f32.msk $0xffff, v2;
	v3 =	vmul.f32 v3, v8  }
0x13d: {  	[tilespmem:v4+s11+$0x0] =	vst.idx.add.f32.msk $0xffff, v1  }
0x13e: {  	[tilespmem:v9+s11+$0x0] =	vst.idx.add.f32.msk $0xffff, v3  }
0x13f: {  	s16 =	rddreg [dreg:$0xa]  }
0x140: {  	[hbm4b:s16+s22] =	stream.strided.scatter [tilespmem:s7], [sflag:$0x3], $0x2780, s23, s22, $0x38;
	[tilespmem:$0x1B200] =	vst v63  }
0x141: {  	_ =	swait.ge [sflag:s24], $0x2780  }
0x142: {  	[sflag:s24] =	ssyncset.done $0x0  }
0x143: {  	s17 =	rddreg [dreg:$0xb];
	[sflag:s24] =	ssyncadd.s32 $0xFFFFD880  }
0x144: {  	[hbm4b:s17+s22] =	stream.strided.scatter [tilespmem:s8], [sflag:$0x3], $0x2780, s23, s22, $0x38;
	[tilespmem:$0x1B200] =	vst v63  }
0x145: {  	_ =	swait.ge [sflag:s24], $0x2780  }
0x146: {  	[sflag:s24] =	ssyncset.done $0x0  }
0x147: {  	s18 =	rddreg [dreg:$0xc];
	[sflag:s24] =	ssyncadd.s32 $0xFFFFD880  }
0x148: {  	[hbm4b:s18+s22] =	stream.strided.scatter [tilespmem:s9], [sflag:$0x3], $0x2780, s23, s22, $0x38;
	[tilespmem:$0x1B200] =	vst v63  }
0x149: {  	_ =	swait.ge [sflag:s24], $0x2780  }
0x14a: {  	[sflag:s24] =	ssyncset.done $0x0  }
0x14b: {  	s19 =	rddreg [dreg:$0xd];
	[sflag:s24] =	ssyncadd.s32 $0xFFFFD880  }
0x14c: {  	[hbm4b:s19+s22] =	stream.strided.scatter [tilespmem:s10], [sflag:$0x3], $0x2780, s23, s22, $0x38;
	[tilespmem:$0x1B200] =	vst v63  }
0x14d: {  	_ =	swait.ge [sflag:s24], $0x2780  }
0x14e: {  	[sflag:s24] =	ssyncset.done $0x0  }
0x14f: {  	s20 =	rddreg [dreg:$0xe];
	[sflag:s24] =	ssyncadd.s32 $0xFFFFD880  }
0x150: {  	[hbm4b:s20+s22] =	stream.strided.scatter [tilespmem:s11], [sflag:$0x3], $0x2780, s23, s22, $0x38;
	[tilespmem:$0x1B200] =	vst v63  }
0x151: {  	_ =	swait.ge [sflag:s24], $0x2780  }
0x152: {  	s13 =	sadd.s32 $0x1, s13;
	s21 =	rddreg [dreg:$0xf]  }
0x153: {  	p0 =	sne.s32 s13, s21  }
.Ltmp4:
0x154: {  	_ = 	snop;
	(pc) =	sbr.rel @p0 .LBB2_1-.Ltmp4, $3  }
0x155: {  	_ =	sdelay $0x1  }
0x156: {  	[sflag:s24] =	ssyncset.done $0x0  }
0x157: {  	[sflag:s24] =	ssyncadd.s32 $0xFFFFD880  }
0x158: {  	_ =	sfence.sel $0x180000  }
0x159: {  	[bflag:$0x0] =	sbarrier.arrive $0xFFFF  }
0x15a: {  	_ =	strace $0x9000004A  }
0x15b: {  	s0 =	stileid.u32;
	[bflag:$0x2] =	sbarrier.arrive $0xFFFF  }
0x15c: {  	p0 =	sne.s32 s0, $0x0;
	s0 =	rddreg [dreg:$0x2]  }
0x15d: {  	s0 =	sadd.s32 @!p0 $0x100000, s0  }
0x15e: {  	[sflag:s0] =	ssyncadd.tile.s32 @!p0 $0x1;
	_ =	shalt  }
.Lfunc_end2:
_tile_overlayer_lowered:
.L_overlay_start_2:
0x15f: {  	(tag) =	ssettag $0x2  }
0x160: {  	s0 =	rddreg [dreg:$0x0];
	s2 =	stileid.u32  }
0x161: {  	s1 =	rddreg [dreg:$0x1];
	p0 =	sne.s32 s2, $0x0  }
0x162: {  	s3 =	rddreg [dreg:$0x2];
	[bflag:$0x3] =	sbarrier.arrive $0xFFFF;
	s2 =	simm.s32 @!p0 $0x1C03  }
0x163: {  	[timem:s3], [sflag:s2] =	dma.local @!p0 [hbm:s0], s1  }
0x164: {  	s0 =	simm.s32 @!p0 $0x3  }
0x165: {  	_ =	swait.ge @!p0 [sflag:s0], s1  }
0x166: {  	s1 =	ssub.s32 @!p0 $0x0, s1;
	[sflag:s0] =	ssyncset.done @!p0 $0x0  }
0x167: {  	[sflag:s0] =	ssyncadd.s32 @!p0 s1  }
0x168: {  	[bflag:$0x3] =	sbarrier.arrive $0xFFFF  }
0x169: {  	_ =	shalt  }

// kernel: kernel.15.cloned.1.call-start
scs
__scs_entry_jumppad:
0x0: {  	(pc) =	sbr.rel $0x88, $3  }
0x1: {  	(tag) =	ssettag $0x0;
	lr =	simm.s32 $0x1  }
0x2: {  	[smem:$0x3F78] =	sst lr;
	_ =	strace $0xD0000000  }
0x3: {  	_ = 	snop  }
0x4: {  	_ = 	snop  }
0x5: {  	_ = 	snop  }
0x6: {  	_ = 	snop  }
0x7: {  	_ = 	snop  }
__scs_overlays_trampoline_lowered:
0x8: {  	[smem:$0x3F87] =	sst s0  }
0x9: {  	[smem:$0x3F88] =	sst s1  }
0xa: {  	[smem:$0x3F89] =	sst s2  }
0xb: {  	[smem:$0x3F8A] =	sst s3  }
0xc: {  	[smem:$0x3F8B] =	sst s4  }
0xd: {  	[smem:$0x3F8C] =	sst s5  }
0xe: {  	[smem:$0x3F8D] =	sst s6  }
0xf: {  	[smem:$0x3F8E] =	sst s7  }
0x10: {  	[smem:$0x3F8F] =	sst s8  }
0x11: {  	[smem:$0x3F90] =	sst s9;
	s0 =	simm.s32 @!p0 $0x0  }
0x12: {  	s1 =	sld [smem:$0x3F76];
	s0 =	simm.s32 @p0 $0x1  }
0x13: {  	[smem:$0x3F91] =	sst s0;
	s0 =	simm.s32 @!p1 $0x0  }
0x14: {  	s2 =	sld [smem:$0x3F75];
	s0 =	simm.s32 @p1 $0x1  }
0x15: {  	[smem:$0x3F92] =	sst s0;
	s0 =	simm.s32 @!p2 $0x0  }
0x16: {  	s3 =	sld [smem:$0x3FDB];
	s0 =	simm.s32 @p2 $0x1  }
0x17: {  	s4 =	simm.s32 $0x1BF5;
	[smem:$0x3F94] =	sst s0  }
0x18: {  	s0 =	sld [smem:$0x3F77];
	_ =	swait.ge [sflag:s4], $0x0  }
0x19: {  	s7 =	sld [smem:$0x3F78]  }
0x1a: {  	s8 =	sadd.s32 $0xFFFFE003, lr  }
0x1b: {  	s9 =	sadd.s32 $0xFFFFFEF7, lr;
	s5 =	simm.s32 $0xFFFFFFFF;
	p2 =	slt.u32 s8, $0xFFFFF086  }
0x1c: {  	p1 =	slt.u32 s9, $0xF7A;
	s5 =	simm.s32 @!p2 $0x0  }
0x1d: {  	s5 =	simm.s32 @p1 $0x1;
	p0 =	seq.s32 s7, s2  }
0x1e: {  	s7 =	smul.u32 @!p0 $0xF7A, s2;
	p2 =	seq.s32 @!p0 s5, $0x0  }
0x1f: {  	s9 =	smul.u32 $0xF7A, s1;
	s8 =	simm.s32 @!p0 $0x1BF5;
	p2 =	por !p2, p0  }
0x20: {  	[sflag:s8] =	ssyncset.s32 @!p0 $0xFFFFF086;
	s6 =	sadd.s32 @!p0 s3, s7;
	s7 =	simm.s32 @!p0 $0x108  }
0x21: {  	s3 =	sadd.s32 s3, s9;
	s6 =	sadd.s32 @!p0 $0x88, s6;
	s7 =	simm.s32 @p2 $0x1082  }
0x22: {  	[simem:s7], [sflag:s8] =	dma.local @!p0 [hbm:s6], $0xF7A  }
0x23: {  	s9 =	sor.u32 $0xD0000000, s2;
	s6 =	simm.s32 $0x108;
	_ =	swait.ge @!p0 [sflag:s8], $0x0  }
0x24: {  	s3 =	sadd.s32 $0x88, s3;
	s6 =	simm.s32 @!p1 $0x1082;
	[sflag:s4] =	ssyncset.s32 $0xFFFFF086  }
0x25: {  	[simem:s6], [sflag:s4] =	dma.local [hbm:s3], $0xF7A  }
0x26: {  	[smem:$0x3F78] =	sst s1;
	(tag) =	ssettag s2;
	_ =	strace s9  }
0x27: {  	s1 =	sld [smem:$0x3F88]  }
0x28: {  	s2 =	sld [smem:$0x3F89]  }
0x29: {  	s4 =	sld [smem:$0x3F8B]  }
0x2a: {  	p0 =	seq.s32 s5, $0x0;
	s5 =	sld [smem:$0x3F8C]  }
0x2b: {  	s6 =	sld [smem:$0x3F8D]  }
0x2c: {  	s7 =	sld [smem:$0x3F8E]  }
0x2d: {  	s3 =	simm.s32 $0x108;
	s8 =	sld [smem:$0x3F8F]  }
0x2e: {  	s3 =	simm.s32 @!p0 $0x1082;
	s9 =	sld [smem:$0x3F90]  }
0x2f: {  	lr =	sadd.s32 s0, s3;
	s0 =	sld [smem:$0x3F87]  }
0x30: {  	s3 =	sld [smem:$0x3F8A]  }
0x31: {  	[smem:$0x3F93] =	sst s10  }
0x32: {  	s10 =	sld [smem:$0x3F91];
	_ =	sdelay $0x3  }
0x33: {  	p0 =	seq.s32 s10, $0x1;
	s10 =	sld [smem:$0x3F93];
	_ =	sdelay $0x3  }
0x34: {  	[smem:$0x3F93] =	sst s10  }
0x35: {  	s10 =	sld [smem:$0x3F92];
	_ =	sdelay $0x3  }
0x36: {  	p1 =	seq.s32 s10, $0x1;
	s10 =	sld [smem:$0x3F93];
	_ =	sdelay $0x3  }
0x37: {  	[smem:$0x3F93] =	sst s10  }
0x38: {  	s10 =	sld [smem:$0x3F94]  }
0x39: {  	_ = 	snop;
	(pc) =	sbr.ind lr, $3  }
0x3a: {  	_ = 	snop  }
0x3b: {  	_ = 	snop  }
0x3c: {  	p2 =	seq.s32 s10, $0x1;
	s10 =	sld [smem:$0x3F93]  }
0x3d: {  	_ =	shalt  }
0x3e: {  	_ =	shalt  }
0x3f: {  	_ =	shalt  }
0x40: {  	_ =	shalt  }
0x41: {  	_ =	shalt  }
0x42: {  	_ =	shalt  }
0x43: {  	_ =	shalt  }
0x44: {  	_ =	shalt  }
0x45: {  	_ =	shalt  }
0x46: {  	_ =	shalt  }
0x47: {  	_ =	shalt  }
0x48: {  	_ =	shalt  }
0x49: {  	_ =	shalt  }
0x4a: {  	_ =	shalt  }
0x4b: {  	_ =	shalt  }
0x4c: {  	_ =	shalt  }
0x4d: {  	_ =	shalt  }
0x4e: {  	_ =	shalt  }
0x4f: {  	_ =	shalt  }
0x50: {  	_ =	shalt  }
0x51: {  	_ =	shalt  }
0x52: {  	_ =	shalt  }
0x53: {  	_ =	shalt  }
0x54: {  	_ =	shalt  }
0x55: {  	_ =	shalt  }
0x56: {  	_ =	shalt  }
0x57: {  	_ =	shalt  }
0x58: {  	_ =	shalt  }
0x59: {  	_ =	shalt  }
0x5a: {  	_ =	shalt  }
0x5b: {  	_ =	shalt  }
0x5c: {  	_ =	shalt  }
0x5d: {  	_ =	shalt  }
0x5e: {  	_ =	shalt  }
0x5f: {  	_ =	shalt  }
0x60: {  	_ =	shalt  }
0x61: {  	_ =	shalt  }
0x62: {  	_ =	shalt  }
0x63: {  	_ =	shalt  }
0x64: {  	_ =	shalt  }
0x65: {  	_ =	shalt  }
0x66: {  	_ =	shalt  }
0x67: {  	_ =	shalt  }
0x68: {  	_ =	shalt  }
0x69: {  	_ =	shalt  }
0x6a: {  	_ =	shalt  }
0x6b: {  	_ =	shalt  }
0x6c: {  	_ =	shalt  }
0x6d: {  	_ =	shalt  }
0x6e: {  	_ =	shalt  }
0x6f: {  	_ =	shalt  }
0x70: {  	_ =	shalt  }
0x71: {  	_ =	shalt  }
0x72: {  	_ =	shalt  }
0x73: {  	_ =	shalt  }
0x74: {  	_ =	shalt  }
0x75: {  	_ =	shalt  }
0x76: {  	_ =	shalt  }
0x77: {  	_ =	shalt  }
0x78: {  	_ =	shalt  }
0x79: {  	_ =	shalt  }
0x7a: {  	_ =	shalt  }
0x7b: {  	_ =	shalt  }
0x7c: {  	_ =	shalt  }
0x7d: {  	_ =	shalt  }
0x7e: {  	_ =	shalt  }
0x7f: {  	_ =	shalt  }
0x80: {  	_ =	shalt  }
0x81: {  	_ =	shalt  }
0x82: {  	_ =	shalt  }
0x83: {  	_ =	shalt  }
0x84: {  	_ =	shalt  }
0x85: {  	_ =	shalt  }
0x86: {  	_ =	shalt  }
0x87: {  	_ =	shalt  }
.Lfunc_end0:
.L_simem_size_0:
called_computation.2_lowered:
.L_overlay_start_0:
0x88: {  	s2 =	sld [smem:$0x3FD9]  }
0x89: {  	s3 =	sld [smem:$0x3FFE];
	_ =	sdelay $0x1  }
0x8a: {  	s1 =	srdreg.scid  }
0x8b: {  	s0 =	sand.u32 $0x1, s1  }
0x8c: {  	s16 =	sshll.u32 s0, $0xA;
	s2 =	sadd.s32 s3, s2  }
0x8d: {  	s2 =	sadd.s32 s2, s16  }
0x8e: {  	[smem:$0x3F9F] =	sst s2  }
0x8f: {  	_ = 	snop  }
0x90: {  	(tm) =	ssettm $0x1  }
0x91: {  	s17 =	sld [smem:$0x3FFB];
	_ =	sdelay $0x3  }
0x92: {  	_ =	strace s17  }
0x93: {  	s2 =	sld [smem:$0x3FFC];
	_ =	sdelay $0x3  }
0x94: {  	_ =	strace s2  }
0x95: {  	s2 =	sld [smem:$0x3FFD];
	_ =	sdelay $0x3  }
0x96: {  	_ =	strace s2  }
0x97: {  	_ =	strace $0x8FFFFFFF  }
0x98: {  	s18 =	sld [smem:$0x3FDB];
	_ =	sdelay $0x1  }
0x99: {  	s19 =	simm.s32 $_scs_section_size  }
0x9a: {  	s4 =	simm.s32 $_size__tile_overlayer_lowered;
	s5 =	simm.s32 $_tile_overlayer_lowered  }
0x9b: {  	s22 =	simm.s32 $0x1BFF;
	s21 =	sshll.u32 s5, $0x1;
	s2 =	sadd.s32 s19, s18  }
0x9c: {  	s6 =	simm.s32 $0x0;
	s20 =	sshll.u32 s4, $0x1;
	s4 =	sadd.s32 s21, s2  }
0x9d: {  	[timem:s6], [sflag:s22] =	dma.local [hbm:s4], s20  }
0x9e: {  	_ =	swait.ge [sflag:s22], s20  }
0x9f: {  	s3 =	ssub.s32 $0x0, s20;
	[sflag:s22] =	ssyncset.done $0x0  }
0xa0: {  	[sflag:s22] =	ssyncadd.s32 s3;
	_ =	sdelay $0x1  }
0xa1: {  	s23 =	simm.s32 $0x1B8B  }
0xa2: {  	_ =	swait.ge [sflag:s23], $0x1  }
0xa3: {  	[sflag:s23] =	ssyncset.done $0x0  }
0xa4: {  	s25 =	simm.s32 $0x1B8E;
	s24 =	sld [smem:$0x3FFE];
	[sflag:s23] =	ssyncadd.s32 $0xFFFFFFFF  }
0xa5: {  	s26 =	simm.s32 $execute0_lowered;
	[smem:$0x3FD2] =	sst s25  }
0xa6: {  	s4 =	sshll.u32 s26, $0x1;
	_ =	strace $0x8000004C;
	[dreg:$0x1] =	wrdreg $0xFFFFFFFF  }
0xa7: {  	s28 =	simm.s32 $_size_execute0_lowered;
	s2 =	sadd.s32 s2, s4;
	[dreg:$0x0] =	wrdreg $0x0  }
0xa8: {  	s4 =	sshll.u32 s28, $0x1;
	[dreg:$0x2] =	wrdreg s2  }
0xa9: {  	[dreg:$0x3] =	wrdreg s4  }
0xaa: {  	[dreg:$0x4] =	wrdreg $0xC0  }
0xab: {  	_ =	task [dreg:s6], $0x5FFFF  }
0xac: {  	[dreg:$0x1] =	wrdreg $0xFFFFFFFF  }
0xad: {  	[dreg:$0x0] =	wrdreg $0x60  }
0xae: {  	[dreg:$0x2] =	wrdreg s24  }
0xaf: {  	[dreg:$0x3] =	wrdreg $0x9  }
0xb0: {  	_ =	task.clear_ibuf [dreg:s6], $0x4FFFF;
	_ =	strace $0x9000004C  }
0xb1: {  	s29 =	simm.s32 $0x9;
	_ =	strace $0x8000004E  }
0xb2: {  	_ =	swait.ge [sflag:s29], $0x1  }
0xb3: {  	[sflag:s29] =	ssyncadd.s32 $0xFFFFFFFF  }
0xb4: {  	_ =	strace $0x9000004E  }
0xb5: {  	_ =	sfence  }
0xb6: {  	s30 =	sld [smem:$0x0];
	_ =	sdelay $0x2  }
0xb7: {  	s31 =	sshll.u32 s1, $0xD;
	s1 =	sshrl.u32 s1, $0x2  }
0xb8: {  	s3 =	sand.u32 $0x4000, s31;
	s1 =	sadd.s32 s1, s30  }
0xb9: {  	s0 =	sor.u32 s3, s0;
	s1 =	sshll.u32 s1, $0x11  }
0xba: {  	s0 =	sor.u32 s1, s0  }
0xbb: {  	s0 =	sadd.s32 $0x8F2B, s0  }
0xbc: {  	[sflag:s0] =	ssyncadd.remote.s32 $0x1  }
0xbd: {  	_ =	sfence.sel $0xFFFF  }
0xbe: {  	[dreg:$0x0] =	wrdreg $0xFFFFFFFF;
	(pc) =	sbr.abs _section_cstart, $3  }
0xbf: {  	[dreg:$0x1] =	wrdreg $0xFFFFFFFF  }
0xc0: {  	_ =	task.clear_ibuf [dreg:s6], $0x2FFFF;
	_ =	strace $0x9FFFFFFF  }
0xc1: {  	(tm) =	ssettm $0x7FFFFFFF  }
tec
execute0_lowered:
.L_overlay_start_1:
0x0: {  	(tag) =	ssettag $0x1  }
0x1: {  	s0 =	srdreg.scid  }
0x2: {  	s5 =	rddreg [dreg:$0x0];
	s2 =	simm.s32 $0x0;
	s10 =	simm.s32 $0x80  }
0x3: {  	s11 =	simm.s32 $0x100;
	s12 =	simm.s32 $0x2780;
	s13 =	simm.s32 $0x4F00  }
0x4: {  	s14 =	simm.s32 $0x7680;
	s15 =	simm.s32 $0x1;
	s16 =	simm.s32 $0xC580  }
0x5: {  	s17 =	simm.s32 $0x9E00;
	s18 =	simm.s32 $0x2;
	s4 =	sand.u32 $0x1, s0  }
0x6: {  	s19 =	simm.s32 $0x400;
	s0 =	stileid.u32;
	s1 =	sshll.u32 s4, $0x4  }
0x7: {  	s20 =	simm.s32 $0x0;
	[smem:$0x7FF] =	sst s2;
	s3 =	sor.u32 s0, s1  }
0x8: {  	s7 =	sshll.u32 s0, $0x7;
	s4 =	ssub.s32 $0x2, s4;
	s6 =	sshrl.u32 s3, $0x3  }
0x9: {  	s1 =	rddreg [dreg:$0x1];
	s7 =	sand.u32 $0x380, s7;
	s6 =	smul.u32 $0x13C00, s6  }
0xa: {  	_ =	strace $0x8000004D;
	s31 =	sshrl.u32 s4, $0x1;
	s8 =	smul.u32 $0x4E2, s3  }
0xb: {  	s3 =	sadd.s32 $0x18E00, s5;
	s9 =	ssub.s32 s4, s31;
	s6 =	sor.u32 s7, s6  }
0xc: {  	s4 =	sadd.s32 $0x18E10, s5;
	s29 =	sadd.s32 s8, s5;
	s6 =	sshrl.u32 s6, $0x3  }
0xd: {  	s9 =	smax.u32 s9, $0x1;
	s7 =	sadd.s32 $0x19800, s29;
	s30 =	sadd.s32 s6, s5  }
0xe: {  	v0 =	vimm.f32 $0.0e+00;
	s5 =	sadd.s32 $0xF000, s29;
	s6 =	sadd.s32 $0x5200, s29;
	s8 =	sadd.s32 $0x23600, s30  }
.LBB2_1:
0xf: {  	[tilespmem:s2], [sflag:$0x1] =	stream.strided.gather [hbm4b:s3+s10], $0x2780, s11, s10, $0x38;
	[tilespmem:$0xED00] =	vst v63  }
0x10: {  	_ = 	snop  }
0x11: {  	[tilespmem:s12], [sflag:$0x1] =	stream.strided.gather [hbm4b:s4+s10], $0x2780, s11, s10, $0x38;
	[tilespmem:$0xED00] =	vst v63  }
0x12: {  	_ = 	snop  }
0x13: {  	[tilespmem:s13], [sflag:$0x1] =	stream.linear.gather [hbm4b:s5+s2], $0x2710, $0x38;
	[tilespmem:$0xED00] =	vst v63  }
0x14: {  	_ = 	snop  }
0x15: {  	[tilespmem:s14], [sflag:$0x1] =	stream.linear.gather [hbm4b:s6+s2], $0x2710, $0x38;
	[tilespmem:$0xED00] =	vst v63  }
0x16: {  	_ =	swait.ge [sflag:s15], $0x2780  }
0x17: {  	[sflag:s15] =	ssyncset.done $0x0  }
0x18: {  	[sflag:s15] =	ssyncadd.s32 $0xFFFFD880  }
0x19: {  	_ =	swait.ge [sflag:s15], $0x2780  }
0x1a: {  	[sflag:s15] =	ssyncset.done $0x0  }
0x1b: {  	[sflag:s15] =	ssyncadd.s32 $0xFFFFD880  }
0x1c: {  	_ =	swait.ge [sflag:s15], $0x2710  }
0x1d: {  	[sflag:s15] =	ssyncset.done $0x0  }
0x1e: {  	[sflag:s15] =	ssyncadd.s32 $0xFFFFD8F0  }
0x1f: {  	_ =	swait.ge [sflag:s15], $0x2710  }
0x20: {  	[sflag:s15] =	ssyncset.done $0x0  }
0x21: {  	s21 =	simm.s32 $0x0;
	[sflag:s15] =	ssyncadd.s32 $0xFFFFD8F0  }
.LBB2_2:
0x22: {  	p0 =	sne.s32 s21, $0x9C00  }
.Ltmp0:
0x23: {  	_ = 	snop;
	(pc) =	sbr.rel @p0 .LBB2_2-.Ltmp0, $3  }
0x24: {  	_ =	sdelay $0x1  }
0x25: {  	s22 =	sshra.s32 s21, $0x2  }
0x26: {  	s21 =	sadd.s32 $0x40, s21;
	[tilespmem:s22+$0xC580] =	vst v0  }
0x27: {  	s22 =	simm.s32 $0x76C0  }
0x28: {  	s21 =	simm.s32 $0x4F40;
	v1 =	vld [tilespmem:s22+$0xFFFFFFC0]  }
0x29: {  	v3 =	vld [tilespmem:s21+$0x0]  }
0x2a: {  	v2 =	vld [tilespmem:s22+$0x30]  }
0x2b: {  	v5 =	vld [tilespmem:s22+$0x20]  }
0x2c: {  	v7 =	vld [tilespmem:s21+$0x20]  }
0x2d: {  	v6 =	vld [tilespmem:s21+$0x10]  }
0x2e: {  	v9 =	vld [tilespmem:s21+$0xFFFFFFC0]  }
0x2f: {  	v8 =	vld [tilespmem:s22+$0x10]  }
0x30: {  	v10 =	vld [tilespmem:s21+$0x30]  }
0x31: {  	v13 =	vld [tilespmem:s21+$0xFFFFFFD0]  }
0x32: {  	v4 =	vld [tilespmem:s22+$0xFFFFFFF0]  }
0x33: {  	v16 =	vld [tilespmem:s21+$0xFFFFFFF0]  }
0x34: {  	v17 =	vld [tilespmem:s21+$0xFFFFFFE0]  }
0x35: {  	v18 =	vld.idx.msk [tilespmem:v3+s12+$0x0], $0xffff  }
0x36: {  	v3 =	vld [tilespmem:s22+$0x0]  }
0x37: {  	v11 =	vld.idx.msk [tilespmem:v6+s12+$0x0], $0xffff  }
0x38: {  	v12 =	vld.idx.msk [tilespmem:v2+s2+$0x0], $0xffff  }
0x39: {  	v6 =	vld [tilespmem:s22+$0xFFFFFFE0]  }
0x3a: {  	v14 =	vld.idx.msk [tilespmem:v5+s2+$0x0], $0xffff  }
0x3b: {  	v15 =	vld.idx.msk [tilespmem:v7+s12+$0x0], $0xffff  }
0x3c: {  	v19 =	vld.idx.msk [tilespmem:v8+s2+$0x0], $0xffff  }
0x3d: {  	v20 =	vld.idx.msk [tilespmem:v10+s12+$0x0], $0xffff  }
0x3e: {  	v21 =	vld.idx.msk [tilespmem:v1+s2+$0x0], $0xffff  }
0x3f: {  	v7 =	vld [tilespmem:s22+$0xFFFFFFD0]  }
0x40: {  	v9 =	vld.idx.msk [tilespmem:v9+s12+$0x0], $0xffff  }
0x41: {  	v10 =	vld.idx.msk [tilespmem:v16+s12+$0x0], $0xffff;
	v14 =	vadd.f32 v15, v14;
	v11 =	vadd.f32 v11, v19  }
0x42: {  	v16 =	vadd.f32 v20, v12;
	v22 =	vld.idx.msk [tilespmem:v3+s2+$0x0], $0xffff  }
0x43: {  	v13 =	vld.idx.msk [tilespmem:v13+s12+$0x0], $0xffff;
	v15 =	vmul.f32 $2.000000030e-01, v14;
	vm0 =	vge.f32 v14, $0.0e+00;
	v19 =	vmul.f32 $2.000000030e-01, v11  }
0x44: {  	vm14 =	vge.f32 v11, $0.0e+00;
	v20 =	vmul.f32 $2.000000030e-01, v16;
	vm15 =	vge.f32 v16, $0.0e+00;
	v12 =	vld.idx.msk [tilespmem:v6+s2+$0x0], $0xffff  }
0x45: {  	v15 =	vsel vm0, v14, v15;
	v14 =	vld.idx.msk [tilespmem:v17+s12+$0x0], $0xffff;
	v19 =	vsel vm14, v11, v19;
	v17 =	vadd.f32 v9, v21  }
0x46: {  	s23 =	simm.s32 $0x9E40;
	v11 =	vld.idx.msk [tilespmem:v4+s2+$0x0], $0xffff;
	v20 =	vsel vm15, v16, v20;
	v9 =	vmul.f32 $1.442695020e+00, v15;
	v15 =	vmul.f32 $1.442695020e+00, v19  }
0x47: {  	s24 =	simm.s32 $0x0;
	s25 =	simm.s32 $0x7740;
	s22 =	simm.s32 $0x9E40;
	v16 =	vld.idx.msk [tilespmem:v7+s2+$0x0], $0xffff;
	v20 =	vmul.f32 $1.442695020e+00, v20;
	v19 =	vmul.f32 $2.000000030e-01, v17;
	v18 =	vadd.f32 v18, v22  }
.LBB2_4:
0x48: {  	v21 =	vld [tilespmem:s25+$0xFFFFFFC0];
	s24 =	sadd.s32 $0x80, s24;
	vm0 =	vge.f32 v17, $0.0e+00;
	s21 =	sadd.s32 $0x80, s21;
	s23 =	sadd.s32 $0x80, s23  }
0x49: {  	v22 =	vld [tilespmem:s21+$0x0];
	p0 =	slt.u32 s24, $0x2680;
	v23 =	vmul.f32 $2.000000030e-01, v18;
	(erf) = vpow2.f32 v20  }
0x4a: {  	v17 =	vsel vm0, v17, v19;
	v12 =	vadd.f32 v14, v12;
	vm0 =	vge.f32 v18, $0.0e+00;
	v20 =	vld [tilespmem:s25+$0x30]  }
0x4b: {  	v17 =	vmul.f32 $1.442695020e+00, v17;
	v14 =	vld [tilespmem:s25+$0x20];
	v18 =	vsel vm0, v18, v23;
	(erf) = vpow2.f32 v15  }
0x4c: {  	vm0 =	vge.f32 v12, $0.0e+00;
	v19 =	vmul.f32 $2.000000030e-01, v12;
	v15 =	vld [tilespmem:s21+$0x20];
	v18 =	vmul.f32 $1.442695020e+00, v18  }
0x4d: {  	v13 =	vadd.f32 v13, v16;
	v23 =	vld [tilespmem:s21+$0x10];
	(erf) = vpow2.f32 v17  }
0x4e: {  	v10 =	vadd.f32 v10, v11;
	v12 =	vsel vm0, v12, v19;
	v16 =	vld [tilespmem:s21+$0xFFFFFFC0];
	(erf) = vpow2.f32 v18  }
0x4f: {  	v24 =	vmul.f32 $2.000000030e-01, v13;
	v12 =	vmul.f32 $1.442695020e+00, v12;
	v11 =	vld [tilespmem:s25+$0x10]  }
0x50: {  	v19 =	vmul.f32 $2.000000030e-01, v10;
	vm0 =	vge.f32 v13, $0.0e+00;
	v18 =	vld [tilespmem:s21+$0x30];
	(erf) = vpow2.f32 v9  }
0x51: {  	v9 =	vsel vm0, v13, v24;
	vm0 =	vge.f32 v10, $0.0e+00;
	v22 =	vld.idx.msk [tilespmem:v22+s12+$0x0], $0xffff  }
0x52: {  	v24 =	vmul.f32 $1.442695020e+00, v9;
	v10 =	vsel vm0, v10, v19;
	v13 =	vld [tilespmem:s21+$0xFFFFFFD0];
	v17 =	vpop (erf)  }
0x53: {  	v25 =	vmul.f32 $1.442695020e+00, v10;
	v19 =	vld.idx.msk [tilespmem:v21+s2+$0x0], $0xffff;
	[tilespmem:s22+$0x30] =	vst v17;
	(erf) = vpow2.f32 v12  }
0x54: {  	v12 =	vld [tilespmem:s25+$0x0];
	(erf) = vpow2.f32 v24;
	v9 =	vpop (erf)  }
0x55: {  	v24 =	vld [tilespmem:s25+$0xFFFFFFF0];
	[tilespmem:s22+$0x10] =	vst v9;
	(erf) = vpow2.f32 v25  }
0x56: {  	v16 =	vld.idx.msk [tilespmem:v16+s12+$0x0], $0xffff;
	v10 =	vpop (erf)  }
0x57: {  	[tilespmem:v8+s16+$0x0] =	vst.idx.add.f32.msk $0xffff, v9;
	v9 =	vpop (erf);
	v8 =	vmov v11  }
0x58: {  	v11 =	vld.idx.msk [tilespmem:v23+s12+$0x0], $0xffff;
	[tilespmem:s22+$0xFFFFFFC0] =	vst v10  }
0x59: {  	v23 =	vld.idx.msk [tilespmem:v20+s2+$0x0], $0xffff;
	[tilespmem:s22+$0x0] =	vst v9;
	v25 =	vpop (erf)  }
0x5a: {  	v26 =	vld [tilespmem:s25+$0xFFFFFFE0];
	[tilespmem:s22+$0x20] =	vst v25  }
0x5b: {  	[tilespmem:v5+s16+$0x0] =	vst.idx.add.f32.msk $0xffff, v25;
	v5 =	vmov v14  }
0x5c: {  	v18 =	vld.idx.msk [tilespmem:v18+s12+$0x0], $0xffff;
	v25 =	vpop (erf)  }
0x5d: {  	v14 =	vld.idx.msk [tilespmem:v14+s2+$0x0], $0xffff;
	[tilespmem:s22+$0xFFFFFFE0] =	vst v25;
	v27 =	vpop (erf)  }
0x5e: {  	v15 =	vld.idx.msk [tilespmem:v15+s12+$0x0], $0xffff;
	[tilespmem:s22+$0xFFFFFFD0] =	vst v27;
	v28 =	vpop (erf)  }
0x5f: {  	v29 =	vld [tilespmem:s21+$0xFFFFFFF0];
	[tilespmem:s22+$0xFFFFFFF0] =	vst v28;
	s22 =	smov.u32 s23  }
0x60: {  	[tilespmem:v2+s16+$0x0] =	vst.idx.add.f32.msk $0xffff, v17;
	v2 =	vmov v20  }
0x61: {  	v17 =	vld [tilespmem:s21+$0xFFFFFFE0]  }
0x62: {  	v20 =	vld.idx.msk [tilespmem:v8+s2+$0x0], $0xffff  }
0x63: {  	v30 =	vld [tilespmem:s25+$0xFFFFFFD0]  }
0x64: {  	v14 =	vadd.f32 v15, v14;
	[tilespmem:v1+s16+$0x0] =	vst.idx.add.f32.msk $0xffff, v10;
	v1 =	vmov v21  }
0x65: {  	[tilespmem:v6+s16+$0x0] =	vst.idx.add.f32.msk $0xffff, v25;
	v6 =	vmov v26  }
0x66: {  	v10 =	vmul.f32 $2.000000030e-01, v14;
	[tilespmem:v3+s16+$0x0] =	vst.idx.add.f32.msk $0xffff, v9;
	v3 =	vmov v12  }
0x67: {  	vm0 =	vge.f32 v14, $0.0e+00;
	[tilespmem:v4+s16+$0x0] =	vst.idx.add.f32.msk $0xffff, v28;
	v4 =	vmov v24  }
0x68: {  	v11 =	vadd.f32 v11, v20;
	v9 =	vsel vm0, v14, v10;
	[tilespmem:v7+s16+$0x0] =	vst.idx.add.f32.msk $0xffff, v27;
	v7 =	vmov v30  }
0x69: {  	v9 =	vmul.f32 $1.442695020e+00, v9;
	v20 =	vld.idx.msk [tilespmem:v12+s2+$0x0], $0xffff  }
0x6a: {  	v18 =	vadd.f32 v18, v23;
	vm0 =	vge.f32 v11, $0.0e+00;
	v15 =	vmul.f32 $2.000000030e-01, v11;
	v10 =	vld.idx.msk [tilespmem:v29+s12+$0x0], $0xffff  }
.Ltmp1:
0x6b: {  	v12 =	vld.idx.msk [tilespmem:v26+s2+$0x0], $0xffff;
	(pc) =	sbr.rel @p0 .LBB2_4-.Ltmp1, $4  }
0x6c: {  	v21 =	vmul.f32 $2.000000030e-01, v18;
	v15 =	vsel vm0, v11, v15;
	v14 =	vld.idx.msk [tilespmem:v17+s12+$0x0], $0xffff  }
0x6d: {  	vm0 =	vge.f32 v18, $0.0e+00;
	v17 =	vadd.f32 v16, v19;
	v15 =	vmul.f32 $1.442695020e+00, v15;
	v11 =	vld.idx.msk [tilespmem:v24+s2+$0x0], $0xffff  }
0x6e: {  	v21 =	vsel vm0, v18, v21;
	v13 =	vld.idx.msk [tilespmem:v13+s12+$0x0], $0xffff  }
0x6f: {  	s25 =	sadd.s32 $0x80, s25;
	v19 =	vmul.f32 $2.000000030e-01, v17;
	v18 =	vadd.f32 v22, v20;
	v20 =	vmul.f32 $1.442695020e+00, v21;
	v16 =	vld.idx.msk [tilespmem:v30+s2+$0x0], $0xffff  }
0x70: {  	_ = 	snop  }
0x71: {  	vm0 =	vge.f32 v17, $0.0e+00;
	(erf) = vpow2.f32 v20  }
0x72: {  	v21 =	vmul.f32 $2.000000030e-01, v18;
	v17 =	vsel vm0, v17, v19;
	(erf) = vpow2.f32 v15  }
0x73: {  	vm11 =	vge.f32 v18, $0.0e+00;
	v49 =	vmul.f32 $1.442695020e+00, v17  }
0x74: {  	v12 =	vadd.f32 v14, v12;
	v50 =	vsel vm11, v18, v21  }
0x75: {  	v17 =	vmul.f32 $1.442695020e+00, v50;
	(erf) = vpow2.f32 v49  }
0x76: {  	v51 =	vmul.f32 $2.000000030e-01, v12;
	v13 =	vadd.f32 v13, v16  }
0x77: {  	v10 =	vadd.f32 v10, v11;
	vm12 =	vge.f32 v12, $0.0e+00;
	(erf) = vpow2.f32 v17  }
0x78: {  	v52 =	vsel vm12, v12, v51;
	v53 =	vmul.f32 $2.000000030e-01, v13;
	(erf) = vpow2.f32 v9  }
0x79: {  	v54 =	vmul.f32 $2.000000030e-01, v10;
	v11 =	vmul.f32 $1.442695020e+00, v52;
	vm13 =	vge.f32 v13, $0.0e+00  }
0x7a: {  	vm14 =	vge.f32 v10, $0.0e+00;
	v55 =	vsel vm13, v13, v53;
	v56 =	vpop (erf)  }
0x7b: {  	v10 =	vsel vm14, v10, v54;
	(erf) = vpow2.f32 v11;
	v9 =	vmul.f32 $1.442695020e+00, v55;
	v57 =	vpop (erf);
	[tilespmem:s22+$0x30] =	vst v56  }
0x7c: {  	v10 =	vmul.f32 $1.442695020e+00, v10;
	[tilespmem:s22+$0x10] =	vst v57  }
0x7d: {  	(erf) = vpow2.f32 v9;
	[tilespmem:v2+s16+$0x0] =	vst.idx.add.f32.msk $0xffff, v56  }
0x7e: {  	(erf) = vpow2.f32 v10;
	v58 =	vpop (erf);
	[tilespmem:v8+s16+$0x0] =	vst.idx.add.f32.msk $0xffff, v57  }
0x7f: {  	[tilespmem:s22+$0xFFFFFFC0] =	vst v58  }
0x80: {  	v59 =	vpop (erf);
	[tilespmem:v1+s16+$0x0] =	vst.idx.add.f32.msk $0xffff, v58  }
0x81: {  	[tilespmem:s22+$0x0] =	vst v59;
	v60 =	vpop (erf)  }
0x82: {  	[tilespmem:s22+$0x20] =	vst v60  }
0x83: {  	[tilespmem:v3+s16+$0x0] =	vst.idx.add.f32.msk $0xffff, v59  }
0x84: {  	v61 =	vpop (erf);
	[tilespmem:v5+s16+$0x0] =	vst.idx.add.f32.msk $0xffff, v60  }
0x85: {  	[tilespmem:s22+$0xFFFFFFE0] =	vst v61  }
0x86: {  	[tilespmem:v6+s16+$0x0] =	vst.idx.add.f32.msk $0xffff, v61;
	v62 =	vpop (erf)  }
0x87: {  	[tilespmem:s22+$0xFFFFFFD0] =	vst v62;
	v63 =	vpop (erf)  }
0x88: {  	[tilespmem:s22+$0xFFFFFFF0] =	vst v63  }
0x89: {  	[tilespmem:v7+s16+$0x0] =	vst.idx.add.f32.msk $0xffff, v62  }
0x8a: {  	[tilespmem:v4+s16+$0x0] =	vst.idx.add.f32.msk $0xffff, v63  }
0x8b: {  	v1 =	vld [tilespmem:$0x9D80]  }
0x8c: {  	v2 =	vld [tilespmem:$0x7600];
	_ =	sdelay $0x6  }
0x8d: {  	v3 =	vld.idx.msk [tilespmem:v1+s2+$0x0], $0xffff  }
0x8e: {  	v2 =	vld.idx.msk [tilespmem:v2+s12+$0x0], $0xffff;
	_ =	sdelay $0x4  }
0x8f: {  	v2 =	vadd.f32 v2, v3;
	_ =	sdelay $0x1  }
0x90: {  	v3 =	vmul.f32 $2.000000030e-01, v2  }
0x91: {  	vm15 =	vge.f32 v2, $0.0e+00  }
0x92: {  	v2 =	vsel vm15, v2, v3  }
0x93: {  	v2 =	vmul.f32 $1.442695020e+00, v2;
	_ =	sdelay $0x1  }
0x94: {  	(erf) = vpow2.f32 v2;
	_ =	sdelay $0x8  }
0x95: {  	v2 =	vpop (erf)  }
0x96: {  	[tilespmem:$0xC500] =	vst v2  }
0x97: {  	[tilespmem:v1+s16+$0x0] =	vst.idx.add.f32.msk $0xffff, v2  }
0x98: {  	[hbm4b:s7+s2] =	stream.linear.scatter [tilespmem:s17], [sflag:$0x2], $0x2710, $0x38;
	[tilespmem:$0xED00] =	vst v63  }
0x99: {  	s20 =	sadd.s32 $0x1, s20;
	_ =	swait.ge [sflag:s18], $0x2710  }
0x9a: {  	p0 =	sne.s32 s20, s9;
	[sflag:s18] =	ssyncset.done $0x0  }
.Ltmp2:
0x9b: {  	[sflag:s18] =	ssyncadd.s32 $0xFFFFD8F0;
	(pc) =	sbr.rel @p0 .LBB2_1-.Ltmp2, $4  }
0x9c: {  	[hbm4b:s8+s10] =	stream.strided.scatter [tilespmem:s16], [sflag:$0x2], $0x2780, s19, s10, $0x38;
	[tilespmem:$0xED00] =	vst v63  }
0x9d: {  	_ =	swait.ge [sflag:s18], $0x2780  }
0x9e: {  	[sflag:s18] =	ssyncset.done $0x0  }
0x9f: {  	[sflag:s18] =	ssyncadd.s32 $0xFFFFD880  }
0xa0: {  	_ =	sfence.sel $0x180000  }
0xa1: {  	[bflag:$0x0] =	sbarrier.arrive $0xFFFF  }
0xa2: {  	p0 =	sne.s32 s0, $0x0;
	_ =	strace $0x9000004D  }
0xa3: {  	s0 =	sadd.s32 @!p0 $0x100000, s1;
	[bflag:$0x2] =	sbarrier.arrive $0xFFFF  }
0xa4: {  	[sflag:s0] =	ssyncadd.tile.s32 @!p0 $0x1;
	_ =	shalt  }
.Lfunc_end2:
_tile_overlayer_lowered:
.L_overlay_start_2:
0xa5: {  	(tag) =	ssettag $0x2  }
0xa6: {  	s0 =	rddreg [dreg:$0x0];
	s2 =	stileid.u32  }
0xa7: {  	s1 =	rddreg [dreg:$0x1];
	p0 =	sne.s32 s2, $0x0  }
0xa8: {  	s3 =	rddreg [dreg:$0x2];
	[bflag:$0x3] =	sbarrier.arrive $0xFFFF;
	s2 =	simm.s32 @!p0 $0x1C02  }
0xa9: {  	[timem:s3], [sflag:s2] =	dma.local @!p0 [hbm:s0], s1  }
0xaa: {  	s0 =	simm.s32 @!p0 $0x2  }
0xab: {  	_ =	swait.ge @!p0 [sflag:s0], s1  }
0xac: {  	s1 =	ssub.s32 @!p0 $0x0, s1;
	[sflag:s0] =	ssyncset.done @!p0 $0x0  }
0xad: {  	[sflag:s0] =	ssyncadd.s32 @!p0 s1  }
0xae: {  	[bflag:$0x3] =	sbarrier.arrive $0xFFFF  }
0xaf: {  	_ =	shalt  }

// kernel: kernel.18.cloned.1.call-start
scs
__scs_entry_jumppad:
0x0: {  	(pc) =	sbr.rel $0x88, $3  }
0x1: {  	(tag) =	ssettag $0x0;
	lr =	simm.s32 $0x1  }
0x2: {  	[smem:$0x3F78] =	sst lr;
	_ =	strace $0xD0000000  }
0x3: {  	_ = 	snop  }
0x4: {  	_ = 	snop  }
0x5: {  	_ = 	snop  }
0x6: {  	_ = 	snop  }
0x7: {  	_ = 	snop  }
__scs_overlays_trampoline_lowered:
0x8: {  	[smem:$0x3F87] =	sst s0  }
0x9: {  	[smem:$0x3F88] =	sst s1  }
0xa: {  	[smem:$0x3F89] =	sst s2  }
0xb: {  	[smem:$0x3F8A] =	sst s3  }
0xc: {  	[smem:$0x3F8B] =	sst s4  }
0xd: {  	[smem:$0x3F8C] =	sst s5  }
0xe: {  	[smem:$0x3F8D] =	sst s6  }
0xf: {  	[smem:$0x3F8E] =	sst s7  }
0x10: {  	[smem:$0x3F8F] =	sst s8  }
0x11: {  	[smem:$0x3F90] =	sst s9;
	s0 =	simm.s32 @!p0 $0x0  }
0x12: {  	s1 =	sld [smem:$0x3F76];
	s0 =	simm.s32 @p0 $0x1  }
0x13: {  	[smem:$0x3F91] =	sst s0;
	s0 =	simm.s32 @!p1 $0x0  }
0x14: {  	s2 =	sld [smem:$0x3F75];
	s0 =	simm.s32 @p1 $0x1  }
0x15: {  	[smem:$0x3F92] =	sst s0;
	s0 =	simm.s32 @!p2 $0x0  }
0x16: {  	s3 =	sld [smem:$0x3FDB];
	s0 =	simm.s32 @p2 $0x1  }
0x17: {  	s4 =	simm.s32 $0x1BF5;
	[smem:$0x3F94] =	sst s0  }
0x18: {  	s0 =	sld [smem:$0x3F77];
	_ =	swait.ge [sflag:s4], $0x0  }
0x19: {  	s7 =	sld [smem:$0x3F78]  }
0x1a: {  	s8 =	sadd.s32 $0xFFFFE003, lr  }
0x1b: {  	s9 =	sadd.s32 $0xFFFFFEF7, lr;
	s5 =	simm.s32 $0xFFFFFFFF;
	p2 =	slt.u32 s8, $0xFFFFF086  }
0x1c: {  	p1 =	slt.u32 s9, $0xF7A;
	s5 =	simm.s32 @!p2 $0x0  }
0x1d: {  	s5 =	simm.s32 @p1 $0x1;
	p0 =	seq.s32 s7, s2  }
0x1e: {  	s7 =	smul.u32 @!p0 $0xF7A, s2;
	p2 =	seq.s32 @!p0 s5, $0x0  }
0x1f: {  	s9 =	smul.u32 $0xF7A, s1;
	s8 =	simm.s32 @!p0 $0x1BF5;
	p2 =	por !p2, p0  }
0x20: {  	[sflag:s8] =	ssyncset.s32 @!p0 $0xFFFFF086;
	s6 =	sadd.s32 @!p0 s3, s7;
	s7 =	simm.s32 @!p0 $0x108  }
0x21: {  	s3 =	sadd.s32 s3, s9;
	s6 =	sadd.s32 @!p0 $0x88, s6;
	s7 =	simm.s32 @p2 $0x1082  }
0x22: {  	[simem:s7], [sflag:s8] =	dma.local @!p0 [hbm:s6], $0xF7A  }
0x23: {  	s9 =	sor.u32 $0xD0000000, s2;
	s6 =	simm.s32 $0x108;
	_ =	swait.ge @!p0 [sflag:s8], $0x0  }
0x24: {  	s3 =	sadd.s32 $0x88, s3;
	s6 =	simm.s32 @!p1 $0x1082;
	[sflag:s4] =	ssyncset.s32 $0xFFFFF086  }
0x25: {  	[simem:s6], [sflag:s4] =	dma.local [hbm:s3], $0xF7A  }
0x26: {  	[smem:$0x3F78] =	sst s1;
	(tag) =	ssettag s2;
	_ =	strace s9  }
0x27: {  	s1 =	sld [smem:$0x3F88]  }
0x28: {  	s2 =	sld [smem:$0x3F89]  }
0x29: {  	s4 =	sld [smem:$0x3F8B]  }
0x2a: {  	p0 =	seq.s32 s5, $0x0;
	s5 =	sld [smem:$0x3F8C]  }
0x2b: {  	s6 =	sld [smem:$0x3F8D]  }
0x2c: {  	s7 =	sld [smem:$0x3F8E]  }
0x2d: {  	s3 =	simm.s32 $0x108;
	s8 =	sld [smem:$0x3F8F]  }
0x2e: {  	s3 =	simm.s32 @!p0 $0x1082;
	s9 =	sld [smem:$0x3F90]  }
0x2f: {  	lr =	sadd.s32 s0, s3;
	s0 =	sld [smem:$0x3F87]  }
0x30: {  	s3 =	sld [smem:$0x3F8A]  }
0x31: {  	[smem:$0x3F93] =	sst s10  }
0x32: {  	s10 =	sld [smem:$0x3F91];
	_ =	sdelay $0x3  }
0x33: {  	p0 =	seq.s32 s10, $0x1;
	s10 =	sld [smem:$0x3F93];
	_ =	sdelay $0x3  }
0x34: {  	[smem:$0x3F93] =	sst s10  }
0x35: {  	s10 =	sld [smem:$0x3F92];
	_ =	sdelay $0x3  }
0x36: {  	p1 =	seq.s32 s10, $0x1;
	s10 =	sld [smem:$0x3F93];
	_ =	sdelay $0x3  }
0x37: {  	[smem:$0x3F93] =	sst s10  }
0x38: {  	s10 =	sld [smem:$0x3F94]  }
0x39: {  	_ = 	snop;
	(pc) =	sbr.ind lr, $3  }
0x3a: {  	_ = 	snop  }
0x3b: {  	_ = 	snop  }
0x3c: {  	p2 =	seq.s32 s10, $0x1;
	s10 =	sld [smem:$0x3F93]  }
0x3d: {  	_ =	shalt  }
0x3e: {  	_ =	shalt  }
0x3f: {  	_ =	shalt  }
0x40: {  	_ =	shalt  }
0x41: {  	_ =	shalt  }
0x42: {  	_ =	shalt  }
0x43: {  	_ =	shalt  }
0x44: {  	_ =	shalt  }
0x45: {  	_ =	shalt  }
0x46: {  	_ =	shalt  }
0x47: {  	_ =	shalt  }
0x48: {  	_ =	shalt  }
0x49: {  	_ =	shalt  }
0x4a: {  	_ =	shalt  }
0x4b: {  	_ =	shalt  }
0x4c: {  	_ =	shalt  }
0x4d: {  	_ =	shalt  }
0x4e: {  	_ =	shalt  }
0x4f: {  	_ =	shalt  }
0x50: {  	_ =	shalt  }
0x51: {  	_ =	shalt  }
0x52: {  	_ =	shalt  }
0x53: {  	_ =	shalt  }
0x54: {  	_ =	shalt  }
0x55: {  	_ =	shalt  }
0x56: {  	_ =	shalt  }
0x57: {  	_ =	shalt  }
0x58: {  	_ =	shalt  }
0x59: {  	_ =	shalt  }
0x5a: {  	_ =	shalt  }
0x5b: {  	_ =	shalt  }
0x5c: {  	_ =	shalt  }
0x5d: {  	_ =	shalt  }
0x5e: {  	_ =	shalt  }
0x5f: {  	_ =	shalt  }
0x60: {  	_ =	shalt  }
0x61: {  	_ =	shalt  }
0x62: {  	_ =	shalt  }
0x63: {  	_ =	shalt  }
0x64: {  	_ =	shalt  }
0x65: {  	_ =	shalt  }
0x66: {  	_ =	shalt  }
0x67: {  	_ =	shalt  }
0x68: {  	_ =	shalt  }
0x69: {  	_ =	shalt  }
0x6a: {  	_ =	shalt  }
0x6b: {  	_ =	shalt  }
0x6c: {  	_ =	shalt  }
0x6d: {  	_ =	shalt  }
0x6e: {  	_ =	shalt  }
0x6f: {  	_ =	shalt  }
0x70: {  	_ =	shalt  }
0x71: {  	_ =	shalt  }
0x72: {  	_ =	shalt  }
0x73: {  	_ =	shalt  }
0x74: {  	_ =	shalt  }
0x75: {  	_ =	shalt  }
0x76: {  	_ =	shalt  }
0x77: {  	_ =	shalt  }
0x78: {  	_ =	shalt  }
0x79: {  	_ =	shalt  }
0x7a: {  	_ =	shalt  }
0x7b: {  	_ =	shalt  }
0x7c: {  	_ =	shalt  }
0x7d: {  	_ =	shalt  }
0x7e: {  	_ =	shalt  }
0x7f: {  	_ =	shalt  }
0x80: {  	_ =	shalt  }
0x81: {  	_ =	shalt  }
0x82: {  	_ =	shalt  }
0x83: {  	_ =	shalt  }
0x84: {  	_ =	shalt  }
0x85: {  	_ =	shalt  }
0x86: {  	_ =	shalt  }
0x87: {  	_ =	shalt  }
.Lfunc_end0:
.L_simem_size_0:
called_computation.3_lowered:
.L_overlay_start_0:
0x88: {  	s2 =	sld [smem:$0x3FD9]  }
0x89: {  	s3 =	sld [smem:$0x3FFE];
	_ =	sdelay $0x1  }
0x8a: {  	s1 =	srdreg.scid  }
0x8b: {  	s0 =	sand.u32 $0x1, s1  }
0x8c: {  	s17 =	sshll.u32 s0, $0xA;
	s2 =	sadd.s32 s3, s2  }
0x8d: {  	s2 =	sadd.s32 s2, s17  }
0x8e: {  	[smem:$0x3F9F] =	sst s2  }
0x8f: {  	_ = 	snop  }
0x90: {  	s2 =	sld [smem:$0x3FD0];
	(tm) =	ssettm $0x1  }
0x91: {  	s18 =	sld [smem:$0x3FFB];
	_ =	sdelay $0x3  }
0x92: {  	_ =	strace s18  }
0x93: {  	s3 =	sld [smem:$0x3FFC];
	_ =	sdelay $0x3  }
0x94: {  	_ =	strace s3  }
0x95: {  	s3 =	sld [smem:$0x3FFD];
	_ =	sdelay $0x3  }
0x96: {  	_ =	strace s3  }
0x97: {  	_ =	strace $0x8FFFFFFF  }
0x98: {  	s19 =	sld [smem:$0x3FDB];
	_ =	sdelay $0x1  }
0x99: {  	s4 =	simm.s32 $_scs_section_size  }
0x9a: {  	s5 =	simm.s32 $_size__tile_overlayer_lowered;
	s6 =	simm.s32 $_tile_overlayer_lowered  }
0x9b: {  	s22 =	simm.s32 $0x1BFF;
	s21 =	sshll.u32 s6, $0x1;
	s3 =	sadd.s32 s4, s19  }
0x9c: {  	s7 =	simm.s32 $0x0;
	s20 =	sshll.u32 s5, $0x1;
	s5 =	sadd.s32 s21, s3  }
0x9d: {  	[timem:s7], [sflag:s22] =	dma.local [hbm:s5], s20  }
0x9e: {  	_ =	swait.ge [sflag:s22], s20  }
0x9f: {  	s4 =	ssub.s32 $0x0, s20;
	[sflag:s22] =	ssyncset.done $0x0  }
0xa0: {  	[sflag:s22] =	ssyncadd.s32 s4;
	_ =	sdelay $0x1  }
0xa1: {  	s23 =	simm.s32 $0x1B8B  }
0xa2: {  	_ =	swait.ge [sflag:s23], $0x1  }
0xa3: {  	[sflag:s23] =	ssyncset.done $0x0  }
0xa4: {  	s25 =	simm.s32 $0x1B8E;
	s24 =	sld [smem:$0x3FFE];
	[sflag:s23] =	ssyncadd.s32 $0xFFFFFFFF  }
0xa5: {  	s26 =	simm.s32 $execute0_lowered;
	[smem:$0x3FD2] =	sst s25  }
0xa6: {  	s5 =	sshll.u32 s26, $0x1;
	_ =	strace $0x8000004F;
	[dreg:$0x1] =	wrdreg $0xFFFFFFFF  }
0xa7: {  	s28 =	simm.s32 $_size_execute0_lowered;
	s3 =	sadd.s32 s3, s5;
	[dreg:$0x0] =	wrdreg $0x0  }
0xa8: {  	s5 =	sshll.u32 s28, $0x1;
	[dreg:$0x2] =	wrdreg s3  }
0xa9: {  	[dreg:$0x3] =	wrdreg s5  }
0xaa: {  	[dreg:$0x4] =	wrdreg $0xC0  }
0xab: {  	_ =	task [dreg:s7], $0x5FFFF  }
0xac: {  	[dreg:$0x1] =	wrdreg $0xFFFFFFFF  }
0xad: {  	[dreg:$0x0] =	wrdreg $0x60  }
0xae: {  	[dreg:$0x2] =	wrdreg s2  }
0xaf: {  	[dreg:$0x3] =	wrdreg s24  }
0xb0: {  	[dreg:$0x4] =	wrdreg $0x9  }
0xb1: {  	_ =	task.clear_ibuf [dreg:s7], $0x5FFFF;
	_ =	strace $0x9000004F  }
0xb2: {  	s29 =	simm.s32 $0x9;
	_ =	strace $0x80000051  }
0xb3: {  	_ =	swait.ge [sflag:s29], $0x1  }
0xb4: {  	[sflag:s29] =	ssyncadd.s32 $0xFFFFFFFF  }
0xb5: {  	_ =	strace $0x90000051  }
0xb6: {  	_ =	sfence  }
0xb7: {  	s30 =	sld [smem:$0x0];
	_ =	sdelay $0x2  }
0xb8: {  	s31 =	sshll.u32 s1, $0xD;
	s1 =	sshrl.u32 s1, $0x2  }
0xb9: {  	s3 =	sand.u32 $0x4000, s31;
	s1 =	sadd.s32 s1, s30  }
0xba: {  	s0 =	sor.u32 s3, s0;
	s1 =	sshll.u32 s1, $0x11  }
0xbb: {  	s0 =	sor.u32 s1, s0  }
0xbc: {  	s0 =	sadd.s32 $0x8F2B, s0  }
0xbd: {  	[sflag:s0] =	ssyncadd.remote.s32 $0x1  }
0xbe: {  	_ =	sfence.sel $0xFFFF  }
0xbf: {  	[dreg:$0x0] =	wrdreg $0xFFFFFFFF;
	(pc) =	sbr.abs _section_cstart, $3  }
0xc0: {  	[dreg:$0x1] =	wrdreg $0xFFFFFFFF  }
0xc1: {  	_ =	task.clear_ibuf [dreg:s7], $0x2FFFF;
	_ =	strace $0x9FFFFFFF  }
0xc2: {  	(tm) =	ssettm $0x7FFFFFFF  }
0xc3: {  	_ =	shalt  }
tec
execute0_lowered:
.L_overlay_start_1:
0x0: {  	(tag) =	ssettag $0x1  }
0x1: {  	s0 =	rddreg [dreg:$0x0]  }
0x2: {  	s3 =	rddreg [dreg:$0x1];
	s1 =	simm.s32 $0x0  }
0x3: {  	s4 =	srdreg.scid;
	s10 =	stileid.u32;
	s28 =	simm.s32 $0x2780  }
0x4: {  	s29 =	simm.s32 $0x4F00;
	s30 =	simm.s32 $0x7680;
	s31 =	simm.s32 $0x9E00  }
0x5: {  	[smem:$0x7FF] =	sst s1;
	s2 =	sadd.s32 $0xF000, s3;
	s6 =	sand.u32 $0x1, s4  }
0x6: {  	s4 =	sadd.s32 $0x5200, s3;
	s5 =	sadd.s32 $0x19800, s3;
	s3 =	sadd.s32 $0x2D400, s3  }
0x7: {  	s21 =	sshrl.u32 s10, $0x3;
	s9 =	sand.u32 $0x7, s10;
	_ =	strace $0x80000050  }
0x8: {  	s7 =	ssub.s32 $0x2, s6;
	s6 =	sshll.u32 s6, $0x1;
	s11 =	sshll.u32 s9, $0x4  }
0x9: {  	s9 =	sshll.u32 s9, $0x7;
	s8 =	sshrl.u32 s7, $0x1;
	s6 =	sor.u32 s21, s6  }
0xa: {  	s13 =	sadd.s32 s0, s11;
	s7 =	ssub.s32 s7, s8;
	s8 =	sor.u32 $0x28, s10  }
0xb: {  	s22 =	smul.u32 $0x13880, s6;
	s24 =	sadd.s32 $0x2780, s13;
	[dreg:$0x3] =	wrdreg s13  }
0xc: {  	s25 =	sadd.s32 $0x4F00, s13;
	s26 =	sadd.s32 $0x7680, s13;
	[dreg:$0x4] =	wrdreg s24  }
0xd: {  	s14 =	sadd.s32 $0x9E00, s13;
	s6 =	smul.u32 $0x76800, s6;
	[dreg:$0x5] =	wrdreg s25  }
0xe: {  	s10 =	simm.s32 $0xED00;
	s13 =	simm.s32 $0x16380;
	[dreg:$0x6] =	wrdreg s26  }
0xf: {  	s12 =	smin.u32 s8, $0x2B;
	[dreg:$0x7] =	wrdreg s14;
	s26 =	smax.u32 s7, $0x1  }
0x10: {  	p0 =	sgt.u32 s8, $0x2B;
	s7 =	simm.s32 $0x1E480;
	s8 =	simm.s32 $0x1EB80  }
0x11: {  	s14 =	simm.s32 $0x18B00;
	s23 =	sshll.u32 s12, $0x4;
	s15 =	sshrl.u32 s22, $0x3  }
0x12: {  	s18 =	sor.u32 s9, s6;
	[dreg:$0x12] =	wrdreg s26;
	s26 =	simm.s32 $0x3  }
0x13: {  	s12 =	simm.s32 $0x13C00;
	s11 =	sand.u32 $0x30, s23;
	s16 =	sadd.s32 s2, s15  }
0x14: {  	s17 =	sadd.s32 s4, s15;
	s6 =	sshrl.u32 s18, $0x3;
	s9 =	sadd.s32 $0x13C00, s18  }
0x15: {  	s19 =	sadd.s32 $0x27800, s18;
	s23 =	sadd.s32 $0x3B400, s18;
	[dreg:$0x9] =	wrdreg s16  }
0x16: {  	s24 =	sadd.s32 $0x4F000, s18;
	s0 =	sadd.s32 s11, s0;
	[dreg:$0xa] =	wrdreg s17  }
0x17: {  	s16 =	sadd.s32 $0x640, s22;
	s6 =	sadd.s32 s3, s6;
	s20 =	sshrl.u32 s9, $0x3  }
0x18: {  	s21 =	sshrl.u32 s19, $0x3;
	s25 =	sshrl.u32 s24, $0x3;
	s9 =	simm.s32 $0x1  }
0x19: {  	s11 =	simm.s32 $0x11480;
	s0 =	sadd.s32 $0xC580, s0;
	[dreg:$0xc] =	wrdreg s6  }
0x1a: {  	s17 =	simm.s32 $0x1B280;
	s6 =	sadd.s32 s3, s20;
	[dreg:$0x8] =	wrdreg s0  }
0x1b: {  	s19 =	simm.s32 $0x0;
	s0 =	sadd.s32 s5, s15;
	[dreg:$0xd] =	wrdreg s6  }
0x1c: {  	s15 =	sadd.s32 $0x320, s22;
	s22 =	sadd.s32 s3, s21;
	[dreg:$0xb] =	wrdreg s0  }
0x1d: {  	s6 =	sshrl.u32 s23, $0x3;
	s23 =	simm.s32 $0x80;
	[dreg:$0xe] =	wrdreg s22  }
0x1e: {  	s0 =	sadd.s32 $0x62C00, s18;
	s6 =	sadd.s32 s3, s6;
	s18 =	simm.s32 $0x2  }
0x1f: {  	[dreg:$0xf] =	wrdreg s6;
	s0 =	sshrl.u32 s0, $0x3;
	s6 =	sadd.s32 s3, s25  }
0x20: {  	s25 =	simm.s32 $0x400;
	[dreg:$0x10] =	wrdreg s6;
	s0 =	sadd.s32 s3, s0  }
0x21: {  	v0 =	vimm.f32 $0.0e+00;
	s3 =	simm.s32 $0x1DD80;
	[dreg:$0x11] =	wrdreg s0;
	s0 =	simm.s32 $0xC580  }
.LBB2_1:
0x22: {  	s6 =	rddreg [dreg:$0x3]  }
0x23: {  	[tilespmem:s1], [sflag:$0x3] =	stream.strided.gather [hbm4b:s6+s23], $0x2780, s25, s23, $0x38;
	[tilespmem:$0x1EF00] =	vst v63  }
0x24: {  	_ =	swait.ge [sflag:s26], $0x2780  }
0x25: {  	[sflag:s26] =	ssyncset.done $0x0  }
0x26: {  	s24 =	rddreg [dreg:$0x4];
	[sflag:s26] =	ssyncadd.s32 $0xFFFFD880  }
0x27: {  	[tilespmem:s28], [sflag:$0x3] =	stream.strided.gather [hbm4b:s24+s23], $0x2780, s25, s23, $0x38;
	[tilespmem:$0x1EF00] =	vst v63  }
0x28: {  	_ =	swait.ge [sflag:s26], $0x2780  }
0x29: {  	[sflag:s26] =	ssyncset.done $0x0  }
0x2a: {  	s20 =	rddreg [dreg:$0x5];
	[sflag:s26] =	ssyncadd.s32 $0xFFFFD880  }
0x2b: {  	[tilespmem:s29], [sflag:$0x3] =	stream.strided.gather [hbm4b:s20+s23], $0x2780, s25, s23, $0x38;
	[tilespmem:$0x1EF00] =	vst v63  }
0x2c: {  	_ =	swait.ge [sflag:s26], $0x2780  }
0x2d: {  	[sflag:s26] =	ssyncset.done $0x0  }
0x2e: {  	s21 =	rddreg [dreg:$0x6];
	[sflag:s26] =	ssyncadd.s32 $0xFFFFD880  }
0x2f: {  	[tilespmem:s30], [sflag:$0x3] =	stream.strided.gather [hbm4b:s21+s23], $0x2780, s25, s23, $0x38;
	[tilespmem:$0x1EF00] =	vst v63  }
0x30: {  	_ =	swait.ge [sflag:s26], $0x2780  }
0x31: {  	[sflag:s26] =	ssyncset.done $0x0  }
0x32: {  	s22 =	rddreg [dreg:$0x7];
	[sflag:s26] =	ssyncadd.s32 $0xFFFFD880  }
0x33: {  	[tilespmem:s31], [sflag:$0x3] =	stream.strided.gather [hbm4b:s22+s23], $0x2780, s25, s23, $0x38;
	[tilespmem:$0x1EF00] =	vst v63  }
0x34: {  	_ =	swait.ge [sflag:s26], $0x2780  }
0x35: {  	[sflag:s26] =	ssyncset.done $0x0  }
0x36: {  	s24 =	rddreg [dreg:$0x8];
	[sflag:s26] =	ssyncadd.s32 $0xFFFFD880  }
0x37: {  	[tilespmem:s0], [sflag:$0x3] =	stream.strided.gather [hbm4b:s24+s23], $0x2780, s25, s23, $0x38;
	[tilespmem:$0x1EF00] =	vst v63  }
0x38: {  	_ =	swait.ge [sflag:s26], $0x2780  }
0x39: {  	[sflag:s26] =	ssyncset.done $0x0  }
0x3a: {  	s6 =	simm.s32 $0x0;
	[sflag:s26] =	ssyncadd.s32 $0xFFFFD880  }
0x3b: {  	[tilespmem:s6+$0x1B280] =	vst v0  }
0x3c: {  	[tilespmem:s6+$0xED00] =	vst v0  }
0x3d: {  	[tilespmem:s6+$0x11480] =	vst v0  }
0x3e: {  	[tilespmem:s6+$0x13C00] =	vst v0  }
0x3f: {  	s20 =	simm.s32 $0x40;
	[tilespmem:s6+$0x16380] =	vst v0  }
.LBB2_2:
0x40: {  	p1 =	sne.s32 s20, $0x9C00;
	[tilespmem:s6+$0x18B00] =	vst v0;
	s6 =	sshra.s32 s20, $0x2;
	s20 =	sadd.s32 $0x40, s20  }
.Ltmp0:
0x41: {  	[tilespmem:s6+$0x1B280] =	vst v0;
	(pc) =	sbr.rel @p1 .LBB2_2-.Ltmp0, $4  }
0x42: {  	[tilespmem:s6+$0xED00] =	vst v0  }
0x43: {  	[tilespmem:s6+$0x11480] =	vst v0  }
0x44: {  	[tilespmem:s6+$0x13C00] =	vst v0  }
0x45: {  	[tilespmem:s6+$0x16380] =	vst v0  }
0x46: {  	[tilespmem:s6+$0x18B00] =	vst v0;
	s20 =	simm.s32 $0x0;
	s24 =	rddreg [dreg:$0x9];
	s21 =	simm.s32 $0x1DA00  }
0x47: {  	[tilespmem:s21], [sflag:$0x1] =	stream.linear.gather [hbm4b:s24+s20], $0x320, $0x38;
	[tilespmem:$0x1EF00] =	vst v63  }
0x48: {  	s22 =	simm.s32 $0x1E100;
	s21 =	rddreg [dreg:$0xa]  }
0x49: {  	[tilespmem:s22], [sflag:$0x1] =	stream.linear.gather [hbm4b:s21+s20], $0x320, $0x38;
	[tilespmem:$0x1EF00] =	vst v63  }
0x4a: {  	s23 =	rddreg [dreg:$0xb];
	s24 =	simm.s32 $0x1E800  }
0x4b: {  	[tilespmem:s24], [sflag:$0x1] =	stream.linear.gather [hbm4b:s23+s20], $0x320, $0x38;
	[tilespmem:$0x1EF00] =	vst v63  }
.LBB2_4:
0x4c: {  	s21 =	smul.u32 $0x640, s20;
	_ =	sdelay $0x1  }
0x4d: {  	s6 =	sadd.s32 s21, s15  }
0x4e: {  	s6 =	sshrl.u32 s6, $0x3  }
0x4f: {  	s22 =	sadd.s32 s2, s6  }
0x50: {  	[tilespmem:s3], [sflag:$0x2] =	stream.linear.gather [hbm4b:s22+s1], $0x320, $0x38;
	[tilespmem:$0x1EF00] =	vst v63  }
0x51: {  	s24 =	sadd.s32 s4, s6  }
0x52: {  	[tilespmem:s7], [sflag:$0x2] =	stream.linear.gather [hbm4b:s24+s1], $0x320, $0x38;
	[tilespmem:$0x1EF00] =	vst v63  }
0x53: {  	s6 =	sadd.s32 s5, s6  }
0x54: {  	[tilespmem:s8], [sflag:$0x2] =	stream.linear.gather [hbm4b:s6+s1], $0x320, $0x38;
	[tilespmem:$0x1EF00] =	vst v63  }
0x55: {  	_ =	swait.ge [sflag:s9], $0x320  }
0x56: {  	[sflag:s9] =	ssyncset.done $0x0  }
0x57: {  	[sflag:s9] =	ssyncadd.s32 $0xFFFFFCE0  }
0x58: {  	_ =	swait.ge [sflag:s9], $0x320  }
0x59: {  	[sflag:s9] =	ssyncset.done $0x0  }
0x5a: {  	[sflag:s9] =	ssyncadd.s32 $0xFFFFFCE0  }
0x5b: {  	_ =	swait.ge [sflag:s9], $0x320  }
0x5c: {  	[sflag:s9] =	ssyncset.done $0x0  }
0x5d: {  	s22 =	simm.s32 $0x1DA20;
	[sflag:s9] =	ssyncadd.s32 $0xFFFFFCE0  }
0x5e: {  	v2 =	vld [tilespmem:s22+$0x10];
	_ =	sdelay $0x4  }
0x5f: {  	s24 =	simm.s32 $0x1E120  }
0x60: {  	s23 =	simm.s32 $0x1E820;
	v3 =	vld [tilespmem:s24+$0x10]  }
0x61: {  	v4 =	vld [tilespmem:s23+$0x10]  }
0x62: {  	v1 =	vld.idx.msk [tilespmem:v2+s1+$0x0], $0xffff;
	_ =	sdelay $0x2  }
0x63: {  	v14 =	vld [tilespmem:s22+$0xFFFFFFF0]  }
0x64: {  	v15 =	vld [tilespmem:s22+$0xFFFFFFE0]  }
0x65: {  	v16 =	vld [tilespmem:s22+$0x0];
	v1 =	vmul.f32 v1, v4  }
0x66: {  	v17 =	vld [tilespmem:s23+$0xFFFFFFE0]  }
0x67: {  	[tilespmem:v3+s10+$0x0] =	vst.idx.add.f32.msk $0xffff, v1  }
0x68: {  	v1 =	vld.idx.msk [tilespmem:v2+s28+$0x0], $0xffff  }
0x69: {  	v12 =	vld [tilespmem:s24+$0xFFFFFFE0]  }
0x6a: {  	v13 =	vld [tilespmem:s24+$0xFFFFFFF0]  }
0x6b: {  	v18 =	vld [tilespmem:s23+$0xFFFFFFF0]  }
0x6c: {  	v19 =	vld [tilespmem:s23+$0x0]  }
0x6d: {  	v6 =	vld.idx.msk [tilespmem:v15+s1+$0x0], $0xffff;
	v1 =	vmul.f32 v1, v4  }
0x6e: {  	v5 =	vld.idx.msk [tilespmem:v14+s1+$0x0], $0xffff  }
0x6f: {  	[tilespmem:v3+s11+$0x0] =	vst.idx.add.f32.msk $0xffff, v1  }
0x70: {  	v1 =	vld [tilespmem:s24+$0x0]  }
0x71: {  	v8 =	vld.idx.msk [tilespmem:v2+s29+$0x0], $0xffff  }
0x72: {  	s22 =	simm.s32 $0x1E160;
	v7 =	vld.idx.msk [tilespmem:v16+s1+$0x0], $0xffff;
	v6 =	vmul.f32 v6, v17  }
0x73: {  	v11 =	vld [tilespmem:s22+$0x10];
	v5 =	vmul.f32 v5, v18  }
0x74: {  	[tilespmem:v12+s10+$0x0] =	vst.idx.add.f32.msk $0xffff, v6  }
0x75: {  	[tilespmem:v13+s10+$0x0] =	vst.idx.add.f32.msk $0xffff, v5  }
0x76: {  	v5 =	vld.idx.msk [tilespmem:v15+s28+$0x0], $0xffff;
	v6 =	vmul.f32 v8, v4  }
0x77: {  	v7 =	vmul.f32 v7, v19;
	v8 =	vld.idx.msk [tilespmem:v14+s28+$0x0], $0xffff  }
0x78: {  	[tilespmem:v3+s12+$0x0] =	vst.idx.add.f32.msk $0xffff, v6  }
0x79: {  	[tilespmem:v1+s10+$0x0] =	vst.idx.add.f32.msk $0xffff, v7  }
0x7a: {  	v6 =	vld.idx.msk [tilespmem:v2+s30+$0x0], $0xffff  }
0x7b: {  	s23 =	simm.s32 $0x1E860;
	v7 =	vld.idx.msk [tilespmem:v16+s28+$0x0], $0xffff  }
0x7c: {  	v21 =	vld [tilespmem:s23+$0x10];
	v5 =	vmul.f32 v5, v17  }
0x7d: {  	v10 =	vld [tilespmem:s22+$0xFFFFFFE0];
	v8 =	vmul.f32 v8, v18  }
0x7e: {  	[tilespmem:v12+s11+$0x0] =	vst.idx.add.f32.msk $0xffff, v5  }
0x7f: {  	[tilespmem:v13+s11+$0x0] =	vst.idx.add.f32.msk $0xffff, v8;
	v5 =	vmul.f32 v6, v4  }
0x80: {  	v6 =	vld.idx.msk [tilespmem:v15+s29+$0x0], $0xffff;
	v7 =	vmul.f32 v7, v19  }
0x81: {  	[tilespmem:v3+s13+$0x0] =	vst.idx.add.f32.msk $0xffff, v5  }
0x82: {  	[tilespmem:v1+s11+$0x0] =	vst.idx.add.f32.msk $0xffff, v7  }
0x83: {  	v7 =	vld.idx.msk [tilespmem:v14+s29+$0x0], $0xffff  }
0x84: {  	v5 =	vld.idx.msk [tilespmem:v2+s31+$0x0], $0xffff  }
0x85: {  	v9 =	vld [tilespmem:s22+$0xFFFFFFF0];
	s24 =	simm.s32 $0x1DA60  }
0x86: {  	v20 =	vld [tilespmem:s24+$0x10];
	v6 =	vmul.f32 v6, v17  }
0x87: {  	v8 =	vld.idx.msk [tilespmem:v16+s29+$0x0], $0xffff  }
0x88: {  	[tilespmem:v12+s12+$0x0] =	vst.idx.add.f32.msk $0xffff, v6;
	v7 =	vmul.f32 v7, v18  }
0x89: {  	v5 =	vmul.f32 v5, v4;
	v6 =	vld.idx.msk [tilespmem:v15+s30+$0x0], $0xffff  }
0x8a: {  	[tilespmem:v13+s12+$0x0] =	vst.idx.add.f32.msk $0xffff, v7  }
0x8b: {  	[tilespmem:v3+s14+$0x0] =	vst.idx.add.f32.msk $0xffff, v5  }
0x8c: {  	v5 =	vmul.f32 v8, v19;
	v8 =	vld [tilespmem:s23+$0xFFFFFFE0]  }
0x8d: {  	v2 =	vld.idx.msk [tilespmem:v2+s0+$0x0], $0xffff  }
0x8e: {  	[tilespmem:v1+s12+$0x0] =	vst.idx.add.f32.msk $0xffff, v5  }
0x8f: {  	v5 =	vld.idx.msk [tilespmem:v14+s30+$0x0], $0xffff;
	v6 =	vmul.f32 v6, v17  }
0x90: {  	v7 =	vld.idx.msk [tilespmem:v16+s30+$0x0], $0xffff  }
0x91: {  	[tilespmem:v12+s13+$0x0] =	vst.idx.add.f32.msk $0xffff, v6  }
0x92: {  	v2 =	vmul.f32 v2, v4;
	v4 =	vld [tilespmem:s24+$0xFFFFFFE0]  }
0x93: {  	v26 =	vld.idx.msk [tilespmem:v15+s31+$0x0], $0xffff  }
0x94: {  	[tilespmem:v3+s17+$0x0] =	vst.idx.add.f32.msk $0xffff, v2  }
0x95: {  	v5 =	vmul.f32 v5, v18;
	v2 =	vld [tilespmem:s24+$0xFFFFFFF0]  }
0x96: {  	v3 =	vld [tilespmem:s24+$0x0];
	v6 =	vmul.f32 v7, v19  }
0x97: {  	[tilespmem:v13+s13+$0x0] =	vst.idx.add.f32.msk $0xffff, v5  }
0x98: {  	[tilespmem:v1+s13+$0x0] =	vst.idx.add.f32.msk $0xffff, v6  }
0x99: {  	v6 =	vld.idx.msk [tilespmem:v20+s1+$0x0], $0xffff  }
0x9a: {  	v5 =	vld [tilespmem:s23+$0xFFFFFFF0]  }
0x9b: {  	v27 =	vld.idx.msk [tilespmem:v14+s31+$0x0], $0xffff;
	v50 =	vmul.f32 v26, v17  }
0x9c: {  	v28 =	vld.idx.msk [tilespmem:v16+s31+$0x0], $0xffff  }
0x9d: {  	[tilespmem:v12+s14+$0x0] =	vst.idx.add.f32.msk $0xffff, v50  }
0x9e: {  	v24 =	vld.idx.msk [tilespmem:v4+s1+$0x0], $0xffff;
	v7 =	vmul.f32 v6, v21  }
0x9f: {  	v15 =	vld.idx.msk [tilespmem:v15+s0+$0x0], $0xffff  }
0xa0: {  	[tilespmem:v11+s10+$0x0] =	vst.idx.add.f32.msk $0xffff, v7  }
0xa1: {  	v25 =	vld.idx.msk [tilespmem:v20+s28+$0x0], $0xffff  }
0xa2: {  	v6 =	vld [tilespmem:s23+$0x0]  }
0xa3: {  	v22 =	vld.idx.msk [tilespmem:v2+s1+$0x0], $0xffff  }
0xa4: {  	v53 =	vmul.f32 v27, v18;
	v23 =	vld.idx.msk [tilespmem:v3+s1+$0x0], $0xffff  }
0xa5: {  	v54 =	vmul.f32 v28, v19;
	v7 =	vld [tilespmem:s22+$0x0]  }
0xa6: {  	[tilespmem:v13+s14+$0x0] =	vst.idx.add.f32.msk $0xffff, v53;
	v25 =	vmul.f32 v25, v21  }
0xa7: {  	[tilespmem:v1+s14+$0x0] =	vst.idx.add.f32.msk $0xffff, v54  }
0xa8: {  	[tilespmem:v11+s11+$0x0] =	vst.idx.add.f32.msk $0xffff, v25  }
0xa9: {  	v25 =	vld.idx.msk [tilespmem:v20+s29+$0x0], $0xffff  }
0xaa: {  	v14 =	vld.idx.msk [tilespmem:v14+s0+$0x0], $0xffff;
	v24 =	vmul.f32 v24, v8  }
0xab: {  	v62 =	vld.idx.msk [tilespmem:v16+s0+$0x0], $0xffff  }
0xac: {  	v22 =	vmul.f32 v22, v5;
	[tilespmem:v10+s10+$0x0] =	vst.idx.add.f32.msk $0xffff, v24  }
0xad: {  	v49 =	vld.idx.msk [tilespmem:v4+s28+$0x0], $0xffff  }
0xae: {  	[tilespmem:v9+s10+$0x0] =	vst.idx.add.f32.msk $0xffff, v22;
	v25 =	vmul.f32 v25, v21  }
0xaf: {  	v51 =	vld.idx.msk [tilespmem:v2+s28+$0x0], $0xffff  }
0xb0: {  	v23 =	vmul.f32 v23, v6;
	[tilespmem:v11+s12+$0x0] =	vst.idx.add.f32.msk $0xffff, v25  }
0xb1: {  	v55 =	vld.idx.msk [tilespmem:v20+s30+$0x0], $0xffff  }
0xb2: {  	[tilespmem:v7+s10+$0x0] =	vst.idx.add.f32.msk $0xffff, v23;
	v22 =	vmul.f32 v49, v8  }
0xb3: {  	v52 =	vld.idx.msk [tilespmem:v3+s28+$0x0], $0xffff  }
0xb4: {  	v56 =	vmul.f32 v51, v5;
	[tilespmem:v10+s11+$0x0] =	vst.idx.add.f32.msk $0xffff, v22  }
0xb5: {  	v58 =	vld.idx.msk [tilespmem:v4+s29+$0x0], $0xffff  }
0xb6: {  	[tilespmem:v9+s11+$0x0] =	vst.idx.add.f32.msk $0xffff, v56;
	v59 =	vmul.f32 v55, v21  }
0xb7: {  	v60 =	vld.idx.msk [tilespmem:v2+s29+$0x0], $0xffff  }
0xb8: {  	v57 =	vmul.f32 v52, v6;
	[tilespmem:v11+s13+$0x0] =	vst.idx.add.f32.msk $0xffff, v59  }
0xb9: {  	v23 =	vld.idx.msk [tilespmem:v20+s31+$0x0], $0xffff  }
0xba: {  	v17 =	vmul.f32 v15, v17;
	[tilespmem:v7+s11+$0x0] =	vst.idx.add.f32.msk $0xffff, v57  }
0xbb: {  	v61 =	vld.idx.msk [tilespmem:v3+s29+$0x0], $0xffff;
	v22 =	vmul.f32 v58, v8  }
0xbc: {  	[tilespmem:v12+s17+$0x0] =	vst.idx.add.f32.msk $0xffff, v17  }
0xbd: {  	v24 =	vmul.f32 v60, v5;
	[tilespmem:v10+s12+$0x0] =	vst.idx.add.f32.msk $0xffff, v22  }
0xbe: {  	v22 =	vld.idx.msk [tilespmem:v4+s30+$0x0], $0xffff;
	v16 =	vmul.f32 v23, v21  }
0xbf: {  	[tilespmem:v9+s12+$0x0] =	vst.idx.add.f32.msk $0xffff, v24  }
0xc0: {  	v63 =	vmul.f32 v61, v6;
	[tilespmem:v11+s14+$0x0] =	vst.idx.add.f32.msk $0xffff, v16  }
0xc1: {  	v20 =	vld.idx.msk [tilespmem:v20+s0+$0x0], $0xffff  }
0xc2: {  	[tilespmem:v7+s12+$0x0] =	vst.idx.add.f32.msk $0xffff, v63  }
0xc3: {  	v14 =	vmul.f32 v14, v18;
	v16 =	vld.idx.msk [tilespmem:v2+s30+$0x0], $0xffff  }
0xc4: {  	v15 =	vld.idx.msk [tilespmem:v3+s30+$0x0], $0xffff;
	v18 =	vmul.f32 v22, v8  }
0xc5: {  	[tilespmem:v13+s17+$0x0] =	vst.idx.add.f32.msk $0xffff, v14  }
0xc6: {  	s6 =	simm.s32 $0x40;
	s24 =	simm.s32 $0x1DAA0;
	v14 =	vmul.f32 v62, v19;
	[tilespmem:v10+s13+$0x0] =	vst.idx.add.f32.msk $0xffff, v18;
	v13 =	vmul.f32 v20, v21  }
.LBB2_5:
0xc7: {  	v12 =	vld [tilespmem:s24+$0x10];
	s6 =	sadd.s32 $0x40, s6  }
0xc8: {  	v16 =	vmul.f32 v16, v5;
	p1 =	slt.u32 s6, $0x2C0;
	[tilespmem:v11+s17+$0x0] =	vst.idx.add.f32.msk $0xffff, v13  }
0xc9: {  	v11 =	vmul.f32 v15, v6;
	v17 =	vld [tilespmem:s24+$0xFFFFFFF0]  }
0xca: {  	v15 =	vld [tilespmem:s24+$0x0]  }
0xcb: {  	v18 =	vld [tilespmem:s24+$0xFFFFFFE0]  }
0xcc: {  	[tilespmem:v9+s13+$0x0] =	vst.idx.add.f32.msk $0xffff, v16  }
0xcd: {  	s22 =	sadd.s32 $0x40, s22;
	[tilespmem:v7+s13+$0x0] =	vst.idx.add.f32.msk $0xffff, v11  }
0xce: {  	v11 =	vld [tilespmem:s22+$0x10]  }
0xcf: {  	s23 =	sadd.s32 $0x40, s23;
	v16 =	vld.idx.msk [tilespmem:v12+s1+$0x0], $0xffff  }
0xd0: {  	v13 =	vld [tilespmem:s23+$0x10]  }
0xd1: {  	v19 =	vld.idx.msk [tilespmem:v17+s1+$0x0], $0xffff  }
0xd2: {  	v20 =	vld.idx.msk [tilespmem:v15+s1+$0x0], $0xffff  }
0xd3: {  	v21 =	vld.idx.msk [tilespmem:v18+s1+$0x0], $0xffff  }
0xd4: {  	v22 =	vld [tilespmem:s23+$0xFFFFFFE0]  }
0xd5: {  	v23 =	vld [tilespmem:s23+$0xFFFFFFF0];
	v16 =	vmul.f32 v16, v13  }
0xd6: {  	v24 =	vld [tilespmem:s23+$0x0]  }
0xd7: {  	[tilespmem:v11+s10+$0x0] =	vst.idx.add.f32.msk $0xffff, v16  }
0xd8: {  	v16 =	vld.idx.msk [tilespmem:v12+s28+$0x0], $0xffff  }
0xd9: {  	v25 =	vld [tilespmem:s22+$0xFFFFFFE0];
	v21 =	vmul.f32 v21, v22  }
0xda: {  	v26 =	vld [tilespmem:s22+$0xFFFFFFF0];
	v19 =	vmul.f32 v19, v23  }
0xdb: {  	v27 =	vld [tilespmem:s22+$0x0];
	v20 =	vmul.f32 v20, v24  }
0xdc: {  	v28 =	vld.idx.msk [tilespmem:v4+s31+$0x0], $0xffff  }
0xdd: {  	v29 =	vld.idx.msk [tilespmem:v2+s31+$0x0], $0xffff  }
0xde: {  	v16 =	vmul.f32 v16, v13;
	v30 =	vld.idx.msk [tilespmem:v3+s31+$0x0], $0xffff  }
0xdf: {  	[tilespmem:v1+s17+$0x0] =	vst.idx.add.f32.msk $0xffff, v14;
	v1 =	vmov v7  }
0xe0: {  	[tilespmem:v11+s11+$0x0] =	vst.idx.add.f32.msk $0xffff, v16;
	v7 =	vmov v27  }
0xe1: {  	v14 =	vld.idx.msk [tilespmem:v12+s29+$0x0], $0xffff  }
0xe2: {  	v16 =	vmul.f32 v28, v8;
	[tilespmem:v25+s10+$0x0] =	vst.idx.add.f32.msk $0xffff, v21  }
0xe3: {  	[tilespmem:v26+s10+$0x0] =	vst.idx.add.f32.msk $0xffff, v19;
	v19 =	vmul.f32 v29, v5  }
0xe4: {  	[tilespmem:v27+s10+$0x0] =	vst.idx.add.f32.msk $0xffff, v20;
	v20 =	vmul.f32 v30, v6  }
0xe5: {  	v21 =	vld.idx.msk [tilespmem:v18+s28+$0x0], $0xffff  }
0xe6: {  	v27 =	vld.idx.msk [tilespmem:v17+s28+$0x0], $0xffff  }
0xe7: {  	v14 =	vmul.f32 v14, v13;
	v28 =	vld.idx.msk [tilespmem:v15+s28+$0x0], $0xffff  }
0xe8: {  	[tilespmem:v10+s14+$0x0] =	vst.idx.add.f32.msk $0xffff, v16  }
0xe9: {  	[tilespmem:v11+s12+$0x0] =	vst.idx.add.f32.msk $0xffff, v14  }
0xea: {  	v14 =	vld.idx.msk [tilespmem:v12+s30+$0x0], $0xffff  }
0xeb: {  	v16 =	vmul.f32 v21, v22;
	[tilespmem:v9+s14+$0x0] =	vst.idx.add.f32.msk $0xffff, v19  }
0xec: {  	v19 =	vmul.f32 v27, v23;
	[tilespmem:v1+s14+$0x0] =	vst.idx.add.f32.msk $0xffff, v20  }
0xed: {  	[tilespmem:v25+s11+$0x0] =	vst.idx.add.f32.msk $0xffff, v16;
	v16 =	vmul.f32 v28, v24  }
0xee: {  	[tilespmem:v26+s11+$0x0] =	vst.idx.add.f32.msk $0xffff, v19  }
0xef: {  	[tilespmem:v7+s11+$0x0] =	vst.idx.add.f32.msk $0xffff, v16  }
0xf0: {  	v14 =	vmul.f32 v14, v13;
	v16 =	vld.idx.msk [tilespmem:v18+s29+$0x0], $0xffff  }
0xf1: {  	v19 =	vld.idx.msk [tilespmem:v17+s29+$0x0], $0xffff  }
0xf2: {  	[tilespmem:v11+s13+$0x0] =	vst.idx.add.f32.msk $0xffff, v14  }
0xf3: {  	v14 =	vld.idx.msk [tilespmem:v12+s31+$0x0], $0xffff  }
0xf4: {  	v20 =	vld.idx.msk [tilespmem:v15+s29+$0x0], $0xffff  }
0xf5: {  	v21 =	vld.idx.msk [tilespmem:v4+s0+$0x0], $0xffff;
	v4 =	vmov v18  }
0xf6: {  	v16 =	vmul.f32 v16, v22;
	v18 =	vld.idx.msk [tilespmem:v2+s0+$0x0], $0xffff;
	v2 =	vmov v17  }
0xf7: {  	v17 =	vmul.f32 v19, v23;
	v19 =	vld.idx.msk [tilespmem:v3+s0+$0x0], $0xffff;
	v3 =	vmov v15  }
0xf8: {  	[tilespmem:v25+s12+$0x0] =	vst.idx.add.f32.msk $0xffff, v16  }
0xf9: {  	v14 =	vmul.f32 v14, v13;
	[tilespmem:v26+s12+$0x0] =	vst.idx.add.f32.msk $0xffff, v17  }
0xfa: {  	v15 =	vmul.f32 v20, v24;
	v17 =	vld.idx.msk [tilespmem:v4+s30+$0x0], $0xffff  }
0xfb: {  	v20 =	vmul.f32 v21, v8;
	v8 =	vmov v22;
	[tilespmem:v11+s14+$0x0] =	vst.idx.add.f32.msk $0xffff, v14  }
0xfc: {  	v18 =	vmul.f32 v18, v5;
	v5 =	vmov v23;
	v12 =	vld.idx.msk [tilespmem:v12+s0+$0x0], $0xffff  }
0xfd: {  	v14 =	vmul.f32 v19, v6;
	v6 =	vmov v24;
	[tilespmem:v7+s12+$0x0] =	vst.idx.add.f32.msk $0xffff, v15  }
.Ltmp1:
0xfe: {  	v16 =	vld.idx.msk [tilespmem:v2+s30+$0x0], $0xffff;
	(pc) =	sbr.rel @p1 .LBB2_5-.Ltmp1, $4  }
0xff: {  	v15 =	vld.idx.msk [tilespmem:v3+s30+$0x0], $0xffff  }
0x100: {  	v17 =	vmul.f32 v17, v8;
	[tilespmem:v10+s17+$0x0] =	vst.idx.add.f32.msk $0xffff, v20;
	v10 =	vmov v25  }
0x101: {  	[tilespmem:v9+s17+$0x0] =	vst.idx.add.f32.msk $0xffff, v18;
	v9 =	vmov v26  }
0x102: {  	s24 =	sadd.s32 $0x40, s24;
	v13 =	vmul.f32 v12, v13;
	[tilespmem:v25+s13+$0x0] =	vst.idx.add.f32.msk $0xffff, v17  }
0x103: {  	_ =	sdelay $0x2  }
0x104: {  	v12 =	vmul.f32 v16, v5  }
0x105: {  	v59 =	vld.idx.msk [tilespmem:v4+s31+$0x0], $0xffff;
	v15 =	vmul.f32 v15, v6  }
0x106: {  	[tilespmem:v9+s13+$0x0] =	vst.idx.add.f32.msk $0xffff, v12  }
0x107: {  	[tilespmem:v7+s13+$0x0] =	vst.idx.add.f32.msk $0xffff, v15  }
0x108: {  	v60 =	vld.idx.msk [tilespmem:v2+s31+$0x0], $0xffff  }
0x109: {  	v61 =	vld.idx.msk [tilespmem:v3+s31+$0x0], $0xffff;
	_ =	sdelay $0x1  }
0x10a: {  	v12 =	vmul.f32 v59, v8;
	_ =	sdelay $0x1  }
0x10b: {  	[tilespmem:v10+s14+$0x0] =	vst.idx.add.f32.msk $0xffff, v12;
	v15 =	vmul.f32 v60, v5  }
0x10c: {  	v63 =	vld.idx.msk [tilespmem:v4+s0+$0x0], $0xffff;
	v62 =	vmul.f32 v61, v6  }
0x10d: {  	[tilespmem:v9+s14+$0x0] =	vst.idx.add.f32.msk $0xffff, v15  }
0x10e: {  	[tilespmem:v7+s14+$0x0] =	vst.idx.add.f32.msk $0xffff, v62  }
0x10f: {  	v2 =	vld.idx.msk [tilespmem:v2+s0+$0x0], $0xffff  }
0x110: {  	v3 =	vld.idx.msk [tilespmem:v3+s0+$0x0], $0xffff;
	_ =	sdelay $0x2  }
0x111: {  	[tilespmem:v1+s17+$0x0] =	vst.idx.add.f32.msk $0xffff, v14;
	v4 =	vmul.f32 v63, v8  }
0x112: {  	[tilespmem:v11+s17+$0x0] =	vst.idx.add.f32.msk $0xffff, v13;
	v1 =	vmul.f32 v2, v5  }
0x113: {  	[tilespmem:v10+s17+$0x0] =	vst.idx.add.f32.msk $0xffff, v4;
	v2 =	vmul.f32 v3, v6  }
0x114: {  	s6 =	simm.s32 $0x1E400;
	[tilespmem:v9+s17+$0x0] =	vst.idx.add.f32.msk $0xffff, v1  }
0x115: {  	s22 =	simm.s32 $0x1DD00;
	s23 =	simm.s32 $0x2F0;
	s24 =	simm.s32 $0x1EB00;
	[tilespmem:v7+s17+$0x0] =	vst.idx.add.f32.msk $0xffff, v2  }
.LBB2_7:
0x116: {  	v1 =	vld [tilespmem:s22+$0x0];
	_ =	sdelay $0x5  }
0x117: {  	v2 =	vld [tilespmem:s6+$0x0]  }
0x118: {  	v3 =	vld [tilespmem:s24+$0x0]  }
0x119: {  	v4 =	vld.idx.msk [tilespmem:v1+s1+$0x0], $0xffff;
	_ =	sdelay $0x4  }
0x11a: {  	v4 =	vmul.f32 v4, v3;
	_ =	sdelay $0x1  }
0x11b: {  	[tilespmem:v2+s10+$0x0] =	vst.idx.add.f32.msk $0xffff, v4  }
0x11c: {  	v4 =	vld.idx.msk [tilespmem:v1+s28+$0x0], $0xffff;
	_ =	sdelay $0x4  }
0x11d: {  	v4 =	vmul.f32 v4, v3;
	_ =	sdelay $0x1  }
0x11e: {  	[tilespmem:v2+s11+$0x0] =	vst.idx.add.f32.msk $0xffff, v4  }
0x11f: {  	v4 =	vld.idx.msk [tilespmem:v1+s29+$0x0], $0xffff;
	_ =	sdelay $0x4  }
0x120: {  	v4 =	vmul.f32 v4, v3;
	_ =	sdelay $0x1  }
0x121: {  	[tilespmem:v2+s12+$0x0] =	vst.idx.add.f32.msk $0xffff, v4  }
0x122: {  	v4 =	vld.idx.msk [tilespmem:v1+s30+$0x0], $0xffff;
	_ =	sdelay $0x4  }
0x123: {  	v4 =	vmul.f32 v4, v3;
	_ =	sdelay $0x1  }
0x124: {  	[tilespmem:v2+s13+$0x0] =	vst.idx.add.f32.msk $0xffff, v4  }
0x125: {  	v4 =	vld.idx.msk [tilespmem:v1+s31+$0x0], $0xffff;
	_ =	sdelay $0x4  }
0x126: {  	v4 =	vmul.f32 v4, v3;
	_ =	sdelay $0x1  }
0x127: {  	[tilespmem:v2+s14+$0x0] =	vst.idx.add.f32.msk $0xffff, v4  }
0x128: {  	v1 =	vld.idx.msk [tilespmem:v1+s0+$0x0], $0xffff  }
0x129: {  	s23 =	sadd.s32 $0x10, s23  }
0x12a: {  	p1 =	slt.u32 s23, $0x310  }
.Ltmp2:
0x12b: {  	_ = 	snop;
	(pc) =	sbr.rel @p1 .LBB2_7-.Ltmp2, $3  }
0x12c: {  	_ = 	snop  }
0x12d: {  	v1 =	vmul.f32 v1, v3;
	_ =	sdelay $0x1  }
0x12e: {  	s24 =	sadd.s32 $0x10, s24;
	s6 =	sadd.s32 $0x10, s6;
	s22 =	sadd.s32 $0x10, s22;
	[tilespmem:v2+s17+$0x0] =	vst.idx.add.f32.msk $0xffff, v1  }
0x12f: {  	p1 =	seq.s32 s20, $0x31  }
0x130: {  	s6 =	sadd.s32 @!p1 s21, s16  }
0x131: {  	s6 =	sshrl.u32 @!p1 s6, $0x3  }
0x132: {  	s22 =	simm.s32 @!p1 $0x0;
	s23 =	simm.s32 @!p1 $0x1DA00;
	s21 =	sadd.s32 @!p1 s2, s6  }
0x133: {  	[tilespmem:s23], [sflag:$0x1] =	stream.linear.gather @!p1 [hbm4b:s21+s22], $0x320, $0x38;
	[tilespmem:$0x1EF00] =	vst v63  }
0x134: {  	s21 =	sadd.s32 @!p1 s4, s6;
	s23 =	simm.s32 @!p1 $0x1E100  }
0x135: {  	[tilespmem:s23], [sflag:$0x1] =	stream.linear.gather @!p1 [hbm4b:s21+s22], $0x320, $0x38;
	[tilespmem:$0x1EF00] =	vst v63  }
0x136: {  	s6 =	sadd.s32 @!p1 s5, s6;
	s21 =	simm.s32 @!p1 $0x1E800  }
0x137: {  	[tilespmem:s21], [sflag:$0x1] =	stream.linear.gather @!p1 [hbm4b:s6+s22], $0x320, $0x38;
	[tilespmem:$0x1EF00] =	vst v63  }
0x138: {  	_ =	swait.ge [sflag:s18], $0x320  }
0x139: {  	[sflag:s18] =	ssyncset.done $0x0  }
0x13a: {  	[sflag:s18] =	ssyncadd.s32 $0xFFFFFCE0  }
0x13b: {  	_ =	swait.ge [sflag:s18], $0x320  }
0x13c: {  	[sflag:s18] =	ssyncset.done $0x0  }
0x13d: {  	[sflag:s18] =	ssyncadd.s32 $0xFFFFFCE0  }
0x13e: {  	_ =	swait.ge [sflag:s18], $0x320  }
0x13f: {  	[sflag:s18] =	ssyncset.done $0x0  }
0x140: {  	s21 =	simm.s32 $0x1DDA0;
	[sflag:s18] =	ssyncadd.s32 $0xFFFFFCE0  }
0x141: {  	v2 =	vld [tilespmem:s21+$0x10];
	_ =	sdelay $0x4  }
0x142: {  	s22 =	simm.s32 $0x1E4A0  }
0x143: {  	s23 =	simm.s32 $0x1EBA0;
	v3 =	vld [tilespmem:s22+$0x10]  }
0x144: {  	v4 =	vld [tilespmem:s23+$0x10]  }
0x145: {  	v1 =	vld.idx.msk [tilespmem:v2+s1+$0x0], $0xffff;
	_ =	sdelay $0x2  }
0x146: {  	v14 =	vld [tilespmem:s21+$0xFFFFFFF0]  }
0x147: {  	v15 =	vld [tilespmem:s21+$0xFFFFFFE0]  }
0x148: {  	v16 =	vld [tilespmem:s21+$0x0];
	v1 =	vmul.f32 v1, v4  }
0x149: {  	v17 =	vld [tilespmem:s23+$0xFFFFFFE0]  }
0x14a: {  	[tilespmem:v3+s10+$0x0] =	vst.idx.add.f32.msk $0xffff, v1  }
0x14b: {  	v1 =	vld.idx.msk [tilespmem:v2+s28+$0x0], $0xffff  }
0x14c: {  	v12 =	vld [tilespmem:s22+$0xFFFFFFE0]  }
0x14d: {  	v13 =	vld [tilespmem:s22+$0xFFFFFFF0]  }
0x14e: {  	v18 =	vld [tilespmem:s23+$0xFFFFFFF0]  }
0x14f: {  	v19 =	vld [tilespmem:s23+$0x0]  }
0x150: {  	v6 =	vld.idx.msk [tilespmem:v15+s1+$0x0], $0xffff;
	v1 =	vmul.f32 v1, v4  }
0x151: {  	v5 =	vld.idx.msk [tilespmem:v14+s1+$0x0], $0xffff  }
0x152: {  	[tilespmem:v3+s11+$0x0] =	vst.idx.add.f32.msk $0xffff, v1  }
0x153: {  	v1 =	vld [tilespmem:s22+$0x0]  }
0x154: {  	v8 =	vld.idx.msk [tilespmem:v2+s29+$0x0], $0xffff  }
0x155: {  	s24 =	simm.s32 $0x1DDE0;
	v7 =	vld.idx.msk [tilespmem:v16+s1+$0x0], $0xffff;
	v6 =	vmul.f32 v6, v17  }
0x156: {  	v20 =	vld [tilespmem:s24+$0x10];
	v5 =	vmul.f32 v5, v18  }
0x157: {  	[tilespmem:v12+s10+$0x0] =	vst.idx.add.f32.msk $0xffff, v6  }
0x158: {  	[tilespmem:v13+s10+$0x0] =	vst.idx.add.f32.msk $0xffff, v5  }
0x159: {  	v5 =	vld.idx.msk [tilespmem:v15+s28+$0x0], $0xffff;
	v6 =	vmul.f32 v8, v4  }
0x15a: {  	v7 =	vmul.f32 v7, v19;
	v8 =	vld.idx.msk [tilespmem:v14+s28+$0x0], $0xffff  }
0x15b: {  	[tilespmem:v3+s12+$0x0] =	vst.idx.add.f32.msk $0xffff, v6  }
0x15c: {  	[tilespmem:v1+s10+$0x0] =	vst.idx.add.f32.msk $0xffff, v7  }
0x15d: {  	v6 =	vld.idx.msk [tilespmem:v2+s30+$0x0], $0xffff  }
0x15e: {  	s21 =	simm.s32 $0x1E4E0;
	v7 =	vld.idx.msk [tilespmem:v16+s28+$0x0], $0xffff  }
0x15f: {  	v11 =	vld [tilespmem:s21+$0x10];
	v5 =	vmul.f32 v5, v17  }
0x160: {  	v10 =	vld [tilespmem:s21+$0xFFFFFFE0];
	v8 =	vmul.f32 v8, v18  }
0x161: {  	[tilespmem:v12+s11+$0x0] =	vst.idx.add.f32.msk $0xffff, v5  }
0x162: {  	[tilespmem:v13+s11+$0x0] =	vst.idx.add.f32.msk $0xffff, v8;
	v5 =	vmul.f32 v6, v4  }
0x163: {  	v6 =	vld.idx.msk [tilespmem:v15+s29+$0x0], $0xffff;
	v7 =	vmul.f32 v7, v19  }
0x164: {  	[tilespmem:v3+s13+$0x0] =	vst.idx.add.f32.msk $0xffff, v5  }
0x165: {  	[tilespmem:v1+s11+$0x0] =	vst.idx.add.f32.msk $0xffff, v7  }
0x166: {  	v7 =	vld.idx.msk [tilespmem:v14+s29+$0x0], $0xffff  }
0x167: {  	v5 =	vld.idx.msk [tilespmem:v2+s31+$0x0], $0xffff  }
0x168: {  	v9 =	vld [tilespmem:s21+$0xFFFFFFF0];
	s22 =	simm.s32 $0x1EBE0  }
0x169: {  	v21 =	vld [tilespmem:s22+$0x10];
	v6 =	vmul.f32 v6, v17  }
0x16a: {  	v8 =	vld.idx.msk [tilespmem:v16+s29+$0x0], $0xffff  }
0x16b: {  	[tilespmem:v12+s12+$0x0] =	vst.idx.add.f32.msk $0xffff, v6;
	v7 =	vmul.f32 v7, v18  }
0x16c: {  	v5 =	vmul.f32 v5, v4;
	v6 =	vld.idx.msk [tilespmem:v15+s30+$0x0], $0xffff  }
0x16d: {  	[tilespmem:v13+s12+$0x0] =	vst.idx.add.f32.msk $0xffff, v7  }
0x16e: {  	[tilespmem:v3+s14+$0x0] =	vst.idx.add.f32.msk $0xffff, v5  }
0x16f: {  	v5 =	vmul.f32 v8, v19;
	v8 =	vld [tilespmem:s22+$0xFFFFFFE0]  }
0x170: {  	v2 =	vld.idx.msk [tilespmem:v2+s0+$0x0], $0xffff  }
0x171: {  	[tilespmem:v1+s12+$0x0] =	vst.idx.add.f32.msk $0xffff, v5  }
0x172: {  	v5 =	vld.idx.msk [tilespmem:v14+s30+$0x0], $0xffff;
	v6 =	vmul.f32 v6, v17  }
0x173: {  	v7 =	vld.idx.msk [tilespmem:v16+s30+$0x0], $0xffff  }
0x174: {  	[tilespmem:v12+s13+$0x0] =	vst.idx.add.f32.msk $0xffff, v6  }
0x175: {  	v2 =	vmul.f32 v2, v4;
	v4 =	vld [tilespmem:s24+$0xFFFFFFE0]  }
0x176: {  	v26 =	vld.idx.msk [tilespmem:v15+s31+$0x0], $0xffff  }
0x177: {  	[tilespmem:v3+s17+$0x0] =	vst.idx.add.f32.msk $0xffff, v2  }
0x178: {  	v5 =	vmul.f32 v5, v18;
	v2 =	vld [tilespmem:s24+$0xFFFFFFF0]  }
0x179: {  	v3 =	vld [tilespmem:s24+$0x0];
	v6 =	vmul.f32 v7, v19  }
0x17a: {  	[tilespmem:v13+s13+$0x0] =	vst.idx.add.f32.msk $0xffff, v5  }
0x17b: {  	[tilespmem:v1+s13+$0x0] =	vst.idx.add.f32.msk $0xffff, v6  }
0x17c: {  	v6 =	vld.idx.msk [tilespmem:v20+s1+$0x0], $0xffff  }
0x17d: {  	v5 =	vld [tilespmem:s22+$0xFFFFFFF0]  }
0x17e: {  	v27 =	vld.idx.msk [tilespmem:v14+s31+$0x0], $0xffff;
	v50 =	vmul.f32 v26, v17  }
0x17f: {  	v28 =	vld.idx.msk [tilespmem:v16+s31+$0x0], $0xffff  }
0x180: {  	[tilespmem:v12+s14+$0x0] =	vst.idx.add.f32.msk $0xffff, v50  }
0x181: {  	v24 =	vld.idx.msk [tilespmem:v4+s1+$0x0], $0xffff;
	v7 =	vmul.f32 v6, v21  }
0x182: {  	v15 =	vld.idx.msk [tilespmem:v15+s0+$0x0], $0xffff  }
0x183: {  	[tilespmem:v11+s10+$0x0] =	vst.idx.add.f32.msk $0xffff, v7  }
0x184: {  	v25 =	vld.idx.msk [tilespmem:v20+s28+$0x0], $0xffff  }
0x185: {  	v6 =	vld [tilespmem:s22+$0x0]  }
0x186: {  	v22 =	vld.idx.msk [tilespmem:v2+s1+$0x0], $0xffff  }
0x187: {  	v53 =	vmul.f32 v27, v18;
	v23 =	vld.idx.msk [tilespmem:v3+s1+$0x0], $0xffff  }
0x188: {  	v54 =	vmul.f32 v28, v19;
	v7 =	vld [tilespmem:s21+$0x0]  }
0x189: {  	[tilespmem:v13+s14+$0x0] =	vst.idx.add.f32.msk $0xffff, v53;
	v25 =	vmul.f32 v25, v21  }
0x18a: {  	[tilespmem:v1+s14+$0x0] =	vst.idx.add.f32.msk $0xffff, v54  }
0x18b: {  	[tilespmem:v11+s11+$0x0] =	vst.idx.add.f32.msk $0xffff, v25  }
0x18c: {  	v25 =	vld.idx.msk [tilespmem:v20+s29+$0x0], $0xffff  }
0x18d: {  	v14 =	vld.idx.msk [tilespmem:v14+s0+$0x0], $0xffff;
	v24 =	vmul.f32 v24, v8  }
0x18e: {  	v62 =	vld.idx.msk [tilespmem:v16+s0+$0x0], $0xffff  }
0x18f: {  	v22 =	vmul.f32 v22, v5;
	[tilespmem:v10+s10+$0x0] =	vst.idx.add.f32.msk $0xffff, v24  }
0x190: {  	v49 =	vld.idx.msk [tilespmem:v4+s28+$0x0], $0xffff  }
0x191: {  	[tilespmem:v9+s10+$0x0] =	vst.idx.add.f32.msk $0xffff, v22;
	v25 =	vmul.f32 v25, v21  }
0x192: {  	v51 =	vld.idx.msk [tilespmem:v2+s28+$0x0], $0xffff  }
0x193: {  	v23 =	vmul.f32 v23, v6;
	[tilespmem:v11+s12+$0x0] =	vst.idx.add.f32.msk $0xffff, v25  }
0x194: {  	v55 =	vld.idx.msk [tilespmem:v20+s30+$0x0], $0xffff  }
0x195: {  	[tilespmem:v7+s10+$0x0] =	vst.idx.add.f32.msk $0xffff, v23;
	v22 =	vmul.f32 v49, v8  }
0x196: {  	v52 =	vld.idx.msk [tilespmem:v3+s28+$0x0], $0xffff  }
0x197: {  	v56 =	vmul.f32 v51, v5;
	[tilespmem:v10+s11+$0x0] =	vst.idx.add.f32.msk $0xffff, v22  }
0x198: {  	v58 =	vld.idx.msk [tilespmem:v4+s29+$0x0], $0xffff  }
0x199: {  	[tilespmem:v9+s11+$0x0] =	vst.idx.add.f32.msk $0xffff, v56;
	v59 =	vmul.f32 v55, v21  }
0x19a: {  	v60 =	vld.idx.msk [tilespmem:v2+s29+$0x0], $0xffff  }
0x19b: {  	v57 =	vmul.f32 v52, v6;
	[tilespmem:v11+s13+$0x0] =	vst.idx.add.f32.msk $0xffff, v59  }
0x19c: {  	v23 =	vld.idx.msk [tilespmem:v20+s31+$0x0], $0xffff  }
0x19d: {  	v17 =	vmul.f32 v15, v17;
	[tilespmem:v7+s11+$0x0] =	vst.idx.add.f32.msk $0xffff, v57  }
0x19e: {  	v61 =	vld.idx.msk [tilespmem:v3+s29+$0x0], $0xffff;
	v22 =	vmul.f32 v58, v8  }
0x19f: {  	[tilespmem:v12+s17+$0x0] =	vst.idx.add.f32.msk $0xffff, v17  }
0x1a0: {  	v24 =	vmul.f32 v60, v5;
	[tilespmem:v10+s12+$0x0] =	vst.idx.add.f32.msk $0xffff, v22  }
0x1a1: {  	v22 =	vld.idx.msk [tilespmem:v4+s30+$0x0], $0xffff;
	v16 =	vmul.f32 v23, v21  }
0x1a2: {  	[tilespmem:v9+s12+$0x0] =	vst.idx.add.f32.msk $0xffff, v24  }
0x1a3: {  	v63 =	vmul.f32 v61, v6;
	[tilespmem:v11+s14+$0x0] =	vst.idx.add.f32.msk $0xffff, v16  }
0x1a4: {  	v20 =	vld.idx.msk [tilespmem:v20+s0+$0x0], $0xffff  }
0x1a5: {  	[tilespmem:v7+s12+$0x0] =	vst.idx.add.f32.msk $0xffff, v63  }
0x1a6: {  	v14 =	vmul.f32 v14, v18;
	v16 =	vld.idx.msk [tilespmem:v2+s30+$0x0], $0xffff  }
0x1a7: {  	v15 =	vld.idx.msk [tilespmem:v3+s30+$0x0], $0xffff;
	v18 =	vmul.f32 v22, v8  }
0x1a8: {  	[tilespmem:v13+s17+$0x0] =	vst.idx.add.f32.msk $0xffff, v14  }
0x1a9: {  	s6 =	simm.s32 $0x40;
	s23 =	simm.s32 $0x1DE20;
	v14 =	vmul.f32 v62, v19;
	[tilespmem:v10+s13+$0x0] =	vst.idx.add.f32.msk $0xffff, v18;
	v13 =	vmul.f32 v20, v21  }
.LBB2_9:
0x1aa: {  	v12 =	vld [tilespmem:s23+$0x10];
	s6 =	sadd.s32 $0x40, s6  }
0x1ab: {  	v16 =	vmul.f32 v16, v5;
	p1 =	slt.u32 s6, $0x2C0;
	[tilespmem:v11+s17+$0x0] =	vst.idx.add.f32.msk $0xffff, v13  }
0x1ac: {  	v11 =	vmul.f32 v15, v6;
	v17 =	vld [tilespmem:s23+$0xFFFFFFF0]  }
0x1ad: {  	v15 =	vld [tilespmem:s23+$0x0]  }
0x1ae: {  	v18 =	vld [tilespmem:s23+$0xFFFFFFE0]  }
0x1af: {  	[tilespmem:v9+s13+$0x0] =	vst.idx.add.f32.msk $0xffff, v16  }
0x1b0: {  	s21 =	sadd.s32 $0x40, s21;
	[tilespmem:v7+s13+$0x0] =	vst.idx.add.f32.msk $0xffff, v11  }
0x1b1: {  	v11 =	vld [tilespmem:s21+$0x10]  }
0x1b2: {  	s22 =	sadd.s32 $0x40, s22;
	v16 =	vld.idx.msk [tilespmem:v12+s1+$0x0], $0xffff  }
0x1b3: {  	v13 =	vld [tilespmem:s22+$0x10]  }
0x1b4: {  	v19 =	vld.idx.msk [tilespmem:v17+s1+$0x0], $0xffff  }
0x1b5: {  	v20 =	vld.idx.msk [tilespmem:v15+s1+$0x0], $0xffff  }
0x1b6: {  	v21 =	vld.idx.msk [tilespmem:v18+s1+$0x0], $0xffff  }
0x1b7: {  	v22 =	vld [tilespmem:s22+$0xFFFFFFE0]  }
0x1b8: {  	v23 =	vld [tilespmem:s22+$0xFFFFFFF0];
	v16 =	vmul.f32 v16, v13  }
0x1b9: {  	v24 =	vld [tilespmem:s22+$0x0]  }
0x1ba: {  	[tilespmem:v11+s10+$0x0] =	vst.idx.add.f32.msk $0xffff, v16  }
0x1bb: {  	v16 =	vld.idx.msk [tilespmem:v12+s28+$0x0], $0xffff  }
0x1bc: {  	v25 =	vld [tilespmem:s21+$0xFFFFFFE0];
	v21 =	vmul.f32 v21, v22  }
0x1bd: {  	v26 =	vld [tilespmem:s21+$0xFFFFFFF0];
	v19 =	vmul.f32 v19, v23  }
0x1be: {  	v27 =	vld [tilespmem:s21+$0x0];
	v20 =	vmul.f32 v20, v24  }
0x1bf: {  	v28 =	vld.idx.msk [tilespmem:v4+s31+$0x0], $0xffff  }
0x1c0: {  	v29 =	vld.idx.msk [tilespmem:v2+s31+$0x0], $0xffff  }
0x1c1: {  	v16 =	vmul.f32 v16, v13;
	v30 =	vld.idx.msk [tilespmem:v3+s31+$0x0], $0xffff  }
0x1c2: {  	[tilespmem:v1+s17+$0x0] =	vst.idx.add.f32.msk $0xffff, v14;
	v1 =	vmov v7  }
0x1c3: {  	[tilespmem:v11+s11+$0x0] =	vst.idx.add.f32.msk $0xffff, v16;
	v7 =	vmov v27  }
0x1c4: {  	v14 =	vld.idx.msk [tilespmem:v12+s29+$0x0], $0xffff  }
0x1c5: {  	v16 =	vmul.f32 v28, v8;
	[tilespmem:v25+s10+$0x0] =	vst.idx.add.f32.msk $0xffff, v21  }
0x1c6: {  	[tilespmem:v26+s10+$0x0] =	vst.idx.add.f32.msk $0xffff, v19;
	v19 =	vmul.f32 v29, v5  }
0x1c7: {  	[tilespmem:v27+s10+$0x0] =	vst.idx.add.f32.msk $0xffff, v20;
	v20 =	vmul.f32 v30, v6  }
0x1c8: {  	v21 =	vld.idx.msk [tilespmem:v18+s28+$0x0], $0xffff  }
0x1c9: {  	v27 =	vld.idx.msk [tilespmem:v17+s28+$0x0], $0xffff  }
0x1ca: {  	v14 =	vmul.f32 v14, v13;
	v28 =	vld.idx.msk [tilespmem:v15+s28+$0x0], $0xffff  }
0x1cb: {  	[tilespmem:v10+s14+$0x0] =	vst.idx.add.f32.msk $0xffff, v16  }
0x1cc: {  	[tilespmem:v11+s12+$0x0] =	vst.idx.add.f32.msk $0xffff, v14  }
0x1cd: {  	v14 =	vld.idx.msk [tilespmem:v12+s30+$0x0], $0xffff  }
0x1ce: {  	v16 =	vmul.f32 v21, v22;
	[tilespmem:v9+s14+$0x0] =	vst.idx.add.f32.msk $0xffff, v19  }
0x1cf: {  	v19 =	vmul.f32 v27, v23;
	[tilespmem:v1+s14+$0x0] =	vst.idx.add.f32.msk $0xffff, v20  }
0x1d0: {  	[tilespmem:v25+s11+$0x0] =	vst.idx.add.f32.msk $0xffff, v16;
	v16 =	vmul.f32 v28, v24  }
0x1d1: {  	[tilespmem:v26+s11+$0x0] =	vst.idx.add.f32.msk $0xffff, v19  }
0x1d2: {  	[tilespmem:v7+s11+$0x0] =	vst.idx.add.f32.msk $0xffff, v16  }
0x1d3: {  	v14 =	vmul.f32 v14, v13;
	v16 =	vld.idx.msk [tilespmem:v18+s29+$0x0], $0xffff  }
0x1d4: {  	v19 =	vld.idx.msk [tilespmem:v17+s29+$0x0], $0xffff  }
0x1d5: {  	[tilespmem:v11+s13+$0x0] =	vst.idx.add.f32.msk $0xffff, v14  }
0x1d6: {  	v14 =	vld.idx.msk [tilespmem:v12+s31+$0x0], $0xffff  }
0x1d7: {  	v20 =	vld.idx.msk [tilespmem:v15+s29+$0x0], $0xffff  }
0x1d8: {  	v21 =	vld.idx.msk [tilespmem:v4+s0+$0x0], $0xffff;
	v4 =	vmov v18  }
0x1d9: {  	v16 =	vmul.f32 v16, v22;
	v18 =	vld.idx.msk [tilespmem:v2+s0+$0x0], $0xffff;
	v2 =	vmov v17  }
0x1da: {  	v17 =	vmul.f32 v19, v23;
	v19 =	vld.idx.msk [tilespmem:v3+s0+$0x0], $0xffff;
	v3 =	vmov v15  }
0x1db: {  	[tilespmem:v25+s12+$0x0] =	vst.idx.add.f32.msk $0xffff, v16  }
0x1dc: {  	v14 =	vmul.f32 v14, v13;
	[tilespmem:v26+s12+$0x0] =	vst.idx.add.f32.msk $0xffff, v17  }
0x1dd: {  	v15 =	vmul.f32 v20, v24;
	v17 =	vld.idx.msk [tilespmem:v4+s30+$0x0], $0xffff  }
0x1de: {  	v20 =	vmul.f32 v21, v8;
	v8 =	vmov v22;
	[tilespmem:v11+s14+$0x0] =	vst.idx.add.f32.msk $0xffff, v14  }
0x1df: {  	v18 =	vmul.f32 v18, v5;
	v5 =	vmov v23;
	v12 =	vld.idx.msk [tilespmem:v12+s0+$0x0], $0xffff  }
0x1e0: {  	v14 =	vmul.f32 v19, v6;
	v6 =	vmov v24;
	[tilespmem:v7+s12+$0x0] =	vst.idx.add.f32.msk $0xffff, v15  }
.Ltmp3:
0x1e1: {  	v16 =	vld.idx.msk [tilespmem:v2+s30+$0x0], $0xffff;
	(pc) =	sbr.rel @p1 .LBB2_9-.Ltmp3, $4  }
0x1e2: {  	v15 =	vld.idx.msk [tilespmem:v3+s30+$0x0], $0xffff  }
0x1e3: {  	v17 =	vmul.f32 v17, v8;
	[tilespmem:v10+s17+$0x0] =	vst.idx.add.f32.msk $0xffff, v20;
	v10 =	vmov v25  }
0x1e4: {  	[tilespmem:v9+s17+$0x0] =	vst.idx.add.f32.msk $0xffff, v18;
	v9 =	vmov v26  }
0x1e5: {  	s23 =	sadd.s32 $0x40, s23;
	v13 =	vmul.f32 v12, v13;
	[tilespmem:v25+s13+$0x0] =	vst.idx.add.f32.msk $0xffff, v17  }
0x1e6: {  	_ =	sdelay $0x2  }
0x1e7: {  	v12 =	vmul.f32 v16, v5  }
0x1e8: {  	v59 =	vld.idx.msk [tilespmem:v4+s31+$0x0], $0xffff;
	v15 =	vmul.f32 v15, v6  }
0x1e9: {  	[tilespmem:v9+s13+$0x0] =	vst.idx.add.f32.msk $0xffff, v12  }
0x1ea: {  	[tilespmem:v7+s13+$0x0] =	vst.idx.add.f32.msk $0xffff, v15  }
0x1eb: {  	v60 =	vld.idx.msk [tilespmem:v2+s31+$0x0], $0xffff  }
0x1ec: {  	v61 =	vld.idx.msk [tilespmem:v3+s31+$0x0], $0xffff;
	_ =	sdelay $0x1  }
0x1ed: {  	v12 =	vmul.f32 v59, v8;
	_ =	sdelay $0x1  }
0x1ee: {  	[tilespmem:v10+s14+$0x0] =	vst.idx.add.f32.msk $0xffff, v12;
	v15 =	vmul.f32 v60, v5  }
0x1ef: {  	v63 =	vld.idx.msk [tilespmem:v4+s0+$0x0], $0xffff;
	v62 =	vmul.f32 v61, v6  }
0x1f0: {  	[tilespmem:v9+s14+$0x0] =	vst.idx.add.f32.msk $0xffff, v15  }
0x1f1: {  	[tilespmem:v7+s14+$0x0] =	vst.idx.add.f32.msk $0xffff, v62  }
0x1f2: {  	v2 =	vld.idx.msk [tilespmem:v2+s0+$0x0], $0xffff  }
0x1f3: {  	v3 =	vld.idx.msk [tilespmem:v3+s0+$0x0], $0xffff;
	_ =	sdelay $0x2  }
0x1f4: {  	[tilespmem:v1+s17+$0x0] =	vst.idx.add.f32.msk $0xffff, v14;
	v4 =	vmul.f32 v63, v8  }
0x1f5: {  	[tilespmem:v11+s17+$0x0] =	vst.idx.add.f32.msk $0xffff, v13;
	v1 =	vmul.f32 v2, v5  }
0x1f6: {  	[tilespmem:v10+s17+$0x0] =	vst.idx.add.f32.msk $0xffff, v4;
	v2 =	vmul.f32 v3, v6  }
0x1f7: {  	s6 =	simm.s32 $0x1E780;
	[tilespmem:v9+s17+$0x0] =	vst.idx.add.f32.msk $0xffff, v1  }
0x1f8: {  	s21 =	simm.s32 $0x1E080;
	s22 =	simm.s32 $0x2F0;
	s23 =	simm.s32 $0x1EE80;
	[tilespmem:v7+s17+$0x0] =	vst.idx.add.f32.msk $0xffff, v2  }
.LBB2_11:
0x1f9: {  	v1 =	vld [tilespmem:s21+$0x0];
	_ =	sdelay $0x5  }
0x1fa: {  	v2 =	vld [tilespmem:s6+$0x0]  }
0x1fb: {  	v3 =	vld [tilespmem:s23+$0x0]  }
0x1fc: {  	v4 =	vld.idx.msk [tilespmem:v1+s1+$0x0], $0xffff;
	_ =	sdelay $0x4  }
0x1fd: {  	v4 =	vmul.f32 v4, v3;
	_ =	sdelay $0x1  }
0x1fe: {  	[tilespmem:v2+s10+$0x0] =	vst.idx.add.f32.msk $0xffff, v4  }
0x1ff: {  	v4 =	vld.idx.msk [tilespmem:v1+s28+$0x0], $0xffff;
	_ =	sdelay $0x4  }
0x200: {  	v4 =	vmul.f32 v4, v3;
	_ =	sdelay $0x1  }
0x201: {  	[tilespmem:v2+s11+$0x0] =	vst.idx.add.f32.msk $0xffff, v4  }
0x202: {  	v4 =	vld.idx.msk [tilespmem:v1+s29+$0x0], $0xffff;
	_ =	sdelay $0x4  }
0x203: {  	v4 =	vmul.f32 v4, v3;
	_ =	sdelay $0x1  }
0x204: {  	[tilespmem:v2+s12+$0x0] =	vst.idx.add.f32.msk $0xffff, v4  }
0x205: {  	v4 =	vld.idx.msk [tilespmem:v1+s30+$0x0], $0xffff;
	_ =	sdelay $0x4  }
0x206: {  	v4 =	vmul.f32 v4, v3;
	_ =	sdelay $0x1  }
0x207: {  	[tilespmem:v2+s13+$0x0] =	vst.idx.add.f32.msk $0xffff, v4  }
0x208: {  	v4 =	vld.idx.msk [tilespmem:v1+s31+$0x0], $0xffff;
	_ =	sdelay $0x4  }
0x209: {  	v4 =	vmul.f32 v4, v3;
	_ =	sdelay $0x1  }
0x20a: {  	[tilespmem:v2+s14+$0x0] =	vst.idx.add.f32.msk $0xffff, v4  }
0x20b: {  	v1 =	vld.idx.msk [tilespmem:v1+s0+$0x0], $0xffff  }
0x20c: {  	s22 =	sadd.s32 $0x10, s22  }
0x20d: {  	p1 =	slt.u32 s22, $0x310  }
.Ltmp4:
0x20e: {  	_ = 	snop;
	(pc) =	sbr.rel @p1 .LBB2_11-.Ltmp4, $3  }
0x20f: {  	_ = 	snop  }
0x210: {  	v1 =	vmul.f32 v1, v3;
	_ =	sdelay $0x1  }
0x211: {  	s23 =	sadd.s32 $0x10, s23;
	s6 =	sadd.s32 $0x10, s6;
	s21 =	sadd.s32 $0x10, s21;
	[tilespmem:v2+s17+$0x0] =	vst.idx.add.f32.msk $0xffff, v1  }
0x212: {  	s20 =	sadd.s32 $0x1, s20  }
0x213: {  	p1 =	sne.s32 s20, $0x32  }
.Ltmp5:
0x214: {  	_ = 	snop;
	(pc) =	sbr.rel @p1 .LBB2_4-.Ltmp5, $1  }
0x215: {  	_ =	sdelay $0x3  }
0x216: {  	s6 =	rddreg [dreg:$0xc];
	s23 =	simm.s32 $0x80  }
0x217: {  	[hbm4b:s6+s23] =	stream.strided.scatter [tilespmem:s10], [sflag:$0x3], $0x2780, s25, s23, $0x38;
	[tilespmem:$0x1EF00] =	vst v63  }
0x218: {  	_ =	swait.ge [sflag:s26], $0x2780  }
0x219: {  	[sflag:s26] =	ssyncset.done $0x0  }
0x21a: {  	s24 =	rddreg [dreg:$0xd];
	[sflag:s26] =	ssyncadd.s32 $0xFFFFD880  }
0x21b: {  	[hbm4b:s24+s23] =	stream.strided.scatter [tilespmem:s11], [sflag:$0x3], $0x2780, s25, s23, $0x38;
	[tilespmem:$0x1EF00] =	vst v63  }
0x21c: {  	_ =	swait.ge [sflag:s26], $0x2780  }
0x21d: {  	[sflag:s26] =	ssyncset.done $0x0  }
0x21e: {  	s20 =	rddreg [dreg:$0xe];
	[sflag:s26] =	ssyncadd.s32 $0xFFFFD880  }
0x21f: {  	[hbm4b:s20+s23] =	stream.strided.scatter [tilespmem:s12], [sflag:$0x3], $0x2780, s25, s23, $0x38;
	[tilespmem:$0x1EF00] =	vst v63  }
0x220: {  	_ =	swait.ge [sflag:s26], $0x2780  }
0x221: {  	[sflag:s26] =	ssyncset.done $0x0  }
0x222: {  	s21 =	rddreg [dreg:$0xf];
	[sflag:s26] =	ssyncadd.s32 $0xFFFFD880  }
0x223: {  	[hbm4b:s21+s23] =	stream.strided.scatter [tilespmem:s13], [sflag:$0x3], $0x2780, s25, s23, $0x38;
	[tilespmem:$0x1EF00] =	vst v63  }
0x224: {  	_ =	swait.ge [sflag:s26], $0x2780  }
0x225: {  	[sflag:s26] =	ssyncset.done $0x0  }
0x226: {  	s22 =	rddreg [dreg:$0x10];
	[sflag:s26] =	ssyncadd.s32 $0xFFFFD880  }
0x227: {  	[hbm4b:s22+s23] =	stream.strided.scatter [tilespmem:s14], [sflag:$0x3], $0x2780, s25, s23, $0x38;
	[tilespmem:$0x1EF00] =	vst v63  }
0x228: {  	_ =	swait.ge [sflag:s26], $0x2780  }
0x229: {  	s6 =	simm.s32 @!p0 $0x80;
	s20 =	simm.s32 @!p0 $0x400;
	[sflag:s26] =	ssyncset.done $0x0  }
0x22a: {  	s21 =	simm.s32 @!p0 $0x1B280;
	s22 =	rddreg [dreg:$0x11];
	[sflag:s26] =	ssyncadd.s32 $0xFFFFD880  }
0x22b: {  	[hbm4b:s22+s6] =	stream.strided.scatter @!p0 [tilespmem:s21], [sflag:$0x3], $0x2780, s20, s6, $0x38;
	[tilespmem:$0x1EF00] =	vst v63  }
0x22c: {  	s6 =	simm.s32 @!p0 $0x3  }
0x22d: {  	_ =	swait.ge @!p0 [sflag:s6], $0x2780  }
0x22e: {  	s19 =	sadd.s32 $0x1, s19;
	s24 =	rddreg [dreg:$0x12]  }
0x22f: {  	p1 =	sne.s32 s19, s24  }
.Ltmp6:
0x230: {  	_ = 	snop;
	(pc) =	sbr.rel @p1 .LBB2_1-.Ltmp6, $3  }
0x231: {  	_ =	sdelay $0x1  }
0x232: {  	[sflag:s6] =	ssyncset.done @!p0 $0x0  }
0x233: {  	[sflag:s6] =	ssyncadd.s32 @!p0 $0xFFFFD880  }
0x234: {  	_ =	sfence.sel $0x180000  }
0x235: {  	[bflag:$0x0] =	sbarrier.arrive $0xFFFF  }
0x236: {  	_ =	strace $0x90000050  }
0x237: {  	s0 =	stileid.u32;
	[bflag:$0x2] =	sbarrier.arrive $0xFFFF  }
0x238: {  	p0 =	sne.s32 s0, $0x0;
	s0 =	rddreg [dreg:$0x2]  }
0x239: {  	s0 =	sadd.s32 @!p0 $0x100000, s0  }
0x23a: {  	[sflag:s0] =	ssyncadd.tile.s32 @!p0 $0x1;
	_ =	shalt  }
.Lfunc_end2:
_tile_overlayer_lowered:
.L_overlay_start_2:
0x23b: {  	(tag) =	ssettag $0x2  }
0x23c: {  	s0 =	rddreg [dreg:$0x0];
	s2 =	stileid.u32  }
0x23d: {  	s1 =	rddreg [dreg:$0x1];
	p0 =	sne.s32 s2, $0x0  }
0x23e: {  	s3 =	rddreg [dreg:$0x2];
	[bflag:$0x3] =	sbarrier.arrive $0xFFFF;
	s2 =	simm.s32 @!p0 $0x1C03  }
0x23f: {  	[timem:s3], [sflag:s2] =	dma.local @!p0 [hbm:s0], s1  }
0x240: {  	s0 =	simm.s32 @!p0 $0x3  }
0x241: {  	_ =	swait.ge @!p0 [sflag:s0], s1  }
0x242: {  	s1 =	ssub.s32 @!p0 $0x0, s1;
	[sflag:s0] =	ssyncset.done @!p0 $0x0  }
0x243: {  	[sflag:s0] =	ssyncadd.s32 @!p0 s1  }
0x244: {  	[bflag:$0x3] =	sbarrier.arrive $0xFFFF  }
0x245: {  	_ =	shalt  }

// kernel: kernel.9.cloned.1.call-start
scs
__scs_entry_jumppad:
0x0: {  	(pc) =	sbr.rel $0x88, $3  }
0x1: {  	(tag) =	ssettag $0x0;
	lr =	simm.s32 $0x1  }
0x2: {  	[smem:$0x3F78] =	sst lr;
	_ =	strace $0xD0000000  }
0x3: {  	_ = 	snop  }
0x4: {  	_ = 	snop  }
0x5: {  	_ = 	snop  }
0x6: {  	_ = 	snop  }
0x7: {  	_ = 	snop  }
__scs_overlays_trampoline_lowered:
0x8: {  	[smem:$0x3F87] =	sst s0  }
0x9: {  	[smem:$0x3F88] =	sst s1  }
0xa: {  	[smem:$0x3F89] =	sst s2  }
0xb: {  	[smem:$0x3F8A] =	sst s3  }
0xc: {  	[smem:$0x3F8B] =	sst s4  }
0xd: {  	[smem:$0x3F8C] =	sst s5  }
0xe: {  	[smem:$0x3F8D] =	sst s6  }
0xf: {  	[smem:$0x3F8E] =	sst s7  }
0x10: {  	[smem:$0x3F8F] =	sst s8  }
0x11: {  	[smem:$0x3F90] =	sst s9;
	s0 =	simm.s32 @!p0 $0x0  }
0x12: {  	s1 =	sld [smem:$0x3F76];
	s0 =	simm.s32 @p0 $0x1  }
0x13: {  	[smem:$0x3F91] =	sst s0;
	s0 =	simm.s32 @!p1 $0x0  }
0x14: {  	s2 =	sld [smem:$0x3F75];
	s0 =	simm.s32 @p1 $0x1  }
0x15: {  	[smem:$0x3F92] =	sst s0;
	s0 =	simm.s32 @!p2 $0x0  }
0x16: {  	s3 =	sld [smem:$0x3FDB];
	s0 =	simm.s32 @p2 $0x1  }
0x17: {  	s4 =	simm.s32 $0x1BF5;
	[smem:$0x3F94] =	sst s0  }
0x18: {  	s0 =	sld [smem:$0x3F77];
	_ =	swait.ge [sflag:s4], $0x0  }
0x19: {  	s7 =	sld [smem:$0x3F78]  }
0x1a: {  	s8 =	sadd.s32 $0xFFFFE003, lr  }
0x1b: {  	s9 =	sadd.s32 $0xFFFFFEF7, lr;
	s5 =	simm.s32 $0xFFFFFFFF;
	p2 =	slt.u32 s8, $0xFFFFF086  }
0x1c: {  	p1 =	slt.u32 s9, $0xF7A;
	s5 =	simm.s32 @!p2 $0x0  }
0x1d: {  	s5 =	simm.s32 @p1 $0x1;
	p0 =	seq.s32 s7, s2  }
0x1e: {  	s7 =	smul.u32 @!p0 $0xF7A, s2;
	p2 =	seq.s32 @!p0 s5, $0x0  }
0x1f: {  	s9 =	smul.u32 $0xF7A, s1;
	s8 =	simm.s32 @!p0 $0x1BF5;
	p2 =	por !p2, p0  }
0x20: {  	[sflag:s8] =	ssyncset.s32 @!p0 $0xFFFFF086;
	s6 =	sadd.s32 @!p0 s3, s7;
	s7 =	simm.s32 @!p0 $0x108  }
0x21: {  	s3 =	sadd.s32 s3, s9;
	s6 =	sadd.s32 @!p0 $0x88, s6;
	s7 =	simm.s32 @p2 $0x1082  }
0x22: {  	[simem:s7], [sflag:s8] =	dma.local @!p0 [hbm:s6], $0xF7A  }
0x23: {  	s9 =	sor.u32 $0xD0000000, s2;
	s6 =	simm.s32 $0x108;
	_ =	swait.ge @!p0 [sflag:s8], $0x0  }
0x24: {  	s3 =	sadd.s32 $0x88, s3;
	s6 =	simm.s32 @!p1 $0x1082;
	[sflag:s4] =	ssyncset.s32 $0xFFFFF086  }
0x25: {  	[simem:s6], [sflag:s4] =	dma.local [hbm:s3], $0xF7A  }
0x26: {  	[smem:$0x3F78] =	sst s1;
	(tag) =	ssettag s2;
	_ =	strace s9  }
0x27: {  	s1 =	sld [smem:$0x3F88]  }
0x28: {  	s2 =	sld [smem:$0x3F89]  }
0x29: {  	s4 =	sld [smem:$0x3F8B]  }
0x2a: {  	p0 =	seq.s32 s5, $0x0;
	s5 =	sld [smem:$0x3F8C]  }
0x2b: {  	s6 =	sld [smem:$0x3F8D]  }
0x2c: {  	s7 =	sld [smem:$0x3F8E]  }
0x2d: {  	s3 =	simm.s32 $0x108;
	s8 =	sld [smem:$0x3F8F]  }
0x2e: {  	s3 =	simm.s32 @!p0 $0x1082;
	s9 =	sld [smem:$0x3F90]  }
0x2f: {  	lr =	sadd.s32 s0, s3;
	s0 =	sld [smem:$0x3F87]  }
0x30: {  	s3 =	sld [smem:$0x3F8A]  }
0x31: {  	[smem:$0x3F93] =	sst s10  }
0x32: {  	s10 =	sld [smem:$0x3F91];
	_ =	sdelay $0x3  }
0x33: {  	p0 =	seq.s32 s10, $0x1;
	s10 =	sld [smem:$0x3F93];
	_ =	sdelay $0x3  }
0x34: {  	[smem:$0x3F93] =	sst s10  }
0x35: {  	s10 =	sld [smem:$0x3F92];
	_ =	sdelay $0x3  }
0x36: {  	p1 =	seq.s32 s10, $0x1;
	s10 =	sld [smem:$0x3F93];
	_ =	sdelay $0x3  }
0x37: {  	[smem:$0x3F93] =	sst s10  }
0x38: {  	s10 =	sld [smem:$0x3F94]  }
0x39: {  	_ = 	snop;
	(pc) =	sbr.ind lr, $3  }
0x3a: {  	_ = 	snop  }
0x3b: {  	_ = 	snop  }
0x3c: {  	p2 =	seq.s32 s10, $0x1;
	s10 =	sld [smem:$0x3F93]  }
0x3d: {  	_ =	shalt  }
0x3e: {  	_ =	shalt  }
0x3f: {  	_ =	shalt  }
0x40: {  	_ =	shalt  }
0x41: {  	_ =	shalt  }
0x42: {  	_ =	shalt  }
0x43: {  	_ =	shalt  }
0x44: {  	_ =	shalt  }
0x45: {  	_ =	shalt  }
0x46: {  	_ =	shalt  }
0x47: {  	_ =	shalt  }
0x48: {  	_ =	shalt  }
0x49: {  	_ =	shalt  }
0x4a: {  	_ =	shalt  }
0x4b: {  	_ =	shalt  }
0x4c: {  	_ =	shalt  }
0x4d: {  	_ =	shalt  }
0x4e: {  	_ =	shalt  }
0x4f: {  	_ =	shalt  }
0x50: {  	_ =	shalt  }
0x51: {  	_ =	shalt  }
0x52: {  	_ =	shalt  }
0x53: {  	_ =	shalt  }
0x54: {  	_ =	shalt  }
0x55: {  	_ =	shalt  }
0x56: {  	_ =	shalt  }
0x57: {  	_ =	shalt  }
0x58: {  	_ =	shalt  }
0x59: {  	_ =	shalt  }
0x5a: {  	_ =	shalt  }
0x5b: {  	_ =	shalt  }
0x5c: {  	_ =	shalt  }
0x5d: {  	_ =	shalt  }
0x5e: {  	_ =	shalt  }
0x5f: {  	_ =	shalt  }
0x60: {  	_ =	shalt  }
0x61: {  	_ =	shalt  }
0x62: {  	_ =	shalt  }
0x63: {  	_ =	shalt  }
0x64: {  	_ =	shalt  }
0x65: {  	_ =	shalt  }
0x66: {  	_ =	shalt  }
0x67: {  	_ =	shalt  }
0x68: {  	_ =	shalt  }
0x69: {  	_ =	shalt  }
0x6a: {  	_ =	shalt  }
0x6b: {  	_ =	shalt  }
0x6c: {  	_ =	shalt  }
0x6d: {  	_ =	shalt  }
0x6e: {  	_ =	shalt  }
0x6f: {  	_ =	shalt  }
0x70: {  	_ =	shalt  }
0x71: {  	_ =	shalt  }
0x72: {  	_ =	shalt  }
0x73: {  	_ =	shalt  }
0x74: {  	_ =	shalt  }
0x75: {  	_ =	shalt  }
0x76: {  	_ =	shalt  }
0x77: {  	_ =	shalt  }
0x78: {  	_ =	shalt  }
0x79: {  	_ =	shalt  }
0x7a: {  	_ =	shalt  }
0x7b: {  	_ =	shalt  }
0x7c: {  	_ =	shalt  }
0x7d: {  	_ =	shalt  }
0x7e: {  	_ =	shalt  }
0x7f: {  	_ =	shalt  }
0x80: {  	_ =	shalt  }
0x81: {  	_ =	shalt  }
0x82: {  	_ =	shalt  }
0x83: {  	_ =	shalt  }
0x84: {  	_ =	shalt  }
0x85: {  	_ =	shalt  }
0x86: {  	_ =	shalt  }
0x87: {  	_ =	shalt  }
.Lfunc_end0:
.L_simem_size_0:
called_computation_lowered:
.L_overlay_start_0:
0x88: {  	s2 =	sld [smem:$0x3FD9]  }
0x89: {  	s3 =	sld [smem:$0x3FFE];
	_ =	sdelay $0x1  }
0x8a: {  	s1 =	srdreg.scid  }
0x8b: {  	s0 =	sand.u32 $0x1, s1  }
0x8c: {  	s16 =	sshll.u32 s0, $0xA;
	s2 =	sadd.s32 s3, s2  }
0x8d: {  	s2 =	sadd.s32 s2, s16  }
0x8e: {  	[smem:$0x3F9F] =	sst s2  }
0x8f: {  	_ = 	snop  }
0x90: {  	(tm) =	ssettm $0x1  }
0x91: {  	s17 =	sld [smem:$0x3FFB];
	_ =	sdelay $0x3  }
0x92: {  	_ =	strace s17  }
0x93: {  	s2 =	sld [smem:$0x3FFC];
	_ =	sdelay $0x3  }
0x94: {  	_ =	strace s2  }
0x95: {  	s2 =	sld [smem:$0x3FFD];
	_ =	sdelay $0x3  }
0x96: {  	_ =	strace s2  }
0x97: {  	_ =	strace $0x8FFFFFFF  }
0x98: {  	s18 =	sld [smem:$0x3FDB];
	_ =	sdelay $0x1  }
0x99: {  	s19 =	simm.s32 $_scs_section_size  }
0x9a: {  	s4 =	simm.s32 $_size__tile_overlayer_lowered;
	s5 =	simm.s32 $_tile_overlayer_lowered  }
0x9b: {  	s22 =	simm.s32 $0x1BFF;
	s21 =	sshll.u32 s5, $0x1;
	s2 =	sadd.s32 s19, s18  }
0x9c: {  	s6 =	simm.s32 $0x0;
	s20 =	sshll.u32 s4, $0x1;
	s4 =	sadd.s32 s21, s2  }
0x9d: {  	[timem:s6], [sflag:s22] =	dma.local [hbm:s4], s20  }
0x9e: {  	_ =	swait.ge [sflag:s22], s20  }
0x9f: {  	s3 =	ssub.s32 $0x0, s20;
	[sflag:s22] =	ssyncset.done $0x0  }
0xa0: {  	[sflag:s22] =	ssyncadd.s32 s3;
	_ =	sdelay $0x1  }
0xa1: {  	s23 =	simm.s32 $0x1B8B  }
0xa2: {  	_ =	swait.ge [sflag:s23], $0x1  }
0xa3: {  	[sflag:s23] =	ssyncset.done $0x0  }
0xa4: {  	s25 =	simm.s32 $0x1B8E;
	s24 =	sld [smem:$0x3FFE];
	[sflag:s23] =	ssyncadd.s32 $0xFFFFFFFF  }
0xa5: {  	s26 =	simm.s32 $execute0_lowered;
	[smem:$0x3FD2] =	sst s25  }
0xa6: {  	s4 =	sshll.u32 s26, $0x1;
	_ =	strace $0x80000046;
	[dreg:$0x1] =	wrdreg $0xFFFFFFFF  }
0xa7: {  	s28 =	simm.s32 $_size_execute0_lowered;
	s2 =	sadd.s32 s2, s4;
	[dreg:$0x0] =	wrdreg $0x0  }
0xa8: {  	s4 =	sshll.u32 s28, $0x1;
	[dreg:$0x2] =	wrdreg s2  }
0xa9: {  	[dreg:$0x3] =	wrdreg s4  }
0xaa: {  	[dreg:$0x4] =	wrdreg $0xC0  }
0xab: {  	_ =	task [dreg:s6], $0x5FFFF  }
0xac: {  	[dreg:$0x1] =	wrdreg $0xFFFFFFFF  }
0xad: {  	[dreg:$0x0] =	wrdreg $0x60  }
0xae: {  	[dreg:$0x2] =	wrdreg s24  }
0xaf: {  	[dreg:$0x3] =	wrdreg $0x9  }
0xb0: {  	_ =	task.clear_ibuf [dreg:s6], $0x4FFFF;
	_ =	strace $0x90000046  }
0xb1: {  	s29 =	simm.s32 $0x9;
	_ =	strace $0x80000048  }
0xb2: {  	_ =	swait.ge [sflag:s29], $0x1  }
0xb3: {  	[sflag:s29] =	ssyncadd.s32 $0xFFFFFFFF  }
0xb4: {  	_ =	strace $0x90000048  }
0xb5: {  	_ =	sfence  }
0xb6: {  	s30 =	sld [smem:$0x0];
	_ =	sdelay $0x2  }
0xb7: {  	s31 =	sshll.u32 s1, $0xD;
	s1 =	sshrl.u32 s1, $0x2  }
0xb8: {  	s3 =	sand.u32 $0x4000, s31;
	s1 =	sadd.s32 s1, s30  }
0xb9: {  	s0 =	sor.u32 s3, s0;
	s1 =	sshll.u32 s1, $0x11  }
0xba: {  	s0 =	sor.u32 s1, s0  }
0xbb: {  	s0 =	sadd.s32 $0x8F2B, s0  }
0xbc: {  	[sflag:s0] =	ssyncadd.remote.s32 $0x1  }
0xbd: {  	_ =	sfence.sel $0xFFFF  }
0xbe: {  	[dreg:$0x0] =	wrdreg $0xFFFFFFFF;
	(pc) =	sbr.abs _section_cstart, $3  }
0xbf: {  	[dreg:$0x1] =	wrdreg $0xFFFFFFFF  }
0xc0: {  	_ =	task.clear_ibuf [dreg:s6], $0x2FFFF;
	_ =	strace $0x9FFFFFFF  }
0xc1: {  	(tm) =	ssettm $0x7FFFFFFF  }
tec
execute0_lowered:
.L_overlay_start_1:
0x0: {  	(tag) =	ssettag $0x1  }
0x1: {  	s0 =	srdreg.scid  }
0x2: {  	s5 =	rddreg [dreg:$0x0];
	s2 =	simm.s32 $0x0;
	s10 =	simm.s32 $0x80  }
0x3: {  	s11 =	simm.s32 $0x100;
	s12 =	simm.s32 $0x2780;
	s13 =	simm.s32 $0x4F00  }
0x4: {  	s14 =	simm.s32 $0x7680;
	s15 =	simm.s32 $0x1;
	s16 =	simm.s32 $0xC580  }
0x5: {  	s17 =	simm.s32 $0x9E00;
	s18 =	simm.s32 $0x2;
	s4 =	sand.u32 $0x1, s0  }
0x6: {  	s19 =	simm.s32 $0x400;
	s0 =	stileid.u32;
	s1 =	sshll.u32 s4, $0x4  }
0x7: {  	s20 =	simm.s32 $0x0;
	[smem:$0x7FF] =	sst s2;
	s3 =	sor.u32 s0, s1  }
0x8: {  	s7 =	sshll.u32 s0, $0x7;
	s4 =	ssub.s32 $0x2, s4;
	s6 =	sshrl.u32 s3, $0x3  }
0x9: {  	s1 =	rddreg [dreg:$0x1];
	s7 =	sand.u32 $0x380, s7;
	s6 =	smul.u32 $0x13C00, s6  }
0xa: {  	_ =	strace $0x80000047;
	s31 =	sshrl.u32 s4, $0x1;
	s8 =	smul.u32 $0x4E2, s3  }
0xb: {  	s3 =	sadd.s32 $0x47000, s5;
	s9 =	ssub.s32 s4, s31;
	s6 =	sor.u32 s7, s6  }
0xc: {  	s4 =	sadd.s32 $0x47010, s5;
	s29 =	sadd.s32 s8, s5;
	s6 =	sshrl.u32 s6, $0x3  }
0xd: {  	s9 =	smax.u32 s9, $0x1;
	s7 =	sadd.s32 $0x18E00, s29;
	s30 =	sadd.s32 s6, s5  }
0xe: {  	v0 =	vimm.f32 $0.0e+00;
	s5 =	sadd.s32 $0xF000, s29;
	s6 =	sadd.s32 $0x5200, s29;
	s8 =	sadd.s32 $0x22C00, s30  }
.LBB2_1:
0xf: {  	[tilespmem:s2], [sflag:$0x1] =	stream.strided.gather [hbm4b:s3+s10], $0x2780, s11, s10, $0x38;
	[tilespmem:$0xED00] =	vst v63  }
0x10: {  	_ = 	snop  }
0x11: {  	[tilespmem:s12], [sflag:$0x1] =	stream.strided.gather [hbm4b:s4+s10], $0x2780, s11, s10, $0x38;
	[tilespmem:$0xED00] =	vst v63  }
0x12: {  	_ = 	snop  }
0x13: {  	[tilespmem:s13], [sflag:$0x1] =	stream.linear.gather [hbm4b:s5+s2], $0x2710, $0x38;
	[tilespmem:$0xED00] =	vst v63  }
0x14: {  	_ = 	snop  }
0x15: {  	[tilespmem:s14], [sflag:$0x1] =	stream.linear.gather [hbm4b:s6+s2], $0x2710, $0x38;
	[tilespmem:$0xED00] =	vst v63  }
0x16: {  	_ =	swait.ge [sflag:s15], $0x2780  }
0x17: {  	[sflag:s15] =	ssyncset.done $0x0  }
0x18: {  	[sflag:s15] =	ssyncadd.s32 $0xFFFFD880  }
0x19: {  	_ =	swait.ge [sflag:s15], $0x2780  }
0x1a: {  	[sflag:s15] =	ssyncset.done $0x0  }
0x1b: {  	[sflag:s15] =	ssyncadd.s32 $0xFFFFD880  }
0x1c: {  	_ =	swait.ge [sflag:s15], $0x2710  }
0x1d: {  	[sflag:s15] =	ssyncset.done $0x0  }
0x1e: {  	[sflag:s15] =	ssyncadd.s32 $0xFFFFD8F0  }
0x1f: {  	_ =	swait.ge [sflag:s15], $0x2710  }
0x20: {  	[sflag:s15] =	ssyncset.done $0x0  }
0x21: {  	s21 =	simm.s32 $0x0;
	[sflag:s15] =	ssyncadd.s32 $0xFFFFD8F0  }
.LBB2_2:
0x22: {  	p0 =	sne.s32 s21, $0x9C00  }
.Ltmp0:
0x23: {  	_ = 	snop;
	(pc) =	sbr.rel @p0 .LBB2_2-.Ltmp0, $3  }
0x24: {  	_ =	sdelay $0x1  }
0x25: {  	s22 =	sshra.s32 s21, $0x2  }
0x26: {  	s21 =	sadd.s32 $0x40, s21;
	[tilespmem:s22+$0xC580] =	vst v0  }
0x27: {  	s22 =	simm.s32 $0x76C0  }
0x28: {  	s21 =	simm.s32 $0x4F40;
	v1 =	vld [tilespmem:s22+$0xFFFFFFC0]  }
0x29: {  	v3 =	vld [tilespmem:s21+$0x0]  }
0x2a: {  	v2 =	vld [tilespmem:s22+$0x30]  }
0x2b: {  	v5 =	vld [tilespmem:s22+$0x20]  }
0x2c: {  	v7 =	vld [tilespmem:s21+$0x20]  }
0x2d: {  	v6 =	vld [tilespmem:s21+$0x10]  }
0x2e: {  	v9 =	vld [tilespmem:s21+$0xFFFFFFC0]  }
0x2f: {  	v8 =	vld [tilespmem:s22+$0x10]  }
0x30: {  	v10 =	vld [tilespmem:s21+$0x30]  }
0x31: {  	v13 =	vld [tilespmem:s21+$0xFFFFFFD0]  }
0x32: {  	v4 =	vld [tilespmem:s22+$0xFFFFFFF0]  }
0x33: {  	v16 =	vld [tilespmem:s21+$0xFFFFFFF0]  }
0x34: {  	v17 =	vld [tilespmem:s21+$0xFFFFFFE0]  }
0x35: {  	v18 =	vld.idx.msk [tilespmem:v3+s12+$0x0], $0xffff  }
0x36: {  	v3 =	vld [tilespmem:s22+$0x0]  }
0x37: {  	v11 =	vld.idx.msk [tilespmem:v6+s12+$0x0], $0xffff  }
0x38: {  	v12 =	vld.idx.msk [tilespmem:v2+s2+$0x0], $0xffff  }
0x39: {  	v6 =	vld [tilespmem:s22+$0xFFFFFFE0]  }
0x3a: {  	v14 =	vld.idx.msk [tilespmem:v5+s2+$0x0], $0xffff  }
0x3b: {  	v15 =	vld.idx.msk [tilespmem:v7+s12+$0x0], $0xffff  }
0x3c: {  	v19 =	vld.idx.msk [tilespmem:v8+s2+$0x0], $0xffff  }
0x3d: {  	v20 =	vld.idx.msk [tilespmem:v10+s12+$0x0], $0xffff  }
0x3e: {  	v21 =	vld.idx.msk [tilespmem:v1+s2+$0x0], $0xffff  }
0x3f: {  	v7 =	vld [tilespmem:s22+$0xFFFFFFD0]  }
0x40: {  	v9 =	vld.idx.msk [tilespmem:v9+s12+$0x0], $0xffff  }
0x41: {  	v10 =	vld.idx.msk [tilespmem:v16+s12+$0x0], $0xffff;
	v14 =	vadd.f32 v15, v14;
	v11 =	vadd.f32 v11, v19  }
0x42: {  	v16 =	vadd.f32 v20, v12;
	v22 =	vld.idx.msk [tilespmem:v3+s2+$0x0], $0xffff  }
0x43: {  	v13 =	vld.idx.msk [tilespmem:v13+s12+$0x0], $0xffff;
	v15 =	vmul.f32 $2.000000030e-01, v14;
	vm0 =	vge.f32 v14, $0.0e+00;
	v19 =	vmul.f32 $2.000000030e-01, v11  }
0x44: {  	vm14 =	vge.f32 v11, $0.0e+00;
	v20 =	vmul.f32 $2.000000030e-01, v16;
	vm15 =	vge.f32 v16, $0.0e+00;
	v12 =	vld.idx.msk [tilespmem:v6+s2+$0x0], $0xffff  }
0x45: {  	v15 =	vsel vm0, v14, v15;
	v14 =	vld.idx.msk [tilespmem:v17+s12+$0x0], $0xffff;
	v19 =	vsel vm14, v11, v19;
	v17 =	vadd.f32 v9, v21  }
0x46: {  	s23 =	simm.s32 $0x9E40;
	v11 =	vld.idx.msk [tilespmem:v4+s2+$0x0], $0xffff;
	v20 =	vsel vm15, v16, v20;
	v9 =	vmul.f32 $1.442695020e+00, v15;
	v15 =	vmul.f32 $1.442695020e+00, v19  }
0x47: {  	s24 =	simm.s32 $0x0;
	s25 =	simm.s32 $0x7740;
	s22 =	simm.s32 $0x9E40;
	v16 =	vld.idx.msk [tilespmem:v7+s2+$0x0], $0xffff;
	v20 =	vmul.f32 $1.442695020e+00, v20;
	v19 =	vmul.f32 $2.000000030e-01, v17;
	v18 =	vadd.f32 v18, v22  }
.LBB2_4:
0x48: {  	v21 =	vld [tilespmem:s25+$0xFFFFFFC0];
	s24 =	sadd.s32 $0x80, s24;
	vm0 =	vge.f32 v17, $0.0e+00;
	s21 =	sadd.s32 $0x80, s21;
	s23 =	sadd.s32 $0x80, s23  }
0x49: {  	v22 =	vld [tilespmem:s21+$0x0];
	p0 =	slt.u32 s24, $0x2680;
	v23 =	vmul.f32 $2.000000030e-01, v18;
	(erf) = vpow2.f32 v20  }
0x4a: {  	v17 =	vsel vm0, v17, v19;
	v12 =	vadd.f32 v14, v12;
	vm0 =	vge.f32 v18, $0.0e+00;
	v20 =	vld [tilespmem:s25+$0x30]  }
0x4b: {  	v17 =	vmul.f32 $1.442695020e+00, v17;
	v14 =	vld [tilespmem:s25+$0x20];
	v18 =	vsel vm0, v18, v23;
	(erf) = vpow2.f32 v15  }
0x4c: {  	vm0 =	vge.f32 v12, $0.0e+00;
	v19 =	vmul.f32 $2.000000030e-01, v12;
	v15 =	vld [tilespmem:s21+$0x20];
	v18 =	vmul.f32 $1.442695020e+00, v18  }
0x4d: {  	v13 =	vadd.f32 v13, v16;
	v23 =	vld [tilespmem:s21+$0x10];
	(erf) = vpow2.f32 v17  }
0x4e: {  	v10 =	vadd.f32 v10, v11;
	v12 =	vsel vm0, v12, v19;
	v16 =	vld [tilespmem:s21+$0xFFFFFFC0];
	(erf) = vpow2.f32 v18  }
0x4f: {  	v24 =	vmul.f32 $2.000000030e-01, v13;
	v12 =	vmul.f32 $1.442695020e+00, v12;
	v11 =	vld [tilespmem:s25+$0x10]  }
0x50: {  	v19 =	vmul.f32 $2.000000030e-01, v10;
	vm0 =	vge.f32 v13, $0.0e+00;
	v18 =	vld [tilespmem:s21+$0x30];
	(erf) = vpow2.f32 v9  }
0x51: {  	v9 =	vsel vm0, v13, v24;
	vm0 =	vge.f32 v10, $0.0e+00;
	v22 =	vld.idx.msk [tilespmem:v22+s12+$0x0], $0xffff  }
0x52: {  	v24 =	vmul.f32 $1.442695020e+00, v9;
	v10 =	vsel vm0, v10, v19;
	v13 =	vld [tilespmem:s21+$0xFFFFFFD0];
	v17 =	vpop (erf)  }
0x53: {  	v25 =	vmul.f32 $1.442695020e+00, v10;
	v19 =	vld.idx.msk [tilespmem:v21+s2+$0x0], $0xffff;
	[tilespmem:s22+$0x30] =	vst v17;
	(erf) = vpow2.f32 v12  }
0x54: {  	v12 =	vld [tilespmem:s25+$0x0];
	(erf) = vpow2.f32 v24;
	v9 =	vpop (erf)  }
0x55: {  	v24 =	vld [tilespmem:s25+$0xFFFFFFF0];
	[tilespmem:s22+$0x10] =	vst v9;
	(erf) = vpow2.f32 v25  }
0x56: {  	v16 =	vld.idx.msk [tilespmem:v16+s12+$0x0], $0xffff;
	v10 =	vpop (erf)  }
0x57: {  	[tilespmem:v8+s16+$0x0] =	vst.idx.add.f32.msk $0xffff, v9;
	v9 =	vpop (erf);
	v8 =	vmov v11  }
0x58: {  	v11 =	vld.idx.msk [tilespmem:v23+s12+$0x0], $0xffff;
	[tilespmem:s22+$0xFFFFFFC0] =	vst v10  }
0x59: {  	v23 =	vld.idx.msk [tilespmem:v20+s2+$0x0], $0xffff;
	[tilespmem:s22+$0x0] =	vst v9;
	v25 =	vpop (erf)  }
0x5a: {  	v26 =	vld [tilespmem:s25+$0xFFFFFFE0];
	[tilespmem:s22+$0x20] =	vst v25  }
0x5b: {  	[tilespmem:v5+s16+$0x0] =	vst.idx.add.f32.msk $0xffff, v25;
	v5 =	vmov v14  }
0x5c: {  	v18 =	vld.idx.msk [tilespmem:v18+s12+$0x0], $0xffff;
	v25 =	vpop (erf)  }
0x5d: {  	v14 =	vld.idx.msk [tilespmem:v14+s2+$0x0], $0xffff;
	[tilespmem:s22+$0xFFFFFFE0] =	vst v25;
	v27 =	vpop (erf)  }
0x5e: {  	v15 =	vld.idx.msk [tilespmem:v15+s12+$0x0], $0xffff;
	[tilespmem:s22+$0xFFFFFFD0] =	vst v27;
	v28 =	vpop (erf)  }
0x5f: {  	v29 =	vld [tilespmem:s21+$0xFFFFFFF0];
	[tilespmem:s22+$0xFFFFFFF0] =	vst v28;
	s22 =	smov.u32 s23  }
0x60: {  	[tilespmem:v2+s16+$0x0] =	vst.idx.add.f32.msk $0xffff, v17;
	v2 =	vmov v20  }
0x61: {  	v17 =	vld [tilespmem:s21+$0xFFFFFFE0]  }
0x62: {  	v20 =	vld.idx.msk [tilespmem:v8+s2+$0x0], $0xffff  }
0x63: {  	v30 =	vld [tilespmem:s25+$0xFFFFFFD0]  }
0x64: {  	v14 =	vadd.f32 v15, v14;
	[tilespmem:v1+s16+$0x0] =	vst.idx.add.f32.msk $0xffff, v10;
	v1 =	vmov v21  }
0x65: {  	[tilespmem:v6+s16+$0x0] =	vst.idx.add.f32.msk $0xffff, v25;
	v6 =	vmov v26  }
0x66: {  	v10 =	vmul.f32 $2.000000030e-01, v14;
	[tilespmem:v3+s16+$0x0] =	vst.idx.add.f32.msk $0xffff, v9;
	v3 =	vmov v12  }
0x67: {  	vm0 =	vge.f32 v14, $0.0e+00;
	[tilespmem:v4+s16+$0x0] =	vst.idx.add.f32.msk $0xffff, v28;
	v4 =	vmov v24  }
0x68: {  	v11 =	vadd.f32 v11, v20;
	v9 =	vsel vm0, v14, v10;
	[tilespmem:v7+s16+$0x0] =	vst.idx.add.f32.msk $0xffff, v27;
	v7 =	vmov v30  }
0x69: {  	v9 =	vmul.f32 $1.442695020e+00, v9;
	v20 =	vld.idx.msk [tilespmem:v12+s2+$0x0], $0xffff  }
0x6a: {  	v18 =	vadd.f32 v18, v23;
	vm0 =	vge.f32 v11, $0.0e+00;
	v15 =	vmul.f32 $2.000000030e-01, v11;
	v10 =	vld.idx.msk [tilespmem:v29+s12+$0x0], $0xffff  }
.Ltmp1:
0x6b: {  	v12 =	vld.idx.msk [tilespmem:v26+s2+$0x0], $0xffff;
	(pc) =	sbr.rel @p0 .LBB2_4-.Ltmp1, $4  }
0x6c: {  	v21 =	vmul.f32 $2.000000030e-01, v18;
	v15 =	vsel vm0, v11, v15;
	v14 =	vld.idx.msk [tilespmem:v17+s12+$0x0], $0xffff  }
0x6d: {  	vm0 =	vge.f32 v18, $0.0e+00;
	v17 =	vadd.f32 v16, v19;
	v15 =	vmul.f32 $1.442695020e+00, v15;
	v11 =	vld.idx.msk [tilespmem:v24+s2+$0x0], $0xffff  }
0x6e: {  	v21 =	vsel vm0, v18, v21;
	v13 =	vld.idx.msk [tilespmem:v13+s12+$0x0], $0xffff  }
0x6f: {  	s25 =	sadd.s32 $0x80, s25;
	v19 =	vmul.f32 $2.000000030e-01, v17;
	v18 =	vadd.f32 v22, v20;
	v20 =	vmul.f32 $1.442695020e+00, v21;
	v16 =	vld.idx.msk [tilespmem:v30+s2+$0x0], $0xffff  }
0x70: {  	_ = 	snop  }
0x71: {  	vm0 =	vge.f32 v17, $0.0e+00;
	(erf) = vpow2.f32 v20  }
0x72: {  	v21 =	vmul.f32 $2.000000030e-01, v18;
	v17 =	vsel vm0, v17, v19;
	(erf) = vpow2.f32 v15  }
0x73: {  	vm11 =	vge.f32 v18, $0.0e+00;
	v49 =	vmul.f32 $1.442695020e+00, v17  }
0x74: {  	v12 =	vadd.f32 v14, v12;
	v50 =	vsel vm11, v18, v21  }
0x75: {  	v17 =	vmul.f32 $1.442695020e+00, v50;
	(erf) = vpow2.f32 v49  }
0x76: {  	v51 =	vmul.f32 $2.000000030e-01, v12;
	v13 =	vadd.f32 v13, v16  }
0x77: {  	v10 =	vadd.f32 v10, v11;
	vm12 =	vge.f32 v12, $0.0e+00;
	(erf) = vpow2.f32 v17  }
0x78: {  	v52 =	vsel vm12, v12, v51;
	v53 =	vmul.f32 $2.000000030e-01, v13;
	(erf) = vpow2.f32 v9  }
0x79: {  	v54 =	vmul.f32 $2.000000030e-01, v10;
	v11 =	vmul.f32 $1.442695020e+00, v52;
	vm13 =	vge.f32 v13, $0.0e+00  }
0x7a: {  	vm14 =	vge.f32 v10, $0.0e+00;
	v55 =	vsel vm13, v13, v53;
	v56 =	vpop (erf)  }
0x7b: {  	v10 =	vsel vm14, v10, v54;
	(erf) = vpow2.f32 v11;
	v9 =	vmul.f32 $1.442695020e+00, v55;
	v57 =	vpop (erf);
	[tilespmem:s22+$0x30] =	vst v56  }
0x7c: {  	v10 =	vmul.f32 $1.442695020e+00, v10;
	[tilespmem:s22+$0x10] =	vst v57  }
0x7d: {  	(erf) = vpow2.f32 v9;
	[tilespmem:v2+s16+$0x0] =	vst.idx.add.f32.msk $0xffff, v56  }
0x7e: {  	(erf) = vpow2.f32 v10;
	v58 =	vpop (erf);
	[tilespmem:v8+s16+$0x0] =	vst.idx.add.f32.msk $0xffff, v57  }
0x7f: {  	[tilespmem:s22+$0xFFFFFFC0] =	vst v58  }
0x80: {  	v59 =	vpop (erf);
	[tilespmem:v1+s16+$0x0] =	vst.idx.add.f32.msk $0xffff, v58  }
0x81: {  	[tilespmem:s22+$0x0] =	vst v59;
	v60 =	vpop (erf)  }
0x82: {  	[tilespmem:s22+$0x20] =	vst v60  }
0x83: {  	[tilespmem:v3+s16+$0x0] =	vst.idx.add.f32.msk $0xffff, v59  }
0x84: {  	v61 =	vpop (erf);
	[tilespmem:v5+s16+$0x0] =	vst.idx.add.f32.msk $0xffff, v60  }
0x85: {  	[tilespmem:s22+$0xFFFFFFE0] =	vst v61  }
0x86: {  	[tilespmem:v6+s16+$0x0] =	vst.idx.add.f32.msk $0xffff, v61;
	v62 =	vpop (erf)  }
0x87: {  	[tilespmem:s22+$0xFFFFFFD0] =	vst v62;
	v63 =	vpop (erf)  }
0x88: {  	[tilespmem:s22+$0xFFFFFFF0] =	vst v63  }
0x89: {  	[tilespmem:v7+s16+$0x0] =	vst.idx.add.f32.msk $0xffff, v62  }
0x8a: {  	[tilespmem:v4+s16+$0x0] =	vst.idx.add.f32.msk $0xffff, v63  }
0x8b: {  	v1 =	vld [tilespmem:$0x9D80]  }
0x8c: {  	v2 =	vld [tilespmem:$0x7600];
	_ =	sdelay $0x6  }
0x8d: {  	v3 =	vld.idx.msk [tilespmem:v1+s2+$0x0], $0xffff  }
0x8e: {  	v2 =	vld.idx.msk [tilespmem:v2+s12+$0x0], $0xffff;
	_ =	sdelay $0x4  }
0x8f: {  	v2 =	vadd.f32 v2, v3;
	_ =	sdelay $0x1  }
0x90: {  	v3 =	vmul.f32 $2.000000030e-01, v2  }
0x91: {  	vm15 =	vge.f32 v2, $0.0e+00  }
0x92: {  	v2 =	vsel vm15, v2, v3  }
0x93: {  	v2 =	vmul.f32 $1.442695020e+00, v2;
	_ =	sdelay $0x1  }
0x94: {  	(erf) = vpow2.f32 v2;
	_ =	sdelay $0x8  }
0x95: {  	v2 =	vpop (erf)  }
0x96: {  	[tilespmem:$0xC500] =	vst v2  }
0x97: {  	[tilespmem:v1+s16+$0x0] =	vst.idx.add.f32.msk $0xffff, v2  }
0x98: {  	[hbm4b:s7+s2] =	stream.linear.scatter [tilespmem:s17], [sflag:$0x2], $0x2710, $0x38;
	[tilespmem:$0xED00] =	vst v63  }
0x99: {  	s20 =	sadd.s32 $0x1, s20;
	_ =	swait.ge [sflag:s18], $0x2710  }
0x9a: {  	p0 =	sne.s32 s20, s9;
	[sflag:s18] =	ssyncset.done $0x0  }
.Ltmp2:
0x9b: {  	[sflag:s18] =	ssyncadd.s32 $0xFFFFD8F0;
	(pc) =	sbr.rel @p0 .LBB2_1-.Ltmp2, $4  }
0x9c: {  	[hbm4b:s8+s10] =	stream.strided.scatter [tilespmem:s16], [sflag:$0x2], $0x2780, s19, s10, $0x38;
	[tilespmem:$0xED00] =	vst v63  }
0x9d: {  	_ =	swait.ge [sflag:s18], $0x2780  }
0x9e: {  	[sflag:s18] =	ssyncset.done $0x0  }
0x9f: {  	[sflag:s18] =	ssyncadd.s32 $0xFFFFD880  }
0xa0: {  	_ =	sfence.sel $0x180000  }
0xa1: {  	[bflag:$0x0] =	sbarrier.arrive $0xFFFF  }
0xa2: {  	p0 =	sne.s32 s0, $0x0;
	_ =	strace $0x90000047  }
0xa3: {  	s0 =	sadd.s32 @!p0 $0x100000, s1;
	[bflag:$0x2] =	sbarrier.arrive $0xFFFF  }
0xa4: {  	[sflag:s0] =	ssyncadd.tile.s32 @!p0 $0x1;
	_ =	shalt  }
.Lfunc_end2:
_tile_overlayer_lowered:
.L_overlay_start_2:
0xa5: {  	(tag) =	ssettag $0x2  }
0xa6: {  	s0 =	rddreg [dreg:$0x0];
	s2 =	stileid.u32  }
0xa7: {  	s1 =	rddreg [dreg:$0x1];
	p0 =	sne.s32 s2, $0x0  }
0xa8: {  	s3 =	rddreg [dreg:$0x2];
	[bflag:$0x3] =	sbarrier.arrive $0xFFFF;
	s2 =	simm.s32 @!p0 $0x1C02  }
0xa9: {  	[timem:s3], [sflag:s2] =	dma.local @!p0 [hbm:s0], s1  }
0xaa: {  	s0 =	simm.s32 @!p0 $0x2  }
0xab: {  	_ =	swait.ge @!p0 [sflag:s0], s1  }
0xac: {  	s1 =	ssub.s32 @!p0 $0x0, s1;
	[sflag:s0] =	ssyncset.done @!p0 $0x0  }
0xad: {  	[sflag:s0] =	ssyncadd.s32 @!p0 s1  }
0xae: {  	[bflag:$0x3] =	sbarrier.arrive $0xFFFF  }
0xaf: {  	_ =	shalt  }

</sc_bundles>
